<compile_context>
chip_gen: v7x
topology: tpu7x:2x2x1
jax: 0.10.2.dev20260603
libtpu: 0.0.44.dev20260713+nightly
codegen_flags: <defaults>
</compile_context>

<pallas_src>
import functools

import jax
import jax.numpy as jnp
from jax import lax
from jax.experimental import pallas as pl
from jax.experimental.pallas import tpu as pltpu
from jax.experimental.pallas import tpu_sc as plsc

N = 4096
K = 409
L = 16
NV = N // L
NB = 4096
NG = 256
NC1 = 1024
PT = N - K
BIG = 1 << 30


def _keys_of(xv):
    u = lax.bitcast_convert_type(xv, jnp.uint32)
    flip = jnp.where(
        (u >> jnp.uint32(31)) != jnp.uint32(0),
        jnp.uint32(0xFFFFFFFF),
        jnp.uint32(0x80000000),
    )
    return u ^ flip


def _kwta_2d(x2d):
    rows = x2d.shape[0]
    info = plsc.get_sparse_core_info()
    nc, ns = info.num_cores, info.num_subcores
    nw = nc * ns
    assert rows % nw == 0
    rpw = rows // nw

    mesh = plsc.VectorSubcoreMesh(core_axis_name="c", subcore_axis_name="s")

    @functools.partial(
        pl.kernel,
        mesh=mesh,
        compiler_params=pltpu.CompilerParams(needs_layout_passes=False),
        out_type=jax.ShapeDtypeStruct((rows, N), jnp.float32),
        scratch_types=[
            pltpu.VMEM((N,), jnp.float32),
            pltpu.VMEM((N,), jnp.float32),
            pltpu.VMEM((N,), jnp.float32),
            pltpu.VMEM((N,), jnp.float32),
            pltpu.VMEM((NB,), jnp.int32),
            pltpu.VMEM((NC1,), jnp.int32),
            pltpu.VMEM((NG,), jnp.int32),
            pltpu.VMEM((N,), jnp.int32),
            pltpu.VMEM((N,), jnp.int32),
            pltpu.SemaphoreType.DMA,
            pltpu.SemaphoreType.DMA,
            pltpu.SemaphoreType.DMA,
            pltpu.SemaphoreType.DMA,
        ],
    )
    def kwta(x_hbm, out_hbm, row0_v, row1_v, out0_v, out1_v,
             fine_v, coarse_v, h2_v, cand_v, cand2_v,
             isem0, isem1, osem0, osem1):
        wid = lax.axis_index("s") * nc + lax.axis_index("c")
        row0 = wid * rpw
        zero = jnp.zeros((L,), jnp.int32)
        ones = jnp.ones((L,), jnp.int32)
        neg1 = jnp.full((L,), -1, jnp.int32)
        iota = lax.iota(jnp.int32, L)
        isems = (isem0, isem1)
        osems = (osem0, osem1)
        rows_v = (row0_v, row1_v)
        outs_v = (out0_v, out1_v)

        def scan_hist(ref, pt, nv16):

            def body(j, cr):
                s, fnd, fcs, fv, fj = cr
                v = ref[pl.ds(j * L, L)]
                cs = plsc.cumsum(v) + s
                mask = cs > pt
                pc = plsc.all_reduce_population_count(mask)
                any_ = jnp.where(pc > 0, 1, 0)
                new = jnp.where((any_ != 0) & (fnd == 0), True, False)
                fcs = jnp.where(new, cs, fcs)
                fv = jnp.where(new, v, fv)
                fj = jnp.where(new, jnp.full((L,), 0, jnp.int32) + j, fj)
                fnd = jnp.maximum(fnd, any_)
                s = s + jnp.sum(v)
                return (s, fnd, fcs, fv, fj)

            _, _, fcs, fv, fj = lax.fori_loop(
                0, nv16, body, (jnp.int32(0), zero, zero, zero, zero)
            )
            maskf = fcs > pt
            m = jnp.sum(jnp.where(maskf, 1, 0))
            lane = L - m
            b = jnp.max(fj) * L + lane
            cb = jnp.min(jnp.where(maskf, fcs, BIG))
            vb = jnp.sum(jnp.where(iota == lane, fv, 0))
            return b, cb, vb

        def process(row, buf, next_row_valid):
            nbuf = 1 - buf
            pltpu.make_async_copy(x_hbm.at[row], rows_v[buf], isems[buf]).wait()

            if next_row_valid is True:
                pltpu.async_copy(x_hbm.at[row + 1], rows_v[nbuf], isems[nbuf])
            else:
                @pl.when(next_row_valid)
                def _():
                    pltpu.async_copy(
                        x_hbm.at[row + 1], rows_v[nbuf], isems[nbuf]
                    )

            rbuf = rows_v[buf]
            obuf = outs_v[buf]

            @plsc.parallel_loop(0, NC1 // L, unroll=8)
            def _(j):
                coarse_v[pl.ds(j * L, L)] = zero

            @plsc.parallel_loop(0, NG // L, unroll=8)
            def _(j):
                h2_v[pl.ds(j * L, L)] = zero

            cand2_v[pl.ds(0, L)] = neg1

            @plsc.parallel_loop(0, NV, unroll=4)
            def _(j):
                key = _keys_of(rbuf[pl.ds(j * L, L)])
                bi = (key >> jnp.uint32(20)).astype(jnp.int32)
                plsc.addupdate_scatter(fine_v, [bi], ones)
                plsc.addupdate_scatter(coarse_v, [bi >> 2], ones)

            g1, cg, vg = scan_hist(coarse_v, PT, NC1 // L)
            p0 = cg - vg

            gv = g1 >> 2
            base = (g1 & 3) * 4
            vf = fine_v[pl.ds(gv * L, L)]
            inr = (iota >= base) & (iota < base + 4)
            csf = plsc.cumsum(jnp.where(inr, vf, 0)) + p0
            mask2 = (csf > PT) & inr
            m2 = jnp.sum(jnp.where(mask2, 1, 0))
            lane2 = base + 4 - m2
            cb = jnp.min(jnp.where(mask2, csf, BIG))
            r_need = jnp.int32(K) - (jnp.int32(N) - cb)
            b_star = gv * L + lane2
            bsu = b_star.astype(jnp.uint32)

            @plsc.parallel_loop(0, NV, unroll=8, carry=zero)
            def offv(j, off):
                kv = _keys_of(rbuf[pl.ds(j * L, L)])
                msk = (kv >> jnp.uint32(20)) == bsu
                pos = plsc.cumsum(jnp.where(msk, 1, 0))
                pc = plsc.all_reduce_population_count(msk)
                dest = off + pos - 1
                low = (kv & jnp.uint32(0xFFFFF)).astype(jnp.int32)
                plsc.store_scatter(cand_v, [dest], low, mask=msk)
                return off + pc

            ncand = jnp.max(offv)
            nvc = lax.div(ncand + (L - 1), jnp.int32(L))

            def h2_body(j, c):
                ck = cand_v[pl.ds(j * L, L)]
                valid = (iota + j * L) < ncand
                plsc.addupdate_scatter(h2_v, [ck >> 12], ones, mask=valid)
                return c

            lax.fori_loop(0, nvc, h2_body, 0)

            pt2 = ncand - r_need
            b2_star, c2b, _ = scan_hist(h2_v, pt2, NG // L)
            r2 = r_need - (ncand - c2b)
            b2u = b2_star.astype(jnp.uint32)

            def cp2_body(j, off):
                ck = cand_v[pl.ds(j * L, L)]
                valid = (iota + j * L) < ncand
                msk = valid & ((ck >> 12) == b2_star)
                pos = plsc.cumsum(jnp.where(msk, 1, 0))
                pc = plsc.all_reduce_population_count(msk)
                dest = off + pos - 1
                plsc.store_scatter(cand2_v, [dest], ck & 0xFFF, mask=msk)
                return off + pc

            off2 = lax.fori_loop(0, nvc, cp2_body, zero)
            ncand2 = jnp.max(off2)

            def via_sort(_):
                v = cand2_v[pl.ds(0, L)]
                sk, _ = plsc.sort_key_val(v, v, descending=True)
                pick = iota == (r2 - 1)
                return jnp.sum(jnp.where(pick, sk, 0))

            def via_search(_):
                nvc2 = lax.div(ncand2 + (L - 1), jnp.int32(L))
                cur = jnp.int32(0)
                for bit in range(11, -1, -1):
                    cand = cur | (1 << bit)

                    def s_body(j, acc, cand=cand):
                        ck = cand_v[pl.ds(j * L, L)]
                        valid = (iota + j * L) < ncand
                        hit = valid & ((ck >> 12) == b2_star)
                        hit = hit & ((ck & 0xFFF) >= cand)
                        return acc + jnp.where(hit, 1, 0)

                    acc = lax.fori_loop(0, nvc, s_body, zero)
                    cnt = jnp.sum(acc)
                    cur = jnp.where(cnt >= r2, cand, cur)
                del nvc2
                return cur

            low12 = lax.cond(ncand2 <= L, via_sort, via_search, 0)

            thr = (
                (bsu << jnp.uint32(20))
                | (b2u << jnp.uint32(12))
                | low12.astype(jnp.uint32)
            )
            tbits = jnp.where(
                thr >= jnp.uint32(0x80000000),
                thr ^ jnp.uint32(0x80000000),
                ~thr,
            )
            tf = lax.bitcast_convert_type(tbits, jnp.float32)

            @plsc.parallel_loop(0, NV, unroll=8)
            def _(j):
                xv = rbuf[pl.ds(j * L, L)]
                obuf[pl.ds(j * L, L)] = jnp.where(xv >= tf, xv, jnp.float32(0.0))
                fine_v[pl.ds(j * L, L)] = zero

            pltpu.async_copy(obuf, out_hbm.at[row], osems[buf])

        npairs = rpw // 2

        def pair_body(p, carry):
            r0 = p * 2
            row = row0 + r0

            @pl.when(p > 0)
            def _():
                pltpu.make_async_copy(
                    out0_v, out_hbm.at[row - 2], osems[0]
                ).wait()

            process(row, 0, True)

            @pl.when(p > 0)
            def _():
                pltpu.make_async_copy(
                    out1_v, out_hbm.at[row - 1], osems[1]
                ).wait()

            process(row + 1, 1, p + 1 < npairs)
            return carry

        pltpu.async_copy(x_hbm.at[row0], row0_v, isem0)

        @plsc.parallel_loop(0, NB // L, unroll=8)
        def _(j):
            fine_v[pl.ds(j * L, L)] = zero

        lax.fori_loop(0, npairs, pair_body, 0)

        pltpu.make_async_copy(
            out0_v, out_hbm.at[row0 + rpw - 2], osems[0]
        ).wait()
        pltpu.make_async_copy(
            out1_v, out_hbm.at[row0 + rpw - 1], osems[1]
        ).wait()

    return kwta(x2d)


@jax.jit
def kernel(x):
    shp = x.shape
    out = _kwta_2d(x.reshape(-1, shp[-1]))
    return out.reshape(shp)

# --- scband reference (transcript-rebuilt; emitter-appended) ---
"""Pipeline reference for scband-kwta-76141180223622 (READ-ONLY COPY).

The authoritative reference and input builder live on the scoring server;
editing this copy changes nothing except your own understanding.
"""

import jax, jax.numpy as jnp
import numpy as np

FRACTION = 0.1
STRAIGHT_THROUGH = True


def setup_inputs(seed: int = 0) -> dict:
    key = jax.random.key(seed)
    x = jax.random.normal(key, (2, 4096, 4096), dtype=jnp.float32)
    return {"x": x}


def reference(x):
    last = x.shape[-1]
    k = max(1, int(last * FRACTION))
    # top-k along last axis (unsorted selection is fine; indices are what matter)
    _, idx = jax.lax.top_k(x, k)
    # scatter 1.0 into a zero mask at the top-k positions along the last axis
    flat_x = x.reshape(-1, last)
    flat_idx = idx.reshape(-1, k)
    rows = jnp.arange(flat_x.shape[0])[:, None]
    mask = jnp.zeros_like(flat_x).at[rows, flat_idx].set(1.0).reshape(x.shape)
    if STRAIGHT_THROUGH:
        return x * mask + (x - jax.lax.stop_gradient(x)) * (1.0 - mask)
    return x * mask

if __name__ == "__main__":
    import jax
    _d = setup_inputs()
    print(jax.jit(kernel)(*tuple(_d.values())))

</pallas_src>

<mosaic_0001>
#map = affine_map<(d0, d1) -> (0, 0)>
module attributes {stable_mosaic.version = 14 : i64} {
  func.func @kwta(%arg0: i32, %arg1: i32, %arg2: memref<8192x4096xf32, #tpu.memory_space<hbm>>, %arg3: memref<8192x4096xf32, #tpu.memory_space<hbm>>, %arg4: memref<4096xf32, #tpu.memory_space<vmem>>, %arg5: memref<4096xf32, #tpu.memory_space<vmem>>, %arg6: memref<4096xf32, #tpu.memory_space<vmem>>, %arg7: memref<4096xf32, #tpu.memory_space<vmem>>, %arg8: memref<4096xi32, #tpu.memory_space<vmem>>, %arg9: memref<1024xi32, #tpu.memory_space<vmem>>, %arg10: memref<256xi32, #tpu.memory_space<vmem>>, %arg11: memref<4096xi32, #tpu.memory_space<vmem>>, %arg12: memref<4096xi32, #tpu.memory_space<vmem>>, %arg13: memref<!tpu.dma_semaphore, #tpu.memory_space<semaphore_mem>>, %arg14: memref<!tpu.dma_semaphore, #tpu.memory_space<semaphore_mem>>, %arg15: memref<!tpu.dma_semaphore, #tpu.memory_space<semaphore_mem>>, %arg16: memref<!tpu.dma_semaphore, #tpu.memory_space<semaphore_mem>>) attributes {dimension_semantics = [#tpu.dimension_semantics<core_parallel>, #tpu.dimension_semantics<subcore_parallel>], iteration_bounds = array<i64: 2, 16>, scalar_prefetch = 0 : i64, scratch_operands = 13 : i64, tpu.core_type = #tpu.core_type<sc_vector_subcore>, window_params = [{transform_indices = #map}, {transform_indices = #map}]} {
    %mul3A = arith.constant 2 : i32
    %mul3A_0 = arith.muli %arg1, %mul3A : i32
    %add3A = arith.addi %mul3A_0, %arg0 : i32
    %mul3A_1 = arith.constant 256 : i32
    %mul3A_2 = arith.muli %add3A, %mul3A_1 : i32
    %broadcast_in_dim3A = arith.constant 0 : i32
    %broadcast_in_dim3A_3 = vector.broadcast %broadcast_in_dim3A : i32 to vector<16xi32>
    %broadcast_in_dim3A_4 = arith.constant 1 : i32
    %broadcast_in_dim3A_5 = vector.broadcast %broadcast_in_dim3A_4 : i32 to vector<16xi32>
    %broadcast_in_dim3A_6 = arith.constant -1 : i32
    %broadcast_in_dim3A_7 = vector.broadcast %broadcast_in_dim3A_6 : i32 to vector<16xi32>
    %iota3A = tpu.iota {dimensions = array<i32: 0>} : vector<16xi32>
    %dma_start3A = arith.constant 0 : i32
    %dma_start3A_8 = tpu.memref_slice %arg2[%mul3A_2, %dma_start3A] : memref<8192x4096xf32, #tpu.memory_space<hbm>> -> memref<1x4096xf32, #tpu.memory_space<hbm>>
    %dma_start3A_9 = tpu.memref_squeeze %dma_start3A_8 : memref<1x4096xf32, #tpu.memory_space<hbm>> -> memref<4096xf32, #tpu.memory_space<hbm>>
    %dma_start3A_10 = arith.constant 0 : i32
    %dma_start3A_11 = tpu.memref_slice %arg2[%mul3A_2, %dma_start3A_10] : memref<8192x4096xf32, #tpu.memory_space<hbm>> -> memref<1x4096xf32, #tpu.memory_space<hbm>>
    %dma_start3A_12 = tpu.memref_squeeze %dma_start3A_11 : memref<1x4096xf32, #tpu.memory_space<hbm>> -> memref<4096xf32, #tpu.memory_space<hbm>>
    tpu.enqueue_dma source(%dma_start3A_12 : memref<4096xf32, #tpu.memory_space<hbm>>) target(%arg4 : memref<4096xf32, #tpu.memory_space<vmem>>) target_semaphore(%arg13 : memref<!tpu.dma_semaphore, #tpu.memory_space<semaphore_mem>>)
    %parallel_loop3A = arith.constant 0 : i32
    %parallel_loop3A_13 = arith.constant 256 : i32
    %parallel_loop3A_14 = arith.constant 1 : i32
    scf.for %parallel_loop3A_38 = %parallel_loop3A to %parallel_loop3A_13 step %parallel_loop3A_14  : i32 {
      %parallel_loop3A_39 = arith.constant 16 : i32
      %parallel_loop3A_40 = arith.muli %parallel_loop3A_38, %parallel_loop3A_39 : i32
      %parallel_loop3A_41 = arith.index_cast %parallel_loop3A_40 : i32 to index
      %parallel_loop3A_42 = tpu.vector_load %arg8[%parallel_loop3A_41] {strides = array<i32>} : memref<4096xi32, #tpu.memory_space<vmem>>, vector<16xi32>,
      tpu.vector_store %arg8[%parallel_loop3A_41], %broadcast_in_dim3A_3 {strides = array<i32>} : memref<4096xi32, #tpu.memory_space<vmem>>, vector<16xi32>,
    } {sc.loop_unroll_factor = 8 : i64, sc.parallel_access}
    %scan3A = arith.constant 0 : i32
    %scan3A_15 = arith.constant 0 : i32
    %scan3A_16 = arith.constant 128 : i32
    %scan3A_17 = arith.addi %scan3A_15, %scan3A_16 : i32
    %scan3A_18 = arith.constant 1 : i32
    scf.for %scan3A_38 = %scan3A_15 to %scan3A_17 step %scan3A_18  : i32 {
      %mul3A_39 = arith.constant 2 : i32
      %mul3A_40 = arith.muli %scan3A_38, %mul3A_39 : i32
      %add3A_41 = arith.addi %mul3A_2, %mul3A_40 : i32
      %gt3A = arith.constant 0 : i32
      %gt3A_42 = arith.cmpi sgt, %scan3A_38, %gt3A : i32
      %convert_element_type3A = arith.extui %gt3A_42 : i1 to i32
      %cond3A = arith.constant 0 : i32
      %cond3A_43 = arith.cmpi ne, %convert_element_type3A, %cond3A : i32
      scf.if %cond3A_43 {
        %sub3A_561 = arith.constant 2 : i32
        %sub3A_562 = arith.subi %add3A_41, %sub3A_561 : i32
        %dma_wait3A_563 = arith.constant 0 : i32
        %dma_wait3A_564 = tpu.memref_slice %arg3[%sub3A_562, %dma_wait3A_563] : memref<8192x4096xf32, #tpu.memory_space<hbm>> -> memref<1x4096xf32, #tpu.memory_space<hbm>>
        %dma_wait3A_565 = tpu.memref_squeeze %dma_wait3A_564 : memref<1x4096xf32, #tpu.memory_space<hbm>> -> memref<4096xf32, #tpu.memory_space<hbm>>
        %dma_wait3A_566 = arith.constant 0 : i32
        %dma_wait3A_567 = tpu.memref_slice %arg3[%sub3A_562, %dma_wait3A_566] : memref<8192x4096xf32, #tpu.memory_space<hbm>> -> memref<1x4096xf32, #tpu.memory_space<hbm>>
        %dma_wait3A_568 = tpu.memref_squeeze %dma_wait3A_567 : memref<1x4096xf32, #tpu.memory_space<hbm>> -> memref<4096xf32, #tpu.memory_space<hbm>>
        tpu.wait_dma2 semaphore(%arg15 : memref<!tpu.dma_semaphore, #tpu.memory_space<semaphore_mem>>) src(%arg6 : memref<4096xf32, #tpu.memory_space<vmem>>) dst(%dma_wait3A_568 : memref<4096xf32, #tpu.memory_space<hbm>>)
      } else {
      }
      %dma_wait3A_44 = arith.constant 0 : i32
      %dma_wait3A_45 = tpu.memref_slice %arg2[%add3A_41, %dma_wait3A_44] : memref<8192x4096xf32, #tpu.memory_space<hbm>> -> memref<1x4096xf32, #tpu.memory_space<hbm>>
      %dma_wait3A_46 = tpu.memref_squeeze %dma_wait3A_45 : memref<1x4096xf32, #tpu.memory_space<hbm>> -> memref<4096xf32, #tpu.memory_space<hbm>>
      %dma_wait3A_47 = arith.constant 0 : i32
      %dma_wait3A_48 = tpu.memref_slice %arg2[%add3A_41, %dma_wait3A_47] : memref<8192x4096xf32, #tpu.memory_space<hbm>> -> memref<1x4096xf32, #tpu.memory_space<hbm>>
      %dma_wait3A_49 = tpu.memref_squeeze %dma_wait3A_48 : memref<1x4096xf32, #tpu.memory_space<hbm>> -> memref<4096xf32, #tpu.memory_space<hbm>>
      tpu.wait_dma2 semaphore(%arg13 : memref<!tpu.dma_semaphore, #tpu.memory_space<semaphore_mem>>) src(%dma_wait3A_49 : memref<4096xf32, #tpu.memory_space<hbm>>) dst(%arg4 : memref<4096xf32, #tpu.memory_space<vmem>>)
      %add3A_50 = arith.constant 1 : i32
      %add3A_51 = arith.addi %add3A_41, %add3A_50 : i32
      %dma_start3A_52 = arith.constant 0 : i32
      %dma_start3A_53 = tpu.memref_slice %arg2[%add3A_51, %dma_start3A_52] : memref<8192x4096xf32, #tpu.memory_space<hbm>> -> memref<1x4096xf32, #tpu.memory_space<hbm>>
      %dma_start3A_54 = tpu.memref_squeeze %dma_start3A_53 : memref<1x4096xf32, #tpu.memory_space<hbm>> -> memref<4096xf32, #tpu.memory_space<hbm>>
      %dma_start3A_55 = arith.constant 0 : i32
      %dma_start3A_56 = tpu.memref_slice %arg2[%add3A_51, %dma_start3A_55] : memref<8192x4096xf32, #tpu.memory_space<hbm>> -> memref<1x4096xf32, #tpu.memory_space<hbm>>
      %dma_start3A_57 = tpu.memref_squeeze %dma_start3A_56 : memref<1x4096xf32, #tpu.memory_space<hbm>> -> memref<4096xf32, #tpu.memory_space<hbm>>
      tpu.enqueue_dma source(%dma_start3A_57 : memref<4096xf32, #tpu.memory_space<hbm>>) target(%arg5 : memref<4096xf32, #tpu.memory_space<vmem>>) target_semaphore(%arg14 : memref<!tpu.dma_semaphore, #tpu.memory_space<semaphore_mem>>)
      %parallel_loop3A_58 = arith.constant 0 : i32
      %parallel_loop3A_59 = arith.constant 64 : i32
      %parallel_loop3A_60 = arith.constant 1 : i32
      scf.for %parallel_loop3A_561 = %parallel_loop3A_58 to %parallel_loop3A_59 step %parallel_loop3A_60  : i32 {
        %parallel_loop3A_562 = arith.constant 16 : i32
        %parallel_loop3A_563 = arith.muli %parallel_loop3A_561, %parallel_loop3A_562 : i32
        %parallel_loop3A_564 = arith.index_cast %parallel_loop3A_563 : i32 to index
        %parallel_loop3A_565 = tpu.vector_load %arg9[%parallel_loop3A_564] {strides = array<i32>} : memref<1024xi32, #tpu.memory_space<vmem>>, vector<16xi32>,
        tpu.vector_store %arg9[%parallel_loop3A_564], %broadcast_in_dim3A_3 {strides = array<i32>} : memref<1024xi32, #tpu.memory_space<vmem>>, vector<16xi32>,
      } {sc.loop_unroll_factor = 8 : i64, sc.parallel_access}
      %parallel_loop3A_61 = arith.constant 0 : i32
      %parallel_loop3A_62 = arith.constant 16 : i32
      %parallel_loop3A_63 = arith.constant 1 : i32
      scf.for %parallel_loop3A_561 = %parallel_loop3A_61 to %parallel_loop3A_62 step %parallel_loop3A_63  : i32 {
        %parallel_loop3A_562 = arith.constant 16 : i32
        %parallel_loop3A_563 = arith.muli %parallel_loop3A_561, %parallel_loop3A_562 : i32
        %parallel_loop3A_564 = arith.index_cast %parallel_loop3A_563 : i32 to index
        %parallel_loop3A_565 = tpu.vector_load %arg10[%parallel_loop3A_564] {strides = array<i32>} : memref<256xi32, #tpu.memory_space<vmem>>, vector<16xi32>,
        tpu.vector_store %arg10[%parallel_loop3A_564], %broadcast_in_dim3A_3 {strides = array<i32>} : memref<256xi32, #tpu.memory_space<vmem>>, vector<16xi32>,
      } {sc.loop_unroll_factor = 8 : i64, sc.parallel_access}
      %swap3A = arith.constant 0 : index
      %swap3A_64 = tpu.vector_load %arg12[%swap3A] {strides = array<i32>} : memref<4096xi32, #tpu.memory_space<vmem>>, vector<16xi32>,
      tpu.vector_store %arg12[%swap3A], %broadcast_in_dim3A_7 {strides = array<i32>} : memref<4096xi32, #tpu.memory_space<vmem>>, vector<16xi32>,
      %parallel_loop3A_65 = arith.constant 0 : i32
      %parallel_loop3A_66 = arith.constant 256 : i32
      %parallel_loop3A_67 = arith.constant 1 : i32
      scf.for %parallel_loop3A_561 = %parallel_loop3A_65 to %parallel_loop3A_66 step %parallel_loop3A_67  : i32 {
        %parallel_loop3A_562 = arith.constant 16 : i32
        %parallel_loop3A_563 = arith.muli %parallel_loop3A_561, %parallel_loop3A_562 : i32
        %parallel_loop3A_564 = arith.index_cast %parallel_loop3A_563 : i32 to index
        %parallel_loop3A_565 = tpu.vector_load %arg4[%parallel_loop3A_564] {strides = array<i32>} : memref<4096xf32, #tpu.memory_space<vmem>>, vector<16xf32>,
        %parallel_loop3A_566 = tpu.bitcast %parallel_loop3A_565 : vector<16xf32> -> vector<16xi32>
        %parallel_loop3A_567 = arith.constant 31 : i32
        %parallel_loop3A_568 = vector.broadcast %parallel_loop3A_567 : i32 to vector<16xi32>
        %parallel_loop3A_569 = arith.shrui %parallel_loop3A_566, %parallel_loop3A_568 : vector<16xi32>
        %parallel_loop3A_570 = arith.constant 0 : i32
        %parallel_loop3A_571 = vector.broadcast %parallel_loop3A_570 : i32 to vector<16xi32>
        %parallel_loop3A_572 = arith.cmpi ne, %parallel_loop3A_569, %parallel_loop3A_571 : vector<16xi32>
        %parallel_loop3A_573 = arith.constant -1 : i32
        %parallel_loop3A_574 = arith.constant -2147483648 : i32
        %parallel_loop3A_575 = vector.broadcast %parallel_loop3A_573 : i32 to vector<16xi32>
        %parallel_loop3A_576 = vector.broadcast %parallel_loop3A_574 : i32 to vector<16xi32>
        %parallel_loop3A_577 = arith.select %parallel_loop3A_572, %parallel_loop3A_575, %parallel_loop3A_576 : vector<16xi1>, vector<16xi32>
        %parallel_loop3A_578 = arith.xori %parallel_loop3A_566, %parallel_loop3A_577 : vector<16xi32>
        %parallel_loop3A_579 = arith.constant 20 : i32
        %parallel_loop3A_580 = vector.broadcast %parallel_loop3A_579 : i32 to vector<16xi32>
        %parallel_loop3A_581 = arith.shrui %parallel_loop3A_578, %parallel_loop3A_580 : vector<16xi32>
        tpu.vector_store_idx %arg8[%parallel_loop3A_581], %broadcast_in_dim3A_5 {add = true} : memref<4096xi32, #tpu.memory_space<vmem>>[vector<16xi32>], vector<16xi32>,
        %parallel_loop3A_582 = arith.constant 2 : i32
        %parallel_loop3A_583 = vector.broadcast %parallel_loop3A_582 : i32 to vector<16xi32>
        %parallel_loop3A_584 = arith.shrsi %parallel_loop3A_581, %parallel_loop3A_583 : vector<16xi32>
        tpu.vector_store_idx %arg9[%parallel_loop3A_584], %broadcast_in_dim3A_5 {add = true} : memref<1024xi32, #tpu.memory_space<vmem>>[vector<16xi32>], vector<16xi32>,
      } {sc.loop_unroll_factor = 4 : i64, sc.parallel_access}
      %scan3A_68 = arith.constant 0 : i32
      %scan3A_69 = arith.constant 0 : i32
      %scan3A_70 = arith.constant 64 : i32
      %scan3A_71 = arith.addi %scan3A_69, %scan3A_70 : i32
      %scan3A_72 = arith.constant 1 : i32
      %scan3A_73:5 = scf.for %scan3A_561 = %scan3A_69 to %scan3A_71 step %scan3A_72 iter_args(%scan3A_562 = %scan3A_68, %scan3A_563 = %broadcast_in_dim3A_3, %scan3A_564 = %broadcast_in_dim3A_3, %scan3A_565 = %broadcast_in_dim3A_3, %scan3A_566 = %broadcast_in_dim3A_3) -> (i32, vector<16xi32>, vector<16xi32>, vector<16xi32>, vector<16xi32>)  : i32 {
        %mul3A_567 = arith.constant 16 : i32
        %mul3A_568 = arith.muli %scan3A_561, %mul3A_567 : i32
        %get3A_569 = arith.index_cast %mul3A_568 : i32 to index
        %get3A_570 = tpu.vector_load %arg9[%get3A_569] {strides = array<i32>} : memref<1024xi32, #tpu.memory_space<vmem>>, vector<16xi32>,
        %broadcast_in_dim3A_571 = arith.constant true
        %broadcast_in_dim3A_572 = vector.broadcast %broadcast_in_dim3A_571 : i1 to vector<16xi1>
        %masked_cumsum3A_573 = tpu.scan <sum>, %get3A_570 masked %broadcast_in_dim3A_572 : vector<16xi32>, vector<16xi1> -> vector<16xi32>
        %add3A_574 = vector.broadcast %scan3A_562 : i32 to vector<16xi32>
        %add3A_575 = arith.addi %masked_cumsum3A_573, %add3A_574 : vector<16xi32>
        %gt3A_576 = arith.constant 3687 : i32
        %gt3A_577 = vector.broadcast %gt3A_576 : i32 to vector<16xi32>
        %gt3A_578 = arith.cmpi sgt, %add3A_575, %gt3A_577 : vector<16xi32>
        %all_reduce_population_count3A = tpu.all_reduce %gt3A_578 {dim = 0 : i64, kind = #tpu.reduction_kind<sum>} : vector<16xi1> -> vector<16xi32>
        %gt3A_579 = arith.constant 0 : i32
        %gt3A_580 = vector.broadcast %gt3A_579 : i32 to vector<16xi32>
        %gt3A_581 = arith.cmpi sgt, %all_reduce_population_count3A, %gt3A_580 : vector<16xi32>
        %jit3A_582 = arith.constant 1 : i32
        %jit3A_583 = arith.constant 0 : i32
        %broadcast_in_dim3A_584 = vector.broadcast %jit3A_582 : i32 to vector<16xi32>
        %broadcast_in_dim3A_585 = vector.broadcast %jit3A_583 : i32 to vector<16xi32>
        %select_n3A_586 = arith.select %gt3A_581, %broadcast_in_dim3A_584, %broadcast_in_dim3A_585 : vector<16xi1>, vector<16xi32>
        %ne3A = arith.constant 0 : i32
        %ne3A_587 = vector.broadcast %ne3A : i32 to vector<16xi32>
        %ne3A_588 = arith.cmpi ne, %select_n3A_586, %ne3A_587 : vector<16xi32>
        %eq3A_589 = arith.constant 0 : i32
        %eq3A_590 = vector.broadcast %eq3A_589 : i32 to vector<16xi32>
        %eq3A_591 = arith.cmpi eq, %scan3A_563, %eq3A_590 : vector<16xi32>
        %and3A_592 = arith.andi %ne3A_588, %eq3A_591 : vector<16xi1>
        %jit3A_593 = arith.constant true
        %jit3A_594 = arith.constant false
        %broadcast_in_dim3A_595 = vector.broadcast %jit3A_593 : i1 to vector<16xi1>
        %broadcast_in_dim3A_596 = vector.broadcast %jit3A_594 : i1 to vector<16xi1>
        %select_n3A_597 = arith.select %and3A_592, %broadcast_in_dim3A_595, %broadcast_in_dim3A_596 : vector<16xi1>, vector<16xi1>
        %select_n3A_598 = arith.select %select_n3A_597, %add3A_575, %scan3A_564 : vector<16xi1>, vector<16xi32>
        %select_n3A_599 = arith.select %select_n3A_597, %get3A_570, %scan3A_565 : vector<16xi1>, vector<16xi32>
        %broadcast_in_dim3A_600 = arith.constant 0 : i32
        %broadcast_in_dim3A_601 = vector.broadcast %broadcast_in_dim3A_600 : i32 to vector<16xi32>
        %add3A_602 = vector.broadcast %scan3A_561 : i32 to vector<16xi32>
        %add3A_603 = arith.addi %broadcast_in_dim3A_601, %add3A_602 : vector<16xi32>
        %select_n3A_604 = arith.select %select_n3A_597, %add3A_603, %scan3A_566 : vector<16xi1>, vector<16xi32>
        %max3A = arith.maxsi %scan3A_563, %select_n3A_586 : vector<16xi32>
        %reduce_sum3A_605 = arith.constant true
        %reduce_sum3A_606 = vector.broadcast %reduce_sum3A_605 : i1 to vector<16xi1>
        %reduce_sum3A_607 = tpu.scan <sum>, %get3A_570 masked %reduce_sum3A_606 : vector<16xi32>, vector<16xi1> -> vector<16xi32>
        %reduce_sum3A_608 = vector.extract %reduce_sum3A_607[15] : i32 from vector<16xi32>
        %add3A_609 = arith.addi %scan3A_562, %reduce_sum3A_608 : i32
        scf.yield %add3A_609, %max3A, %select_n3A_598, %select_n3A_599, %select_n3A_604 : i32, vector<16xi32>, vector<16xi32>, vector<16xi32>, vector<16xi32>
      }
      %scan3A_74 = arith.constant 64 : i32
      %gt3A_75 = arith.constant 3687 : i32
      %gt3A_76 = vector.broadcast %gt3A_75 : i32 to vector<16xi32>
      %gt3A_77 = arith.cmpi sgt, %scan3A_73#2, %gt3A_76 : vector<16xi32>
      %jit3A = arith.constant 1 : i32
      %jit3A_78 = arith.constant 0 : i32
      %broadcast_in_dim3A_79 = vector.broadcast %jit3A : i32 to vector<16xi32>
      %broadcast_in_dim3A_80 = vector.broadcast %jit3A_78 : i32 to vector<16xi32>
      %select_n3A = arith.select %gt3A_77, %broadcast_in_dim3A_79, %broadcast_in_dim3A_80 : vector<16xi1>, vector<16xi32>
      %reduce_sum3A = arith.constant true
      %reduce_sum3A_81 = vector.broadcast %reduce_sum3A : i1 to vector<16xi1>
      %reduce_sum3A_82 = tpu.scan <sum>, %select_n3A masked %reduce_sum3A_81 : vector<16xi32>, vector<16xi1> -> vector<16xi32>
      %reduce_sum3A_83 = vector.extract %reduce_sum3A_82[15] : i32 from vector<16xi32>
      %sub3A_84 = arith.constant 16 : i32
      %sub3A_85 = arith.subi %sub3A_84, %reduce_sum3A_83 : i32
      %reduce_max3A = arith.constant true
      %reduce_max3A_86 = vector.broadcast %reduce_max3A : i1 to vector<16xi1>
      %reduce_max3A_87 = arith.constant -2147483648 : i32
      %reduce_max3A_88 = vector.broadcast %reduce_max3A_87 : i32 to vector<16xi32>
      %reduce_max3A_89 = arith.xori %scan3A_73#4, %reduce_max3A_88 : vector<16xi32>
      %reduce_max3A_90 = tpu.scan <max>, %reduce_max3A_89 masked %reduce_max3A_86 : vector<16xi32>, vector<16xi1> -> vector<16xi32>
      %reduce_max3A_91 = arith.xori %reduce_max3A_90, %reduce_max3A_88 : vector<16xi32>
      %reduce_max3A_92 = vector.extract %reduce_max3A_91[15] : i32 from vector<16xi32>
      %mul3A_93 = arith.constant 16 : i32
      %mul3A_94 = arith.muli %reduce_max3A_92, %mul3A_93 : i32
      %add3A_95 = arith.addi %mul3A_94, %sub3A_85 : i32
      %jit3A_96 = arith.constant 1073741824 : i32
      %broadcast_in_dim3A_97 = vector.broadcast %jit3A_96 : i32 to vector<16xi32>
      %select_n3A_98 = arith.select %gt3A_77, %scan3A_73#2, %broadcast_in_dim3A_97 : vector<16xi1>, vector<16xi32>
      %reduce_min3A = arith.constant true
      %reduce_min3A_99 = vector.broadcast %reduce_min3A : i1 to vector<16xi1>
      %reduce_min3A_100 = arith.constant -2147483648 : i32
      %reduce_min3A_101 = vector.broadcast %reduce_min3A_100 : i32 to vector<16xi32>
      %reduce_min3A_102 = arith.xori %select_n3A_98, %reduce_min3A_101 : vector<16xi32>
      %reduce_min3A_103 = tpu.scan <min>, %reduce_min3A_102 masked %reduce_min3A_99 : vector<16xi32>, vector<16xi1> -> vector<16xi32>
      %reduce_min3A_104 = arith.xori %reduce_min3A_103, %reduce_min3A_101 : vector<16xi32>
      %reduce_min3A_105 = vector.extract %reduce_min3A_104[15] : i32 from vector<16xi32>
      %eq3A = vector.broadcast %sub3A_85 : i32 to vector<16xi32>
      %eq3A_106 = arith.cmpi eq, %iota3A, %eq3A : vector<16xi32>
      %jit3A_107 = arith.constant 0 : i32
      %broadcast_in_dim3A_108 = vector.broadcast %jit3A_107 : i32 to vector<16xi32>
      %select_n3A_109 = arith.select %eq3A_106, %scan3A_73#3, %broadcast_in_dim3A_108 : vector<16xi1>, vector<16xi32>
      %reduce_sum3A_110 = arith.constant true
      %reduce_sum3A_111 = vector.broadcast %reduce_sum3A_110 : i1 to vector<16xi1>
      %reduce_sum3A_112 = tpu.scan <sum>, %select_n3A_109 masked %reduce_sum3A_111 : vector<16xi32>, vector<16xi1> -> vector<16xi32>
      %reduce_sum3A_113 = vector.extract %reduce_sum3A_112[15] : i32 from vector<16xi32>
      %sub3A_114 = arith.subi %reduce_min3A_105, %reduce_sum3A_113 : i32
      %shift_right_arithmetic3A = arith.constant 2 : i32
      %shift_right_arithmetic3A_115 = arith.shrsi %add3A_95, %shift_right_arithmetic3A : i32
      %and3A = arith.constant 3 : i32
      %and3A_116 = arith.andi %add3A_95, %and3A : i32
      %mul3A_117 = arith.constant 4 : i32
      %mul3A_118 = arith.muli %and3A_116, %mul3A_117 : i32
      %mul3A_119 = arith.constant 16 : i32
      %mul3A_120 = arith.muli %shift_right_arithmetic3A_115, %mul3A_119 : i32
      %get3A = arith.index_cast %mul3A_120 : i32 to index
      %get3A_121 = tpu.vector_load %arg8[%get3A] {strides = array<i32>} : memref<4096xi32, #tpu.memory_space<vmem>>, vector<16xi32>,
      %ge3A = vector.broadcast %mul3A_118 : i32 to vector<16xi32>
      %ge3A_122 = arith.cmpi sge, %iota3A, %ge3A : vector<16xi32>
      %add3A_123 = arith.constant 4 : i32
      %add3A_124 = arith.addi %mul3A_118, %add3A_123 : i32
      %lt3A = vector.broadcast %add3A_124 : i32 to vector<16xi32>
      %lt3A_125 = arith.cmpi slt, %iota3A, %lt3A : vector<16xi32>
      %and3A_126 = arith.andi %ge3A_122, %lt3A_125 : vector<16xi1>
      %jit3A_127 = arith.constant 0 : i32
      %broadcast_in_dim3A_128 = vector.broadcast %jit3A_127 : i32 to vector<16xi32>
      %select_n3A_129 = arith.select %and3A_126, %get3A_121, %broadcast_in_dim3A_128 : vector<16xi1>, vector<16xi32>
      %broadcast_in_dim3A_130 = arith.constant true
      %broadcast_in_dim3A_131 = vector.broadcast %broadcast_in_dim3A_130 : i1 to vector<16xi1>
      %masked_cumsum3A = tpu.scan <sum>, %select_n3A_129 masked %broadcast_in_dim3A_131 : vector<16xi32>, vector<16xi1> -> vector<16xi32>
      %add3A_132 = vector.broadcast %sub3A_114 : i32 to vector<16xi32>
      %add3A_133 = arith.addi %masked_cumsum3A, %add3A_132 : vector<16xi32>
      %gt3A_134 = arith.constant 3687 : i32
      %gt3A_135 = vector.broadcast %gt3A_134 : i32 to vector<16xi32>
      %gt3A_136 = arith.cmpi sgt, %add3A_133, %gt3A_135 : vector<16xi32>
      %and3A_137 = arith.andi %gt3A_136, %and3A_126 : vector<16xi1>
      %jit3A_138 = arith.constant 1 : i32
      %jit3A_139 = arith.constant 0 : i32
      %broadcast_in_dim3A_140 = vector.broadcast %jit3A_138 : i32 to vector<16xi32>
      %broadcast_in_dim3A_141 = vector.broadcast %jit3A_139 : i32 to vector<16xi32>
      %select_n3A_142 = arith.select %and3A_137, %broadcast_in_dim3A_140, %broadcast_in_dim3A_141 : vector<16xi1>, vector<16xi32>
      %reduce_sum3A_143 = arith.constant true
      %reduce_sum3A_144 = vector.broadcast %reduce_sum3A_143 : i1 to vector<16xi1>
      %reduce_sum3A_145 = tpu.scan <sum>, %select_n3A_142 masked %reduce_sum3A_144 : vector<16xi32>, vector<16xi1> -> vector<16xi32>
      %reduce_sum3A_146 = vector.extract %reduce_sum3A_145[15] : i32 from vector<16xi32>
      %add3A_147 = arith.constant 4 : i32
      %add3A_148 = arith.addi %mul3A_118, %add3A_147 : i32
      %sub3A_149 = arith.subi %add3A_148, %reduce_sum3A_146 : i32
      %jit3A_150 = arith.constant 1073741824 : i32
      %broadcast_in_dim3A_151 = vector.broadcast %jit3A_150 : i32 to vector<16xi32>
      %select_n3A_152 = arith.select %and3A_137, %add3A_133, %broadcast_in_dim3A_151 : vector<16xi1>, vector<16xi32>
      %reduce_min3A_153 = arith.constant true
      %reduce_min3A_154 = vector.broadcast %reduce_min3A_153 : i1 to vector<16xi1>
      %reduce_min3A_155 = arith.constant -2147483648 : i32
      %reduce_min3A_156 = vector.broadcast %reduce_min3A_155 : i32 to vector<16xi32>
      %reduce_min3A_157 = arith.xori %select_n3A_152, %reduce_min3A_156 : vector<16xi32>
      %reduce_min3A_158 = tpu.scan <min>, %reduce_min3A_157 masked %reduce_min3A_154 : vector<16xi32>, vector<16xi1> -> vector<16xi32>
      %reduce_min3A_159 = arith.xori %reduce_min3A_158, %reduce_min3A_156 : vector<16xi32>
      %reduce_min3A_160 = vector.extract %reduce_min3A_159[15] : i32 from vector<16xi32>
      %sub3A_161 = arith.constant 4096 : i32
      %sub3A_162 = arith.subi %sub3A_161, %reduce_min3A_160 : i32
      %sub3A_163 = arith.constant 409 : i32
      %sub3A_164 = arith.subi %sub3A_163, %sub3A_162 : i32
      %mul3A_165 = arith.constant 16 : i32
      %mul3A_166 = arith.muli %shift_right_arithmetic3A_115, %mul3A_165 : i32
      %add3A_167 = arith.addi %mul3A_166, %sub3A_149 : i32
      %parallel_loop3A_168 = arith.constant 0 : i32
      %parallel_loop3A_169 = arith.constant 256 : i32
      %parallel_loop3A_170 = arith.constant 1 : i32
      %parallel_loop3A_171 = scf.for %parallel_loop3A_561 = %parallel_loop3A_168 to %parallel_loop3A_169 step %parallel_loop3A_170 iter_args(%parallel_loop3A_562 = %broadcast_in_dim3A_3) -> (vector<16xi32>)  : i32 {
        %parallel_loop3A_563 = arith.constant 16 : i32
        %parallel_loop3A_564 = arith.muli %parallel_loop3A_561, %parallel_loop3A_563 : i32
        %parallel_loop3A_565 = arith.index_cast %parallel_loop3A_564 : i32 to index
        %parallel_loop3A_566 = tpu.vector_load %arg4[%parallel_loop3A_565] {strides = array<i32>} : memref<4096xf32, #tpu.memory_space<vmem>>, vector<16xf32>,
        %parallel_loop3A_567 = tpu.bitcast %parallel_loop3A_566 : vector<16xf32> -> vector<16xi32>
        %parallel_loop3A_568 = arith.constant 31 : i32
        %parallel_loop3A_569 = vector.broadcast %parallel_loop3A_568 : i32 to vector<16xi32>
        %parallel_loop3A_570 = arith.shrui %parallel_loop3A_567, %parallel_loop3A_569 : vector<16xi32>
        %parallel_loop3A_571 = arith.constant 0 : i32
        %parallel_loop3A_572 = vector.broadcast %parallel_loop3A_571 : i32 to vector<16xi32>
        %parallel_loop3A_573 = arith.cmpi ne, %parallel_loop3A_570, %parallel_loop3A_572 : vector<16xi32>
        %parallel_loop3A_574 = arith.constant -1 : i32
        %parallel_loop3A_575 = arith.constant -2147483648 : i32
        %parallel_loop3A_576 = vector.broadcast %parallel_loop3A_574 : i32 to vector<16xi32>
        %parallel_loop3A_577 = vector.broadcast %parallel_loop3A_575 : i32 to vector<16xi32>
        %parallel_loop3A_578 = arith.select %parallel_loop3A_573, %parallel_loop3A_576, %parallel_loop3A_577 : vector<16xi1>, vector<16xi32>
        %parallel_loop3A_579 = arith.xori %parallel_loop3A_567, %parallel_loop3A_578 : vector<16xi32>
        %parallel_loop3A_580 = arith.constant 20 : i32
        %parallel_loop3A_581 = vector.broadcast %parallel_loop3A_580 : i32 to vector<16xi32>
        %parallel_loop3A_582 = arith.shrui %parallel_loop3A_579, %parallel_loop3A_581 : vector<16xi32>
        %parallel_loop3A_583 = vector.broadcast %add3A_167 : i32 to vector<16xi32>
        %parallel_loop3A_584 = arith.cmpi eq, %parallel_loop3A_582, %parallel_loop3A_583 : vector<16xi32>
        %parallel_loop3A_585 = arith.constant 1 : i32
        %parallel_loop3A_586 = arith.constant 0 : i32
        %parallel_loop3A_587 = vector.broadcast %parallel_loop3A_585 : i32 to vector<16xi32>
        %parallel_loop3A_588 = vector.broadcast %parallel_loop3A_586 : i32 to vector<16xi32>
        %parallel_loop3A_589 = arith.select %parallel_loop3A_584, %parallel_loop3A_587, %parallel_loop3A_588 : vector<16xi1>, vector<16xi32>
        %parallel_loop3A_590 = arith.constant true
        %parallel_loop3A_591 = vector.broadcast %parallel_loop3A_590 : i1 to vector<16xi1>
        %parallel_loop3A_592 = tpu.scan <sum>, %parallel_loop3A_589 masked %parallel_loop3A_591 : vector<16xi32>, vector<16xi1> -> vector<16xi32>
        %parallel_loop3A_593 = tpu.all_reduce %parallel_loop3A_584 {dim = 0 : i64, kind = #tpu.reduction_kind<sum>} : vector<16xi1> -> vector<16xi32>
        %parallel_loop3A_594 = arith.addi %parallel_loop3A_562, %parallel_loop3A_592 : vector<16xi32>
        %parallel_loop3A_595 = arith.constant 1 : i32
        %parallel_loop3A_596 = vector.broadcast %parallel_loop3A_595 : i32 to vector<16xi32>
        %parallel_loop3A_597 = arith.subi %parallel_loop3A_594, %parallel_loop3A_596 : vector<16xi32>
        %parallel_loop3A_598 = arith.constant 1048575 : i32
        %parallel_loop3A_599 = vector.broadcast %parallel_loop3A_598 : i32 to vector<16xi32>
        %parallel_loop3A_600 = arith.andi %parallel_loop3A_579, %parallel_loop3A_599 : vector<16xi32>
        tpu.vector_store_idx %arg11[%parallel_loop3A_597], %parallel_loop3A_600 masked %parallel_loop3A_584 : memref<4096xi32, #tpu.memory_space<vmem>>[vector<16xi32>], vector<16xi32>, vector<16xi1>
        %parallel_loop3A_601 = arith.addi %parallel_loop3A_562, %parallel_loop3A_593 : vector<16xi32>
        scf.yield %parallel_loop3A_601 : vector<16xi32>
      } {sc.loop_unroll_factor = 8 : i64, sc.parallel_access}
      %reduce_max3A_172 = arith.constant true
      %reduce_max3A_173 = vector.broadcast %reduce_max3A_172 : i1 to vector<16xi1>
      %reduce_max3A_174 = arith.constant -2147483648 : i32
      %reduce_max3A_175 = vector.broadcast %reduce_max3A_174 : i32 to vector<16xi32>
      %reduce_max3A_176 = arith.xori %parallel_loop3A_171, %reduce_max3A_175 : vector<16xi32>
      %reduce_max3A_177 = tpu.scan <max>, %reduce_max3A_176 masked %reduce_max3A_173 : vector<16xi32>, vector<16xi1> -> vector<16xi32>
      %reduce_max3A_178 = arith.xori %reduce_max3A_177, %reduce_max3A_175 : vector<16xi32>
      %reduce_max3A_179 = vector.extract %reduce_max3A_178[15] : i32 from vector<16xi32>
      %add3A_180 = arith.constant 15 : i32
      %add3A_181 = arith.addi %reduce_max3A_179, %add3A_180 : i32
      %div3A = arith.constant 16 : i32
      %div3A_182 = arith.divsi %add3A_181, %div3A : i32
      %while3A = arith.constant 0 : i32
      %while3A_183 = arith.constant 0 : i32
      %while3A_184 = arith.subi %div3A_182, %while3A_183 : i32
      %while3A_185 = arith.addi %while3A_183, %while3A_184 : i32
      %while3A_186 = arith.constant 1 : i32
      %while3A_187 = arith.divsi %while3A_184, %while3A_186 : i32
      %while3A_188 = arith.muli %while3A_187, %while3A_186 : i32
      %while3A_189 = arith.addi %while3A_183, %while3A_188 : i32
      %while3A_190 = arith.constant 1 : i32
      scf.for %while3A_561 = %while3A_183 to %while3A_189 step %while3A_190  : i32 {
        %mul3A_562 = arith.constant 16 : i32
        %mul3A_563 = arith.muli %while3A_561, %mul3A_562 : i32
        %get3A_564 = arith.index_cast %mul3A_563 : i32 to index
        %get3A_565 = tpu.vector_load %arg11[%get3A_564] {strides = array<i32>} : memref<4096xi32, #tpu.memory_space<vmem>>, vector<16xi32>,
        %mul3A_566 = arith.constant 16 : i32
        %mul3A_567 = arith.muli %while3A_561, %mul3A_566 : i32
        %add3A_568 = vector.broadcast %mul3A_567 : i32 to vector<16xi32>
        %add3A_569 = arith.addi %iota3A, %add3A_568 : vector<16xi32>
        %lt3A_570 = vector.broadcast %reduce_max3A_179 : i32 to vector<16xi32>
        %lt3A_571 = arith.cmpi slt, %add3A_569, %lt3A_570 : vector<16xi32>
        %shift_right_arithmetic3A_572 = arith.constant 12 : i32
        %shift_right_arithmetic3A_573 = vector.broadcast %shift_right_arithmetic3A_572 : i32 to vector<16xi32>
        %shift_right_arithmetic3A_574 = arith.shrsi %get3A_565, %shift_right_arithmetic3A_573 : vector<16xi32>
        tpu.vector_store_idx %arg10[%shift_right_arithmetic3A_574], %broadcast_in_dim3A_5 masked %lt3A_571 {add = true} : memref<256xi32, #tpu.memory_space<vmem>>[vector<16xi32>], vector<16xi32>, vector<16xi1>
      }
      %while3A_191 = arith.constant 1 : i32
      scf.for %while3A_561 = %while3A_189 to %while3A_185 step %while3A_191  : i32 {
        %mul3A_562 = arith.constant 16 : i32
        %mul3A_563 = arith.muli %while3A_561, %mul3A_562 : i32
        %get3A_564 = arith.index_cast %mul3A_563 : i32 to index
        %get3A_565 = tpu.vector_load %arg11[%get3A_564] {strides = array<i32>} : memref<4096xi32, #tpu.memory_space<vmem>>, vector<16xi32>,
        %mul3A_566 = arith.constant 16 : i32
        %mul3A_567 = arith.muli %while3A_561, %mul3A_566 : i32
        %add3A_568 = vector.broadcast %mul3A_567 : i32 to vector<16xi32>
        %add3A_569 = arith.addi %iota3A, %add3A_568 : vector<16xi32>
        %lt3A_570 = vector.broadcast %reduce_max3A_179 : i32 to vector<16xi32>
        %lt3A_571 = arith.cmpi slt, %add3A_569, %lt3A_570 : vector<16xi32>
        %shift_right_arithmetic3A_572 = arith.constant 12 : i32
        %shift_right_arithmetic3A_573 = vector.broadcast %shift_right_arithmetic3A_572 : i32 to vector<16xi32>
        %shift_right_arithmetic3A_574 = arith.shrsi %get3A_565, %shift_right_arithmetic3A_573 : vector<16xi32>
        tpu.vector_store_idx %arg10[%shift_right_arithmetic3A_574], %broadcast_in_dim3A_5 masked %lt3A_571 {add = true} : memref<256xi32, #tpu.memory_space<vmem>>[vector<16xi32>], vector<16xi32>, vector<16xi1>
      }
      %sub3A_192 = arith.subi %reduce_max3A_179, %sub3A_164 : i32
      %scan3A_193 = arith.constant 0 : i32
      %scan3A_194 = arith.constant 0 : i32
      %scan3A_195 = arith.constant 16 : i32
      %scan3A_196 = arith.addi %scan3A_194, %scan3A_195 : i32
      %scan3A_197 = arith.constant 1 : i32
      %scan3A_198:5 = scf.for %scan3A_561 = %scan3A_194 to %scan3A_196 step %scan3A_197 iter_args(%scan3A_562 = %scan3A_193, %scan3A_563 = %broadcast_in_dim3A_3, %scan3A_564 = %broadcast_in_dim3A_3, %scan3A_565 = %broadcast_in_dim3A_3, %scan3A_566 = %broadcast_in_dim3A_3) -> (i32, vector<16xi32>, vector<16xi32>, vector<16xi32>, vector<16xi32>)  : i32 {
        %mul3A_567 = arith.constant 16 : i32
        %mul3A_568 = arith.muli %scan3A_561, %mul3A_567 : i32
        %get3A_569 = arith.index_cast %mul3A_568 : i32 to index
        %get3A_570 = tpu.vector_load %arg10[%get3A_569] {strides = array<i32>} : memref<256xi32, #tpu.memory_space<vmem>>, vector<16xi32>,
        %broadcast_in_dim3A_571 = arith.constant true
        %broadcast_in_dim3A_572 = vector.broadcast %broadcast_in_dim3A_571 : i1 to vector<16xi1>
        %masked_cumsum3A_573 = tpu.scan <sum>, %get3A_570 masked %broadcast_in_dim3A_572 : vector<16xi32>, vector<16xi1> -> vector<16xi32>
        %add3A_574 = vector.broadcast %scan3A_562 : i32 to vector<16xi32>
        %add3A_575 = arith.addi %masked_cumsum3A_573, %add3A_574 : vector<16xi32>
        %gt3A_576 = vector.broadcast %sub3A_192 : i32 to vector<16xi32>
        %gt3A_577 = arith.cmpi sgt, %add3A_575, %gt3A_576 : vector<16xi32>
        %all_reduce_population_count3A = tpu.all_reduce %gt3A_577 {dim = 0 : i64, kind = #tpu.reduction_kind<sum>} : vector<16xi1> -> vector<16xi32>
        %gt3A_578 = arith.constant 0 : i32
        %gt3A_579 = vector.broadcast %gt3A_578 : i32 to vector<16xi32>
        %gt3A_580 = arith.cmpi sgt, %all_reduce_population_count3A, %gt3A_579 : vector<16xi32>
        %jit3A_581 = arith.constant 1 : i32
        %jit3A_582 = arith.constant 0 : i32
        %broadcast_in_dim3A_583 = vector.broadcast %jit3A_581 : i32 to vector<16xi32>
        %broadcast_in_dim3A_584 = vector.broadcast %jit3A_582 : i32 to vector<16xi32>
        %select_n3A_585 = arith.select %gt3A_580, %broadcast_in_dim3A_583, %broadcast_in_dim3A_584 : vector<16xi1>, vector<16xi32>
        %ne3A = arith.constant 0 : i32
        %ne3A_586 = vector.broadcast %ne3A : i32 to vector<16xi32>
        %ne3A_587 = arith.cmpi ne, %select_n3A_585, %ne3A_586 : vector<16xi32>
        %eq3A_588 = arith.constant 0 : i32
        %eq3A_589 = vector.broadcast %eq3A_588 : i32 to vector<16xi32>
        %eq3A_590 = arith.cmpi eq, %scan3A_563, %eq3A_589 : vector<16xi32>
        %and3A_591 = arith.andi %ne3A_587, %eq3A_590 : vector<16xi1>
        %jit3A_592 = arith.constant true
        %jit3A_593 = arith.constant false
        %broadcast_in_dim3A_594 = vector.broadcast %jit3A_592 : i1 to vector<16xi1>
        %broadcast_in_dim3A_595 = vector.broadcast %jit3A_593 : i1 to vector<16xi1>
        %select_n3A_596 = arith.select %and3A_591, %broadcast_in_dim3A_594, %broadcast_in_dim3A_595 : vector<16xi1>, vector<16xi1>
        %select_n3A_597 = arith.select %select_n3A_596, %add3A_575, %scan3A_564 : vector<16xi1>, vector<16xi32>
        %select_n3A_598 = arith.select %select_n3A_596, %get3A_570, %scan3A_565 : vector<16xi1>, vector<16xi32>
        %broadcast_in_dim3A_599 = arith.constant 0 : i32
        %broadcast_in_dim3A_600 = vector.broadcast %broadcast_in_dim3A_599 : i32 to vector<16xi32>
        %add3A_601 = vector.broadcast %scan3A_561 : i32 to vector<16xi32>
        %add3A_602 = arith.addi %broadcast_in_dim3A_600, %add3A_601 : vector<16xi32>
        %select_n3A_603 = arith.select %select_n3A_596, %add3A_602, %scan3A_566 : vector<16xi1>, vector<16xi32>
        %max3A = arith.maxsi %scan3A_563, %select_n3A_585 : vector<16xi32>
        %reduce_sum3A_604 = arith.constant true
        %reduce_sum3A_605 = vector.broadcast %reduce_sum3A_604 : i1 to vector<16xi1>
        %reduce_sum3A_606 = tpu.scan <sum>, %get3A_570 masked %reduce_sum3A_605 : vector<16xi32>, vector<16xi1> -> vector<16xi32>
        %reduce_sum3A_607 = vector.extract %reduce_sum3A_606[15] : i32 from vector<16xi32>
        %add3A_608 = arith.addi %scan3A_562, %reduce_sum3A_607 : i32
        scf.yield %add3A_608, %max3A, %select_n3A_597, %select_n3A_598, %select_n3A_603 : i32, vector<16xi32>, vector<16xi32>, vector<16xi32>, vector<16xi32>
      }
      %scan3A_199 = arith.constant 16 : i32
      %gt3A_200 = vector.broadcast %sub3A_192 : i32 to vector<16xi32>
      %gt3A_201 = arith.cmpi sgt, %scan3A_198#2, %gt3A_200 : vector<16xi32>
      %jit3A_202 = arith.constant 1 : i32
      %jit3A_203 = arith.constant 0 : i32
      %broadcast_in_dim3A_204 = vector.broadcast %jit3A_202 : i32 to vector<16xi32>
      %broadcast_in_dim3A_205 = vector.broadcast %jit3A_203 : i32 to vector<16xi32>
      %select_n3A_206 = arith.select %gt3A_201, %broadcast_in_dim3A_204, %broadcast_in_dim3A_205 : vector<16xi1>, vector<16xi32>
      %reduce_sum3A_207 = arith.constant true
      %reduce_sum3A_208 = vector.broadcast %reduce_sum3A_207 : i1 to vector<16xi1>
      %reduce_sum3A_209 = tpu.scan <sum>, %select_n3A_206 masked %reduce_sum3A_208 : vector<16xi32>, vector<16xi1> -> vector<16xi32>
      %reduce_sum3A_210 = vector.extract %reduce_sum3A_209[15] : i32 from vector<16xi32>
      %sub3A_211 = arith.constant 16 : i32
      %sub3A_212 = arith.subi %sub3A_211, %reduce_sum3A_210 : i32
      %reduce_max3A_213 = arith.constant true
      %reduce_max3A_214 = vector.broadcast %reduce_max3A_213 : i1 to vector<16xi1>
      %reduce_max3A_215 = arith.constant -2147483648 : i32
      %reduce_max3A_216 = vector.broadcast %reduce_max3A_215 : i32 to vector<16xi32>
      %reduce_max3A_217 = arith.xori %scan3A_198#4, %reduce_max3A_216 : vector<16xi32>
      %reduce_max3A_218 = tpu.scan <max>, %reduce_max3A_217 masked %reduce_max3A_214 : vector<16xi32>, vector<16xi1> -> vector<16xi32>
      %reduce_max3A_219 = arith.xori %reduce_max3A_218, %reduce_max3A_216 : vector<16xi32>
      %reduce_max3A_220 = vector.extract %reduce_max3A_219[15] : i32 from vector<16xi32>
      %mul3A_221 = arith.constant 16 : i32
      %mul3A_222 = arith.muli %reduce_max3A_220, %mul3A_221 : i32
      %add3A_223 = arith.addi %mul3A_222, %sub3A_212 : i32
      %jit3A_224 = arith.constant 1073741824 : i32
      %broadcast_in_dim3A_225 = vector.broadcast %jit3A_224 : i32 to vector<16xi32>
      %select_n3A_226 = arith.select %gt3A_201, %scan3A_198#2, %broadcast_in_dim3A_225 : vector<16xi1>, vector<16xi32>
      %reduce_min3A_227 = arith.constant true
      %reduce_min3A_228 = vector.broadcast %reduce_min3A_227 : i1 to vector<16xi1>
      %reduce_min3A_229 = arith.constant -2147483648 : i32
      %reduce_min3A_230 = vector.broadcast %reduce_min3A_229 : i32 to vector<16xi32>
      %reduce_min3A_231 = arith.xori %select_n3A_226, %reduce_min3A_230 : vector<16xi32>
      %reduce_min3A_232 = tpu.scan <min>, %reduce_min3A_231 masked %reduce_min3A_228 : vector<16xi32>, vector<16xi1> -> vector<16xi32>
      %reduce_min3A_233 = arith.xori %reduce_min3A_232, %reduce_min3A_230 : vector<16xi32>
      %reduce_min3A_234 = vector.extract %reduce_min3A_233[15] : i32 from vector<16xi32>
      %eq3A_235 = vector.broadcast %sub3A_212 : i32 to vector<16xi32>
      %eq3A_236 = arith.cmpi eq, %iota3A, %eq3A_235 : vector<16xi32>
      %jit3A_237 = arith.constant 0 : i32
      %broadcast_in_dim3A_238 = vector.broadcast %jit3A_237 : i32 to vector<16xi32>
      %select_n3A_239 = arith.select %eq3A_236, %scan3A_198#3, %broadcast_in_dim3A_238 : vector<16xi1>, vector<16xi32>
      %reduce_sum3A_240 = arith.constant true
      %reduce_sum3A_241 = vector.broadcast %reduce_sum3A_240 : i1 to vector<16xi1>
      %reduce_sum3A_242 = tpu.scan <sum>, %select_n3A_239 masked %reduce_sum3A_241 : vector<16xi32>, vector<16xi1> -> vector<16xi32>
      %reduce_sum3A_243 = vector.extract %reduce_sum3A_242[15] : i32 from vector<16xi32>
      %sub3A_244 = arith.subi %reduce_max3A_179, %reduce_min3A_234 : i32
      %sub3A_245 = arith.subi %sub3A_164, %sub3A_244 : i32
      %while3A_246 = arith.constant 0 : i32
      %while3A_247 = arith.subi %div3A_182, %while3A_246 : i32
      %while3A_248 = arith.addi %while3A_246, %while3A_247 : i32
      %while3A_249 = arith.constant 1 : i32
      %while3A_250 = arith.divsi %while3A_247, %while3A_249 : i32
      %while3A_251 = arith.muli %while3A_250, %while3A_249 : i32
      %while3A_252 = arith.addi %while3A_246, %while3A_251 : i32
      %while3A_253 = arith.constant 1 : i32
      %while3A_254 = scf.for %while3A_561 = %while3A_246 to %while3A_252 step %while3A_253 iter_args(%while3A_562 = %broadcast_in_dim3A_3) -> (vector<16xi32>)  : i32 {
        %mul3A_563 = arith.constant 16 : i32
        %mul3A_564 = arith.muli %while3A_561, %mul3A_563 : i32
        %get3A_565 = arith.index_cast %mul3A_564 : i32 to index
        %get3A_566 = tpu.vector_load %arg11[%get3A_565] {strides = array<i32>} : memref<4096xi32, #tpu.memory_space<vmem>>, vector<16xi32>,
        %mul3A_567 = arith.constant 16 : i32
        %mul3A_568 = arith.muli %while3A_561, %mul3A_567 : i32
        %add3A_569 = vector.broadcast %mul3A_568 : i32 to vector<16xi32>
        %add3A_570 = arith.addi %iota3A, %add3A_569 : vector<16xi32>
        %lt3A_571 = vector.broadcast %reduce_max3A_179 : i32 to vector<16xi32>
        %lt3A_572 = arith.cmpi slt, %add3A_570, %lt3A_571 : vector<16xi32>
        %shift_right_arithmetic3A_573 = arith.constant 12 : i32
        %shift_right_arithmetic3A_574 = vector.broadcast %shift_right_arithmetic3A_573 : i32 to vector<16xi32>
        %shift_right_arithmetic3A_575 = arith.shrsi %get3A_566, %shift_right_arithmetic3A_574 : vector<16xi32>
        %eq3A_576 = vector.broadcast %add3A_223 : i32 to vector<16xi32>
        %eq3A_577 = arith.cmpi eq, %shift_right_arithmetic3A_575, %eq3A_576 : vector<16xi32>
        %and3A_578 = arith.andi %lt3A_572, %eq3A_577 : vector<16xi1>
        %jit3A_579 = arith.constant 1 : i32
        %jit3A_580 = arith.constant 0 : i32
        %broadcast_in_dim3A_581 = vector.broadcast %jit3A_579 : i32 to vector<16xi32>
        %broadcast_in_dim3A_582 = vector.broadcast %jit3A_580 : i32 to vector<16xi32>
        %select_n3A_583 = arith.select %and3A_578, %broadcast_in_dim3A_581, %broadcast_in_dim3A_582 : vector<16xi1>, vector<16xi32>
        %broadcast_in_dim3A_584 = arith.constant true
        %broadcast_in_dim3A_585 = vector.broadcast %broadcast_in_dim3A_584 : i1 to vector<16xi1>
        %masked_cumsum3A_586 = tpu.scan <sum>, %select_n3A_583 masked %broadcast_in_dim3A_585 : vector<16xi32>, vector<16xi1> -> vector<16xi32>
        %all_reduce_population_count3A = tpu.all_reduce %and3A_578 {dim = 0 : i64, kind = #tpu.reduction_kind<sum>} : vector<16xi1> -> vector<16xi32>
        %add3A_587 = arith.addi %while3A_562, %masked_cumsum3A_586 : vector<16xi32>
        %sub3A_588 = arith.constant 1 : i32
        %sub3A_589 = vector.broadcast %sub3A_588 : i32 to vector<16xi32>
        %sub3A_590 = arith.subi %add3A_587, %sub3A_589 : vector<16xi32>
        %and3A_591 = arith.constant 4095 : i32
        %and3A_592 = vector.broadcast %and3A_591 : i32 to vector<16xi32>
        %and3A_593 = arith.andi %get3A_566, %and3A_592 : vector<16xi32>
        tpu.vector_store_idx %arg12[%sub3A_590], %and3A_593 masked %and3A_578 : memref<4096xi32, #tpu.memory_space<vmem>>[vector<16xi32>], vector<16xi32>, vector<16xi1>
        %add3A_594 = arith.addi %while3A_562, %all_reduce_population_count3A : vector<16xi32>
        scf.yield %add3A_594 : vector<16xi32>
      }
      %while3A_255 = arith.constant 1 : i32
      %while3A_256 = scf.for %while3A_561 = %while3A_252 to %while3A_248 step %while3A_255 iter_args(%while3A_562 = %while3A_254) -> (vector<16xi32>)  : i32 {
        %mul3A_563 = arith.constant 16 : i32
        %mul3A_564 = arith.muli %while3A_561, %mul3A_563 : i32
        %get3A_565 = arith.index_cast %mul3A_564 : i32 to index
        %get3A_566 = tpu.vector_load %arg11[%get3A_565] {strides = array<i32>} : memref<4096xi32, #tpu.memory_space<vmem>>, vector<16xi32>,
        %mul3A_567 = arith.constant 16 : i32
        %mul3A_568 = arith.muli %while3A_561, %mul3A_567 : i32
        %add3A_569 = vector.broadcast %mul3A_568 : i32 to vector<16xi32>
        %add3A_570 = arith.addi %iota3A, %add3A_569 : vector<16xi32>
        %lt3A_571 = vector.broadcast %reduce_max3A_179 : i32 to vector<16xi32>
        %lt3A_572 = arith.cmpi slt, %add3A_570, %lt3A_571 : vector<16xi32>
        %shift_right_arithmetic3A_573 = arith.constant 12 : i32
        %shift_right_arithmetic3A_574 = vector.broadcast %shift_right_arithmetic3A_573 : i32 to vector<16xi32>
        %shift_right_arithmetic3A_575 = arith.shrsi %get3A_566, %shift_right_arithmetic3A_574 : vector<16xi32>
        %eq3A_576 = vector.broadcast %add3A_223 : i32 to vector<16xi32>
        %eq3A_577 = arith.cmpi eq, %shift_right_arithmetic3A_575, %eq3A_576 : vector<16xi32>
        %and3A_578 = arith.andi %lt3A_572, %eq3A_577 : vector<16xi1>
        %jit3A_579 = arith.constant 1 : i32
        %jit3A_580 = arith.constant 0 : i32
        %broadcast_in_dim3A_581 = vector.broadcast %jit3A_579 : i32 to vector<16xi32>
        %broadcast_in_dim3A_582 = vector.broadcast %jit3A_580 : i32 to vector<16xi32>
        %select_n3A_583 = arith.select %and3A_578, %broadcast_in_dim3A_581, %broadcast_in_dim3A_582 : vector<16xi1>, vector<16xi32>
        %broadcast_in_dim3A_584 = arith.constant true
        %broadcast_in_dim3A_585 = vector.broadcast %broadcast_in_dim3A_584 : i1 to vector<16xi1>
        %masked_cumsum3A_586 = tpu.scan <sum>, %select_n3A_583 masked %broadcast_in_dim3A_585 : vector<16xi32>, vector<16xi1> -> vector<16xi32>
        %all_reduce_population_count3A = tpu.all_reduce %and3A_578 {dim = 0 : i64, kind = #tpu.reduction_kind<sum>} : vector<16xi1> -> vector<16xi32>
        %add3A_587 = arith.addi %while3A_562, %masked_cumsum3A_586 : vector<16xi32>
        %sub3A_588 = arith.constant 1 : i32
        %sub3A_589 = vector.broadcast %sub3A_588 : i32 to vector<16xi32>
        %sub3A_590 = arith.subi %add3A_587, %sub3A_589 : vector<16xi32>
        %and3A_591 = arith.constant 4095 : i32
        %and3A_592 = vector.broadcast %and3A_591 : i32 to vector<16xi32>
        %and3A_593 = arith.andi %get3A_566, %and3A_592 : vector<16xi32>
        tpu.vector_store_idx %arg12[%sub3A_590], %and3A_593 masked %and3A_578 : memref<4096xi32, #tpu.memory_space<vmem>>[vector<16xi32>], vector<16xi32>, vector<16xi1>
        %add3A_594 = arith.addi %while3A_562, %all_reduce_population_count3A : vector<16xi32>
        scf.yield %add3A_594 : vector<16xi32>
      }
      %reduce_max3A_257 = arith.constant true
      %reduce_max3A_258 = vector.broadcast %reduce_max3A_257 : i1 to vector<16xi1>
      %reduce_max3A_259 = arith.constant -2147483648 : i32
      %reduce_max3A_260 = vector.broadcast %reduce_max3A_259 : i32 to vector<16xi32>
      %reduce_max3A_261 = arith.xori %while3A_256, %reduce_max3A_260 : vector<16xi32>
      %reduce_max3A_262 = tpu.scan <max>, %reduce_max3A_261 masked %reduce_max3A_258 : vector<16xi32>, vector<16xi1> -> vector<16xi32>
      %reduce_max3A_263 = arith.xori %reduce_max3A_262, %reduce_max3A_260 : vector<16xi32>
      %reduce_max3A_264 = vector.extract %reduce_max3A_263[15] : i32 from vector<16xi32>
      %le3A = arith.constant 16 : i32
      %le3A_265 = arith.cmpi sle, %reduce_max3A_264, %le3A : i32
      %convert_element_type3A_266 = arith.extui %le3A_265 : i1 to i32
      %cond3A_267 = arith.constant 0 : i32
      %cond3A_268 = arith.constant 0 : i32
      %cond3A_269 = arith.cmpi ne, %convert_element_type3A_266, %cond3A_268 : i32
      %cond3A_270 = scf.if %cond3A_269 -> (i32) {
        %get3A_561 = arith.constant 0 : index
        %get3A_562 = tpu.vector_load %arg12[%get3A_561] {strides = array<i32>} : memref<4096xi32, #tpu.memory_space<vmem>>, vector<16xi32>,
        %masked_sort3A = arith.constant dense<true> : vector<16xi1>
        %masked_sort3A_563 = arith.constant -2147483648 : i32
        %masked_sort3A_564 = vector.broadcast %masked_sort3A_563 : i32 to vector<16xi32>
        %masked_sort3A_565 = arith.xori %get3A_562, %masked_sort3A_564 : vector<16xi32>
        %masked_sort3A_566, %masked_sort3A_567, %masked_sort3A_568 = tpu.sort %masked_sort3A_565, %get3A_562 masked %masked_sort3A {descending = true} : (vector<16xi32>, vector<16xi32>, vector<16xi1>) -> (vector<16xi1>, vector<16xi32>, vector<16xi32>)
        %masked_sort3A_569 = arith.xori %masked_sort3A_567, %masked_sort3A_564 : vector<16xi32>
        %sub3A_570 = arith.constant 1 : i32
        %sub3A_571 = arith.subi %sub3A_245, %sub3A_570 : i32
        %eq3A_572 = vector.broadcast %sub3A_571 : i32 to vector<16xi32>
        %eq3A_573 = arith.cmpi eq, %iota3A, %eq3A_572 : vector<16xi32>
        %jit3A_574 = arith.constant 0 : i32
        %broadcast_in_dim3A_575 = vector.broadcast %jit3A_574 : i32 to vector<16xi32>
        %select_n3A_576 = arith.select %eq3A_573, %masked_sort3A_569, %broadcast_in_dim3A_575 : vector<16xi1>, vector<16xi32>
        %reduce_sum3A_577 = arith.constant true
        %reduce_sum3A_578 = vector.broadcast %reduce_sum3A_577 : i1 to vector<16xi1>
        %reduce_sum3A_579 = tpu.scan <sum>, %select_n3A_576 masked %reduce_sum3A_578 : vector<16xi32>, vector<16xi1> -> vector<16xi32>
        %reduce_sum3A_580 = vector.extract %reduce_sum3A_579[15] : i32 from vector<16xi32>
        scf.yield %reduce_sum3A_580 : i32
      } else {
        %add3A_561 = arith.constant 15 : i32
        %add3A_562 = arith.addi %reduce_max3A_264, %add3A_561 : i32
        %div3A_563 = arith.constant 16 : i32
        %div3A_564 = arith.divsi %add3A_562, %div3A_563 : i32
        %or3A_565 = arith.constant 0 : i32
        %or3A_566 = arith.constant 2048 : i32
        %or3A_567 = arith.ori %or3A_565, %or3A_566 : i32
        %while3A_568 = arith.constant 0 : i32
        %while3A_569 = arith.subi %div3A_182, %while3A_568 : i32
        %while3A_570 = arith.addi %while3A_568, %while3A_569 : i32
        %while3A_571 = arith.constant 1 : i32
        %while3A_572 = arith.divsi %while3A_569, %while3A_571 : i32
        %while3A_573 = arith.muli %while3A_572, %while3A_571 : i32
        %while3A_574 = arith.addi %while3A_568, %while3A_573 : i32
        %while3A_575 = arith.constant 1 : i32
        %while3A_576 = scf.for %while3A_795 = %while3A_568 to %while3A_574 step %while3A_575 iter_args(%while3A_796 = %broadcast_in_dim3A_3) -> (vector<16xi32>)  : i32 {
          %mul3A_797 = arith.constant 16 : i32
          %mul3A_798 = arith.muli %while3A_795, %mul3A_797 : i32
          %get3A_799 = arith.index_cast %mul3A_798 : i32 to index
          %get3A_800 = tpu.vector_load %arg11[%get3A_799] {strides = array<i32>} : memref<4096xi32, #tpu.memory_space<vmem>>, vector<16xi32>,
          %mul3A_801 = arith.constant 16 : i32
          %mul3A_802 = arith.muli %while3A_795, %mul3A_801 : i32
          %add3A_803 = vector.broadcast %mul3A_802 : i32 to vector<16xi32>
          %add3A_804 = arith.addi %iota3A, %add3A_803 : vector<16xi32>
          %lt3A_805 = vector.broadcast %reduce_max3A_179 : i32 to vector<16xi32>
          %lt3A_806 = arith.cmpi slt, %add3A_804, %lt3A_805 : vector<16xi32>
          %shift_right_arithmetic3A_807 = arith.constant 12 : i32
          %shift_right_arithmetic3A_808 = vector.broadcast %shift_right_arithmetic3A_807 : i32 to vector<16xi32>
          %shift_right_arithmetic3A_809 = arith.shrsi %get3A_800, %shift_right_arithmetic3A_808 : vector<16xi32>
          %eq3A_810 = vector.broadcast %add3A_223 : i32 to vector<16xi32>
          %eq3A_811 = arith.cmpi eq, %shift_right_arithmetic3A_809, %eq3A_810 : vector<16xi32>
          %and3A_812 = arith.andi %lt3A_806, %eq3A_811 : vector<16xi1>
          %and3A_813 = arith.constant 4095 : i32
          %and3A_814 = vector.broadcast %and3A_813 : i32 to vector<16xi32>
          %and3A_815 = arith.andi %get3A_800, %and3A_814 : vector<16xi32>
          %ge3A_816 = vector.broadcast %or3A_567 : i32 to vector<16xi32>
          %ge3A_817 = arith.cmpi sge, %and3A_815, %ge3A_816 : vector<16xi32>
          %and3A_818 = arith.andi %and3A_812, %ge3A_817 : vector<16xi1>
          %jit3A_819 = arith.constant 1 : i32
          %jit3A_820 = arith.constant 0 : i32
          %broadcast_in_dim3A_821 = vector.broadcast %jit3A_819 : i32 to vector<16xi32>
          %broadcast_in_dim3A_822 = vector.broadcast %jit3A_820 : i32 to vector<16xi32>
          %select_n3A_823 = arith.select %and3A_818, %broadcast_in_dim3A_821, %broadcast_in_dim3A_822 : vector<16xi1>, vector<16xi32>
          %add3A_824 = arith.addi %while3A_796, %select_n3A_823 : vector<16xi32>
          scf.yield %add3A_824 : vector<16xi32>
        }
        %while3A_577 = arith.constant 1 : i32
        %while3A_578 = scf.for %while3A_795 = %while3A_574 to %while3A_570 step %while3A_577 iter_args(%while3A_796 = %while3A_576) -> (vector<16xi32>)  : i32 {
          %mul3A_797 = arith.constant 16 : i32
          %mul3A_798 = arith.muli %while3A_795, %mul3A_797 : i32
          %get3A_799 = arith.index_cast %mul3A_798 : i32 to index
          %get3A_800 = tpu.vector_load %arg11[%get3A_799] {strides = array<i32>} : memref<4096xi32, #tpu.memory_space<vmem>>, vector<16xi32>,
          %mul3A_801 = arith.constant 16 : i32
          %mul3A_802 = arith.muli %while3A_795, %mul3A_801 : i32
          %add3A_803 = vector.broadcast %mul3A_802 : i32 to vector<16xi32>
          %add3A_804 = arith.addi %iota3A, %add3A_803 : vector<16xi32>
          %lt3A_805 = vector.broadcast %reduce_max3A_179 : i32 to vector<16xi32>
          %lt3A_806 = arith.cmpi slt, %add3A_804, %lt3A_805 : vector<16xi32>
          %shift_right_arithmetic3A_807 = arith.constant 12 : i32
          %shift_right_arithmetic3A_808 = vector.broadcast %shift_right_arithmetic3A_807 : i32 to vector<16xi32>
          %shift_right_arithmetic3A_809 = arith.shrsi %get3A_800, %shift_right_arithmetic3A_808 : vector<16xi32>
          %eq3A_810 = vector.broadcast %add3A_223 : i32 to vector<16xi32>
          %eq3A_811 = arith.cmpi eq, %shift_right_arithmetic3A_809, %eq3A_810 : vector<16xi32>
          %and3A_812 = arith.andi %lt3A_806, %eq3A_811 : vector<16xi1>
          %and3A_813 = arith.constant 4095 : i32
          %and3A_814 = vector.broadcast %and3A_813 : i32 to vector<16xi32>
          %and3A_815 = arith.andi %get3A_800, %and3A_814 : vector<16xi32>
          %ge3A_816 = vector.broadcast %or3A_567 : i32 to vector<16xi32>
          %ge3A_817 = arith.cmpi sge, %and3A_815, %ge3A_816 : vector<16xi32>
          %and3A_818 = arith.andi %and3A_812, %ge3A_817 : vector<16xi1>
          %jit3A_819 = arith.constant 1 : i32
          %jit3A_820 = arith.constant 0 : i32
          %broadcast_in_dim3A_821 = vector.broadcast %jit3A_819 : i32 to vector<16xi32>
          %broadcast_in_dim3A_822 = vector.broadcast %jit3A_820 : i32 to vector<16xi32>
          %select_n3A_823 = arith.select %and3A_818, %broadcast_in_dim3A_821, %broadcast_in_dim3A_822 : vector<16xi1>, vector<16xi32>
          %add3A_824 = arith.addi %while3A_796, %select_n3A_823 : vector<16xi32>
          scf.yield %add3A_824 : vector<16xi32>
        }
        %reduce_sum3A_579 = arith.constant true
        %reduce_sum3A_580 = vector.broadcast %reduce_sum3A_579 : i1 to vector<16xi1>
        %reduce_sum3A_581 = tpu.scan <sum>, %while3A_578 masked %reduce_sum3A_580 : vector<16xi32>, vector<16xi1> -> vector<16xi32>
        %reduce_sum3A_582 = vector.extract %reduce_sum3A_581[15] : i32 from vector<16xi32>
        %ge3A_583 = arith.cmpi sge, %reduce_sum3A_582, %sub3A_245 : i32
        %jit3A_584 = arith.constant 0 : i32
        %select_n3A_585 = arith.select %ge3A_583, %or3A_567, %jit3A_584 : i32
        %or3A_586 = arith.constant 1024 : i32
        %or3A_587 = arith.ori %select_n3A_585, %or3A_586 : i32
        %while3A_588 = arith.constant 0 : i32
        %while3A_589 = arith.subi %div3A_182, %while3A_588 : i32
        %while3A_590 = arith.addi %while3A_588, %while3A_589 : i32
        %while3A_591 = arith.constant 1 : i32
        %while3A_592 = arith.divsi %while3A_589, %while3A_591 : i32
        %while3A_593 = arith.muli %while3A_592, %while3A_591 : i32
        %while3A_594 = arith.addi %while3A_588, %while3A_593 : i32
        %while3A_595 = arith.constant 1 : i32
        %while3A_596 = scf.for %while3A_795 = %while3A_588 to %while3A_594 step %while3A_595 iter_args(%while3A_796 = %broadcast_in_dim3A_3) -> (vector<16xi32>)  : i32 {
          %mul3A_797 = arith.constant 16 : i32
          %mul3A_798 = arith.muli %while3A_795, %mul3A_797 : i32
          %get3A_799 = arith.index_cast %mul3A_798 : i32 to index
          %get3A_800 = tpu.vector_load %arg11[%get3A_799] {strides = array<i32>} : memref<4096xi32, #tpu.memory_space<vmem>>, vector<16xi32>,
          %mul3A_801 = arith.constant 16 : i32
          %mul3A_802 = arith.muli %while3A_795, %mul3A_801 : i32
          %add3A_803 = vector.broadcast %mul3A_802 : i32 to vector<16xi32>
          %add3A_804 = arith.addi %iota3A, %add3A_803 : vector<16xi32>
          %lt3A_805 = vector.broadcast %reduce_max3A_179 : i32 to vector<16xi32>
          %lt3A_806 = arith.cmpi slt, %add3A_804, %lt3A_805 : vector<16xi32>
          %shift_right_arithmetic3A_807 = arith.constant 12 : i32
          %shift_right_arithmetic3A_808 = vector.broadcast %shift_right_arithmetic3A_807 : i32 to vector<16xi32>
          %shift_right_arithmetic3A_809 = arith.shrsi %get3A_800, %shift_right_arithmetic3A_808 : vector<16xi32>
          %eq3A_810 = vector.broadcast %add3A_223 : i32 to vector<16xi32>
          %eq3A_811 = arith.cmpi eq, %shift_right_arithmetic3A_809, %eq3A_810 : vector<16xi32>
          %and3A_812 = arith.andi %lt3A_806, %eq3A_811 : vector<16xi1>
          %and3A_813 = arith.constant 4095 : i32
          %and3A_814 = vector.broadcast %and3A_813 : i32 to vector<16xi32>
          %and3A_815 = arith.andi %get3A_800, %and3A_814 : vector<16xi32>
          %ge3A_816 = vector.broadcast %or3A_587 : i32 to vector<16xi32>
          %ge3A_817 = arith.cmpi sge, %and3A_815, %ge3A_816 : vector<16xi32>
          %and3A_818 = arith.andi %and3A_812, %ge3A_817 : vector<16xi1>
          %jit3A_819 = arith.constant 1 : i32
          %jit3A_820 = arith.constant 0 : i32
          %broadcast_in_dim3A_821 = vector.broadcast %jit3A_819 : i32 to vector<16xi32>
          %broadcast_in_dim3A_822 = vector.broadcast %jit3A_820 : i32 to vector<16xi32>
          %select_n3A_823 = arith.select %and3A_818, %broadcast_in_dim3A_821, %broadcast_in_dim3A_822 : vector<16xi1>, vector<16xi32>
          %add3A_824 = arith.addi %while3A_796, %select_n3A_823 : vector<16xi32>
          scf.yield %add3A_824 : vector<16xi32>
        }
        %while3A_597 = arith.constant 1 : i32
        %while3A_598 = scf.for %while3A_795 = %while3A_594 to %while3A_590 step %while3A_597 iter_args(%while3A_796 = %while3A_596) -> (vector<16xi32>)  : i32 {
          %mul3A_797 = arith.constant 16 : i32
          %mul3A_798 = arith.muli %while3A_795, %mul3A_797 : i32
          %get3A_799 = arith.index_cast %mul3A_798 : i32 to index
          %get3A_800 = tpu.vector_load %arg11[%get3A_799] {strides = array<i32>} : memref<4096xi32, #tpu.memory_space<vmem>>, vector<16xi32>,
          %mul3A_801 = arith.constant 16 : i32
          %mul3A_802 = arith.muli %while3A_795, %mul3A_801 : i32
          %add3A_803 = vector.broadcast %mul3A_802 : i32 to vector<16xi32>
          %add3A_804 = arith.addi %iota3A, %add3A_803 : vector<16xi32>
          %lt3A_805 = vector.broadcast %reduce_max3A_179 : i32 to vector<16xi32>
          %lt3A_806 = arith.cmpi slt, %add3A_804, %lt3A_805 : vector<16xi32>
          %shift_right_arithmetic3A_807 = arith.constant 12 : i32
          %shift_right_arithmetic3A_808 = vector.broadcast %shift_right_arithmetic3A_807 : i32 to vector<16xi32>
          %shift_right_arithmetic3A_809 = arith.shrsi %get3A_800, %shift_right_arithmetic3A_808 : vector<16xi32>
          %eq3A_810 = vector.broadcast %add3A_223 : i32 to vector<16xi32>
          %eq3A_811 = arith.cmpi eq, %shift_right_arithmetic3A_809, %eq3A_810 : vector<16xi32>
          %and3A_812 = arith.andi %lt3A_806, %eq3A_811 : vector<16xi1>
          %and3A_813 = arith.constant 4095 : i32
          %and3A_814 = vector.broadcast %and3A_813 : i32 to vector<16xi32>
          %and3A_815 = arith.andi %get3A_800, %and3A_814 : vector<16xi32>
          %ge3A_816 = vector.broadcast %or3A_587 : i32 to vector<16xi32>
          %ge3A_817 = arith.cmpi sge, %and3A_815, %ge3A_816 : vector<16xi32>
          %and3A_818 = arith.andi %and3A_812, %ge3A_817 : vector<16xi1>
          %jit3A_819 = arith.constant 1 : i32
          %jit3A_820 = arith.constant 0 : i32
          %broadcast_in_dim3A_821 = vector.broadcast %jit3A_819 : i32 to vector<16xi32>
          %broadcast_in_dim3A_822 = vector.broadcast %jit3A_820 : i32 to vector<16xi32>
          %select_n3A_823 = arith.select %and3A_818, %broadcast_in_dim3A_821, %broadcast_in_dim3A_822 : vector<16xi1>, vector<16xi32>
          %add3A_824 = arith.addi %while3A_796, %select_n3A_823 : vector<16xi32>
          scf.yield %add3A_824 : vector<16xi32>
        }
        %reduce_sum3A_599 = arith.constant true
        %reduce_sum3A_600 = vector.broadcast %reduce_sum3A_599 : i1 to vector<16xi1>
        %reduce_sum3A_601 = tpu.scan <sum>, %while3A_598 masked %reduce_sum3A_600 : vector<16xi32>, vector<16xi1> -> vector<16xi32>
        %reduce_sum3A_602 = vector.extract %reduce_sum3A_601[15] : i32 from vector<16xi32>
        %ge3A_603 = arith.cmpi sge, %reduce_sum3A_602, %sub3A_245 : i32
        %select_n3A_604 = arith.select %ge3A_603, %or3A_587, %select_n3A_585 : i32
        %or3A_605 = arith.constant 512 : i32
        %or3A_606 = arith.ori %select_n3A_604, %or3A_605 : i32
        %while3A_607 = arith.constant 0 : i32
        %while3A_608 = arith.subi %div3A_182, %while3A_607 : i32
        %while3A_609 = arith.addi %while3A_607, %while3A_608 : i32
        %while3A_610 = arith.constant 1 : i32
        %while3A_611 = arith.divsi %while3A_608, %while3A_610 : i32
        %while3A_612 = arith.muli %while3A_611, %while3A_610 : i32
        %while3A_613 = arith.addi %while3A_607, %while3A_612 : i32
        %while3A_614 = arith.constant 1 : i32
        %while3A_615 = scf.for %while3A_795 = %while3A_607 to %while3A_613 step %while3A_614 iter_args(%while3A_796 = %broadcast_in_dim3A_3) -> (vector<16xi32>)  : i32 {
          %mul3A_797 = arith.constant 16 : i32
          %mul3A_798 = arith.muli %while3A_795, %mul3A_797 : i32
          %get3A_799 = arith.index_cast %mul3A_798 : i32 to index
          %get3A_800 = tpu.vector_load %arg11[%get3A_799] {strides = array<i32>} : memref<4096xi32, #tpu.memory_space<vmem>>, vector<16xi32>,
          %mul3A_801 = arith.constant 16 : i32
          %mul3A_802 = arith.muli %while3A_795, %mul3A_801 : i32
          %add3A_803 = vector.broadcast %mul3A_802 : i32 to vector<16xi32>
          %add3A_804 = arith.addi %iota3A, %add3A_803 : vector<16xi32>
          %lt3A_805 = vector.broadcast %reduce_max3A_179 : i32 to vector<16xi32>
          %lt3A_806 = arith.cmpi slt, %add3A_804, %lt3A_805 : vector<16xi32>
          %shift_right_arithmetic3A_807 = arith.constant 12 : i32
          %shift_right_arithmetic3A_808 = vector.broadcast %shift_right_arithmetic3A_807 : i32 to vector<16xi32>
          %shift_right_arithmetic3A_809 = arith.shrsi %get3A_800, %shift_right_arithmetic3A_808 : vector<16xi32>
          %eq3A_810 = vector.broadcast %add3A_223 : i32 to vector<16xi32>
          %eq3A_811 = arith.cmpi eq, %shift_right_arithmetic3A_809, %eq3A_810 : vector<16xi32>
          %and3A_812 = arith.andi %lt3A_806, %eq3A_811 : vector<16xi1>
          %and3A_813 = arith.constant 4095 : i32
          %and3A_814 = vector.broadcast %and3A_813 : i32 to vector<16xi32>
          %and3A_815 = arith.andi %get3A_800, %and3A_814 : vector<16xi32>
          %ge3A_816 = vector.broadcast %or3A_606 : i32 to vector<16xi32>
          %ge3A_817 = arith.cmpi sge, %and3A_815, %ge3A_816 : vector<16xi32>
          %and3A_818 = arith.andi %and3A_812, %ge3A_817 : vector<16xi1>
          %jit3A_819 = arith.constant 1 : i32
          %jit3A_820 = arith.constant 0 : i32
          %broadcast_in_dim3A_821 = vector.broadcast %jit3A_819 : i32 to vector<16xi32>
          %broadcast_in_dim3A_822 = vector.broadcast %jit3A_820 : i32 to vector<16xi32>
          %select_n3A_823 = arith.select %and3A_818, %broadcast_in_dim3A_821, %broadcast_in_dim3A_822 : vector<16xi1>, vector<16xi32>
          %add3A_824 = arith.addi %while3A_796, %select_n3A_823 : vector<16xi32>
          scf.yield %add3A_824 : vector<16xi32>
        }
        %while3A_616 = arith.constant 1 : i32
        %while3A_617 = scf.for %while3A_795 = %while3A_613 to %while3A_609 step %while3A_616 iter_args(%while3A_796 = %while3A_615) -> (vector<16xi32>)  : i32 {
          %mul3A_797 = arith.constant 16 : i32
          %mul3A_798 = arith.muli %while3A_795, %mul3A_797 : i32
          %get3A_799 = arith.index_cast %mul3A_798 : i32 to index
          %get3A_800 = tpu.vector_load %arg11[%get3A_799] {strides = array<i32>} : memref<4096xi32, #tpu.memory_space<vmem>>, vector<16xi32>,
          %mul3A_801 = arith.constant 16 : i32
          %mul3A_802 = arith.muli %while3A_795, %mul3A_801 : i32
          %add3A_803 = vector.broadcast %mul3A_802 : i32 to vector<16xi32>
          %add3A_804 = arith.addi %iota3A, %add3A_803 : vector<16xi32>
          %lt3A_805 = vector.broadcast %reduce_max3A_179 : i32 to vector<16xi32>
          %lt3A_806 = arith.cmpi slt, %add3A_804, %lt3A_805 : vector<16xi32>
          %shift_right_arithmetic3A_807 = arith.constant 12 : i32
          %shift_right_arithmetic3A_808 = vector.broadcast %shift_right_arithmetic3A_807 : i32 to vector<16xi32>
          %shift_right_arithmetic3A_809 = arith.shrsi %get3A_800, %shift_right_arithmetic3A_808 : vector<16xi32>
          %eq3A_810 = vector.broadcast %add3A_223 : i32 to vector<16xi32>
          %eq3A_811 = arith.cmpi eq, %shift_right_arithmetic3A_809, %eq3A_810 : vector<16xi32>
          %and3A_812 = arith.andi %lt3A_806, %eq3A_811 : vector<16xi1>
          %and3A_813 = arith.constant 4095 : i32
          %and3A_814 = vector.broadcast %and3A_813 : i32 to vector<16xi32>
          %and3A_815 = arith.andi %get3A_800, %and3A_814 : vector<16xi32>
          %ge3A_816 = vector.broadcast %or3A_606 : i32 to vector<16xi32>
          %ge3A_817 = arith.cmpi sge, %and3A_815, %ge3A_816 : vector<16xi32>
          %and3A_818 = arith.andi %and3A_812, %ge3A_817 : vector<16xi1>
          %jit3A_819 = arith.constant 1 : i32
          %jit3A_820 = arith.constant 0 : i32
          %broadcast_in_dim3A_821 = vector.broadcast %jit3A_819 : i32 to vector<16xi32>
          %broadcast_in_dim3A_822 = vector.broadcast %jit3A_820 : i32 to vector<16xi32>
          %select_n3A_823 = arith.select %and3A_818, %broadcast_in_dim3A_821, %broadcast_in_dim3A_822 : vector<16xi1>, vector<16xi32>
          %add3A_824 = arith.addi %while3A_796, %select_n3A_823 : vector<16xi32>
          scf.yield %add3A_824 : vector<16xi32>
        }
        %reduce_sum3A_618 = arith.constant true
        %reduce_sum3A_619 = vector.broadcast %reduce_sum3A_618 : i1 to vector<16xi1>
        %reduce_sum3A_620 = tpu.scan <sum>, %while3A_617 masked %reduce_sum3A_619 : vector<16xi32>, vector<16xi1> -> vector<16xi32>
        %reduce_sum3A_621 = vector.extract %reduce_sum3A_620[15] : i32 from vector<16xi32>
        %ge3A_622 = arith.cmpi sge, %reduce_sum3A_621, %sub3A_245 : i32
        %select_n3A_623 = arith.select %ge3A_622, %or3A_606, %select_n3A_604 : i32
        %or3A_624 = arith.constant 256 : i32
        %or3A_625 = arith.ori %select_n3A_623, %or3A_624 : i32
        %while3A_626 = arith.constant 0 : i32
        %while3A_627 = arith.subi %div3A_182, %while3A_626 : i32
        %while3A_628 = arith.addi %while3A_626, %while3A_627 : i32
        %while3A_629 = arith.constant 1 : i32
        %while3A_630 = arith.divsi %while3A_627, %while3A_629 : i32
        %while3A_631 = arith.muli %while3A_630, %while3A_629 : i32
        %while3A_632 = arith.addi %while3A_626, %while3A_631 : i32
        %while3A_633 = arith.constant 1 : i32
        %while3A_634 = scf.for %while3A_795 = %while3A_626 to %while3A_632 step %while3A_633 iter_args(%while3A_796 = %broadcast_in_dim3A_3) -> (vector<16xi32>)  : i32 {
          %mul3A_797 = arith.constant 16 : i32
          %mul3A_798 = arith.muli %while3A_795, %mul3A_797 : i32
          %get3A_799 = arith.index_cast %mul3A_798 : i32 to index
          %get3A_800 = tpu.vector_load %arg11[%get3A_799] {strides = array<i32>} : memref<4096xi32, #tpu.memory_space<vmem>>, vector<16xi32>,
          %mul3A_801 = arith.constant 16 : i32
          %mul3A_802 = arith.muli %while3A_795, %mul3A_801 : i32
          %add3A_803 = vector.broadcast %mul3A_802 : i32 to vector<16xi32>
          %add3A_804 = arith.addi %iota3A, %add3A_803 : vector<16xi32>
          %lt3A_805 = vector.broadcast %reduce_max3A_179 : i32 to vector<16xi32>
          %lt3A_806 = arith.cmpi slt, %add3A_804, %lt3A_805 : vector<16xi32>
          %shift_right_arithmetic3A_807 = arith.constant 12 : i32
          %shift_right_arithmetic3A_808 = vector.broadcast %shift_right_arithmetic3A_807 : i32 to vector<16xi32>
          %shift_right_arithmetic3A_809 = arith.shrsi %get3A_800, %shift_right_arithmetic3A_808 : vector<16xi32>
          %eq3A_810 = vector.broadcast %add3A_223 : i32 to vector<16xi32>
          %eq3A_811 = arith.cmpi eq, %shift_right_arithmetic3A_809, %eq3A_810 : vector<16xi32>
          %and3A_812 = arith.andi %lt3A_806, %eq3A_811 : vector<16xi1>
          %and3A_813 = arith.constant 4095 : i32
          %and3A_814 = vector.broadcast %and3A_813 : i32 to vector<16xi32>
          %and3A_815 = arith.andi %get3A_800, %and3A_814 : vector<16xi32>
          %ge3A_816 = vector.broadcast %or3A_625 : i32 to vector<16xi32>
          %ge3A_817 = arith.cmpi sge, %and3A_815, %ge3A_816 : vector<16xi32>
          %and3A_818 = arith.andi %and3A_812, %ge3A_817 : vector<16xi1>
          %jit3A_819 = arith.constant 1 : i32
          %jit3A_820 = arith.constant 0 : i32
          %broadcast_in_dim3A_821 = vector.broadcast %jit3A_819 : i32 to vector<16xi32>
          %broadcast_in_dim3A_822 = vector.broadcast %jit3A_820 : i32 to vector<16xi32>
          %select_n3A_823 = arith.select %and3A_818, %broadcast_in_dim3A_821, %broadcast_in_dim3A_822 : vector<16xi1>, vector<16xi32>
          %add3A_824 = arith.addi %while3A_796, %select_n3A_823 : vector<16xi32>
          scf.yield %add3A_824 : vector<16xi32>
        }
        %while3A_635 = arith.constant 1 : i32
        %while3A_636 = scf.for %while3A_795 = %while3A_632 to %while3A_628 step %while3A_635 iter_args(%while3A_796 = %while3A_634) -> (vector<16xi32>)  : i32 {
          %mul3A_797 = arith.constant 16 : i32
          %mul3A_798 = arith.muli %while3A_795, %mul3A_797 : i32
          %get3A_799 = arith.index_cast %mul3A_798 : i32 to index
          %get3A_800 = tpu.vector_load %arg11[%get3A_799] {strides = array<i32>} : memref<4096xi32, #tpu.memory_space<vmem>>, vector<16xi32>,
          %mul3A_801 = arith.constant 16 : i32
          %mul3A_802 = arith.muli %while3A_795, %mul3A_801 : i32
          %add3A_803 = vector.broadcast %mul3A_802 : i32 to vector<16xi32>
          %add3A_804 = arith.addi %iota3A, %add3A_803 : vector<16xi32>
          %lt3A_805 = vector.broadcast %reduce_max3A_179 : i32 to vector<16xi32>
          %lt3A_806 = arith.cmpi slt, %add3A_804, %lt3A_805 : vector<16xi32>
          %shift_right_arithmetic3A_807 = arith.constant 12 : i32
          %shift_right_arithmetic3A_808 = vector.broadcast %shift_right_arithmetic3A_807 : i32 to vector<16xi32>
          %shift_right_arithmetic3A_809 = arith.shrsi %get3A_800, %shift_right_arithmetic3A_808 : vector<16xi32>
          %eq3A_810 = vector.broadcast %add3A_223 : i32 to vector<16xi32>
          %eq3A_811 = arith.cmpi eq, %shift_right_arithmetic3A_809, %eq3A_810 : vector<16xi32>
          %and3A_812 = arith.andi %lt3A_806, %eq3A_811 : vector<16xi1>
          %and3A_813 = arith.constant 4095 : i32
          %and3A_814 = vector.broadcast %and3A_813 : i32 to vector<16xi32>
          %and3A_815 = arith.andi %get3A_800, %and3A_814 : vector<16xi32>
          %ge3A_816 = vector.broadcast %or3A_625 : i32 to vector<16xi32>
          %ge3A_817 = arith.cmpi sge, %and3A_815, %ge3A_816 : vector<16xi32>
          %and3A_818 = arith.andi %and3A_812, %ge3A_817 : vector<16xi1>
          %jit3A_819 = arith.constant 1 : i32
          %jit3A_820 = arith.constant 0 : i32
          %broadcast_in_dim3A_821 = vector.broadcast %jit3A_819 : i32 to vector<16xi32>
          %broadcast_in_dim3A_822 = vector.broadcast %jit3A_820 : i32 to vector<16xi32>
          %select_n3A_823 = arith.select %and3A_818, %broadcast_in_dim3A_821, %broadcast_in_dim3A_822 : vector<16xi1>, vector<16xi32>
          %add3A_824 = arith.addi %while3A_796, %select_n3A_823 : vector<16xi32>
          scf.yield %add3A_824 : vector<16xi32>
        }
        %reduce_sum3A_637 = arith.constant true
        %reduce_sum3A_638 = vector.broadcast %reduce_sum3A_637 : i1 to vector<16xi1>
        %reduce_sum3A_639 = tpu.scan <sum>, %while3A_636 masked %reduce_sum3A_638 : vector<16xi32>, vector<16xi1> -> vector<16xi32>
        %reduce_sum3A_640 = vector.extract %reduce_sum3A_639[15] : i32 from vector<16xi32>
        %ge3A_641 = arith.cmpi sge, %reduce_sum3A_640, %sub3A_245 : i32
        %select_n3A_642 = arith.select %ge3A_641, %or3A_625, %select_n3A_623 : i32
        %or3A_643 = arith.constant 128 : i32
        %or3A_644 = arith.ori %select_n3A_642, %or3A_643 : i32
        %while3A_645 = arith.constant 0 : i32
        %while3A_646 = arith.subi %div3A_182, %while3A_645 : i32
        %while3A_647 = arith.addi %while3A_645, %while3A_646 : i32
        %while3A_648 = arith.constant 1 : i32
        %while3A_649 = arith.divsi %while3A_646, %while3A_648 : i32
        %while3A_650 = arith.muli %while3A_649, %while3A_648 : i32
        %while3A_651 = arith.addi %while3A_645, %while3A_650 : i32
        %while3A_652 = arith.constant 1 : i32
        %while3A_653 = scf.for %while3A_795 = %while3A_645 to %while3A_651 step %while3A_652 iter_args(%while3A_796 = %broadcast_in_dim3A_3) -> (vector<16xi32>)  : i32 {
          %mul3A_797 = arith.constant 16 : i32
          %mul3A_798 = arith.muli %while3A_795, %mul3A_797 : i32
          %get3A_799 = arith.index_cast %mul3A_798 : i32 to index
          %get3A_800 = tpu.vector_load %arg11[%get3A_799] {strides = array<i32>} : memref<4096xi32, #tpu.memory_space<vmem>>, vector<16xi32>,
          %mul3A_801 = arith.constant 16 : i32
          %mul3A_802 = arith.muli %while3A_795, %mul3A_801 : i32
          %add3A_803 = vector.broadcast %mul3A_802 : i32 to vector<16xi32>
          %add3A_804 = arith.addi %iota3A, %add3A_803 : vector<16xi32>
          %lt3A_805 = vector.broadcast %reduce_max3A_179 : i32 to vector<16xi32>
          %lt3A_806 = arith.cmpi slt, %add3A_804, %lt3A_805 : vector<16xi32>
          %shift_right_arithmetic3A_807 = arith.constant 12 : i32
          %shift_right_arithmetic3A_808 = vector.broadcast %shift_right_arithmetic3A_807 : i32 to vector<16xi32>
          %shift_right_arithmetic3A_809 = arith.shrsi %get3A_800, %shift_right_arithmetic3A_808 : vector<16xi32>
          %eq3A_810 = vector.broadcast %add3A_223 : i32 to vector<16xi32>
          %eq3A_811 = arith.cmpi eq, %shift_right_arithmetic3A_809, %eq3A_810 : vector<16xi32>
          %and3A_812 = arith.andi %lt3A_806, %eq3A_811 : vector<16xi1>
          %and3A_813 = arith.constant 4095 : i32
          %and3A_814 = vector.broadcast %and3A_813 : i32 to vector<16xi32>
          %and3A_815 = arith.andi %get3A_800, %and3A_814 : vector<16xi32>
          %ge3A_816 = vector.broadcast %or3A_644 : i32 to vector<16xi32>
          %ge3A_817 = arith.cmpi sge, %and3A_815, %ge3A_816 : vector<16xi32>
          %and3A_818 = arith.andi %and3A_812, %ge3A_817 : vector<16xi1>
          %jit3A_819 = arith.constant 1 : i32
          %jit3A_820 = arith.constant 0 : i32
          %broadcast_in_dim3A_821 = vector.broadcast %jit3A_819 : i32 to vector<16xi32>
          %broadcast_in_dim3A_822 = vector.broadcast %jit3A_820 : i32 to vector<16xi32>
          %select_n3A_823 = arith.select %and3A_818, %broadcast_in_dim3A_821, %broadcast_in_dim3A_822 : vector<16xi1>, vector<16xi32>
          %add3A_824 = arith.addi %while3A_796, %select_n3A_823 : vector<16xi32>
          scf.yield %add3A_824 : vector<16xi32>
        }
        %while3A_654 = arith.constant 1 : i32
        %while3A_655 = scf.for %while3A_795 = %while3A_651 to %while3A_647 step %while3A_654 iter_args(%while3A_796 = %while3A_653) -> (vector<16xi32>)  : i32 {
          %mul3A_797 = arith.constant 16 : i32
          %mul3A_798 = arith.muli %while3A_795, %mul3A_797 : i32
          %get3A_799 = arith.index_cast %mul3A_798 : i32 to index
          %get3A_800 = tpu.vector_load %arg11[%get3A_799] {strides = array<i32>} : memref<4096xi32, #tpu.memory_space<vmem>>, vector<16xi32>,
          %mul3A_801 = arith.constant 16 : i32
          %mul3A_802 = arith.muli %while3A_795, %mul3A_801 : i32
          %add3A_803 = vector.broadcast %mul3A_802 : i32 to vector<16xi32>
          %add3A_804 = arith.addi %iota3A, %add3A_803 : vector<16xi32>
          %lt3A_805 = vector.broadcast %reduce_max3A_179 : i32 to vector<16xi32>
          %lt3A_806 = arith.cmpi slt, %add3A_804, %lt3A_805 : vector<16xi32>
          %shift_right_arithmetic3A_807 = arith.constant 12 : i32
          %shift_right_arithmetic3A_808 = vector.broadcast %shift_right_arithmetic3A_807 : i32 to vector<16xi32>
          %shift_right_arithmetic3A_809 = arith.shrsi %get3A_800, %shift_right_arithmetic3A_808 : vector<16xi32>
          %eq3A_810 = vector.broadcast %add3A_223 : i32 to vector<16xi32>
          %eq3A_811 = arith.cmpi eq, %shift_right_arithmetic3A_809, %eq3A_810 : vector<16xi32>
          %and3A_812 = arith.andi %lt3A_806, %eq3A_811 : vector<16xi1>
          %and3A_813 = arith.constant 4095 : i32
          %and3A_814 = vector.broadcast %and3A_813 : i32 to vector<16xi32>
          %and3A_815 = arith.andi %get3A_800, %and3A_814 : vector<16xi32>
          %ge3A_816 = vector.broadcast %or3A_644 : i32 to vector<16xi32>
          %ge3A_817 = arith.cmpi sge, %and3A_815, %ge3A_816 : vector<16xi32>
          %and3A_818 = arith.andi %and3A_812, %ge3A_817 : vector<16xi1>
          %jit3A_819 = arith.constant 1 : i32
          %jit3A_820 = arith.constant 0 : i32
          %broadcast_in_dim3A_821 = vector.broadcast %jit3A_819 : i32 to vector<16xi32>
          %broadcast_in_dim3A_822 = vector.broadcast %jit3A_820 : i32 to vector<16xi32>
          %select_n3A_823 = arith.select %and3A_818, %broadcast_in_dim3A_821, %broadcast_in_dim3A_822 : vector<16xi1>, vector<16xi32>
          %add3A_824 = arith.addi %while3A_796, %select_n3A_823 : vector<16xi32>
          scf.yield %add3A_824 : vector<16xi32>
        }
        %reduce_sum3A_656 = arith.constant true
        %reduce_sum3A_657 = vector.broadcast %reduce_sum3A_656 : i1 to vector<16xi1>
        %reduce_sum3A_658 = tpu.scan <sum>, %while3A_655 masked %reduce_sum3A_657 : vector<16xi32>, vector<16xi1> -> vector<16xi32>
        %reduce_sum3A_659 = vector.extract %reduce_sum3A_658[15] : i32 from vector<16xi32>
        %ge3A_660 = arith.cmpi sge, %reduce_sum3A_659, %sub3A_245 : i32
        %select_n3A_661 = arith.select %ge3A_660, %or3A_644, %select_n3A_642 : i32
        %or3A_662 = arith.constant 64 : i32
        %or3A_663 = arith.ori %select_n3A_661, %or3A_662 : i32
        %while3A_664 = arith.constant 0 : i32
        %while3A_665 = arith.subi %div3A_182, %while3A_664 : i32
        %while3A_666 = arith.addi %while3A_664, %while3A_665 : i32
        %while3A_667 = arith.constant 1 : i32
        %while3A_668 = arith.divsi %while3A_665, %while3A_667 : i32
        %while3A_669 = arith.muli %while3A_668, %while3A_667 : i32
        %while3A_670 = arith.addi %while3A_664, %while3A_669 : i32
        %while3A_671 = arith.constant 1 : i32
        %while3A_672 = scf.for %while3A_795 = %while3A_664 to %while3A_670 step %while3A_671 iter_args(%while3A_796 = %broadcast_in_dim3A_3) -> (vector<16xi32>)  : i32 {
          %mul3A_797 = arith.constant 16 : i32
          %mul3A_798 = arith.muli %while3A_795, %mul3A_797 : i32
          %get3A_799 = arith.index_cast %mul3A_798 : i32 to index
          %get3A_800 = tpu.vector_load %arg11[%get3A_799] {strides = array<i32>} : memref<4096xi32, #tpu.memory_space<vmem>>, vector<16xi32>,
          %mul3A_801 = arith.constant 16 : i32
          %mul3A_802 = arith.muli %while3A_795, %mul3A_801 : i32
          %add3A_803 = vector.broadcast %mul3A_802 : i32 to vector<16xi32>
          %add3A_804 = arith.addi %iota3A, %add3A_803 : vector<16xi32>
          %lt3A_805 = vector.broadcast %reduce_max3A_179 : i32 to vector<16xi32>
          %lt3A_806 = arith.cmpi slt, %add3A_804, %lt3A_805 : vector<16xi32>
          %shift_right_arithmetic3A_807 = arith.constant 12 : i32
          %shift_right_arithmetic3A_808 = vector.broadcast %shift_right_arithmetic3A_807 : i32 to vector<16xi32>
          %shift_right_arithmetic3A_809 = arith.shrsi %get3A_800, %shift_right_arithmetic3A_808 : vector<16xi32>
          %eq3A_810 = vector.broadcast %add3A_223 : i32 to vector<16xi32>
          %eq3A_811 = arith.cmpi eq, %shift_right_arithmetic3A_809, %eq3A_810 : vector<16xi32>
          %and3A_812 = arith.andi %lt3A_806, %eq3A_811 : vector<16xi1>
          %and3A_813 = arith.constant 4095 : i32
          %and3A_814 = vector.broadcast %and3A_813 : i32 to vector<16xi32>
          %and3A_815 = arith.andi %get3A_800, %and3A_814 : vector<16xi32>
          %ge3A_816 = vector.broadcast %or3A_663 : i32 to vector<16xi32>
          %ge3A_817 = arith.cmpi sge, %and3A_815, %ge3A_816 : vector<16xi32>
          %and3A_818 = arith.andi %and3A_812, %ge3A_817 : vector<16xi1>
          %jit3A_819 = arith.constant 1 : i32
          %jit3A_820 = arith.constant 0 : i32
          %broadcast_in_dim3A_821 = vector.broadcast %jit3A_819 : i32 to vector<16xi32>
          %broadcast_in_dim3A_822 = vector.broadcast %jit3A_820 : i32 to vector<16xi32>
          %select_n3A_823 = arith.select %and3A_818, %broadcast_in_dim3A_821, %broadcast_in_dim3A_822 : vector<16xi1>, vector<16xi32>
          %add3A_824 = arith.addi %while3A_796, %select_n3A_823 : vector<16xi32>
          scf.yield %add3A_824 : vector<16xi32>
        }
        %while3A_673 = arith.constant 1 : i32
        %while3A_674 = scf.for %while3A_795 = %while3A_670 to %while3A_666 step %while3A_673 iter_args(%while3A_796 = %while3A_672) -> (vector<16xi32>)  : i32 {
          %mul3A_797 = arith.constant 16 : i32
          %mul3A_798 = arith.muli %while3A_795, %mul3A_797 : i32
          %get3A_799 = arith.index_cast %mul3A_798 : i32 to index
          %get3A_800 = tpu.vector_load %arg11[%get3A_799] {strides = array<i32>} : memref<4096xi32, #tpu.memory_space<vmem>>, vector<16xi32>,
          %mul3A_801 = arith.constant 16 : i32
          %mul3A_802 = arith.muli %while3A_795, %mul3A_801 : i32
          %add3A_803 = vector.broadcast %mul3A_802 : i32 to vector<16xi32>
          %add3A_804 = arith.addi %iota3A, %add3A_803 : vector<16xi32>
          %lt3A_805 = vector.broadcast %reduce_max3A_179 : i32 to vector<16xi32>
          %lt3A_806 = arith.cmpi slt, %add3A_804, %lt3A_805 : vector<16xi32>
          %shift_right_arithmetic3A_807 = arith.constant 12 : i32
          %shift_right_arithmetic3A_808 = vector.broadcast %shift_right_arithmetic3A_807 : i32 to vector<16xi32>
          %shift_right_arithmetic3A_809 = arith.shrsi %get3A_800, %shift_right_arithmetic3A_808 : vector<16xi32>
          %eq3A_810 = vector.broadcast %add3A_223 : i32 to vector<16xi32>
          %eq3A_811 = arith.cmpi eq, %shift_right_arithmetic3A_809, %eq3A_810 : vector<16xi32>
          %and3A_812 = arith.andi %lt3A_806, %eq3A_811 : vector<16xi1>
          %and3A_813 = arith.constant 4095 : i32
          %and3A_814 = vector.broadcast %and3A_813 : i32 to vector<16xi32>
          %and3A_815 = arith.andi %get3A_800, %and3A_814 : vector<16xi32>
          %ge3A_816 = vector.broadcast %or3A_663 : i32 to vector<16xi32>
          %ge3A_817 = arith.cmpi sge, %and3A_815, %ge3A_816 : vector<16xi32>
          %and3A_818 = arith.andi %and3A_812, %ge3A_817 : vector<16xi1>
          %jit3A_819 = arith.constant 1 : i32
          %jit3A_820 = arith.constant 0 : i32
          %broadcast_in_dim3A_821 = vector.broadcast %jit3A_819 : i32 to vector<16xi32>
          %broadcast_in_dim3A_822 = vector.broadcast %jit3A_820 : i32 to vector<16xi32>
          %select_n3A_823 = arith.select %and3A_818, %broadcast_in_dim3A_821, %broadcast_in_dim3A_822 : vector<16xi1>, vector<16xi32>
          %add3A_824 = arith.addi %while3A_796, %select_n3A_823 : vector<16xi32>
          scf.yield %add3A_824 : vector<16xi32>
        }
        %reduce_sum3A_675 = arith.constant true
        %reduce_sum3A_676 = vector.broadcast %reduce_sum3A_675 : i1 to vector<16xi1>
        %reduce_sum3A_677 = tpu.scan <sum>, %while3A_674 masked %reduce_sum3A_676 : vector<16xi32>, vector<16xi1> -> vector<16xi32>
        %reduce_sum3A_678 = vector.extract %reduce_sum3A_677[15] : i32 from vector<16xi32>
        %ge3A_679 = arith.cmpi sge, %reduce_sum3A_678, %sub3A_245 : i32
        %select_n3A_680 = arith.select %ge3A_679, %or3A_663, %select_n3A_661 : i32
        %or3A_681 = arith.constant 32 : i32
        %or3A_682 = arith.ori %select_n3A_680, %or3A_681 : i32
        %while3A_683 = arith.constant 0 : i32
        %while3A_684 = arith.subi %div3A_182, %while3A_683 : i32
        %while3A_685 = arith.addi %while3A_683, %while3A_684 : i32
        %while3A_686 = arith.constant 1 : i32
        %while3A_687 = arith.divsi %while3A_684, %while3A_686 : i32
        %while3A_688 = arith.muli %while3A_687, %while3A_686 : i32
        %while3A_689 = arith.addi %while3A_683, %while3A_688 : i32
        %while3A_690 = arith.constant 1 : i32
        %while3A_691 = scf.for %while3A_795 = %while3A_683 to %while3A_689 step %while3A_690 iter_args(%while3A_796 = %broadcast_in_dim3A_3) -> (vector<16xi32>)  : i32 {
          %mul3A_797 = arith.constant 16 : i32
          %mul3A_798 = arith.muli %while3A_795, %mul3A_797 : i32
          %get3A_799 = arith.index_cast %mul3A_798 : i32 to index
          %get3A_800 = tpu.vector_load %arg11[%get3A_799] {strides = array<i32>} : memref<4096xi32, #tpu.memory_space<vmem>>, vector<16xi32>,
          %mul3A_801 = arith.constant 16 : i32
          %mul3A_802 = arith.muli %while3A_795, %mul3A_801 : i32
          %add3A_803 = vector.broadcast %mul3A_802 : i32 to vector<16xi32>
          %add3A_804 = arith.addi %iota3A, %add3A_803 : vector<16xi32>
          %lt3A_805 = vector.broadcast %reduce_max3A_179 : i32 to vector<16xi32>
          %lt3A_806 = arith.cmpi slt, %add3A_804, %lt3A_805 : vector<16xi32>
          %shift_right_arithmetic3A_807 = arith.constant 12 : i32
          %shift_right_arithmetic3A_808 = vector.broadcast %shift_right_arithmetic3A_807 : i32 to vector<16xi32>
          %shift_right_arithmetic3A_809 = arith.shrsi %get3A_800, %shift_right_arithmetic3A_808 : vector<16xi32>
          %eq3A_810 = vector.broadcast %add3A_223 : i32 to vector<16xi32>
          %eq3A_811 = arith.cmpi eq, %shift_right_arithmetic3A_809, %eq3A_810 : vector<16xi32>
          %and3A_812 = arith.andi %lt3A_806, %eq3A_811 : vector<16xi1>
          %and3A_813 = arith.constant 4095 : i32
          %and3A_814 = vector.broadcast %and3A_813 : i32 to vector<16xi32>
          %and3A_815 = arith.andi %get3A_800, %and3A_814 : vector<16xi32>
          %ge3A_816 = vector.broadcast %or3A_682 : i32 to vector<16xi32>
          %ge3A_817 = arith.cmpi sge, %and3A_815, %ge3A_816 : vector<16xi32>
          %and3A_818 = arith.andi %and3A_812, %ge3A_817 : vector<16xi1>
          %jit3A_819 = arith.constant 1 : i32
          %jit3A_820 = arith.constant 0 : i32
          %broadcast_in_dim3A_821 = vector.broadcast %jit3A_819 : i32 to vector<16xi32>
          %broadcast_in_dim3A_822 = vector.broadcast %jit3A_820 : i32 to vector<16xi32>
          %select_n3A_823 = arith.select %and3A_818, %broadcast_in_dim3A_821, %broadcast_in_dim3A_822 : vector<16xi1>, vector<16xi32>
          %add3A_824 = arith.addi %while3A_796, %select_n3A_823 : vector<16xi32>
          scf.yield %add3A_824 : vector<16xi32>
        }
        %while3A_692 = arith.constant 1 : i32
        %while3A_693 = scf.for %while3A_795 = %while3A_689 to %while3A_685 step %while3A_692 iter_args(%while3A_796 = %while3A_691) -> (vector<16xi32>)  : i32 {
          %mul3A_797 = arith.constant 16 : i32
          %mul3A_798 = arith.muli %while3A_795, %mul3A_797 : i32
          %get3A_799 = arith.index_cast %mul3A_798 : i32 to index
          %get3A_800 = tpu.vector_load %arg11[%get3A_799] {strides = array<i32>} : memref<4096xi32, #tpu.memory_space<vmem>>, vector<16xi32>,
          %mul3A_801 = arith.constant 16 : i32
          %mul3A_802 = arith.muli %while3A_795, %mul3A_801 : i32
          %add3A_803 = vector.broadcast %mul3A_802 : i32 to vector<16xi32>
          %add3A_804 = arith.addi %iota3A, %add3A_803 : vector<16xi32>
          %lt3A_805 = vector.broadcast %reduce_max3A_179 : i32 to vector<16xi32>
          %lt3A_806 = arith.cmpi slt, %add3A_804, %lt3A_805 : vector<16xi32>
          %shift_right_arithmetic3A_807 = arith.constant 12 : i32
          %shift_right_arithmetic3A_808 = vector.broadcast %shift_right_arithmetic3A_807 : i32 to vector<16xi32>
          %shift_right_arithmetic3A_809 = arith.shrsi %get3A_800, %shift_right_arithmetic3A_808 : vector<16xi32>
          %eq3A_810 = vector.broadcast %add3A_223 : i32 to vector<16xi32>
          %eq3A_811 = arith.cmpi eq, %shift_right_arithmetic3A_809, %eq3A_810 : vector<16xi32>
          %and3A_812 = arith.andi %lt3A_806, %eq3A_811 : vector<16xi1>
          %and3A_813 = arith.constant 4095 : i32
          %and3A_814 = vector.broadcast %and3A_813 : i32 to vector<16xi32>
          %and3A_815 = arith.andi %get3A_800, %and3A_814 : vector<16xi32>
          %ge3A_816 = vector.broadcast %or3A_682 : i32 to vector<16xi32>
          %ge3A_817 = arith.cmpi sge, %and3A_815, %ge3A_816 : vector<16xi32>
          %and3A_818 = arith.andi %and3A_812, %ge3A_817 : vector<16xi1>
          %jit3A_819 = arith.constant 1 : i32
          %jit3A_820 = arith.constant 0 : i32
          %broadcast_in_dim3A_821 = vector.broadcast %jit3A_819 : i32 to vector<16xi32>
          %broadcast_in_dim3A_822 = vector.broadcast %jit3A_820 : i32 to vector<16xi32>
          %select_n3A_823 = arith.select %and3A_818, %broadcast_in_dim3A_821, %broadcast_in_dim3A_822 : vector<16xi1>, vector<16xi32>
          %add3A_824 = arith.addi %while3A_796, %select_n3A_823 : vector<16xi32>
          scf.yield %add3A_824 : vector<16xi32>
        }
        %reduce_sum3A_694 = arith.constant true
        %reduce_sum3A_695 = vector.broadcast %reduce_sum3A_694 : i1 to vector<16xi1>
        %reduce_sum3A_696 = tpu.scan <sum>, %while3A_693 masked %reduce_sum3A_695 : vector<16xi32>, vector<16xi1> -> vector<16xi32>
        %reduce_sum3A_697 = vector.extract %reduce_sum3A_696[15] : i32 from vector<16xi32>
        %ge3A_698 = arith.cmpi sge, %reduce_sum3A_697, %sub3A_245 : i32
        %select_n3A_699 = arith.select %ge3A_698, %or3A_682, %select_n3A_680 : i32
        %or3A_700 = arith.constant 16 : i32
        %or3A_701 = arith.ori %select_n3A_699, %or3A_700 : i32
        %while3A_702 = arith.constant 0 : i32
        %while3A_703 = arith.subi %div3A_182, %while3A_702 : i32
        %while3A_704 = arith.addi %while3A_702, %while3A_703 : i32
        %while3A_705 = arith.constant 1 : i32
        %while3A_706 = arith.divsi %while3A_703, %while3A_705 : i32
        %while3A_707 = arith.muli %while3A_706, %while3A_705 : i32
        %while3A_708 = arith.addi %while3A_702, %while3A_707 : i32
        %while3A_709 = arith.constant 1 : i32
        %while3A_710 = scf.for %while3A_795 = %while3A_702 to %while3A_708 step %while3A_709 iter_args(%while3A_796 = %broadcast_in_dim3A_3) -> (vector<16xi32>)  : i32 {
          %mul3A_797 = arith.constant 16 : i32
          %mul3A_798 = arith.muli %while3A_795, %mul3A_797 : i32
          %get3A_799 = arith.index_cast %mul3A_798 : i32 to index
          %get3A_800 = tpu.vector_load %arg11[%get3A_799] {strides = array<i32>} : memref<4096xi32, #tpu.memory_space<vmem>>, vector<16xi32>,
          %mul3A_801 = arith.constant 16 : i32
          %mul3A_802 = arith.muli %while3A_795, %mul3A_801 : i32
          %add3A_803 = vector.broadcast %mul3A_802 : i32 to vector<16xi32>
          %add3A_804 = arith.addi %iota3A, %add3A_803 : vector<16xi32>
          %lt3A_805 = vector.broadcast %reduce_max3A_179 : i32 to vector<16xi32>
          %lt3A_806 = arith.cmpi slt, %add3A_804, %lt3A_805 : vector<16xi32>
          %shift_right_arithmetic3A_807 = arith.constant 12 : i32
          %shift_right_arithmetic3A_808 = vector.broadcast %shift_right_arithmetic3A_807 : i32 to vector<16xi32>
          %shift_right_arithmetic3A_809 = arith.shrsi %get3A_800, %shift_right_arithmetic3A_808 : vector<16xi32>
          %eq3A_810 = vector.broadcast %add3A_223 : i32 to vector<16xi32>
          %eq3A_811 = arith.cmpi eq, %shift_right_arithmetic3A_809, %eq3A_810 : vector<16xi32>
          %and3A_812 = arith.andi %lt3A_806, %eq3A_811 : vector<16xi1>
          %and3A_813 = arith.constant 4095 : i32
          %and3A_814 = vector.broadcast %and3A_813 : i32 to vector<16xi32>
          %and3A_815 = arith.andi %get3A_800, %and3A_814 : vector<16xi32>
          %ge3A_816 = vector.broadcast %or3A_701 : i32 to vector<16xi32>
          %ge3A_817 = arith.cmpi sge, %and3A_815, %ge3A_816 : vector<16xi32>
          %and3A_818 = arith.andi %and3A_812, %ge3A_817 : vector<16xi1>
          %jit3A_819 = arith.constant 1 : i32
          %jit3A_820 = arith.constant 0 : i32
          %broadcast_in_dim3A_821 = vector.broadcast %jit3A_819 : i32 to vector<16xi32>
          %broadcast_in_dim3A_822 = vector.broadcast %jit3A_820 : i32 to vector<16xi32>
          %select_n3A_823 = arith.select %and3A_818, %broadcast_in_dim3A_821, %broadcast_in_dim3A_822 : vector<16xi1>, vector<16xi32>
          %add3A_824 = arith.addi %while3A_796, %select_n3A_823 : vector<16xi32>
          scf.yield %add3A_824 : vector<16xi32>
        }
        %while3A_711 = arith.constant 1 : i32
        %while3A_712 = scf.for %while3A_795 = %while3A_708 to %while3A_704 step %while3A_711 iter_args(%while3A_796 = %while3A_710) -> (vector<16xi32>)  : i32 {
          %mul3A_797 = arith.constant 16 : i32
          %mul3A_798 = arith.muli %while3A_795, %mul3A_797 : i32
          %get3A_799 = arith.index_cast %mul3A_798 : i32 to index
          %get3A_800 = tpu.vector_load %arg11[%get3A_799] {strides = array<i32>} : memref<4096xi32, #tpu.memory_space<vmem>>, vector<16xi32>,
          %mul3A_801 = arith.constant 16 : i32
          %mul3A_802 = arith.muli %while3A_795, %mul3A_801 : i32
          %add3A_803 = vector.broadcast %mul3A_802 : i32 to vector<16xi32>
          %add3A_804 = arith.addi %iota3A, %add3A_803 : vector<16xi32>
          %lt3A_805 = vector.broadcast %reduce_max3A_179 : i32 to vector<16xi32>
          %lt3A_806 = arith.cmpi slt, %add3A_804, %lt3A_805 : vector<16xi32>
          %shift_right_arithmetic3A_807 = arith.constant 12 : i32
          %shift_right_arithmetic3A_808 = vector.broadcast %shift_right_arithmetic3A_807 : i32 to vector<16xi32>
          %shift_right_arithmetic3A_809 = arith.shrsi %get3A_800, %shift_right_arithmetic3A_808 : vector<16xi32>
          %eq3A_810 = vector.broadcast %add3A_223 : i32 to vector<16xi32>
          %eq3A_811 = arith.cmpi eq, %shift_right_arithmetic3A_809, %eq3A_810 : vector<16xi32>
          %and3A_812 = arith.andi %lt3A_806, %eq3A_811 : vector<16xi1>
          %and3A_813 = arith.constant 4095 : i32
          %and3A_814 = vector.broadcast %and3A_813 : i32 to vector<16xi32>
          %and3A_815 = arith.andi %get3A_800, %and3A_814 : vector<16xi32>
          %ge3A_816 = vector.broadcast %or3A_701 : i32 to vector<16xi32>
          %ge3A_817 = arith.cmpi sge, %and3A_815, %ge3A_816 : vector<16xi32>
          %and3A_818 = arith.andi %and3A_812, %ge3A_817 : vector<16xi1>
          %jit3A_819 = arith.constant 1 : i32
          %jit3A_820 = arith.constant 0 : i32
          %broadcast_in_dim3A_821 = vector.broadcast %jit3A_819 : i32 to vector<16xi32>
          %broadcast_in_dim3A_822 = vector.broadcast %jit3A_820 : i32 to vector<16xi32>
          %select_n3A_823 = arith.select %and3A_818, %broadcast_in_dim3A_821, %broadcast_in_dim3A_822 : vector<16xi1>, vector<16xi32>
          %add3A_824 = arith.addi %while3A_796, %select_n3A_823 : vector<16xi32>
          scf.yield %add3A_824 : vector<16xi32>
        }
        %reduce_sum3A_713 = arith.constant true
        %reduce_sum3A_714 = vector.broadcast %reduce_sum3A_713 : i1 to vector<16xi1>
        %reduce_sum3A_715 = tpu.scan <sum>, %while3A_712 masked %reduce_sum3A_714 : vector<16xi32>, vector<16xi1> -> vector<16xi32>
        %reduce_sum3A_716 = vector.extract %reduce_sum3A_715[15] : i32 from vector<16xi32>
        %ge3A_717 = arith.cmpi sge, %reduce_sum3A_716, %sub3A_245 : i32
        %select_n3A_718 = arith.select %ge3A_717, %or3A_701, %select_n3A_699 : i32
        %or3A_719 = arith.constant 8 : i32
        %or3A_720 = arith.ori %select_n3A_718, %or3A_719 : i32
        %while3A_721 = arith.constant 0 : i32
        %while3A_722 = arith.subi %div3A_182, %while3A_721 : i32
        %while3A_723 = arith.addi %while3A_721, %while3A_722 : i32
        %while3A_724 = arith.constant 1 : i32
        %while3A_725 = arith.divsi %while3A_722, %while3A_724 : i32
        %while3A_726 = arith.muli %while3A_725, %while3A_724 : i32
        %while3A_727 = arith.addi %while3A_721, %while3A_726 : i32
        %while3A_728 = arith.constant 1 : i32
        %while3A_729 = scf.for %while3A_795 = %while3A_721 to %while3A_727 step %while3A_728 iter_args(%while3A_796 = %broadcast_in_dim3A_3) -> (vector<16xi32>)  : i32 {
          %mul3A_797 = arith.constant 16 : i32
          %mul3A_798 = arith.muli %while3A_795, %mul3A_797 : i32
          %get3A_799 = arith.index_cast %mul3A_798 : i32 to index
          %get3A_800 = tpu.vector_load %arg11[%get3A_799] {strides = array<i32>} : memref<4096xi32, #tpu.memory_space<vmem>>, vector<16xi32>,
          %mul3A_801 = arith.constant 16 : i32
          %mul3A_802 = arith.muli %while3A_795, %mul3A_801 : i32
          %add3A_803 = vector.broadcast %mul3A_802 : i32 to vector<16xi32>
          %add3A_804 = arith.addi %iota3A, %add3A_803 : vector<16xi32>
          %lt3A_805 = vector.broadcast %reduce_max3A_179 : i32 to vector<16xi32>
          %lt3A_806 = arith.cmpi slt, %add3A_804, %lt3A_805 : vector<16xi32>
          %shift_right_arithmetic3A_807 = arith.constant 12 : i32
          %shift_right_arithmetic3A_808 = vector.broadcast %shift_right_arithmetic3A_807 : i32 to vector<16xi32>
          %shift_right_arithmetic3A_809 = arith.shrsi %get3A_800, %shift_right_arithmetic3A_808 : vector<16xi32>
          %eq3A_810 = vector.broadcast %add3A_223 : i32 to vector<16xi32>
          %eq3A_811 = arith.cmpi eq, %shift_right_arithmetic3A_809, %eq3A_810 : vector<16xi32>
          %and3A_812 = arith.andi %lt3A_806, %eq3A_811 : vector<16xi1>
          %and3A_813 = arith.constant 4095 : i32
          %and3A_814 = vector.broadcast %and3A_813 : i32 to vector<16xi32>
          %and3A_815 = arith.andi %get3A_800, %and3A_814 : vector<16xi32>
          %ge3A_816 = vector.broadcast %or3A_720 : i32 to vector<16xi32>
          %ge3A_817 = arith.cmpi sge, %and3A_815, %ge3A_816 : vector<16xi32>
          %and3A_818 = arith.andi %and3A_812, %ge3A_817 : vector<16xi1>
          %jit3A_819 = arith.constant 1 : i32
          %jit3A_820 = arith.constant 0 : i32
          %broadcast_in_dim3A_821 = vector.broadcast %jit3A_819 : i32 to vector<16xi32>
          %broadcast_in_dim3A_822 = vector.broadcast %jit3A_820 : i32 to vector<16xi32>
          %select_n3A_823 = arith.select %and3A_818, %broadcast_in_dim3A_821, %broadcast_in_dim3A_822 : vector<16xi1>, vector<16xi32>
          %add3A_824 = arith.addi %while3A_796, %select_n3A_823 : vector<16xi32>
          scf.yield %add3A_824 : vector<16xi32>
        }
        %while3A_730 = arith.constant 1 : i32
        %while3A_731 = scf.for %while3A_795 = %while3A_727 to %while3A_723 step %while3A_730 iter_args(%while3A_796 = %while3A_729) -> (vector<16xi32>)  : i32 {
          %mul3A_797 = arith.constant 16 : i32
          %mul3A_798 = arith.muli %while3A_795, %mul3A_797 : i32
          %get3A_799 = arith.index_cast %mul3A_798 : i32 to index
          %get3A_800 = tpu.vector_load %arg11[%get3A_799] {strides = array<i32>} : memref<4096xi32, #tpu.memory_space<vmem>>, vector<16xi32>,
          %mul3A_801 = arith.constant 16 : i32
          %mul3A_802 = arith.muli %while3A_795, %mul3A_801 : i32
          %add3A_803 = vector.broadcast %mul3A_802 : i32 to vector<16xi32>
          %add3A_804 = arith.addi %iota3A, %add3A_803 : vector<16xi32>
          %lt3A_805 = vector.broadcast %reduce_max3A_179 : i32 to vector<16xi32>
          %lt3A_806 = arith.cmpi slt, %add3A_804, %lt3A_805 : vector<16xi32>
          %shift_right_arithmetic3A_807 = arith.constant 12 : i32
          %shift_right_arithmetic3A_808 = vector.broadcast %shift_right_arithmetic3A_807 : i32 to vector<16xi32>
          %shift_right_arithmetic3A_809 = arith.shrsi %get3A_800, %shift_right_arithmetic3A_808 : vector<16xi32>
          %eq3A_810 = vector.broadcast %add3A_223 : i32 to vector<16xi32>
          %eq3A_811 = arith.cmpi eq, %shift_right_arithmetic3A_809, %eq3A_810 : vector<16xi32>
          %and3A_812 = arith.andi %lt3A_806, %eq3A_811 : vector<16xi1>
          %and3A_813 = arith.constant 4095 : i32
          %and3A_814 = vector.broadcast %and3A_813 : i32 to vector<16xi32>
          %and3A_815 = arith.andi %get3A_800, %and3A_814 : vector<16xi32>
          %ge3A_816 = vector.broadcast %or3A_720 : i32 to vector<16xi32>
          %ge3A_817 = arith.cmpi sge, %and3A_815, %ge3A_816 : vector<16xi32>
          %and3A_818 = arith.andi %and3A_812, %ge3A_817 : vector<16xi1>
          %jit3A_819 = arith.constant 1 : i32
          %jit3A_820 = arith.constant 0 : i32
          %broadcast_in_dim3A_821 = vector.broadcast %jit3A_819 : i32 to vector<16xi32>
          %broadcast_in_dim3A_822 = vector.broadcast %jit3A_820 : i32 to vector<16xi32>
          %select_n3A_823 = arith.select %and3A_818, %broadcast_in_dim3A_821, %broadcast_in_dim3A_822 : vector<16xi1>, vector<16xi32>
          %add3A_824 = arith.addi %while3A_796, %select_n3A_823 : vector<16xi32>
          scf.yield %add3A_824 : vector<16xi32>
        }
        %reduce_sum3A_732 = arith.constant true
        %reduce_sum3A_733 = vector.broadcast %reduce_sum3A_732 : i1 to vector<16xi1>
        %reduce_sum3A_734 = tpu.scan <sum>, %while3A_731 masked %reduce_sum3A_733 : vector<16xi32>, vector<16xi1> -> vector<16xi32>
        %reduce_sum3A_735 = vector.extract %reduce_sum3A_734[15] : i32 from vector<16xi32>
        %ge3A_736 = arith.cmpi sge, %reduce_sum3A_735, %sub3A_245 : i32
        %select_n3A_737 = arith.select %ge3A_736, %or3A_720, %select_n3A_718 : i32
        %or3A_738 = arith.constant 4 : i32
        %or3A_739 = arith.ori %select_n3A_737, %or3A_738 : i32
        %while3A_740 = arith.constant 0 : i32
        %while3A_741 = arith.subi %div3A_182, %while3A_740 : i32
        %while3A_742 = arith.addi %while3A_740, %while3A_741 : i32
        %while3A_743 = arith.constant 1 : i32
        %while3A_744 = arith.divsi %while3A_741, %while3A_743 : i32
        %while3A_745 = arith.muli %while3A_744, %while3A_743 : i32
        %while3A_746 = arith.addi %while3A_740, %while3A_745 : i32
        %while3A_747 = arith.constant 1 : i32
        %while3A_748 = scf.for %while3A_795 = %while3A_740 to %while3A_746 step %while3A_747 iter_args(%while3A_796 = %broadcast_in_dim3A_3) -> (vector<16xi32>)  : i32 {
          %mul3A_797 = arith.constant 16 : i32
          %mul3A_798 = arith.muli %while3A_795, %mul3A_797 : i32
          %get3A_799 = arith.index_cast %mul3A_798 : i32 to index
          %get3A_800 = tpu.vector_load %arg11[%get3A_799] {strides = array<i32>} : memref<4096xi32, #tpu.memory_space<vmem>>, vector<16xi32>,
          %mul3A_801 = arith.constant 16 : i32
          %mul3A_802 = arith.muli %while3A_795, %mul3A_801 : i32
          %add3A_803 = vector.broadcast %mul3A_802 : i32 to vector<16xi32>
          %add3A_804 = arith.addi %iota3A, %add3A_803 : vector<16xi32>
          %lt3A_805 = vector.broadcast %reduce_max3A_179 : i32 to vector<16xi32>
          %lt3A_806 = arith.cmpi slt, %add3A_804, %lt3A_805 : vector<16xi32>
          %shift_right_arithmetic3A_807 = arith.constant 12 : i32
          %shift_right_arithmetic3A_808 = vector.broadcast %shift_right_arithmetic3A_807 : i32 to vector<16xi32>
          %shift_right_arithmetic3A_809 = arith.shrsi %get3A_800, %shift_right_arithmetic3A_808 : vector<16xi32>
          %eq3A_810 = vector.broadcast %add3A_223 : i32 to vector<16xi32>
          %eq3A_811 = arith.cmpi eq, %shift_right_arithmetic3A_809, %eq3A_810 : vector<16xi32>
          %and3A_812 = arith.andi %lt3A_806, %eq3A_811 : vector<16xi1>
          %and3A_813 = arith.constant 4095 : i32
          %and3A_814 = vector.broadcast %and3A_813 : i32 to vector<16xi32>
          %and3A_815 = arith.andi %get3A_800, %and3A_814 : vector<16xi32>
          %ge3A_816 = vector.broadcast %or3A_739 : i32 to vector<16xi32>
          %ge3A_817 = arith.cmpi sge, %and3A_815, %ge3A_816 : vector<16xi32>
          %and3A_818 = arith.andi %and3A_812, %ge3A_817 : vector<16xi1>
          %jit3A_819 = arith.constant 1 : i32
          %jit3A_820 = arith.constant 0 : i32
          %broadcast_in_dim3A_821 = vector.broadcast %jit3A_819 : i32 to vector<16xi32>
          %broadcast_in_dim3A_822 = vector.broadcast %jit3A_820 : i32 to vector<16xi32>
          %select_n3A_823 = arith.select %and3A_818, %broadcast_in_dim3A_821, %broadcast_in_dim3A_822 : vector<16xi1>, vector<16xi32>
          %add3A_824 = arith.addi %while3A_796, %select_n3A_823 : vector<16xi32>
          scf.yield %add3A_824 : vector<16xi32>
        }
        %while3A_749 = arith.constant 1 : i32
        %while3A_750 = scf.for %while3A_795 = %while3A_746 to %while3A_742 step %while3A_749 iter_args(%while3A_796 = %while3A_748) -> (vector<16xi32>)  : i32 {
          %mul3A_797 = arith.constant 16 : i32
          %mul3A_798 = arith.muli %while3A_795, %mul3A_797 : i32
          %get3A_799 = arith.index_cast %mul3A_798 : i32 to index
          %get3A_800 = tpu.vector_load %arg11[%get3A_799] {strides = array<i32>} : memref<4096xi32, #tpu.memory_space<vmem>>, vector<16xi32>,
          %mul3A_801 = arith.constant 16 : i32
          %mul3A_802 = arith.muli %while3A_795, %mul3A_801 : i32
          %add3A_803 = vector.broadcast %mul3A_802 : i32 to vector<16xi32>
          %add3A_804 = arith.addi %iota3A, %add3A_803 : vector<16xi32>
          %lt3A_805 = vector.broadcast %reduce_max3A_179 : i32 to vector<16xi32>
          %lt3A_806 = arith.cmpi slt, %add3A_804, %lt3A_805 : vector<16xi32>
          %shift_right_arithmetic3A_807 = arith.constant 12 : i32
          %shift_right_arithmetic3A_808 = vector.broadcast %shift_right_arithmetic3A_807 : i32 to vector<16xi32>
          %shift_right_arithmetic3A_809 = arith.shrsi %get3A_800, %shift_right_arithmetic3A_808 : vector<16xi32>
          %eq3A_810 = vector.broadcast %add3A_223 : i32 to vector<16xi32>
          %eq3A_811 = arith.cmpi eq, %shift_right_arithmetic3A_809, %eq3A_810 : vector<16xi32>
          %and3A_812 = arith.andi %lt3A_806, %eq3A_811 : vector<16xi1>
          %and3A_813 = arith.constant 4095 : i32
          %and3A_814 = vector.broadcast %and3A_813 : i32 to vector<16xi32>
          %and3A_815 = arith.andi %get3A_800, %and3A_814 : vector<16xi32>
          %ge3A_816 = vector.broadcast %or3A_739 : i32 to vector<16xi32>
          %ge3A_817 = arith.cmpi sge, %and3A_815, %ge3A_816 : vector<16xi32>
          %and3A_818 = arith.andi %and3A_812, %ge3A_817 : vector<16xi1>
          %jit3A_819 = arith.constant 1 : i32
          %jit3A_820 = arith.constant 0 : i32
          %broadcast_in_dim3A_821 = vector.broadcast %jit3A_819 : i32 to vector<16xi32>
          %broadcast_in_dim3A_822 = vector.broadcast %jit3A_820 : i32 to vector<16xi32>
          %select_n3A_823 = arith.select %and3A_818, %broadcast_in_dim3A_821, %broadcast_in_dim3A_822 : vector<16xi1>, vector<16xi32>
          %add3A_824 = arith.addi %while3A_796, %select_n3A_823 : vector<16xi32>
          scf.yield %add3A_824 : vector<16xi32>
        }
        %reduce_sum3A_751 = arith.constant true
        %reduce_sum3A_752 = vector.broadcast %reduce_sum3A_751 : i1 to vector<16xi1>
        %reduce_sum3A_753 = tpu.scan <sum>, %while3A_750 masked %reduce_sum3A_752 : vector<16xi32>, vector<16xi1> -> vector<16xi32>
        %reduce_sum3A_754 = vector.extract %reduce_sum3A_753[15] : i32 from vector<16xi32>
        %ge3A_755 = arith.cmpi sge, %reduce_sum3A_754, %sub3A_245 : i32
        %select_n3A_756 = arith.select %ge3A_755, %or3A_739, %select_n3A_737 : i32
        %or3A_757 = arith.constant 2 : i32
        %or3A_758 = arith.ori %select_n3A_756, %or3A_757 : i32
        %while3A_759 = arith.constant 0 : i32
        %while3A_760 = arith.subi %div3A_182, %while3A_759 : i32
        %while3A_761 = arith.addi %while3A_759, %while3A_760 : i32
        %while3A_762 = arith.constant 1 : i32
        %while3A_763 = arith.divsi %while3A_760, %while3A_762 : i32
        %while3A_764 = arith.muli %while3A_763, %while3A_762 : i32
        %while3A_765 = arith.addi %while3A_759, %while3A_764 : i32
        %while3A_766 = arith.constant 1 : i32
        %while3A_767 = scf.for %while3A_795 = %while3A_759 to %while3A_765 step %while3A_766 iter_args(%while3A_796 = %broadcast_in_dim3A_3) -> (vector<16xi32>)  : i32 {
          %mul3A_797 = arith.constant 16 : i32
          %mul3A_798 = arith.muli %while3A_795, %mul3A_797 : i32
          %get3A_799 = arith.index_cast %mul3A_798 : i32 to index
          %get3A_800 = tpu.vector_load %arg11[%get3A_799] {strides = array<i32>} : memref<4096xi32, #tpu.memory_space<vmem>>, vector<16xi32>,
          %mul3A_801 = arith.constant 16 : i32
          %mul3A_802 = arith.muli %while3A_795, %mul3A_801 : i32
          %add3A_803 = vector.broadcast %mul3A_802 : i32 to vector<16xi32>
          %add3A_804 = arith.addi %iota3A, %add3A_803 : vector<16xi32>
          %lt3A_805 = vector.broadcast %reduce_max3A_179 : i32 to vector<16xi32>
          %lt3A_806 = arith.cmpi slt, %add3A_804, %lt3A_805 : vector<16xi32>
          %shift_right_arithmetic3A_807 = arith.constant 12 : i32
          %shift_right_arithmetic3A_808 = vector.broadcast %shift_right_arithmetic3A_807 : i32 to vector<16xi32>
          %shift_right_arithmetic3A_809 = arith.shrsi %get3A_800, %shift_right_arithmetic3A_808 : vector<16xi32>
          %eq3A_810 = vector.broadcast %add3A_223 : i32 to vector<16xi32>
          %eq3A_811 = arith.cmpi eq, %shift_right_arithmetic3A_809, %eq3A_810 : vector<16xi32>
          %and3A_812 = arith.andi %lt3A_806, %eq3A_811 : vector<16xi1>
          %and3A_813 = arith.constant 4095 : i32
          %and3A_814 = vector.broadcast %and3A_813 : i32 to vector<16xi32>
          %and3A_815 = arith.andi %get3A_800, %and3A_814 : vector<16xi32>
          %ge3A_816 = vector.broadcast %or3A_758 : i32 to vector<16xi32>
          %ge3A_817 = arith.cmpi sge, %and3A_815, %ge3A_816 : vector<16xi32>
          %and3A_818 = arith.andi %and3A_812, %ge3A_817 : vector<16xi1>
          %jit3A_819 = arith.constant 1 : i32
          %jit3A_820 = arith.constant 0 : i32
          %broadcast_in_dim3A_821 = vector.broadcast %jit3A_819 : i32 to vector<16xi32>
          %broadcast_in_dim3A_822 = vector.broadcast %jit3A_820 : i32 to vector<16xi32>
          %select_n3A_823 = arith.select %and3A_818, %broadcast_in_dim3A_821, %broadcast_in_dim3A_822 : vector<16xi1>, vector<16xi32>
          %add3A_824 = arith.addi %while3A_796, %select_n3A_823 : vector<16xi32>
          scf.yield %add3A_824 : vector<16xi32>
        }
        %while3A_768 = arith.constant 1 : i32
        %while3A_769 = scf.for %while3A_795 = %while3A_765 to %while3A_761 step %while3A_768 iter_args(%while3A_796 = %while3A_767) -> (vector<16xi32>)  : i32 {
          %mul3A_797 = arith.constant 16 : i32
          %mul3A_798 = arith.muli %while3A_795, %mul3A_797 : i32
          %get3A_799 = arith.index_cast %mul3A_798 : i32 to index
          %get3A_800 = tpu.vector_load %arg11[%get3A_799] {strides = array<i32>} : memref<4096xi32, #tpu.memory_space<vmem>>, vector<16xi32>,
          %mul3A_801 = arith.constant 16 : i32
          %mul3A_802 = arith.muli %while3A_795, %mul3A_801 : i32
          %add3A_803 = vector.broadcast %mul3A_802 : i32 to vector<16xi32>
          %add3A_804 = arith.addi %iota3A, %add3A_803 : vector<16xi32>
          %lt3A_805 = vector.broadcast %reduce_max3A_179 : i32 to vector<16xi32>
          %lt3A_806 = arith.cmpi slt, %add3A_804, %lt3A_805 : vector<16xi32>
          %shift_right_arithmetic3A_807 = arith.constant 12 : i32
          %shift_right_arithmetic3A_808 = vector.broadcast %shift_right_arithmetic3A_807 : i32 to vector<16xi32>
          %shift_right_arithmetic3A_809 = arith.shrsi %get3A_800, %shift_right_arithmetic3A_808 : vector<16xi32>
          %eq3A_810 = vector.broadcast %add3A_223 : i32 to vector<16xi32>
          %eq3A_811 = arith.cmpi eq, %shift_right_arithmetic3A_809, %eq3A_810 : vector<16xi32>
          %and3A_812 = arith.andi %lt3A_806, %eq3A_811 : vector<16xi1>
          %and3A_813 = arith.constant 4095 : i32
          %and3A_814 = vector.broadcast %and3A_813 : i32 to vector<16xi32>
          %and3A_815 = arith.andi %get3A_800, %and3A_814 : vector<16xi32>
          %ge3A_816 = vector.broadcast %or3A_758 : i32 to vector<16xi32>
          %ge3A_817 = arith.cmpi sge, %and3A_815, %ge3A_816 : vector<16xi32>
          %and3A_818 = arith.andi %and3A_812, %ge3A_817 : vector<16xi1>
          %jit3A_819 = arith.constant 1 : i32
          %jit3A_820 = arith.constant 0 : i32
          %broadcast_in_dim3A_821 = vector.broadcast %jit3A_819 : i32 to vector<16xi32>
          %broadcast_in_dim3A_822 = vector.broadcast %jit3A_820 : i32 to vector<16xi32>
          %select_n3A_823 = arith.select %and3A_818, %broadcast_in_dim3A_821, %broadcast_in_dim3A_822 : vector<16xi1>, vector<16xi32>
          %add3A_824 = arith.addi %while3A_796, %select_n3A_823 : vector<16xi32>
          scf.yield %add3A_824 : vector<16xi32>
        }
        %reduce_sum3A_770 = arith.constant true
        %reduce_sum3A_771 = vector.broadcast %reduce_sum3A_770 : i1 to vector<16xi1>
        %reduce_sum3A_772 = tpu.scan <sum>, %while3A_769 masked %reduce_sum3A_771 : vector<16xi32>, vector<16xi1> -> vector<16xi32>
        %reduce_sum3A_773 = vector.extract %reduce_sum3A_772[15] : i32 from vector<16xi32>
        %ge3A_774 = arith.cmpi sge, %reduce_sum3A_773, %sub3A_245 : i32
        %select_n3A_775 = arith.select %ge3A_774, %or3A_758, %select_n3A_756 : i32
        %or3A_776 = arith.constant 1 : i32
        %or3A_777 = arith.ori %select_n3A_775, %or3A_776 : i32
        %while3A_778 = arith.constant 0 : i32
        %while3A_779 = arith.subi %div3A_182, %while3A_778 : i32
        %while3A_780 = arith.addi %while3A_778, %while3A_779 : i32
        %while3A_781 = arith.constant 1 : i32
        %while3A_782 = arith.divsi %while3A_779, %while3A_781 : i32
        %while3A_783 = arith.muli %while3A_782, %while3A_781 : i32
        %while3A_784 = arith.addi %while3A_778, %while3A_783 : i32
        %while3A_785 = arith.constant 1 : i32
        %while3A_786 = scf.for %while3A_795 = %while3A_778 to %while3A_784 step %while3A_785 iter_args(%while3A_796 = %broadcast_in_dim3A_3) -> (vector<16xi32>)  : i32 {
          %mul3A_797 = arith.constant 16 : i32
          %mul3A_798 = arith.muli %while3A_795, %mul3A_797 : i32
          %get3A_799 = arith.index_cast %mul3A_798 : i32 to index
          %get3A_800 = tpu.vector_load %arg11[%get3A_799] {strides = array<i32>} : memref<4096xi32, #tpu.memory_space<vmem>>, vector<16xi32>,
          %mul3A_801 = arith.constant 16 : i32
          %mul3A_802 = arith.muli %while3A_795, %mul3A_801 : i32
          %add3A_803 = vector.broadcast %mul3A_802 : i32 to vector<16xi32>
          %add3A_804 = arith.addi %iota3A, %add3A_803 : vector<16xi32>
          %lt3A_805 = vector.broadcast %reduce_max3A_179 : i32 to vector<16xi32>
          %lt3A_806 = arith.cmpi slt, %add3A_804, %lt3A_805 : vector<16xi32>
          %shift_right_arithmetic3A_807 = arith.constant 12 : i32
          %shift_right_arithmetic3A_808 = vector.broadcast %shift_right_arithmetic3A_807 : i32 to vector<16xi32>
          %shift_right_arithmetic3A_809 = arith.shrsi %get3A_800, %shift_right_arithmetic3A_808 : vector<16xi32>
          %eq3A_810 = vector.broadcast %add3A_223 : i32 to vector<16xi32>
          %eq3A_811 = arith.cmpi eq, %shift_right_arithmetic3A_809, %eq3A_810 : vector<16xi32>
          %and3A_812 = arith.andi %lt3A_806, %eq3A_811 : vector<16xi1>
          %and3A_813 = arith.constant 4095 : i32
          %and3A_814 = vector.broadcast %and3A_813 : i32 to vector<16xi32>
          %and3A_815 = arith.andi %get3A_800, %and3A_814 : vector<16xi32>
          %ge3A_816 = vector.broadcast %or3A_777 : i32 to vector<16xi32>
          %ge3A_817 = arith.cmpi sge, %and3A_815, %ge3A_816 : vector<16xi32>
          %and3A_818 = arith.andi %and3A_812, %ge3A_817 : vector<16xi1>
          %jit3A_819 = arith.constant 1 : i32
          %jit3A_820 = arith.constant 0 : i32
          %broadcast_in_dim3A_821 = vector.broadcast %jit3A_819 : i32 to vector<16xi32>
          %broadcast_in_dim3A_822 = vector.broadcast %jit3A_820 : i32 to vector<16xi32>
          %select_n3A_823 = arith.select %and3A_818, %broadcast_in_dim3A_821, %broadcast_in_dim3A_822 : vector<16xi1>, vector<16xi32>
          %add3A_824 = arith.addi %while3A_796, %select_n3A_823 : vector<16xi32>
          scf.yield %add3A_824 : vector<16xi32>
        }
        %while3A_787 = arith.constant 1 : i32
        %while3A_788 = scf.for %while3A_795 = %while3A_784 to %while3A_780 step %while3A_787 iter_args(%while3A_796 = %while3A_786) -> (vector<16xi32>)  : i32 {
          %mul3A_797 = arith.constant 16 : i32
          %mul3A_798 = arith.muli %while3A_795, %mul3A_797 : i32
          %get3A_799 = arith.index_cast %mul3A_798 : i32 to index
          %get3A_800 = tpu.vector_load %arg11[%get3A_799] {strides = array<i32>} : memref<4096xi32, #tpu.memory_space<vmem>>, vector<16xi32>,
          %mul3A_801 = arith.constant 16 : i32
          %mul3A_802 = arith.muli %while3A_795, %mul3A_801 : i32
          %add3A_803 = vector.broadcast %mul3A_802 : i32 to vector<16xi32>
          %add3A_804 = arith.addi %iota3A, %add3A_803 : vector<16xi32>
          %lt3A_805 = vector.broadcast %reduce_max3A_179 : i32 to vector<16xi32>
          %lt3A_806 = arith.cmpi slt, %add3A_804, %lt3A_805 : vector<16xi32>
          %shift_right_arithmetic3A_807 = arith.constant 12 : i32
          %shift_right_arithmetic3A_808 = vector.broadcast %shift_right_arithmetic3A_807 : i32 to vector<16xi32>
          %shift_right_arithmetic3A_809 = arith.shrsi %get3A_800, %shift_right_arithmetic3A_808 : vector<16xi32>
          %eq3A_810 = vector.broadcast %add3A_223 : i32 to vector<16xi32>
          %eq3A_811 = arith.cmpi eq, %shift_right_arithmetic3A_809, %eq3A_810 : vector<16xi32>
          %and3A_812 = arith.andi %lt3A_806, %eq3A_811 : vector<16xi1>
          %and3A_813 = arith.constant 4095 : i32
          %and3A_814 = vector.broadcast %and3A_813 : i32 to vector<16xi32>
          %and3A_815 = arith.andi %get3A_800, %and3A_814 : vector<16xi32>
          %ge3A_816 = vector.broadcast %or3A_777 : i32 to vector<16xi32>
          %ge3A_817 = arith.cmpi sge, %and3A_815, %ge3A_816 : vector<16xi32>
          %and3A_818 = arith.andi %and3A_812, %ge3A_817 : vector<16xi1>
          %jit3A_819 = arith.constant 1 : i32
          %jit3A_820 = arith.constant 0 : i32
          %broadcast_in_dim3A_821 = vector.broadcast %jit3A_819 : i32 to vector<16xi32>
          %broadcast_in_dim3A_822 = vector.broadcast %jit3A_820 : i32 to vector<16xi32>
          %select_n3A_823 = arith.select %and3A_818, %broadcast_in_dim3A_821, %broadcast_in_dim3A_822 : vector<16xi1>, vector<16xi32>
          %add3A_824 = arith.addi %while3A_796, %select_n3A_823 : vector<16xi32>
          scf.yield %add3A_824 : vector<16xi32>
        }
        %reduce_sum3A_789 = arith.constant true
        %reduce_sum3A_790 = vector.broadcast %reduce_sum3A_789 : i1 to vector<16xi1>
        %reduce_sum3A_791 = tpu.scan <sum>, %while3A_788 masked %reduce_sum3A_790 : vector<16xi32>, vector<16xi1> -> vector<16xi32>
        %reduce_sum3A_792 = vector.extract %reduce_sum3A_791[15] : i32 from vector<16xi32>
        %ge3A_793 = arith.cmpi sge, %reduce_sum3A_792, %sub3A_245 : i32
        %select_n3A_794 = arith.select %ge3A_793, %or3A_777, %select_n3A_775 : i32
        scf.yield %select_n3A_794 : i32
      }
      %shift_left3A = arith.constant 20 : i32
      %shift_left3A_271 = arith.shli %add3A_167, %shift_left3A : i32
      %shift_left3A_272 = arith.constant 12 : i32
      %shift_left3A_273 = arith.shli %add3A_223, %shift_left3A_272 : i32
      %or3A = arith.ori %shift_left3A_271, %shift_left3A_273 : i32
      %or3A_274 = arith.ori %or3A, %cond3A_270 : i32
      %ge3A_275 = arith.constant -2147483648 : i32
      %ge3A_276 = arith.cmpi uge, %or3A_274, %ge3A_275 : i32
      %xor3A = arith.constant -2147483648 : i32
      %xor3A_277 = arith.xori %or3A_274, %xor3A : i32
      %not3A = arith.constant -1 : i32
      %not3A_278 = arith.xori %or3A_274, %not3A : i32
      %select_n3A_279 = arith.select %ge3A_276, %xor3A_277, %not3A_278 : i32
      %bitcast_convert_type3A = arith.bitcast %select_n3A_279 : i32 to f32
      %parallel_loop3A_280 = arith.constant 0 : i32
      %parallel_loop3A_281 = arith.constant 256 : i32
      %parallel_loop3A_282 = arith.constant 1 : i32
      scf.for %parallel_loop3A_561 = %parallel_loop3A_280 to %parallel_loop3A_281 step %parallel_loop3A_282  : i32 {
        %parallel_loop3A_562 = arith.constant 16 : i32
        %parallel_loop3A_563 = arith.muli %parallel_loop3A_561, %parallel_loop3A_562 : i32
        %parallel_loop3A_564 = arith.index_cast %parallel_loop3A_563 : i32 to index
        %parallel_loop3A_565 = tpu.vector_load %arg4[%parallel_loop3A_564] {strides = array<i32>} : memref<4096xf32, #tpu.memory_space<vmem>>, vector<16xf32>,
        %parallel_loop3A_566 = vector.broadcast %bitcast_convert_type3A : f32 to vector<16xf32>
        %parallel_loop3A_567 = arith.cmpf oge, %parallel_loop3A_565, %parallel_loop3A_566 : vector<16xf32>
        %parallel_loop3A_568 = arith.constant 0.000000e+00 : f32
        %parallel_loop3A_569 = vector.broadcast %parallel_loop3A_568 : f32 to vector<16xf32>
        %parallel_loop3A_570 = arith.select %parallel_loop3A_567, %parallel_loop3A_565, %parallel_loop3A_569 : vector<16xi1>, vector<16xf32>
        %parallel_loop3A_571 = arith.constant 16 : i32
        %parallel_loop3A_572 = arith.muli %parallel_loop3A_561, %parallel_loop3A_571 : i32
        %parallel_loop3A_573 = arith.index_cast %parallel_loop3A_572 : i32 to index
        %parallel_loop3A_574 = tpu.vector_load %arg6[%parallel_loop3A_573] {strides = array<i32>} : memref<4096xf32, #tpu.memory_space<vmem>>, vector<16xf32>,
        tpu.vector_store %arg6[%parallel_loop3A_573], %parallel_loop3A_570 {strides = array<i32>} : memref<4096xf32, #tpu.memory_space<vmem>>, vector<16xf32>,
        %parallel_loop3A_575 = arith.constant 16 : i32
        %parallel_loop3A_576 = arith.muli %parallel_loop3A_561, %parallel_loop3A_575 : i32
        %parallel_loop3A_577 = arith.index_cast %parallel_loop3A_576 : i32 to index
        %parallel_loop3A_578 = tpu.vector_load %arg8[%parallel_loop3A_577] {strides = array<i32>} : memref<4096xi32, #tpu.memory_space<vmem>>, vector<16xi32>,
        tpu.vector_store %arg8[%parallel_loop3A_577], %broadcast_in_dim3A_3 {strides = array<i32>} : memref<4096xi32, #tpu.memory_space<vmem>>, vector<16xi32>,
      } {sc.loop_unroll_factor = 8 : i64, sc.parallel_access}
      %dma_start3A_283 = arith.constant 0 : i32
      %dma_start3A_284 = tpu.memref_slice %arg3[%add3A_41, %dma_start3A_283] : memref<8192x4096xf32, #tpu.memory_space<hbm>> -> memref<1x4096xf32, #tpu.memory_space<hbm>>
      %dma_start3A_285 = tpu.memref_squeeze %dma_start3A_284 : memref<1x4096xf32, #tpu.memory_space<hbm>> -> memref<4096xf32, #tpu.memory_space<hbm>>
      %dma_start3A_286 = arith.constant 0 : i32
      %dma_start3A_287 = tpu.memref_slice %arg3[%add3A_41, %dma_start3A_286] : memref<8192x4096xf32, #tpu.memory_space<hbm>> -> memref<1x4096xf32, #tpu.memory_space<hbm>>
      %dma_start3A_288 = tpu.memref_squeeze %dma_start3A_287 : memref<1x4096xf32, #tpu.memory_space<hbm>> -> memref<4096xf32, #tpu.memory_space<hbm>>
      tpu.enqueue_dma source(%arg6 : memref<4096xf32, #tpu.memory_space<vmem>>) target(%dma_start3A_288 : memref<4096xf32, #tpu.memory_space<hbm>>) target_semaphore(%arg15 : memref<!tpu.dma_semaphore, #tpu.memory_space<semaphore_mem>>)
      %gt3A_289 = arith.constant 0 : i32
      %gt3A_290 = arith.cmpi sgt, %scan3A_38, %gt3A_289 : i32
      %convert_element_type3A_291 = arith.extui %gt3A_290 : i1 to i32
      %cond3A_292 = arith.constant 0 : i32
      %cond3A_293 = arith.cmpi ne, %convert_element_type3A_291, %cond3A_292 : i32
      scf.if %cond3A_293 {
        %sub3A_561 = arith.constant 1 : i32
        %sub3A_562 = arith.subi %add3A_41, %sub3A_561 : i32
        %dma_wait3A_563 = arith.constant 0 : i32
        %dma_wait3A_564 = tpu.memref_slice %arg3[%sub3A_562, %dma_wait3A_563] : memref<8192x4096xf32, #tpu.memory_space<hbm>> -> memref<1x4096xf32, #tpu.memory_space<hbm>>
        %dma_wait3A_565 = tpu.memref_squeeze %dma_wait3A_564 : memref<1x4096xf32, #tpu.memory_space<hbm>> -> memref<4096xf32, #tpu.memory_space<hbm>>
        %dma_wait3A_566 = arith.constant 0 : i32
        %dma_wait3A_567 = tpu.memref_slice %arg3[%sub3A_562, %dma_wait3A_566] : memref<8192x4096xf32, #tpu.memory_space<hbm>> -> memref<1x4096xf32, #tpu.memory_space<hbm>>
        %dma_wait3A_568 = tpu.memref_squeeze %dma_wait3A_567 : memref<1x4096xf32, #tpu.memory_space<hbm>> -> memref<4096xf32, #tpu.memory_space<hbm>>
        tpu.wait_dma2 semaphore(%arg16 : memref<!tpu.dma_semaphore, #tpu.memory_space<semaphore_mem>>) src(%arg7 : memref<4096xf32, #tpu.memory_space<vmem>>) dst(%dma_wait3A_568 : memref<4096xf32, #tpu.memory_space<hbm>>)
      } else {
      }
      %add3A_294 = arith.constant 1 : i32
      %add3A_295 = arith.addi %add3A_41, %add3A_294 : i32
      %add3A_296 = arith.constant 1 : i32
      %add3A_297 = arith.addi %scan3A_38, %add3A_296 : i32
      %lt3A_298 = arith.constant 128 : i32
      %lt3A_299 = arith.cmpi slt, %add3A_297, %lt3A_298 : i32
      %dma_wait3A_300 = arith.constant 0 : i32
      %dma_wait3A_301 = tpu.memref_slice %arg2[%add3A_295, %dma_wait3A_300] : memref<8192x4096xf32, #tpu.memory_space<hbm>> -> memref<1x4096xf32, #tpu.memory_space<hbm>>
      %dma_wait3A_302 = tpu.memref_squeeze %dma_wait3A_301 : memref<1x4096xf32, #tpu.memory_space<hbm>> -> memref<4096xf32, #tpu.memory_space<hbm>>
      %dma_wait3A_303 = arith.constant 0 : i32
      %dma_wait3A_304 = tpu.memref_slice %arg2[%add3A_295, %dma_wait3A_303] : memref<8192x4096xf32, #tpu.memory_space<hbm>> -> memref<1x4096xf32, #tpu.memory_space<hbm>>
      %dma_wait3A_305 = tpu.memref_squeeze %dma_wait3A_304 : memref<1x4096xf32, #tpu.memory_space<hbm>> -> memref<4096xf32, #tpu.memory_space<hbm>>
      tpu.wait_dma2 semaphore(%arg14 : memref<!tpu.dma_semaphore, #tpu.memory_space<semaphore_mem>>) src(%dma_wait3A_305 : memref<4096xf32, #tpu.memory_space<hbm>>) dst(%arg5 : memref<4096xf32, #tpu.memory_space<vmem>>)
      %convert_element_type3A_306 = arith.extui %lt3A_299 : i1 to i32
      %cond3A_307 = arith.constant 0 : i32
      %cond3A_308 = arith.cmpi ne, %convert_element_type3A_306, %cond3A_307 : i32
      scf.if %cond3A_308 {
        %add3A_561 = arith.constant 1 : i32
        %add3A_562 = arith.addi %add3A_295, %add3A_561 : i32
        %dma_start3A_563 = arith.constant 0 : i32
        %dma_start3A_564 = tpu.memref_slice %arg2[%add3A_562, %dma_start3A_563] : memref<8192x4096xf32, #tpu.memory_space<hbm>> -> memref<1x4096xf32, #tpu.memory_space<hbm>>
        %dma_start3A_565 = tpu.memref_squeeze %dma_start3A_564 : memref<1x4096xf32, #tpu.memory_space<hbm>> -> memref<4096xf32, #tpu.memory_space<hbm>>
        %dma_start3A_566 = arith.constant 0 : i32
        %dma_start3A_567 = tpu.memref_slice %arg2[%add3A_562, %dma_start3A_566] : memref<8192x4096xf32, #tpu.memory_space<hbm>> -> memref<1x4096xf32, #tpu.memory_space<hbm>>
        %dma_start3A_568 = tpu.memref_squeeze %dma_start3A_567 : memref<1x4096xf32, #tpu.memory_space<hbm>> -> memref<4096xf32, #tpu.memory_space<hbm>>
        tpu.enqueue_dma source(%dma_start3A_568 : memref<4096xf32, #tpu.memory_space<hbm>>) target(%arg4 : memref<4096xf32, #tpu.memory_space<vmem>>) target_semaphore(%arg13 : memref<!tpu.dma_semaphore, #tpu.memory_space<semaphore_mem>>)
      } else {
      }
      %parallel_loop3A_309 = arith.constant 0 : i32
      %parallel_loop3A_310 = arith.constant 64 : i32
      %parallel_loop3A_311 = arith.constant 1 : i32
      scf.for %parallel_loop3A_561 = %parallel_loop3A_309 to %parallel_loop3A_310 step %parallel_loop3A_311  : i32 {
        %parallel_loop3A_562 = arith.constant 16 : i32
        %parallel_loop3A_563 = arith.muli %parallel_loop3A_561, %parallel_loop3A_562 : i32
        %parallel_loop3A_564 = arith.index_cast %parallel_loop3A_563 : i32 to index
        %parallel_loop3A_565 = tpu.vector_load %arg9[%parallel_loop3A_564] {strides = array<i32>} : memref<1024xi32, #tpu.memory_space<vmem>>, vector<16xi32>,
        tpu.vector_store %arg9[%parallel_loop3A_564], %broadcast_in_dim3A_3 {strides = array<i32>} : memref<1024xi32, #tpu.memory_space<vmem>>, vector<16xi32>,
      } {sc.loop_unroll_factor = 8 : i64, sc.parallel_access}
      %parallel_loop3A_312 = arith.constant 0 : i32
      %parallel_loop3A_313 = arith.constant 16 : i32
      %parallel_loop3A_314 = arith.constant 1 : i32
      scf.for %parallel_loop3A_561 = %parallel_loop3A_312 to %parallel_loop3A_313 step %parallel_loop3A_314  : i32 {
        %parallel_loop3A_562 = arith.constant 16 : i32
        %parallel_loop3A_563 = arith.muli %parallel_loop3A_561, %parallel_loop3A_562 : i32
        %parallel_loop3A_564 = arith.index_cast %parallel_loop3A_563 : i32 to index
        %parallel_loop3A_565 = tpu.vector_load %arg10[%parallel_loop3A_564] {strides = array<i32>} : memref<256xi32, #tpu.memory_space<vmem>>, vector<16xi32>,
        tpu.vector_store %arg10[%parallel_loop3A_564], %broadcast_in_dim3A_3 {strides = array<i32>} : memref<256xi32, #tpu.memory_space<vmem>>, vector<16xi32>,
      } {sc.loop_unroll_factor = 8 : i64, sc.parallel_access}
      %swap3A_315 = arith.constant 0 : index
      %swap3A_316 = tpu.vector_load %arg12[%swap3A_315] {strides = array<i32>} : memref<4096xi32, #tpu.memory_space<vmem>>, vector<16xi32>,
      tpu.vector_store %arg12[%swap3A_315], %broadcast_in_dim3A_7 {strides = array<i32>} : memref<4096xi32, #tpu.memory_space<vmem>>, vector<16xi32>,
      %parallel_loop3A_317 = arith.constant 0 : i32
      %parallel_loop3A_318 = arith.constant 256 : i32
      %parallel_loop3A_319 = arith.constant 1 : i32
      scf.for %parallel_loop3A_561 = %parallel_loop3A_317 to %parallel_loop3A_318 step %parallel_loop3A_319  : i32 {
        %parallel_loop3A_562 = arith.constant 16 : i32
        %parallel_loop3A_563 = arith.muli %parallel_loop3A_561, %parallel_loop3A_562 : i32
        %parallel_loop3A_564 = arith.index_cast %parallel_loop3A_563 : i32 to index
        %parallel_loop3A_565 = tpu.vector_load %arg5[%parallel_loop3A_564] {strides = array<i32>} : memref<4096xf32, #tpu.memory_space<vmem>>, vector<16xf32>,
        %parallel_loop3A_566 = tpu.bitcast %parallel_loop3A_565 : vector<16xf32> -> vector<16xi32>
        %parallel_loop3A_567 = arith.constant 31 : i32
        %parallel_loop3A_568 = vector.broadcast %parallel_loop3A_567 : i32 to vector<16xi32>
        %parallel_loop3A_569 = arith.shrui %parallel_loop3A_566, %parallel_loop3A_568 : vector<16xi32>
        %parallel_loop3A_570 = arith.constant 0 : i32
        %parallel_loop3A_571 = vector.broadcast %parallel_loop3A_570 : i32 to vector<16xi32>
        %parallel_loop3A_572 = arith.cmpi ne, %parallel_loop3A_569, %parallel_loop3A_571 : vector<16xi32>
        %parallel_loop3A_573 = arith.constant -1 : i32
        %parallel_loop3A_574 = arith.constant -2147483648 : i32
        %parallel_loop3A_575 = vector.broadcast %parallel_loop3A_573 : i32 to vector<16xi32>
        %parallel_loop3A_576 = vector.broadcast %parallel_loop3A_574 : i32 to vector<16xi32>
        %parallel_loop3A_577 = arith.select %parallel_loop3A_572, %parallel_loop3A_575, %parallel_loop3A_576 : vector<16xi1>, vector<16xi32>
        %parallel_loop3A_578 = arith.xori %parallel_loop3A_566, %parallel_loop3A_577 : vector<16xi32>
        %parallel_loop3A_579 = arith.constant 20 : i32
        %parallel_loop3A_580 = vector.broadcast %parallel_loop3A_579 : i32 to vector<16xi32>
        %parallel_loop3A_581 = arith.shrui %parallel_loop3A_578, %parallel_loop3A_580 : vector<16xi32>
        tpu.vector_store_idx %arg8[%parallel_loop3A_581], %broadcast_in_dim3A_5 {add = true} : memref<4096xi32, #tpu.memory_space<vmem>>[vector<16xi32>], vector<16xi32>,
        %parallel_loop3A_582 = arith.constant 2 : i32
        %parallel_loop3A_583 = vector.broadcast %parallel_loop3A_582 : i32 to vector<16xi32>
        %parallel_loop3A_584 = arith.shrsi %parallel_loop3A_581, %parallel_loop3A_583 : vector<16xi32>
        tpu.vector_store_idx %arg9[%parallel_loop3A_584], %broadcast_in_dim3A_5 {add = true} : memref<1024xi32, #tpu.memory_space<vmem>>[vector<16xi32>], vector<16xi32>,
      } {sc.loop_unroll_factor = 4 : i64, sc.parallel_access}
      %scan3A_320 = arith.constant 0 : i32
      %scan3A_321 = arith.constant 0 : i32
      %scan3A_322 = arith.constant 64 : i32
      %scan3A_323 = arith.addi %scan3A_321, %scan3A_322 : i32
      %scan3A_324 = arith.constant 1 : i32
      %scan3A_325:5 = scf.for %scan3A_561 = %scan3A_321 to %scan3A_323 step %scan3A_324 iter_args(%scan3A_562 = %scan3A_320, %scan3A_563 = %broadcast_in_dim3A_3, %scan3A_564 = %broadcast_in_dim3A_3, %scan3A_565 = %broadcast_in_dim3A_3, %scan3A_566 = %broadcast_in_dim3A_3) -> (i32, vector<16xi32>, vector<16xi32>, vector<16xi32>, vector<16xi32>)  : i32 {
        %mul3A_567 = arith.constant 16 : i32
        %mul3A_568 = arith.muli %scan3A_561, %mul3A_567 : i32
        %get3A_569 = arith.index_cast %mul3A_568 : i32 to index
        %get3A_570 = tpu.vector_load %arg9[%get3A_569] {strides = array<i32>} : memref<1024xi32, #tpu.memory_space<vmem>>, vector<16xi32>,
        %broadcast_in_dim3A_571 = arith.constant true
        %broadcast_in_dim3A_572 = vector.broadcast %broadcast_in_dim3A_571 : i1 to vector<16xi1>
        %masked_cumsum3A_573 = tpu.scan <sum>, %get3A_570 masked %broadcast_in_dim3A_572 : vector<16xi32>, vector<16xi1> -> vector<16xi32>
        %add3A_574 = vector.broadcast %scan3A_562 : i32 to vector<16xi32>
        %add3A_575 = arith.addi %masked_cumsum3A_573, %add3A_574 : vector<16xi32>
        %gt3A_576 = arith.constant 3687 : i32
        %gt3A_577 = vector.broadcast %gt3A_576 : i32 to vector<16xi32>
        %gt3A_578 = arith.cmpi sgt, %add3A_575, %gt3A_577 : vector<16xi32>
        %all_reduce_population_count3A = tpu.all_reduce %gt3A_578 {dim = 0 : i64, kind = #tpu.reduction_kind<sum>} : vector<16xi1> -> vector<16xi32>
        %gt3A_579 = arith.constant 0 : i32
        %gt3A_580 = vector.broadcast %gt3A_579 : i32 to vector<16xi32>
        %gt3A_581 = arith.cmpi sgt, %all_reduce_population_count3A, %gt3A_580 : vector<16xi32>
        %jit3A_582 = arith.constant 1 : i32
        %jit3A_583 = arith.constant 0 : i32
        %broadcast_in_dim3A_584 = vector.broadcast %jit3A_582 : i32 to vector<16xi32>
        %broadcast_in_dim3A_585 = vector.broadcast %jit3A_583 : i32 to vector<16xi32>
        %select_n3A_586 = arith.select %gt3A_581, %broadcast_in_dim3A_584, %broadcast_in_dim3A_585 : vector<16xi1>, vector<16xi32>
        %ne3A = arith.constant 0 : i32
        %ne3A_587 = vector.broadcast %ne3A : i32 to vector<16xi32>
        %ne3A_588 = arith.cmpi ne, %select_n3A_586, %ne3A_587 : vector<16xi32>
        %eq3A_589 = arith.constant 0 : i32
        %eq3A_590 = vector.broadcast %eq3A_589 : i32 to vector<16xi32>
        %eq3A_591 = arith.cmpi eq, %scan3A_563, %eq3A_590 : vector<16xi32>
        %and3A_592 = arith.andi %ne3A_588, %eq3A_591 : vector<16xi1>
        %jit3A_593 = arith.constant true
        %jit3A_594 = arith.constant false
        %broadcast_in_dim3A_595 = vector.broadcast %jit3A_593 : i1 to vector<16xi1>
        %broadcast_in_dim3A_596 = vector.broadcast %jit3A_594 : i1 to vector<16xi1>
        %select_n3A_597 = arith.select %and3A_592, %broadcast_in_dim3A_595, %broadcast_in_dim3A_596 : vector<16xi1>, vector<16xi1>
        %select_n3A_598 = arith.select %select_n3A_597, %add3A_575, %scan3A_564 : vector<16xi1>, vector<16xi32>
        %select_n3A_599 = arith.select %select_n3A_597, %get3A_570, %scan3A_565 : vector<16xi1>, vector<16xi32>
        %broadcast_in_dim3A_600 = arith.constant 0 : i32
        %broadcast_in_dim3A_601 = vector.broadcast %broadcast_in_dim3A_600 : i32 to vector<16xi32>
        %add3A_602 = vector.broadcast %scan3A_561 : i32 to vector<16xi32>
        %add3A_603 = arith.addi %broadcast_in_dim3A_601, %add3A_602 : vector<16xi32>
        %select_n3A_604 = arith.select %select_n3A_597, %add3A_603, %scan3A_566 : vector<16xi1>, vector<16xi32>
        %max3A = arith.maxsi %scan3A_563, %select_n3A_586 : vector<16xi32>
        %reduce_sum3A_605 = arith.constant true
        %reduce_sum3A_606 = vector.broadcast %reduce_sum3A_605 : i1 to vector<16xi1>
        %reduce_sum3A_607 = tpu.scan <sum>, %get3A_570 masked %reduce_sum3A_606 : vector<16xi32>, vector<16xi1> -> vector<16xi32>
        %reduce_sum3A_608 = vector.extract %reduce_sum3A_607[15] : i32 from vector<16xi32>
        %add3A_609 = arith.addi %scan3A_562, %reduce_sum3A_608 : i32
        scf.yield %add3A_609, %max3A, %select_n3A_598, %select_n3A_599, %select_n3A_604 : i32, vector<16xi32>, vector<16xi32>, vector<16xi32>, vector<16xi32>
      }
      %scan3A_326 = arith.constant 64 : i32
      %gt3A_327 = arith.constant 3687 : i32
      %gt3A_328 = vector.broadcast %gt3A_327 : i32 to vector<16xi32>
      %gt3A_329 = arith.cmpi sgt, %scan3A_325#2, %gt3A_328 : vector<16xi32>
      %jit3A_330 = arith.constant 1 : i32
      %jit3A_331 = arith.constant 0 : i32
      %broadcast_in_dim3A_332 = vector.broadcast %jit3A_330 : i32 to vector<16xi32>
      %broadcast_in_dim3A_333 = vector.broadcast %jit3A_331 : i32 to vector<16xi32>
      %select_n3A_334 = arith.select %gt3A_329, %broadcast_in_dim3A_332, %broadcast_in_dim3A_333 : vector<16xi1>, vector<16xi32>
      %reduce_sum3A_335 = arith.constant true
      %reduce_sum3A_336 = vector.broadcast %reduce_sum3A_335 : i1 to vector<16xi1>
      %reduce_sum3A_337 = tpu.scan <sum>, %select_n3A_334 masked %reduce_sum3A_336 : vector<16xi32>, vector<16xi1> -> vector<16xi32>
      %reduce_sum3A_338 = vector.extract %reduce_sum3A_337[15] : i32 from vector<16xi32>
      %sub3A_339 = arith.constant 16 : i32
      %sub3A_340 = arith.subi %sub3A_339, %reduce_sum3A_338 : i32
      %reduce_max3A_341 = arith.constant true
      %reduce_max3A_342 = vector.broadcast %reduce_max3A_341 : i1 to vector<16xi1>
      %reduce_max3A_343 = arith.constant -2147483648 : i32
      %reduce_max3A_344 = vector.broadcast %reduce_max3A_343 : i32 to vector<16xi32>
      %reduce_max3A_345 = arith.xori %scan3A_325#4, %reduce_max3A_344 : vector<16xi32>
      %reduce_max3A_346 = tpu.scan <max>, %reduce_max3A_345 masked %reduce_max3A_342 : vector<16xi32>, vector<16xi1> -> vector<16xi32>
      %reduce_max3A_347 = arith.xori %reduce_max3A_346, %reduce_max3A_344 : vector<16xi32>
      %reduce_max3A_348 = vector.extract %reduce_max3A_347[15] : i32 from vector<16xi32>
      %mul3A_349 = arith.constant 16 : i32
      %mul3A_350 = arith.muli %reduce_max3A_348, %mul3A_349 : i32
      %add3A_351 = arith.addi %mul3A_350, %sub3A_340 : i32
      %jit3A_352 = arith.constant 1073741824 : i32
      %broadcast_in_dim3A_353 = vector.broadcast %jit3A_352 : i32 to vector<16xi32>
      %select_n3A_354 = arith.select %gt3A_329, %scan3A_325#2, %broadcast_in_dim3A_353 : vector<16xi1>, vector<16xi32>
      %reduce_min3A_355 = arith.constant true
      %reduce_min3A_356 = vector.broadcast %reduce_min3A_355 : i1 to vector<16xi1>
      %reduce_min3A_357 = arith.constant -2147483648 : i32
      %reduce_min3A_358 = vector.broadcast %reduce_min3A_357 : i32 to vector<16xi32>
      %reduce_min3A_359 = arith.xori %select_n3A_354, %reduce_min3A_358 : vector<16xi32>
      %reduce_min3A_360 = tpu.scan <min>, %reduce_min3A_359 masked %reduce_min3A_356 : vector<16xi32>, vector<16xi1> -> vector<16xi32>
      %reduce_min3A_361 = arith.xori %reduce_min3A_360, %reduce_min3A_358 : vector<16xi32>
      %reduce_min3A_362 = vector.extract %reduce_min3A_361[15] : i32 from vector<16xi32>
      %eq3A_363 = vector.broadcast %sub3A_340 : i32 to vector<16xi32>
      %eq3A_364 = arith.cmpi eq, %iota3A, %eq3A_363 : vector<16xi32>
      %jit3A_365 = arith.constant 0 : i32
      %broadcast_in_dim3A_366 = vector.broadcast %jit3A_365 : i32 to vector<16xi32>
      %select_n3A_367 = arith.select %eq3A_364, %scan3A_325#3, %broadcast_in_dim3A_366 : vector<16xi1>, vector<16xi32>
      %reduce_sum3A_368 = arith.constant true
      %reduce_sum3A_369 = vector.broadcast %reduce_sum3A_368 : i1 to vector<16xi1>
      %reduce_sum3A_370 = tpu.scan <sum>, %select_n3A_367 masked %reduce_sum3A_369 : vector<16xi32>, vector<16xi1> -> vector<16xi32>
      %reduce_sum3A_371 = vector.extract %reduce_sum3A_370[15] : i32 from vector<16xi32>
      %sub3A_372 = arith.subi %reduce_min3A_362, %reduce_sum3A_371 : i32
      %shift_right_arithmetic3A_373 = arith.constant 2 : i32
      %shift_right_arithmetic3A_374 = arith.shrsi %add3A_351, %shift_right_arithmetic3A_373 : i32
      %and3A_375 = arith.constant 3 : i32
      %and3A_376 = arith.andi %add3A_351, %and3A_375 : i32
      %mul3A_377 = arith.constant 4 : i32
      %mul3A_378 = arith.muli %and3A_376, %mul3A_377 : i32
      %mul3A_379 = arith.constant 16 : i32
      %mul3A_380 = arith.muli %shift_right_arithmetic3A_374, %mul3A_379 : i32
      %get3A_381 = arith.index_cast %mul3A_380 : i32 to index
      %get3A_382 = tpu.vector_load %arg8[%get3A_381] {strides = array<i32>} : memref<4096xi32, #tpu.memory_space<vmem>>, vector<16xi32>,
      %ge3A_383 = vector.broadcast %mul3A_378 : i32 to vector<16xi32>
      %ge3A_384 = arith.cmpi sge, %iota3A, %ge3A_383 : vector<16xi32>
      %add3A_385 = arith.constant 4 : i32
      %add3A_386 = arith.addi %mul3A_378, %add3A_385 : i32
      %lt3A_387 = vector.broadcast %add3A_386 : i32 to vector<16xi32>
      %lt3A_388 = arith.cmpi slt, %iota3A, %lt3A_387 : vector<16xi32>
      %and3A_389 = arith.andi %ge3A_384, %lt3A_388 : vector<16xi1>
      %jit3A_390 = arith.constant 0 : i32
      %broadcast_in_dim3A_391 = vector.broadcast %jit3A_390 : i32 to vector<16xi32>
      %select_n3A_392 = arith.select %and3A_389, %get3A_382, %broadcast_in_dim3A_391 : vector<16xi1>, vector<16xi32>
      %broadcast_in_dim3A_393 = arith.constant true
      %broadcast_in_dim3A_394 = vector.broadcast %broadcast_in_dim3A_393 : i1 to vector<16xi1>
      %masked_cumsum3A_395 = tpu.scan <sum>, %select_n3A_392 masked %broadcast_in_dim3A_394 : vector<16xi32>, vector<16xi1> -> vector<16xi32>
      %add3A_396 = vector.broadcast %sub3A_372 : i32 to vector<16xi32>
      %add3A_397 = arith.addi %masked_cumsum3A_395, %add3A_396 : vector<16xi32>
      %gt3A_398 = arith.constant 3687 : i32
      %gt3A_399 = vector.broadcast %gt3A_398 : i32 to vector<16xi32>
      %gt3A_400 = arith.cmpi sgt, %add3A_397, %gt3A_399 : vector<16xi32>
      %and3A_401 = arith.andi %gt3A_400, %and3A_389 : vector<16xi1>
      %jit3A_402 = arith.constant 1 : i32
      %jit3A_403 = arith.constant 0 : i32
      %broadcast_in_dim3A_404 = vector.broadcast %jit3A_402 : i32 to vector<16xi32>
      %broadcast_in_dim3A_405 = vector.broadcast %jit3A_403 : i32 to vector<16xi32>
      %select_n3A_406 = arith.select %and3A_401, %broadcast_in_dim3A_404, %broadcast_in_dim3A_405 : vector<16xi1>, vector<16xi32>
      %reduce_sum3A_407 = arith.constant true
      %reduce_sum3A_408 = vector.broadcast %reduce_sum3A_407 : i1 to vector<16xi1>
      %reduce_sum3A_409 = tpu.scan <sum>, %select_n3A_406 masked %reduce_sum3A_408 : vector<16xi32>, vector<16xi1> -> vector<16xi32>
      %reduce_sum3A_410 = vector.extract %reduce_sum3A_409[15] : i32 from vector<16xi32>
      %add3A_411 = arith.constant 4 : i32
      %add3A_412 = arith.addi %mul3A_378, %add3A_411 : i32
      %sub3A_413 = arith.subi %add3A_412, %reduce_sum3A_410 : i32
      %jit3A_414 = arith.constant 1073741824 : i32
      %broadcast_in_dim3A_415 = vector.broadcast %jit3A_414 : i32 to vector<16xi32>
      %select_n3A_416 = arith.select %and3A_401, %add3A_397, %broadcast_in_dim3A_415 : vector<16xi1>, vector<16xi32>
      %reduce_min3A_417 = arith.constant true
      %reduce_min3A_418 = vector.broadcast %reduce_min3A_417 : i1 to vector<16xi1>
      %reduce_min3A_419 = arith.constant -2147483648 : i32
      %reduce_min3A_420 = vector.broadcast %reduce_min3A_419 : i32 to vector<16xi32>
      %reduce_min3A_421 = arith.xori %select_n3A_416, %reduce_min3A_420 : vector<16xi32>
      %reduce_min3A_422 = tpu.scan <min>, %reduce_min3A_421 masked %reduce_min3A_418 : vector<16xi32>, vector<16xi1> -> vector<16xi32>
      %reduce_min3A_423 = arith.xori %reduce_min3A_422, %reduce_min3A_420 : vector<16xi32>
      %reduce_min3A_424 = vector.extract %reduce_min3A_423[15] : i32 from vector<16xi32>
      %sub3A_425 = arith.constant 4096 : i32
      %sub3A_426 = arith.subi %sub3A_425, %reduce_min3A_424 : i32
      %sub3A_427 = arith.constant 409 : i32
      %sub3A_428 = arith.subi %sub3A_427, %sub3A_426 : i32
      %mul3A_429 = arith.constant 16 : i32
      %mul3A_430 = arith.muli %shift_right_arithmetic3A_374, %mul3A_429 : i32
      %add3A_431 = arith.addi %mul3A_430, %sub3A_413 : i32
      %parallel_loop3A_432 = arith.constant 0 : i32
      %parallel_loop3A_433 = arith.constant 256 : i32
      %parallel_loop3A_434 = arith.constant 1 : i32
      %parallel_loop3A_435 = scf.for %parallel_loop3A_561 = %parallel_loop3A_432 to %parallel_loop3A_433 step %parallel_loop3A_434 iter_args(%parallel_loop3A_562 = %broadcast_in_dim3A_3) -> (vector<16xi32>)  : i32 {
        %parallel_loop3A_563 = arith.constant 16 : i32
        %parallel_loop3A_564 = arith.muli %parallel_loop3A_561, %parallel_loop3A_563 : i32
        %parallel_loop3A_565 = arith.index_cast %parallel_loop3A_564 : i32 to index
        %parallel_loop3A_566 = tpu.vector_load %arg5[%parallel_loop3A_565] {strides = array<i32>} : memref<4096xf32, #tpu.memory_space<vmem>>, vector<16xf32>,
        %parallel_loop3A_567 = tpu.bitcast %parallel_loop3A_566 : vector<16xf32> -> vector<16xi32>
        %parallel_loop3A_568 = arith.constant 31 : i32
        %parallel_loop3A_569 = vector.broadcast %parallel_loop3A_568 : i32 to vector<16xi32>
        %parallel_loop3A_570 = arith.shrui %parallel_loop3A_567, %parallel_loop3A_569 : vector<16xi32>
        %parallel_loop3A_571 = arith.constant 0 : i32
        %parallel_loop3A_572 = vector.broadcast %parallel_loop3A_571 : i32 to vector<16xi32>
        %parallel_loop3A_573 = arith.cmpi ne, %parallel_loop3A_570, %parallel_loop3A_572 : vector<16xi32>
        %parallel_loop3A_574 = arith.constant -1 : i32
        %parallel_loop3A_575 = arith.constant -2147483648 : i32
        %parallel_loop3A_576 = vector.broadcast %parallel_loop3A_574 : i32 to vector<16xi32>
        %parallel_loop3A_577 = vector.broadcast %parallel_loop3A_575 : i32 to vector<16xi32>
        %parallel_loop3A_578 = arith.select %parallel_loop3A_573, %parallel_loop3A_576, %parallel_loop3A_577 : vector<16xi1>, vector<16xi32>
        %parallel_loop3A_579 = arith.xori %parallel_loop3A_567, %parallel_loop3A_578 : vector<16xi32>
        %parallel_loop3A_580 = arith.constant 20 : i32
        %parallel_loop3A_581 = vector.broadcast %parallel_loop3A_580 : i32 to vector<16xi32>
        %parallel_loop3A_582 = arith.shrui %parallel_loop3A_579, %parallel_loop3A_581 : vector<16xi32>
        %parallel_loop3A_583 = vector.broadcast %add3A_431 : i32 to vector<16xi32>
        %parallel_loop3A_584 = arith.cmpi eq, %parallel_loop3A_582, %parallel_loop3A_583 : vector<16xi32>
        %parallel_loop3A_585 = arith.constant 1 : i32
        %parallel_loop3A_586 = arith.constant 0 : i32
        %parallel_loop3A_587 = vector.broadcast %parallel_loop3A_585 : i32 to vector<16xi32>
        %parallel_loop3A_588 = vector.broadcast %parallel_loop3A_586 : i32 to vector<16xi32>
        %parallel_loop3A_589 = arith.select %parallel_loop3A_584, %parallel_loop3A_587, %parallel_loop3A_588 : vector<16xi1>, vector<16xi32>
        %parallel_loop3A_590 = arith.constant true
        %parallel_loop3A_591 = vector.broadcast %parallel_loop3A_590 : i1 to vector<16xi1>
        %parallel_loop3A_592 = tpu.scan <sum>, %parallel_loop3A_589 masked %parallel_loop3A_591 : vector<16xi32>, vector<16xi1> -> vector<16xi32>
        %parallel_loop3A_593 = tpu.all_reduce %parallel_loop3A_584 {dim = 0 : i64, kind = #tpu.reduction_kind<sum>} : vector<16xi1> -> vector<16xi32>
        %parallel_loop3A_594 = arith.addi %parallel_loop3A_562, %parallel_loop3A_592 : vector<16xi32>
        %parallel_loop3A_595 = arith.constant 1 : i32
        %parallel_loop3A_596 = vector.broadcast %parallel_loop3A_595 : i32 to vector<16xi32>
        %parallel_loop3A_597 = arith.subi %parallel_loop3A_594, %parallel_loop3A_596 : vector<16xi32>
        %parallel_loop3A_598 = arith.constant 1048575 : i32
        %parallel_loop3A_599 = vector.broadcast %parallel_loop3A_598 : i32 to vector<16xi32>
        %parallel_loop3A_600 = arith.andi %parallel_loop3A_579, %parallel_loop3A_599 : vector<16xi32>
        tpu.vector_store_idx %arg11[%parallel_loop3A_597], %parallel_loop3A_600 masked %parallel_loop3A_584 : memref<4096xi32, #tpu.memory_space<vmem>>[vector<16xi32>], vector<16xi32>, vector<16xi1>
        %parallel_loop3A_601 = arith.addi %parallel_loop3A_562, %parallel_loop3A_593 : vector<16xi32>
        scf.yield %parallel_loop3A_601 : vector<16xi32>
      } {sc.loop_unroll_factor = 8 : i64, sc.parallel_access}
      %reduce_max3A_436 = arith.constant true
      %reduce_max3A_437 = vector.broadcast %reduce_max3A_436 : i1 to vector<16xi1>
      %reduce_max3A_438 = arith.constant -2147483648 : i32
      %reduce_max3A_439 = vector.broadcast %reduce_max3A_438 : i32 to vector<16xi32>
      %reduce_max3A_440 = arith.xori %parallel_loop3A_435, %reduce_max3A_439 : vector<16xi32>
      %reduce_max3A_441 = tpu.scan <max>, %reduce_max3A_440 masked %reduce_max3A_437 : vector<16xi32>, vector<16xi1> -> vector<16xi32>
      %reduce_max3A_442 = arith.xori %reduce_max3A_441, %reduce_max3A_439 : vector<16xi32>
      %reduce_max3A_443 = vector.extract %reduce_max3A_442[15] : i32 from vector<16xi32>
      %add3A_444 = arith.constant 15 : i32
      %add3A_445 = arith.addi %reduce_max3A_443, %add3A_444 : i32
      %div3A_446 = arith.constant 16 : i32
      %div3A_447 = arith.divsi %add3A_445, %div3A_446 : i32
      %while3A_448 = arith.constant 0 : i32
      %while3A_449 = arith.constant 0 : i32
      %while3A_450 = arith.subi %div3A_447, %while3A_449 : i32
      %while3A_451 = arith.addi %while3A_449, %while3A_450 : i32
      %while3A_452 = arith.constant 1 : i32
      %while3A_453 = arith.divsi %while3A_450, %while3A_452 : i32
      %while3A_454 = arith.muli %while3A_453, %while3A_452 : i32
      %while3A_455 = arith.addi %while3A_449, %while3A_454 : i32
      %while3A_456 = arith.constant 1 : i32
      scf.for %while3A_561 = %while3A_449 to %while3A_455 step %while3A_456  : i32 {
        %mul3A_562 = arith.constant 16 : i32
        %mul3A_563 = arith.muli %while3A_561, %mul3A_562 : i32
        %get3A_564 = arith.index_cast %mul3A_563 : i32 to index
        %get3A_565 = tpu.vector_load %arg11[%get3A_564] {strides = array<i32>} : memref<4096xi32, #tpu.memory_space<vmem>>, vector<16xi32>,
        %mul3A_566 = arith.constant 16 : i32
        %mul3A_567 = arith.muli %while3A_561, %mul3A_566 : i32
        %add3A_568 = vector.broadcast %mul3A_567 : i32 to vector<16xi32>
        %add3A_569 = arith.addi %iota3A, %add3A_568 : vector<16xi32>
        %lt3A_570 = vector.broadcast %reduce_max3A_443 : i32 to vector<16xi32>
        %lt3A_571 = arith.cmpi slt, %add3A_569, %lt3A_570 : vector<16xi32>
        %shift_right_arithmetic3A_572 = arith.constant 12 : i32
        %shift_right_arithmetic3A_573 = vector.broadcast %shift_right_arithmetic3A_572 : i32 to vector<16xi32>
        %shift_right_arithmetic3A_574 = arith.shrsi %get3A_565, %shift_right_arithmetic3A_573 : vector<16xi32>
        tpu.vector_store_idx %arg10[%shift_right_arithmetic3A_574], %broadcast_in_dim3A_5 masked %lt3A_571 {add = true} : memref<256xi32, #tpu.memory_space<vmem>>[vector<16xi32>], vector<16xi32>, vector<16xi1>
      }
      %while3A_457 = arith.constant 1 : i32
      scf.for %while3A_561 = %while3A_455 to %while3A_451 step %while3A_457  : i32 {
        %mul3A_562 = arith.constant 16 : i32
        %mul3A_563 = arith.muli %while3A_561, %mul3A_562 : i32
        %get3A_564 = arith.index_cast %mul3A_563 : i32 to index
        %get3A_565 = tpu.vector_load %arg11[%get3A_564] {strides = array<i32>} : memref<4096xi32, #tpu.memory_space<vmem>>, vector<16xi32>,
        %mul3A_566 = arith.constant 16 : i32
        %mul3A_567 = arith.muli %while3A_561, %mul3A_566 : i32
        %add3A_568 = vector.broadcast %mul3A_567 : i32 to vector<16xi32>
        %add3A_569 = arith.addi %iota3A, %add3A_568 : vector<16xi32>
        %lt3A_570 = vector.broadcast %reduce_max3A_443 : i32 to vector<16xi32>
        %lt3A_571 = arith.cmpi slt, %add3A_569, %lt3A_570 : vector<16xi32>
        %shift_right_arithmetic3A_572 = arith.constant 12 : i32
        %shift_right_arithmetic3A_573 = vector.broadcast %shift_right_arithmetic3A_572 : i32 to vector<16xi32>
        %shift_right_arithmetic3A_574 = arith.shrsi %get3A_565, %shift_right_arithmetic3A_573 : vector<16xi32>
        tpu.vector_store_idx %arg10[%shift_right_arithmetic3A_574], %broadcast_in_dim3A_5 masked %lt3A_571 {add = true} : memref<256xi32, #tpu.memory_space<vmem>>[vector<16xi32>], vector<16xi32>, vector<16xi1>
      }
      %sub3A_458 = arith.subi %reduce_max3A_443, %sub3A_428 : i32
      %scan3A_459 = arith.constant 0 : i32
      %scan3A_460 = arith.constant 0 : i32
      %scan3A_461 = arith.constant 16 : i32
      %scan3A_462 = arith.addi %scan3A_460, %scan3A_461 : i32
      %scan3A_463 = arith.constant 1 : i32
      %scan3A_464:5 = scf.for %scan3A_561 = %scan3A_460 to %scan3A_462 step %scan3A_463 iter_args(%scan3A_562 = %scan3A_459, %scan3A_563 = %broadcast_in_dim3A_3, %scan3A_564 = %broadcast_in_dim3A_3, %scan3A_565 = %broadcast_in_dim3A_3, %scan3A_566 = %broadcast_in_dim3A_3) -> (i32, vector<16xi32>, vector<16xi32>, vector<16xi32>, vector<16xi32>)  : i32 {
        %mul3A_567 = arith.constant 16 : i32
        %mul3A_568 = arith.muli %scan3A_561, %mul3A_567 : i32
        %get3A_569 = arith.index_cast %mul3A_568 : i32 to index
        %get3A_570 = tpu.vector_load %arg10[%get3A_569] {strides = array<i32>} : memref<256xi32, #tpu.memory_space<vmem>>, vector<16xi32>,
        %broadcast_in_dim3A_571 = arith.constant true
        %broadcast_in_dim3A_572 = vector.broadcast %broadcast_in_dim3A_571 : i1 to vector<16xi1>
        %masked_cumsum3A_573 = tpu.scan <sum>, %get3A_570 masked %broadcast_in_dim3A_572 : vector<16xi32>, vector<16xi1> -> vector<16xi32>
        %add3A_574 = vector.broadcast %scan3A_562 : i32 to vector<16xi32>
        %add3A_575 = arith.addi %masked_cumsum3A_573, %add3A_574 : vector<16xi32>
        %gt3A_576 = vector.broadcast %sub3A_458 : i32 to vector<16xi32>
        %gt3A_577 = arith.cmpi sgt, %add3A_575, %gt3A_576 : vector<16xi32>
        %all_reduce_population_count3A = tpu.all_reduce %gt3A_577 {dim = 0 : i64, kind = #tpu.reduction_kind<sum>} : vector<16xi1> -> vector<16xi32>
        %gt3A_578 = arith.constant 0 : i32
        %gt3A_579 = vector.broadcast %gt3A_578 : i32 to vector<16xi32>
        %gt3A_580 = arith.cmpi sgt, %all_reduce_population_count3A, %gt3A_579 : vector<16xi32>
        %jit3A_581 = arith.constant 1 : i32
        %jit3A_582 = arith.constant 0 : i32
        %broadcast_in_dim3A_583 = vector.broadcast %jit3A_581 : i32 to vector<16xi32>
        %broadcast_in_dim3A_584 = vector.broadcast %jit3A_582 : i32 to vector<16xi32>
        %select_n3A_585 = arith.select %gt3A_580, %broadcast_in_dim3A_583, %broadcast_in_dim3A_584 : vector<16xi1>, vector<16xi32>
        %ne3A = arith.constant 0 : i32
        %ne3A_586 = vector.broadcast %ne3A : i32 to vector<16xi32>
        %ne3A_587 = arith.cmpi ne, %select_n3A_585, %ne3A_586 : vector<16xi32>
        %eq3A_588 = arith.constant 0 : i32
        %eq3A_589 = vector.broadcast %eq3A_588 : i32 to vector<16xi32>
        %eq3A_590 = arith.cmpi eq, %scan3A_563, %eq3A_589 : vector<16xi32>
        %and3A_591 = arith.andi %ne3A_587, %eq3A_590 : vector<16xi1>
        %jit3A_592 = arith.constant true
        %jit3A_593 = arith.constant false
        %broadcast_in_dim3A_594 = vector.broadcast %jit3A_592 : i1 to vector<16xi1>
        %broadcast_in_dim3A_595 = vector.broadcast %jit3A_593 : i1 to vector<16xi1>
        %select_n3A_596 = arith.select %and3A_591, %broadcast_in_dim3A_594, %broadcast_in_dim3A_595 : vector<16xi1>, vector<16xi1>
        %select_n3A_597 = arith.select %select_n3A_596, %add3A_575, %scan3A_564 : vector<16xi1>, vector<16xi32>
        %select_n3A_598 = arith.select %select_n3A_596, %get3A_570, %scan3A_565 : vector<16xi1>, vector<16xi32>
        %broadcast_in_dim3A_599 = arith.constant 0 : i32
        %broadcast_in_dim3A_600 = vector.broadcast %broadcast_in_dim3A_599 : i32 to vector<16xi32>
        %add3A_601 = vector.broadcast %scan3A_561 : i32 to vector<16xi32>
        %add3A_602 = arith.addi %broadcast_in_dim3A_600, %add3A_601 : vector<16xi32>
        %select_n3A_603 = arith.select %select_n3A_596, %add3A_602, %scan3A_566 : vector<16xi1>, vector<16xi32>
        %max3A = arith.maxsi %scan3A_563, %select_n3A_585 : vector<16xi32>
        %reduce_sum3A_604 = arith.constant true
        %reduce_sum3A_605 = vector.broadcast %reduce_sum3A_604 : i1 to vector<16xi1>
        %reduce_sum3A_606 = tpu.scan <sum>, %get3A_570 masked %reduce_sum3A_605 : vector<16xi32>, vector<16xi1> -> vector<16xi32>
        %reduce_sum3A_607 = vector.extract %reduce_sum3A_606[15] : i32 from vector<16xi32>
        %add3A_608 = arith.addi %scan3A_562, %reduce_sum3A_607 : i32
        scf.yield %add3A_608, %max3A, %select_n3A_597, %select_n3A_598, %select_n3A_603 : i32, vector<16xi32>, vector<16xi32>, vector<16xi32>, vector<16xi32>
      }
      %scan3A_465 = arith.constant 16 : i32
      %gt3A_466 = vector.broadcast %sub3A_458 : i32 to vector<16xi32>
      %gt3A_467 = arith.cmpi sgt, %scan3A_464#2, %gt3A_466 : vector<16xi32>
      %jit3A_468 = arith.constant 1 : i32
      %jit3A_469 = arith.constant 0 : i32
      %broadcast_in_dim3A_470 = vector.broadcast %jit3A_468 : i32 to vector<16xi32>
      %broadcast_in_dim3A_471 = vector.broadcast %jit3A_469 : i32 to vector<16xi32>
      %select_n3A_472 = arith.select %gt3A_467, %broadcast_in_dim3A_470, %broadcast_in_dim3A_471 : vector<16xi1>, vector<16xi32>
      %reduce_sum3A_473 = arith.constant true
      %reduce_sum3A_474 = vector.broadcast %reduce_sum3A_473 : i1 to vector<16xi1>
      %reduce_sum3A_475 = tpu.scan <sum>, %select_n3A_472 masked %reduce_sum3A_474 : vector<16xi32>, vector<16xi1> -> vector<16xi32>
      %reduce_sum3A_476 = vector.extract %reduce_sum3A_475[15] : i32 from vector<16xi32>
      %sub3A_477 = arith.constant 16 : i32
      %sub3A_478 = arith.subi %sub3A_477, %reduce_sum3A_476 : i32
      %reduce_max3A_479 = arith.constant true
      %reduce_max3A_480 = vector.broadcast %reduce_max3A_479 : i1 to vector<16xi1>
      %reduce_max3A_481 = arith.constant -2147483648 : i32
      %reduce_max3A_482 = vector.broadcast %reduce_max3A_481 : i32 to vector<16xi32>
      %reduce_max3A_483 = arith.xori %scan3A_464#4, %reduce_max3A_482 : vector<16xi32>
      %reduce_max3A_484 = tpu.scan <max>, %reduce_max3A_483 masked %reduce_max3A_480 : vector<16xi32>, vector<16xi1> -> vector<16xi32>
      %reduce_max3A_485 = arith.xori %reduce_max3A_484, %reduce_max3A_482 : vector<16xi32>
      %reduce_max3A_486 = vector.extract %reduce_max3A_485[15] : i32 from vector<16xi32>
      %mul3A_487 = arith.constant 16 : i32
      %mul3A_488 = arith.muli %reduce_max3A_486, %mul3A_487 : i32
      %add3A_489 = arith.addi %mul3A_488, %sub3A_478 : i32
      %jit3A_490 = arith.constant 1073741824 : i32
      %broadcast_in_dim3A_491 = vector.broadcast %jit3A_490 : i32 to vector<16xi32>
      %select_n3A_492 = arith.select %gt3A_467, %scan3A_464#2, %broadcast_in_dim3A_491 : vector<16xi1>, vector<16xi32>
      %reduce_min3A_493 = arith.constant true
      %reduce_min3A_494 = vector.broadcast %reduce_min3A_493 : i1 to vector<16xi1>
      %reduce_min3A_495 = arith.constant -2147483648 : i32
      %reduce_min3A_496 = vector.broadcast %reduce_min3A_495 : i32 to vector<16xi32>
      %reduce_min3A_497 = arith.xori %select_n3A_492, %reduce_min3A_496 : vector<16xi32>
      %reduce_min3A_498 = tpu.scan <min>, %reduce_min3A_497 masked %reduce_min3A_494 : vector<16xi32>, vector<16xi1> -> vector<16xi32>
      %reduce_min3A_499 = arith.xori %reduce_min3A_498, %reduce_min3A_496 : vector<16xi32>
      %reduce_min3A_500 = vector.extract %reduce_min3A_499[15] : i32 from vector<16xi32>
      %eq3A_501 = vector.broadcast %sub3A_478 : i32 to vector<16xi32>
      %eq3A_502 = arith.cmpi eq, %iota3A, %eq3A_501 : vector<16xi32>
      %jit3A_503 = arith.constant 0 : i32
      %broadcast_in_dim3A_504 = vector.broadcast %jit3A_503 : i32 to vector<16xi32>
      %select_n3A_505 = arith.select %eq3A_502, %scan3A_464#3, %broadcast_in_dim3A_504 : vector<16xi1>, vector<16xi32>
      %reduce_sum3A_506 = arith.constant true
      %reduce_sum3A_507 = vector.broadcast %reduce_sum3A_506 : i1 to vector<16xi1>
      %reduce_sum3A_508 = tpu.scan <sum>, %select_n3A_505 masked %reduce_sum3A_507 : vector<16xi32>, vector<16xi1> -> vector<16xi32>
      %reduce_sum3A_509 = vector.extract %reduce_sum3A_508[15] : i32 from vector<16xi32>
      %sub3A_510 = arith.subi %reduce_max3A_443, %reduce_min3A_500 : i32
      %sub3A_511 = arith.subi %sub3A_428, %sub3A_510 : i32
      %while3A_512 = arith.constant 0 : i32
      %while3A_513 = arith.subi %div3A_447, %while3A_512 : i32
      %while3A_514 = arith.addi %while3A_512, %while3A_513 : i32
      %while3A_515 = arith.constant 1 : i32
      %while3A_516 = arith.divsi %while3A_513, %while3A_515 : i32
      %while3A_517 = arith.muli %while3A_516, %while3A_515 : i32
      %while3A_518 = arith.addi %while3A_512, %while3A_517 : i32
      %while3A_519 = arith.constant 1 : i32
      %while3A_520 = scf.for %while3A_561 = %while3A_512 to %while3A_518 step %while3A_519 iter_args(%while3A_562 = %broadcast_in_dim3A_3) -> (vector<16xi32>)  : i32 {
        %mul3A_563 = arith.constant 16 : i32
        %mul3A_564 = arith.muli %while3A_561, %mul3A_563 : i32
        %get3A_565 = arith.index_cast %mul3A_564 : i32 to index
        %get3A_566 = tpu.vector_load %arg11[%get3A_565] {strides = array<i32>} : memref<4096xi32, #tpu.memory_space<vmem>>, vector<16xi32>,
        %mul3A_567 = arith.constant 16 : i32
        %mul3A_568 = arith.muli %while3A_561, %mul3A_567 : i32
        %add3A_569 = vector.broadcast %mul3A_568 : i32 to vector<16xi32>
        %add3A_570 = arith.addi %iota3A, %add3A_569 : vector<16xi32>
        %lt3A_571 = vector.broadcast %reduce_max3A_443 : i32 to vector<16xi32>
        %lt3A_572 = arith.cmpi slt, %add3A_570, %lt3A_571 : vector<16xi32>
        %shift_right_arithmetic3A_573 = arith.constant 12 : i32
        %shift_right_arithmetic3A_574 = vector.broadcast %shift_right_arithmetic3A_573 : i32 to vector<16xi32>
        %shift_right_arithmetic3A_575 = arith.shrsi %get3A_566, %shift_right_arithmetic3A_574 : vector<16xi32>
        %eq3A_576 = vector.broadcast %add3A_489 : i32 to vector<16xi32>
        %eq3A_577 = arith.cmpi eq, %shift_right_arithmetic3A_575, %eq3A_576 : vector<16xi32>
        %and3A_578 = arith.andi %lt3A_572, %eq3A_577 : vector<16xi1>
        %jit3A_579 = arith.constant 1 : i32
        %jit3A_580 = arith.constant 0 : i32
        %broadcast_in_dim3A_581 = vector.broadcast %jit3A_579 : i32 to vector<16xi32>
        %broadcast_in_dim3A_582 = vector.broadcast %jit3A_580 : i32 to vector<16xi32>
        %select_n3A_583 = arith.select %and3A_578, %broadcast_in_dim3A_581, %broadcast_in_dim3A_582 : vector<16xi1>, vector<16xi32>
        %broadcast_in_dim3A_584 = arith.constant true
        %broadcast_in_dim3A_585 = vector.broadcast %broadcast_in_dim3A_584 : i1 to vector<16xi1>
        %masked_cumsum3A_586 = tpu.scan <sum>, %select_n3A_583 masked %broadcast_in_dim3A_585 : vector<16xi32>, vector<16xi1> -> vector<16xi32>
        %all_reduce_population_count3A = tpu.all_reduce %and3A_578 {dim = 0 : i64, kind = #tpu.reduction_kind<sum>} : vector<16xi1> -> vector<16xi32>
        %add3A_587 = arith.addi %while3A_562, %masked_cumsum3A_586 : vector<16xi32>
        %sub3A_588 = arith.constant 1 : i32
        %sub3A_589 = vector.broadcast %sub3A_588 : i32 to vector<16xi32>
        %sub3A_590 = arith.subi %add3A_587, %sub3A_589 : vector<16xi32>
        %and3A_591 = arith.constant 4095 : i32
        %and3A_592 = vector.broadcast %and3A_591 : i32 to vector<16xi32>
        %and3A_593 = arith.andi %get3A_566, %and3A_592 : vector<16xi32>
        tpu.vector_store_idx %arg12[%sub3A_590], %and3A_593 masked %and3A_578 : memref<4096xi32, #tpu.memory_space<vmem>>[vector<16xi32>], vector<16xi32>, vector<16xi1>
        %add3A_594 = arith.addi %while3A_562, %all_reduce_population_count3A : vector<16xi32>
        scf.yield %add3A_594 : vector<16xi32>
      }
      %while3A_521 = arith.constant 1 : i32
      %while3A_522 = scf.for %while3A_561 = %while3A_518 to %while3A_514 step %while3A_521 iter_args(%while3A_562 = %while3A_520) -> (vector<16xi32>)  : i32 {
        %mul3A_563 = arith.constant 16 : i32
        %mul3A_564 = arith.muli %while3A_561, %mul3A_563 : i32
        %get3A_565 = arith.index_cast %mul3A_564 : i32 to index
        %get3A_566 = tpu.vector_load %arg11[%get3A_565] {strides = array<i32>} : memref<4096xi32, #tpu.memory_space<vmem>>, vector<16xi32>,
        %mul3A_567 = arith.constant 16 : i32
        %mul3A_568 = arith.muli %while3A_561, %mul3A_567 : i32
        %add3A_569 = vector.broadcast %mul3A_568 : i32 to vector<16xi32>
        %add3A_570 = arith.addi %iota3A, %add3A_569 : vector<16xi32>
        %lt3A_571 = vector.broadcast %reduce_max3A_443 : i32 to vector<16xi32>
        %lt3A_572 = arith.cmpi slt, %add3A_570, %lt3A_571 : vector<16xi32>
        %shift_right_arithmetic3A_573 = arith.constant 12 : i32
        %shift_right_arithmetic3A_574 = vector.broadcast %shift_right_arithmetic3A_573 : i32 to vector<16xi32>
        %shift_right_arithmetic3A_575 = arith.shrsi %get3A_566, %shift_right_arithmetic3A_574 : vector<16xi32>
        %eq3A_576 = vector.broadcast %add3A_489 : i32 to vector<16xi32>
        %eq3A_577 = arith.cmpi eq, %shift_right_arithmetic3A_575, %eq3A_576 : vector<16xi32>
        %and3A_578 = arith.andi %lt3A_572, %eq3A_577 : vector<16xi1>
        %jit3A_579 = arith.constant 1 : i32
        %jit3A_580 = arith.constant 0 : i32
        %broadcast_in_dim3A_581 = vector.broadcast %jit3A_579 : i32 to vector<16xi32>
        %broadcast_in_dim3A_582 = vector.broadcast %jit3A_580 : i32 to vector<16xi32>
        %select_n3A_583 = arith.select %and3A_578, %broadcast_in_dim3A_581, %broadcast_in_dim3A_582 : vector<16xi1>, vector<16xi32>
        %broadcast_in_dim3A_584 = arith.constant true
        %broadcast_in_dim3A_585 = vector.broadcast %broadcast_in_dim3A_584 : i1 to vector<16xi1>
        %masked_cumsum3A_586 = tpu.scan <sum>, %select_n3A_583 masked %broadcast_in_dim3A_585 : vector<16xi32>, vector<16xi1> -> vector<16xi32>
        %all_reduce_population_count3A = tpu.all_reduce %and3A_578 {dim = 0 : i64, kind = #tpu.reduction_kind<sum>} : vector<16xi1> -> vector<16xi32>
        %add3A_587 = arith.addi %while3A_562, %masked_cumsum3A_586 : vector<16xi32>
        %sub3A_588 = arith.constant 1 : i32
        %sub3A_589 = vector.broadcast %sub3A_588 : i32 to vector<16xi32>
        %sub3A_590 = arith.subi %add3A_587, %sub3A_589 : vector<16xi32>
        %and3A_591 = arith.constant 4095 : i32
        %and3A_592 = vector.broadcast %and3A_591 : i32 to vector<16xi32>
        %and3A_593 = arith.andi %get3A_566, %and3A_592 : vector<16xi32>
        tpu.vector_store_idx %arg12[%sub3A_590], %and3A_593 masked %and3A_578 : memref<4096xi32, #tpu.memory_space<vmem>>[vector<16xi32>], vector<16xi32>, vector<16xi1>
        %add3A_594 = arith.addi %while3A_562, %all_reduce_population_count3A : vector<16xi32>
        scf.yield %add3A_594 : vector<16xi32>
      }
      %reduce_max3A_523 = arith.constant true
      %reduce_max3A_524 = vector.broadcast %reduce_max3A_523 : i1 to vector<16xi1>
      %reduce_max3A_525 = arith.constant -2147483648 : i32
      %reduce_max3A_526 = vector.broadcast %reduce_max3A_525 : i32 to vector<16xi32>
      %reduce_max3A_527 = arith.xori %while3A_522, %reduce_max3A_526 : vector<16xi32>
      %reduce_max3A_528 = tpu.scan <max>, %reduce_max3A_527 masked %reduce_max3A_524 : vector<16xi32>, vector<16xi1> -> vector<16xi32>
      %reduce_max3A_529 = arith.xori %reduce_max3A_528, %reduce_max3A_526 : vector<16xi32>
      %reduce_max3A_530 = vector.extract %reduce_max3A_529[15] : i32 from vector<16xi32>
      %le3A_531 = arith.constant 16 : i32
      %le3A_532 = arith.cmpi sle, %reduce_max3A_530, %le3A_531 : i32
      %convert_element_type3A_533 = arith.extui %le3A_532 : i1 to i32
      %cond3A_534 = arith.constant 0 : i32
      %cond3A_535 = arith.constant 0 : i32
      %cond3A_536 = arith.cmpi ne, %convert_element_type3A_533, %cond3A_535 : i32
      %cond3A_537 = scf.if %cond3A_536 -> (i32) {
        %get3A_561 = arith.constant 0 : index
        %get3A_562 = tpu.vector_load %arg12[%get3A_561] {strides = array<i32>} : memref<4096xi32, #tpu.memory_space<vmem>>, vector<16xi32>,
        %masked_sort3A = arith.constant dense<true> : vector<16xi1>
        %masked_sort3A_563 = arith.constant -2147483648 : i32
        %masked_sort3A_564 = vector.broadcast %masked_sort3A_563 : i32 to vector<16xi32>
        %masked_sort3A_565 = arith.xori %get3A_562, %masked_sort3A_564 : vector<16xi32>
        %masked_sort3A_566, %masked_sort3A_567, %masked_sort3A_568 = tpu.sort %masked_sort3A_565, %get3A_562 masked %masked_sort3A {descending = true} : (vector<16xi32>, vector<16xi32>, vector<16xi1>) -> (vector<16xi1>, vector<16xi32>, vector<16xi32>)
        %masked_sort3A_569 = arith.xori %masked_sort3A_567, %masked_sort3A_564 : vector<16xi32>
        %sub3A_570 = arith.constant 1 : i32
        %sub3A_571 = arith.subi %sub3A_511, %sub3A_570 : i32
        %eq3A_572 = vector.broadcast %sub3A_571 : i32 to vector<16xi32>
        %eq3A_573 = arith.cmpi eq, %iota3A, %eq3A_572 : vector<16xi32>
        %jit3A_574 = arith.constant 0 : i32
        %broadcast_in_dim3A_575 = vector.broadcast %jit3A_574 : i32 to vector<16xi32>
        %select_n3A_576 = arith.select %eq3A_573, %masked_sort3A_569, %broadcast_in_dim3A_575 : vector<16xi1>, vector<16xi32>
        %reduce_sum3A_577 = arith.constant true
        %reduce_sum3A_578 = vector.broadcast %reduce_sum3A_577 : i1 to vector<16xi1>
        %reduce_sum3A_579 = tpu.scan <sum>, %select_n3A_576 masked %reduce_sum3A_578 : vector<16xi32>, vector<16xi1> -> vector<16xi32>
        %reduce_sum3A_580 = vector.extract %reduce_sum3A_579[15] : i32 from vector<16xi32>
        scf.yield %reduce_sum3A_580 : i32
      } else {
        %add3A_561 = arith.constant 15 : i32
        %add3A_562 = arith.addi %reduce_max3A_530, %add3A_561 : i32
        %div3A_563 = arith.constant 16 : i32
        %div3A_564 = arith.divsi %add3A_562, %div3A_563 : i32
        %or3A_565 = arith.constant 0 : i32
        %or3A_566 = arith.constant 2048 : i32
        %or3A_567 = arith.ori %or3A_565, %or3A_566 : i32
        %while3A_568 = arith.constant 0 : i32
        %while3A_569 = arith.subi %div3A_447, %while3A_568 : i32
        %while3A_570 = arith.addi %while3A_568, %while3A_569 : i32
        %while3A_571 = arith.constant 1 : i32
        %while3A_572 = arith.divsi %while3A_569, %while3A_571 : i32
        %while3A_573 = arith.muli %while3A_572, %while3A_571 : i32
        %while3A_574 = arith.addi %while3A_568, %while3A_573 : i32
        %while3A_575 = arith.constant 1 : i32
        %while3A_576 = scf.for %while3A_795 = %while3A_568 to %while3A_574 step %while3A_575 iter_args(%while3A_796 = %broadcast_in_dim3A_3) -> (vector<16xi32>)  : i32 {
          %mul3A_797 = arith.constant 16 : i32
          %mul3A_798 = arith.muli %while3A_795, %mul3A_797 : i32
          %get3A_799 = arith.index_cast %mul3A_798 : i32 to index
          %get3A_800 = tpu.vector_load %arg11[%get3A_799] {strides = array<i32>} : memref<4096xi32, #tpu.memory_space<vmem>>, vector<16xi32>,
          %mul3A_801 = arith.constant 16 : i32
          %mul3A_802 = arith.muli %while3A_795, %mul3A_801 : i32
          %add3A_803 = vector.broadcast %mul3A_802 : i32 to vector<16xi32>
          %add3A_804 = arith.addi %iota3A, %add3A_803 : vector<16xi32>
          %lt3A_805 = vector.broadcast %reduce_max3A_443 : i32 to vector<16xi32>
          %lt3A_806 = arith.cmpi slt, %add3A_804, %lt3A_805 : vector<16xi32>
          %shift_right_arithmetic3A_807 = arith.constant 12 : i32
          %shift_right_arithmetic3A_808 = vector.broadcast %shift_right_arithmetic3A_807 : i32 to vector<16xi32>
          %shift_right_arithmetic3A_809 = arith.shrsi %get3A_800, %shift_right_arithmetic3A_808 : vector<16xi32>
          %eq3A_810 = vector.broadcast %add3A_489 : i32 to vector<16xi32>
          %eq3A_811 = arith.cmpi eq, %shift_right_arithmetic3A_809, %eq3A_810 : vector<16xi32>
          %and3A_812 = arith.andi %lt3A_806, %eq3A_811 : vector<16xi1>
          %and3A_813 = arith.constant 4095 : i32
          %and3A_814 = vector.broadcast %and3A_813 : i32 to vector<16xi32>
          %and3A_815 = arith.andi %get3A_800, %and3A_814 : vector<16xi32>
          %ge3A_816 = vector.broadcast %or3A_567 : i32 to vector<16xi32>
          %ge3A_817 = arith.cmpi sge, %and3A_815, %ge3A_816 : vector<16xi32>
          %and3A_818 = arith.andi %and3A_812, %ge3A_817 : vector<16xi1>
          %jit3A_819 = arith.constant 1 : i32
          %jit3A_820 = arith.constant 0 : i32
          %broadcast_in_dim3A_821 = vector.broadcast %jit3A_819 : i32 to vector<16xi32>
          %broadcast_in_dim3A_822 = vector.broadcast %jit3A_820 : i32 to vector<16xi32>
          %select_n3A_823 = arith.select %and3A_818, %broadcast_in_dim3A_821, %broadcast_in_dim3A_822 : vector<16xi1>, vector<16xi32>
          %add3A_824 = arith.addi %while3A_796, %select_n3A_823 : vector<16xi32>
          scf.yield %add3A_824 : vector<16xi32>
        }
        %while3A_577 = arith.constant 1 : i32
        %while3A_578 = scf.for %while3A_795 = %while3A_574 to %while3A_570 step %while3A_577 iter_args(%while3A_796 = %while3A_576) -> (vector<16xi32>)  : i32 {
          %mul3A_797 = arith.constant 16 : i32
          %mul3A_798 = arith.muli %while3A_795, %mul3A_797 : i32
          %get3A_799 = arith.index_cast %mul3A_798 : i32 to index
          %get3A_800 = tpu.vector_load %arg11[%get3A_799] {strides = array<i32>} : memref<4096xi32, #tpu.memory_space<vmem>>, vector<16xi32>,
          %mul3A_801 = arith.constant 16 : i32
          %mul3A_802 = arith.muli %while3A_795, %mul3A_801 : i32
          %add3A_803 = vector.broadcast %mul3A_802 : i32 to vector<16xi32>
          %add3A_804 = arith.addi %iota3A, %add3A_803 : vector<16xi32>
          %lt3A_805 = vector.broadcast %reduce_max3A_443 : i32 to vector<16xi32>
          %lt3A_806 = arith.cmpi slt, %add3A_804, %lt3A_805 : vector<16xi32>
          %shift_right_arithmetic3A_807 = arith.constant 12 : i32
          %shift_right_arithmetic3A_808 = vector.broadcast %shift_right_arithmetic3A_807 : i32 to vector<16xi32>
          %shift_right_arithmetic3A_809 = arith.shrsi %get3A_800, %shift_right_arithmetic3A_808 : vector<16xi32>
          %eq3A_810 = vector.broadcast %add3A_489 : i32 to vector<16xi32>
          %eq3A_811 = arith.cmpi eq, %shift_right_arithmetic3A_809, %eq3A_810 : vector<16xi32>
          %and3A_812 = arith.andi %lt3A_806, %eq3A_811 : vector<16xi1>
          %and3A_813 = arith.constant 4095 : i32
          %and3A_814 = vector.broadcast %and3A_813 : i32 to vector<16xi32>
          %and3A_815 = arith.andi %get3A_800, %and3A_814 : vector<16xi32>
          %ge3A_816 = vector.broadcast %or3A_567 : i32 to vector<16xi32>
          %ge3A_817 = arith.cmpi sge, %and3A_815, %ge3A_816 : vector<16xi32>
          %and3A_818 = arith.andi %and3A_812, %ge3A_817 : vector<16xi1>
          %jit3A_819 = arith.constant 1 : i32
          %jit3A_820 = arith.constant 0 : i32
          %broadcast_in_dim3A_821 = vector.broadcast %jit3A_819 : i32 to vector<16xi32>
          %broadcast_in_dim3A_822 = vector.broadcast %jit3A_820 : i32 to vector<16xi32>
          %select_n3A_823 = arith.select %and3A_818, %broadcast_in_dim3A_821, %broadcast_in_dim3A_822 : vector<16xi1>, vector<16xi32>
          %add3A_824 = arith.addi %while3A_796, %select_n3A_823 : vector<16xi32>
          scf.yield %add3A_824 : vector<16xi32>
        }
        %reduce_sum3A_579 = arith.constant true
        %reduce_sum3A_580 = vector.broadcast %reduce_sum3A_579 : i1 to vector<16xi1>
        %reduce_sum3A_581 = tpu.scan <sum>, %while3A_578 masked %reduce_sum3A_580 : vector<16xi32>, vector<16xi1> -> vector<16xi32>
        %reduce_sum3A_582 = vector.extract %reduce_sum3A_581[15] : i32 from vector<16xi32>
        %ge3A_583 = arith.cmpi sge, %reduce_sum3A_582, %sub3A_511 : i32
        %jit3A_584 = arith.constant 0 : i32
        %select_n3A_585 = arith.select %ge3A_583, %or3A_567, %jit3A_584 : i32
        %or3A_586 = arith.constant 1024 : i32
        %or3A_587 = arith.ori %select_n3A_585, %or3A_586 : i32
        %while3A_588 = arith.constant 0 : i32
        %while3A_589 = arith.subi %div3A_447, %while3A_588 : i32
        %while3A_590 = arith.addi %while3A_588, %while3A_589 : i32
        %while3A_591 = arith.constant 1 : i32
        %while3A_592 = arith.divsi %while3A_589, %while3A_591 : i32
        %while3A_593 = arith.muli %while3A_592, %while3A_591 : i32
        %while3A_594 = arith.addi %while3A_588, %while3A_593 : i32
        %while3A_595 = arith.constant 1 : i32
        %while3A_596 = scf.for %while3A_795 = %while3A_588 to %while3A_594 step %while3A_595 iter_args(%while3A_796 = %broadcast_in_dim3A_3) -> (vector<16xi32>)  : i32 {
          %mul3A_797 = arith.constant 16 : i32
          %mul3A_798 = arith.muli %while3A_795, %mul3A_797 : i32
          %get3A_799 = arith.index_cast %mul3A_798 : i32 to index
          %get3A_800 = tpu.vector_load %arg11[%get3A_799] {strides = array<i32>} : memref<4096xi32, #tpu.memory_space<vmem>>, vector<16xi32>,
          %mul3A_801 = arith.constant 16 : i32
          %mul3A_802 = arith.muli %while3A_795, %mul3A_801 : i32
          %add3A_803 = vector.broadcast %mul3A_802 : i32 to vector<16xi32>
          %add3A_804 = arith.addi %iota3A, %add3A_803 : vector<16xi32>
          %lt3A_805 = vector.broadcast %reduce_max3A_443 : i32 to vector<16xi32>
          %lt3A_806 = arith.cmpi slt, %add3A_804, %lt3A_805 : vector<16xi32>
          %shift_right_arithmetic3A_807 = arith.constant 12 : i32
          %shift_right_arithmetic3A_808 = vector.broadcast %shift_right_arithmetic3A_807 : i32 to vector<16xi32>
          %shift_right_arithmetic3A_809 = arith.shrsi %get3A_800, %shift_right_arithmetic3A_808 : vector<16xi32>
          %eq3A_810 = vector.broadcast %add3A_489 : i32 to vector<16xi32>
          %eq3A_811 = arith.cmpi eq, %shift_right_arithmetic3A_809, %eq3A_810 : vector<16xi32>
          %and3A_812 = arith.andi %lt3A_806, %eq3A_811 : vector<16xi1>
          %and3A_813 = arith.constant 4095 : i32
          %and3A_814 = vector.broadcast %and3A_813 : i32 to vector<16xi32>
          %and3A_815 = arith.andi %get3A_800, %and3A_814 : vector<16xi32>
          %ge3A_816 = vector.broadcast %or3A_587 : i32 to vector<16xi32>
          %ge3A_817 = arith.cmpi sge, %and3A_815, %ge3A_816 : vector<16xi32>
          %and3A_818 = arith.andi %and3A_812, %ge3A_817 : vector<16xi1>
          %jit3A_819 = arith.constant 1 : i32
          %jit3A_820 = arith.constant 0 : i32
          %broadcast_in_dim3A_821 = vector.broadcast %jit3A_819 : i32 to vector<16xi32>
          %broadcast_in_dim3A_822 = vector.broadcast %jit3A_820 : i32 to vector<16xi32>
          %select_n3A_823 = arith.select %and3A_818, %broadcast_in_dim3A_821, %broadcast_in_dim3A_822 : vector<16xi1>, vector<16xi32>
          %add3A_824 = arith.addi %while3A_796, %select_n3A_823 : vector<16xi32>
          scf.yield %add3A_824 : vector<16xi32>
        }
        %while3A_597 = arith.constant 1 : i32
        %while3A_598 = scf.for %while3A_795 = %while3A_594 to %while3A_590 step %while3A_597 iter_args(%while3A_796 = %while3A_596) -> (vector<16xi32>)  : i32 {
          %mul3A_797 = arith.constant 16 : i32
          %mul3A_798 = arith.muli %while3A_795, %mul3A_797 : i32
          %get3A_799 = arith.index_cast %mul3A_798 : i32 to index
          %get3A_800 = tpu.vector_load %arg11[%get3A_799] {strides = array<i32>} : memref<4096xi32, #tpu.memory_space<vmem>>, vector<16xi32>,
          %mul3A_801 = arith.constant 16 : i32
          %mul3A_802 = arith.muli %while3A_795, %mul3A_801 : i32
          %add3A_803 = vector.broadcast %mul3A_802 : i32 to vector<16xi32>
          %add3A_804 = arith.addi %iota3A, %add3A_803 : vector<16xi32>
          %lt3A_805 = vector.broadcast %reduce_max3A_443 : i32 to vector<16xi32>
          %lt3A_806 = arith.cmpi slt, %add3A_804, %lt3A_805 : vector<16xi32>
          %shift_right_arithmetic3A_807 = arith.constant 12 : i32
          %shift_right_arithmetic3A_808 = vector.broadcast %shift_right_arithmetic3A_807 : i32 to vector<16xi32>
          %shift_right_arithmetic3A_809 = arith.shrsi %get3A_800, %shift_right_arithmetic3A_808 : vector<16xi32>
          %eq3A_810 = vector.broadcast %add3A_489 : i32 to vector<16xi32>
          %eq3A_811 = arith.cmpi eq, %shift_right_arithmetic3A_809, %eq3A_810 : vector<16xi32>
          %and3A_812 = arith.andi %lt3A_806, %eq3A_811 : vector<16xi1>
          %and3A_813 = arith.constant 4095 : i32
          %and3A_814 = vector.broadcast %and3A_813 : i32 to vector<16xi32>
          %and3A_815 = arith.andi %get3A_800, %and3A_814 : vector<16xi32>
          %ge3A_816 = vector.broadcast %or3A_587 : i32 to vector<16xi32>
          %ge3A_817 = arith.cmpi sge, %and3A_815, %ge3A_816 : vector<16xi32>
          %and3A_818 = arith.andi %and3A_812, %ge3A_817 : vector<16xi1>
          %jit3A_819 = arith.constant 1 : i32
          %jit3A_820 = arith.constant 0 : i32
          %broadcast_in_dim3A_821 = vector.broadcast %jit3A_819 : i32 to vector<16xi32>
          %broadcast_in_dim3A_822 = vector.broadcast %jit3A_820 : i32 to vector<16xi32>
          %select_n3A_823 = arith.select %and3A_818, %broadcast_in_dim3A_821, %broadcast_in_dim3A_822 : vector<16xi1>, vector<16xi32>
          %add3A_824 = arith.addi %while3A_796, %select_n3A_823 : vector<16xi32>
          scf.yield %add3A_824 : vector<16xi32>
        }
        %reduce_sum3A_599 = arith.constant true
        %reduce_sum3A_600 = vector.broadcast %reduce_sum3A_599 : i1 to vector<16xi1>
        %reduce_sum3A_601 = tpu.scan <sum>, %while3A_598 masked %reduce_sum3A_600 : vector<16xi32>, vector<16xi1> -> vector<16xi32>
        %reduce_sum3A_602 = vector.extract %reduce_sum3A_601[15] : i32 from vector<16xi32>
        %ge3A_603 = arith.cmpi sge, %reduce_sum3A_602, %sub3A_511 : i32
        %select_n3A_604 = arith.select %ge3A_603, %or3A_587, %select_n3A_585 : i32
        %or3A_605 = arith.constant 512 : i32
        %or3A_606 = arith.ori %select_n3A_604, %or3A_605 : i32
        %while3A_607 = arith.constant 0 : i32
        %while3A_608 = arith.subi %div3A_447, %while3A_607 : i32
        %while3A_609 = arith.addi %while3A_607, %while3A_608 : i32
        %while3A_610 = arith.constant 1 : i32
        %while3A_611 = arith.divsi %while3A_608, %while3A_610 : i32
        %while3A_612 = arith.muli %while3A_611, %while3A_610 : i32
        %while3A_613 = arith.addi %while3A_607, %while3A_612 : i32
        %while3A_614 = arith.constant 1 : i32
        %while3A_615 = scf.for %while3A_795 = %while3A_607 to %while3A_613 step %while3A_614 iter_args(%while3A_796 = %broadcast_in_dim3A_3) -> (vector<16xi32>)  : i32 {
          %mul3A_797 = arith.constant 16 : i32
          %mul3A_798 = arith.muli %while3A_795, %mul3A_797 : i32
          %get3A_799 = arith.index_cast %mul3A_798 : i32 to index
          %get3A_800 = tpu.vector_load %arg11[%get3A_799] {strides = array<i32>} : memref<4096xi32, #tpu.memory_space<vmem>>, vector<16xi32>,
          %mul3A_801 = arith.constant 16 : i32
          %mul3A_802 = arith.muli %while3A_795, %mul3A_801 : i32
          %add3A_803 = vector.broadcast %mul3A_802 : i32 to vector<16xi32>
          %add3A_804 = arith.addi %iota3A, %add3A_803 : vector<16xi32>
          %lt3A_805 = vector.broadcast %reduce_max3A_443 : i32 to vector<16xi32>
          %lt3A_806 = arith.cmpi slt, %add3A_804, %lt3A_805 : vector<16xi32>
          %shift_right_arithmetic3A_807 = arith.constant 12 : i32
          %shift_right_arithmetic3A_808 = vector.broadcast %shift_right_arithmetic3A_807 : i32 to vector<16xi32>
          %shift_right_arithmetic3A_809 = arith.shrsi %get3A_800, %shift_right_arithmetic3A_808 : vector<16xi32>
          %eq3A_810 = vector.broadcast %add3A_489 : i32 to vector<16xi32>
          %eq3A_811 = arith.cmpi eq, %shift_right_arithmetic3A_809, %eq3A_810 : vector<16xi32>
          %and3A_812 = arith.andi %lt3A_806, %eq3A_811 : vector<16xi1>
          %and3A_813 = arith.constant 4095 : i32
          %and3A_814 = vector.broadcast %and3A_813 : i32 to vector<16xi32>
          %and3A_815 = arith.andi %get3A_800, %and3A_814 : vector<16xi32>
          %ge3A_816 = vector.broadcast %or3A_606 : i32 to vector<16xi32>
          %ge3A_817 = arith.cmpi sge, %and3A_815, %ge3A_816 : vector<16xi32>
          %and3A_818 = arith.andi %and3A_812, %ge3A_817 : vector<16xi1>
          %jit3A_819 = arith.constant 1 : i32
          %jit3A_820 = arith.constant 0 : i32
          %broadcast_in_dim3A_821 = vector.broadcast %jit3A_819 : i32 to vector<16xi32>
          %broadcast_in_dim3A_822 = vector.broadcast %jit3A_820 : i32 to vector<16xi32>
          %select_n3A_823 = arith.select %and3A_818, %broadcast_in_dim3A_821, %broadcast_in_dim3A_822 : vector<16xi1>, vector<16xi32>
          %add3A_824 = arith.addi %while3A_796, %select_n3A_823 : vector<16xi32>
          scf.yield %add3A_824 : vector<16xi32>
        }
        %while3A_616 = arith.constant 1 : i32
        %while3A_617 = scf.for %while3A_795 = %while3A_613 to %while3A_609 step %while3A_616 iter_args(%while3A_796 = %while3A_615) -> (vector<16xi32>)  : i32 {
          %mul3A_797 = arith.constant 16 : i32
          %mul3A_798 = arith.muli %while3A_795, %mul3A_797 : i32
          %get3A_799 = arith.index_cast %mul3A_798 : i32 to index
          %get3A_800 = tpu.vector_load %arg11[%get3A_799] {strides = array<i32>} : memref<4096xi32, #tpu.memory_space<vmem>>, vector<16xi32>,
          %mul3A_801 = arith.constant 16 : i32
          %mul3A_802 = arith.muli %while3A_795, %mul3A_801 : i32
          %add3A_803 = vector.broadcast %mul3A_802 : i32 to vector<16xi32>
          %add3A_804 = arith.addi %iota3A, %add3A_803 : vector<16xi32>
          %lt3A_805 = vector.broadcast %reduce_max3A_443 : i32 to vector<16xi32>
          %lt3A_806 = arith.cmpi slt, %add3A_804, %lt3A_805 : vector<16xi32>
          %shift_right_arithmetic3A_807 = arith.constant 12 : i32
          %shift_right_arithmetic3A_808 = vector.broadcast %shift_right_arithmetic3A_807 : i32 to vector<16xi32>
          %shift_right_arithmetic3A_809 = arith.shrsi %get3A_800, %shift_right_arithmetic3A_808 : vector<16xi32>
          %eq3A_810 = vector.broadcast %add3A_489 : i32 to vector<16xi32>
          %eq3A_811 = arith.cmpi eq, %shift_right_arithmetic3A_809, %eq3A_810 : vector<16xi32>
          %and3A_812 = arith.andi %lt3A_806, %eq3A_811 : vector<16xi1>
          %and3A_813 = arith.constant 4095 : i32
          %and3A_814 = vector.broadcast %and3A_813 : i32 to vector<16xi32>
          %and3A_815 = arith.andi %get3A_800, %and3A_814 : vector<16xi32>
          %ge3A_816 = vector.broadcast %or3A_606 : i32 to vector<16xi32>
          %ge3A_817 = arith.cmpi sge, %and3A_815, %ge3A_816 : vector<16xi32>
          %and3A_818 = arith.andi %and3A_812, %ge3A_817 : vector<16xi1>
          %jit3A_819 = arith.constant 1 : i32
          %jit3A_820 = arith.constant 0 : i32
          %broadcast_in_dim3A_821 = vector.broadcast %jit3A_819 : i32 to vector<16xi32>
          %broadcast_in_dim3A_822 = vector.broadcast %jit3A_820 : i32 to vector<16xi32>
          %select_n3A_823 = arith.select %and3A_818, %broadcast_in_dim3A_821, %broadcast_in_dim3A_822 : vector<16xi1>, vector<16xi32>
          %add3A_824 = arith.addi %while3A_796, %select_n3A_823 : vector<16xi32>
          scf.yield %add3A_824 : vector<16xi32>
        }
        %reduce_sum3A_618 = arith.constant true
        %reduce_sum3A_619 = vector.broadcast %reduce_sum3A_618 : i1 to vector<16xi1>
        %reduce_sum3A_620 = tpu.scan <sum>, %while3A_617 masked %reduce_sum3A_619 : vector<16xi32>, vector<16xi1> -> vector<16xi32>
        %reduce_sum3A_621 = vector.extract %reduce_sum3A_620[15] : i32 from vector<16xi32>
        %ge3A_622 = arith.cmpi sge, %reduce_sum3A_621, %sub3A_511 : i32
        %select_n3A_623 = arith.select %ge3A_622, %or3A_606, %select_n3A_604 : i32
        %or3A_624 = arith.constant 256 : i32
        %or3A_625 = arith.ori %select_n3A_623, %or3A_624 : i32
        %while3A_626 = arith.constant 0 : i32
        %while3A_627 = arith.subi %div3A_447, %while3A_626 : i32
        %while3A_628 = arith.addi %while3A_626, %while3A_627 : i32
        %while3A_629 = arith.constant 1 : i32
        %while3A_630 = arith.divsi %while3A_627, %while3A_629 : i32
        %while3A_631 = arith.muli %while3A_630, %while3A_629 : i32
        %while3A_632 = arith.addi %while3A_626, %while3A_631 : i32
        %while3A_633 = arith.constant 1 : i32
        %while3A_634 = scf.for %while3A_795 = %while3A_626 to %while3A_632 step %while3A_633 iter_args(%while3A_796 = %broadcast_in_dim3A_3) -> (vector<16xi32>)  : i32 {
          %mul3A_797 = arith.constant 16 : i32
          %mul3A_798 = arith.muli %while3A_795, %mul3A_797 : i32
          %get3A_799 = arith.index_cast %mul3A_798 : i32 to index
          %get3A_800 = tpu.vector_load %arg11[%get3A_799] {strides = array<i32>} : memref<4096xi32, #tpu.memory_space<vmem>>, vector<16xi32>,
          %mul3A_801 = arith.constant 16 : i32
          %mul3A_802 = arith.muli %while3A_795, %mul3A_801 : i32
          %add3A_803 = vector.broadcast %mul3A_802 : i32 to vector<16xi32>
          %add3A_804 = arith.addi %iota3A, %add3A_803 : vector<16xi32>
          %lt3A_805 = vector.broadcast %reduce_max3A_443 : i32 to vector<16xi32>
          %lt3A_806 = arith.cmpi slt, %add3A_804, %lt3A_805 : vector<16xi32>
          %shift_right_arithmetic3A_807 = arith.constant 12 : i32
          %shift_right_arithmetic3A_808 = vector.broadcast %shift_right_arithmetic3A_807 : i32 to vector<16xi32>
          %shift_right_arithmetic3A_809 = arith.shrsi %get3A_800, %shift_right_arithmetic3A_808 : vector<16xi32>
          %eq3A_810 = vector.broadcast %add3A_489 : i32 to vector<16xi32>
          %eq3A_811 = arith.cmpi eq, %shift_right_arithmetic3A_809, %eq3A_810 : vector<16xi32>
          %and3A_812 = arith.andi %lt3A_806, %eq3A_811 : vector<16xi1>
          %and3A_813 = arith.constant 4095 : i32
          %and3A_814 = vector.broadcast %and3A_813 : i32 to vector<16xi32>
          %and3A_815 = arith.andi %get3A_800, %and3A_814 : vector<16xi32>
          %ge3A_816 = vector.broadcast %or3A_625 : i32 to vector<16xi32>
          %ge3A_817 = arith.cmpi sge, %and3A_815, %ge3A_816 : vector<16xi32>
          %and3A_818 = arith.andi %and3A_812, %ge3A_817 : vector<16xi1>
          %jit3A_819 = arith.constant 1 : i32
          %jit3A_820 = arith.constant 0 : i32
          %broadcast_in_dim3A_821 = vector.broadcast %jit3A_819 : i32 to vector<16xi32>
          %broadcast_in_dim3A_822 = vector.broadcast %jit3A_820 : i32 to vector<16xi32>
          %select_n3A_823 = arith.select %and3A_818, %broadcast_in_dim3A_821, %broadcast_in_dim3A_822 : vector<16xi1>, vector<16xi32>
          %add3A_824 = arith.addi %while3A_796, %select_n3A_823 : vector<16xi32>
          scf.yield %add3A_824 : vector<16xi32>
        }
        %while3A_635 = arith.constant 1 : i32
        %while3A_636 = scf.for %while3A_795 = %while3A_632 to %while3A_628 step %while3A_635 iter_args(%while3A_796 = %while3A_634) -> (vector<16xi32>)  : i32 {
          %mul3A_797 = arith.constant 16 : i32
          %mul3A_798 = arith.muli %while3A_795, %mul3A_797 : i32
          %get3A_799 = arith.index_cast %mul3A_798 : i32 to index
          %get3A_800 = tpu.vector_load %arg11[%get3A_799] {strides = array<i32>} : memref<4096xi32, #tpu.memory_space<vmem>>, vector<16xi32>,
          %mul3A_801 = arith.constant 16 : i32
          %mul3A_802 = arith.muli %while3A_795, %mul3A_801 : i32
          %add3A_803 = vector.broadcast %mul3A_802 : i32 to vector<16xi32>
          %add3A_804 = arith.addi %iota3A, %add3A_803 : vector<16xi32>
          %lt3A_805 = vector.broadcast %reduce_max3A_443 : i32 to vector<16xi32>
          %lt3A_806 = arith.cmpi slt, %add3A_804, %lt3A_805 : vector<16xi32>
          %shift_right_arithmetic3A_807 = arith.constant 12 : i32
          %shift_right_arithmetic3A_808 = vector.broadcast %shift_right_arithmetic3A_807 : i32 to vector<16xi32>
          %shift_right_arithmetic3A_809 = arith.shrsi %get3A_800, %shift_right_arithmetic3A_808 : vector<16xi32>
          %eq3A_810 = vector.broadcast %add3A_489 : i32 to vector<16xi32>
          %eq3A_811 = arith.cmpi eq, %shift_right_arithmetic3A_809, %eq3A_810 : vector<16xi32>
          %and3A_812 = arith.andi %lt3A_806, %eq3A_811 : vector<16xi1>
          %and3A_813 = arith.constant 4095 : i32
          %and3A_814 = vector.broadcast %and3A_813 : i32 to vector<16xi32>
          %and3A_815 = arith.andi %get3A_800, %and3A_814 : vector<16xi32>
          %ge3A_816 = vector.broadcast %or3A_625 : i32 to vector<16xi32>
          %ge3A_817 = arith.cmpi sge, %and3A_815, %ge3A_816 : vector<16xi32>
          %and3A_818 = arith.andi %and3A_812, %ge3A_817 : vector<16xi1>
          %jit3A_819 = arith.constant 1 : i32
          %jit3A_820 = arith.constant 0 : i32
          %broadcast_in_dim3A_821 = vector.broadcast %jit3A_819 : i32 to vector<16xi32>
          %broadcast_in_dim3A_822 = vector.broadcast %jit3A_820 : i32 to vector<16xi32>
          %select_n3A_823 = arith.select %and3A_818, %broadcast_in_dim3A_821, %broadcast_in_dim3A_822 : vector<16xi1>, vector<16xi32>
          %add3A_824 = arith.addi %while3A_796, %select_n3A_823 : vector<16xi32>
          scf.yield %add3A_824 : vector<16xi32>
        }
        %reduce_sum3A_637 = arith.constant true
        %reduce_sum3A_638 = vector.broadcast %reduce_sum3A_637 : i1 to vector<16xi1>
        %reduce_sum3A_639 = tpu.scan <sum>, %while3A_636 masked %reduce_sum3A_638 : vector<16xi32>, vector<16xi1> -> vector<16xi32>
        %reduce_sum3A_640 = vector.extract %reduce_sum3A_639[15] : i32 from vector<16xi32>
        %ge3A_641 = arith.cmpi sge, %reduce_sum3A_640, %sub3A_511 : i32
        %select_n3A_642 = arith.select %ge3A_641, %or3A_625, %select_n3A_623 : i32
        %or3A_643 = arith.constant 128 : i32
        %or3A_644 = arith.ori %select_n3A_642, %or3A_643 : i32
        %while3A_645 = arith.constant 0 : i32
        %while3A_646 = arith.subi %div3A_447, %while3A_645 : i32
        %while3A_647 = arith.addi %while3A_645, %while3A_646 : i32
        %while3A_648 = arith.constant 1 : i32
        %while3A_649 = arith.divsi %while3A_646, %while3A_648 : i32
        %while3A_650 = arith.muli %while3A_649, %while3A_648 : i32
        %while3A_651 = arith.addi %while3A_645, %while3A_650 : i32
        %while3A_652 = arith.constant 1 : i32
        %while3A_653 = scf.for %while3A_795 = %while3A_645 to %while3A_651 step %while3A_652 iter_args(%while3A_796 = %broadcast_in_dim3A_3) -> (vector<16xi32>)  : i32 {
          %mul3A_797 = arith.constant 16 : i32
          %mul3A_798 = arith.muli %while3A_795, %mul3A_797 : i32
          %get3A_799 = arith.index_cast %mul3A_798 : i32 to index
          %get3A_800 = tpu.vector_load %arg11[%get3A_799] {strides = array<i32>} : memref<4096xi32, #tpu.memory_space<vmem>>, vector<16xi32>,
          %mul3A_801 = arith.constant 16 : i32
          %mul3A_802 = arith.muli %while3A_795, %mul3A_801 : i32
          %add3A_803 = vector.broadcast %mul3A_802 : i32 to vector<16xi32>
          %add3A_804 = arith.addi %iota3A, %add3A_803 : vector<16xi32>
          %lt3A_805 = vector.broadcast %reduce_max3A_443 : i32 to vector<16xi32>
          %lt3A_806 = arith.cmpi slt, %add3A_804, %lt3A_805 : vector<16xi32>
          %shift_right_arithmetic3A_807 = arith.constant 12 : i32
          %shift_right_arithmetic3A_808 = vector.broadcast %shift_right_arithmetic3A_807 : i32 to vector<16xi32>
          %shift_right_arithmetic3A_809 = arith.shrsi %get3A_800, %shift_right_arithmetic3A_808 : vector<16xi32>
          %eq3A_810 = vector.broadcast %add3A_489 : i32 to vector<16xi32>
          %eq3A_811 = arith.cmpi eq, %shift_right_arithmetic3A_809, %eq3A_810 : vector<16xi32>
          %and3A_812 = arith.andi %lt3A_806, %eq3A_811 : vector<16xi1>
          %and3A_813 = arith.constant 4095 : i32
          %and3A_814 = vector.broadcast %and3A_813 : i32 to vector<16xi32>
          %and3A_815 = arith.andi %get3A_800, %and3A_814 : vector<16xi32>
          %ge3A_816 = vector.broadcast %or3A_644 : i32 to vector<16xi32>
          %ge3A_817 = arith.cmpi sge, %and3A_815, %ge3A_816 : vector<16xi32>
          %and3A_818 = arith.andi %and3A_812, %ge3A_817 : vector<16xi1>
          %jit3A_819 = arith.constant 1 : i32
          %jit3A_820 = arith.constant 0 : i32
          %broadcast_in_dim3A_821 = vector.broadcast %jit3A_819 : i32 to vector<16xi32>
          %broadcast_in_dim3A_822 = vector.broadcast %jit3A_820 : i32 to vector<16xi32>
          %select_n3A_823 = arith.select %and3A_818, %broadcast_in_dim3A_821, %broadcast_in_dim3A_822 : vector<16xi1>, vector<16xi32>
          %add3A_824 = arith.addi %while3A_796, %select_n3A_823 : vector<16xi32>
          scf.yield %add3A_824 : vector<16xi32>
        }
        %while3A_654 = arith.constant 1 : i32
        %while3A_655 = scf.for %while3A_795 = %while3A_651 to %while3A_647 step %while3A_654 iter_args(%while3A_796 = %while3A_653) -> (vector<16xi32>)  : i32 {
          %mul3A_797 = arith.constant 16 : i32
          %mul3A_798 = arith.muli %while3A_795, %mul3A_797 : i32
          %get3A_799 = arith.index_cast %mul3A_798 : i32 to index
          %get3A_800 = tpu.vector_load %arg11[%get3A_799] {strides = array<i32>} : memref<4096xi32, #tpu.memory_space<vmem>>, vector<16xi32>,
          %mul3A_801 = arith.constant 16 : i32
          %mul3A_802 = arith.muli %while3A_795, %mul3A_801 : i32
          %add3A_803 = vector.broadcast %mul3A_802 : i32 to vector<16xi32>
          %add3A_804 = arith.addi %iota3A, %add3A_803 : vector<16xi32>
          %lt3A_805 = vector.broadcast %reduce_max3A_443 : i32 to vector<16xi32>
          %lt3A_806 = arith.cmpi slt, %add3A_804, %lt3A_805 : vector<16xi32>
          %shift_right_arithmetic3A_807 = arith.constant 12 : i32
          %shift_right_arithmetic3A_808 = vector.broadcast %shift_right_arithmetic3A_807 : i32 to vector<16xi32>
          %shift_right_arithmetic3A_809 = arith.shrsi %get3A_800, %shift_right_arithmetic3A_808 : vector<16xi32>
          %eq3A_810 = vector.broadcast %add3A_489 : i32 to vector<16xi32>
          %eq3A_811 = arith.cmpi eq, %shift_right_arithmetic3A_809, %eq3A_810 : vector<16xi32>
          %and3A_812 = arith.andi %lt3A_806, %eq3A_811 : vector<16xi1>
          %and3A_813 = arith.constant 4095 : i32
          %and3A_814 = vector.broadcast %and3A_813 : i32 to vector<16xi32>
          %and3A_815 = arith.andi %get3A_800, %and3A_814 : vector<16xi32>
          %ge3A_816 = vector.broadcast %or3A_644 : i32 to vector<16xi32>
          %ge3A_817 = arith.cmpi sge, %and3A_815, %ge3A_816 : vector<16xi32>
          %and3A_818 = arith.andi %and3A_812, %ge3A_817 : vector<16xi1>
          %jit3A_819 = arith.constant 1 : i32
          %jit3A_820 = arith.constant 0 : i32
          %broadcast_in_dim3A_821 = vector.broadcast %jit3A_819 : i32 to vector<16xi32>
          %broadcast_in_dim3A_822 = vector.broadcast %jit3A_820 : i32 to vector<16xi32>
          %select_n3A_823 = arith.select %and3A_818, %broadcast_in_dim3A_821, %broadcast_in_dim3A_822 : vector<16xi1>, vector<16xi32>
          %add3A_824 = arith.addi %while3A_796, %select_n3A_823 : vector<16xi32>
          scf.yield %add3A_824 : vector<16xi32>
        }
        %reduce_sum3A_656 = arith.constant true
        %reduce_sum3A_657 = vector.broadcast %reduce_sum3A_656 : i1 to vector<16xi1>
        %reduce_sum3A_658 = tpu.scan <sum>, %while3A_655 masked %reduce_sum3A_657 : vector<16xi32>, vector<16xi1> -> vector<16xi32>
        %reduce_sum3A_659 = vector.extract %reduce_sum3A_658[15] : i32 from vector<16xi32>
        %ge3A_660 = arith.cmpi sge, %reduce_sum3A_659, %sub3A_511 : i32
        %select_n3A_661 = arith.select %ge3A_660, %or3A_644, %select_n3A_642 : i32
        %or3A_662 = arith.constant 64 : i32
        %or3A_663 = arith.ori %select_n3A_661, %or3A_662 : i32
        %while3A_664 = arith.constant 0 : i32
        %while3A_665 = arith.subi %div3A_447, %while3A_664 : i32
        %while3A_666 = arith.addi %while3A_664, %while3A_665 : i32
        %while3A_667 = arith.constant 1 : i32
        %while3A_668 = arith.divsi %while3A_665, %while3A_667 : i32
        %while3A_669 = arith.muli %while3A_668, %while3A_667 : i32
        %while3A_670 = arith.addi %while3A_664, %while3A_669 : i32
        %while3A_671 = arith.constant 1 : i32
        %while3A_672 = scf.for %while3A_795 = %while3A_664 to %while3A_670 step %while3A_671 iter_args(%while3A_796 = %broadcast_in_dim3A_3) -> (vector<16xi32>)  : i32 {
          %mul3A_797 = arith.constant 16 : i32
          %mul3A_798 = arith.muli %while3A_795, %mul3A_797 : i32
          %get3A_799 = arith.index_cast %mul3A_798 : i32 to index
          %get3A_800 = tpu.vector_load %arg11[%get3A_799] {strides = array<i32>} : memref<4096xi32, #tpu.memory_space<vmem>>, vector<16xi32>,
          %mul3A_801 = arith.constant 16 : i32
          %mul3A_802 = arith.muli %while3A_795, %mul3A_801 : i32
          %add3A_803 = vector.broadcast %mul3A_802 : i32 to vector<16xi32>
          %add3A_804 = arith.addi %iota3A, %add3A_803 : vector<16xi32>
          %lt3A_805 = vector.broadcast %reduce_max3A_443 : i32 to vector<16xi32>
          %lt3A_806 = arith.cmpi slt, %add3A_804, %lt3A_805 : vector<16xi32>
          %shift_right_arithmetic3A_807 = arith.constant 12 : i32
          %shift_right_arithmetic3A_808 = vector.broadcast %shift_right_arithmetic3A_807 : i32 to vector<16xi32>
          %shift_right_arithmetic3A_809 = arith.shrsi %get3A_800, %shift_right_arithmetic3A_808 : vector<16xi32>
          %eq3A_810 = vector.broadcast %add3A_489 : i32 to vector<16xi32>
          %eq3A_811 = arith.cmpi eq, %shift_right_arithmetic3A_809, %eq3A_810 : vector<16xi32>
          %and3A_812 = arith.andi %lt3A_806, %eq3A_811 : vector<16xi1>
          %and3A_813 = arith.constant 4095 : i32
          %and3A_814 = vector.broadcast %and3A_813 : i32 to vector<16xi32>
          %and3A_815 = arith.andi %get3A_800, %and3A_814 : vector<16xi32>
          %ge3A_816 = vector.broadcast %or3A_663 : i32 to vector<16xi32>
          %ge3A_817 = arith.cmpi sge, %and3A_815, %ge3A_816 : vector<16xi32>
          %and3A_818 = arith.andi %and3A_812, %ge3A_817 : vector<16xi1>
          %jit3A_819 = arith.constant 1 : i32
          %jit3A_820 = arith.constant 0 : i32
          %broadcast_in_dim3A_821 = vector.broadcast %jit3A_819 : i32 to vector<16xi32>
          %broadcast_in_dim3A_822 = vector.broadcast %jit3A_820 : i32 to vector<16xi32>
          %select_n3A_823 = arith.select %and3A_818, %broadcast_in_dim3A_821, %broadcast_in_dim3A_822 : vector<16xi1>, vector<16xi32>
          %add3A_824 = arith.addi %while3A_796, %select_n3A_823 : vector<16xi32>
          scf.yield %add3A_824 : vector<16xi32>
        }
        %while3A_673 = arith.constant 1 : i32
        %while3A_674 = scf.for %while3A_795 = %while3A_670 to %while3A_666 step %while3A_673 iter_args(%while3A_796 = %while3A_672) -> (vector<16xi32>)  : i32 {
          %mul3A_797 = arith.constant 16 : i32
          %mul3A_798 = arith.muli %while3A_795, %mul3A_797 : i32
          %get3A_799 = arith.index_cast %mul3A_798 : i32 to index
          %get3A_800 = tpu.vector_load %arg11[%get3A_799] {strides = array<i32>} : memref<4096xi32, #tpu.memory_space<vmem>>, vector<16xi32>,
          %mul3A_801 = arith.constant 16 : i32
          %mul3A_802 = arith.muli %while3A_795, %mul3A_801 : i32
          %add3A_803 = vector.broadcast %mul3A_802 : i32 to vector<16xi32>
          %add3A_804 = arith.addi %iota3A, %add3A_803 : vector<16xi32>
          %lt3A_805 = vector.broadcast %reduce_max3A_443 : i32 to vector<16xi32>
          %lt3A_806 = arith.cmpi slt, %add3A_804, %lt3A_805 : vector<16xi32>
          %shift_right_arithmetic3A_807 = arith.constant 12 : i32
          %shift_right_arithmetic3A_808 = vector.broadcast %shift_right_arithmetic3A_807 : i32 to vector<16xi32>
          %shift_right_arithmetic3A_809 = arith.shrsi %get3A_800, %shift_right_arithmetic3A_808 : vector<16xi32>
          %eq3A_810 = vector.broadcast %add3A_489 : i32 to vector<16xi32>
          %eq3A_811 = arith.cmpi eq, %shift_right_arithmetic3A_809, %eq3A_810 : vector<16xi32>
          %and3A_812 = arith.andi %lt3A_806, %eq3A_811 : vector<16xi1>
          %and3A_813 = arith.constant 4095 : i32
          %and3A_814 = vector.broadcast %and3A_813 : i32 to vector<16xi32>
          %and3A_815 = arith.andi %get3A_800, %and3A_814 : vector<16xi32>
          %ge3A_816 = vector.broadcast %or3A_663 : i32 to vector<16xi32>
          %ge3A_817 = arith.cmpi sge, %and3A_815, %ge3A_816 : vector<16xi32>
          %and3A_818 = arith.andi %and3A_812, %ge3A_817 : vector<16xi1>
          %jit3A_819 = arith.constant 1 : i32
          %jit3A_820 = arith.constant 0 : i32
          %broadcast_in_dim3A_821 = vector.broadcast %jit3A_819 : i32 to vector<16xi32>
          %broadcast_in_dim3A_822 = vector.broadcast %jit3A_820 : i32 to vector<16xi32>
          %select_n3A_823 = arith.select %and3A_818, %broadcast_in_dim3A_821, %broadcast_in_dim3A_822 : vector<16xi1>, vector<16xi32>
          %add3A_824 = arith.addi %while3A_796, %select_n3A_823 : vector<16xi32>
          scf.yield %add3A_824 : vector<16xi32>
        }
        %reduce_sum3A_675 = arith.constant true
        %reduce_sum3A_676 = vector.broadcast %reduce_sum3A_675 : i1 to vector<16xi1>
        %reduce_sum3A_677 = tpu.scan <sum>, %while3A_674 masked %reduce_sum3A_676 : vector<16xi32>, vector<16xi1> -> vector<16xi32>
        %reduce_sum3A_678 = vector.extract %reduce_sum3A_677[15] : i32 from vector<16xi32>
        %ge3A_679 = arith.cmpi sge, %reduce_sum3A_678, %sub3A_511 : i32
        %select_n3A_680 = arith.select %ge3A_679, %or3A_663, %select_n3A_661 : i32
        %or3A_681 = arith.constant 32 : i32
        %or3A_682 = arith.ori %select_n3A_680, %or3A_681 : i32
        %while3A_683 = arith.constant 0 : i32
        %while3A_684 = arith.subi %div3A_447, %while3A_683 : i32
        %while3A_685 = arith.addi %while3A_683, %while3A_684 : i32
        %while3A_686 = arith.constant 1 : i32
        %while3A_687 = arith.divsi %while3A_684, %while3A_686 : i32
        %while3A_688 = arith.muli %while3A_687, %while3A_686 : i32
        %while3A_689 = arith.addi %while3A_683, %while3A_688 : i32
        %while3A_690 = arith.constant 1 : i32
        %while3A_691 = scf.for %while3A_795 = %while3A_683 to %while3A_689 step %while3A_690 iter_args(%while3A_796 = %broadcast_in_dim3A_3) -> (vector<16xi32>)  : i32 {
          %mul3A_797 = arith.constant 16 : i32
          %mul3A_798 = arith.muli %while3A_795, %mul3A_797 : i32
          %get3A_799 = arith.index_cast %mul3A_798 : i32 to index
          %get3A_800 = tpu.vector_load %arg11[%get3A_799] {strides = array<i32>} : memref<4096xi32, #tpu.memory_space<vmem>>, vector<16xi32>,
          %mul3A_801 = arith.constant 16 : i32
          %mul3A_802 = arith.muli %while3A_795, %mul3A_801 : i32
          %add3A_803 = vector.broadcast %mul3A_802 : i32 to vector<16xi32>
          %add3A_804 = arith.addi %iota3A, %add3A_803 : vector<16xi32>
          %lt3A_805 = vector.broadcast %reduce_max3A_443 : i32 to vector<16xi32>
          %lt3A_806 = arith.cmpi slt, %add3A_804, %lt3A_805 : vector<16xi32>
          %shift_right_arithmetic3A_807 = arith.constant 12 : i32
          %shift_right_arithmetic3A_808 = vector.broadcast %shift_right_arithmetic3A_807 : i32 to vector<16xi32>
          %shift_right_arithmetic3A_809 = arith.shrsi %get3A_800, %shift_right_arithmetic3A_808 : vector<16xi32>
          %eq3A_810 = vector.broadcast %add3A_489 : i32 to vector<16xi32>
          %eq3A_811 = arith.cmpi eq, %shift_right_arithmetic3A_809, %eq3A_810 : vector<16xi32>
          %and3A_812 = arith.andi %lt3A_806, %eq3A_811 : vector<16xi1>
          %and3A_813 = arith.constant 4095 : i32
          %and3A_814 = vector.broadcast %and3A_813 : i32 to vector<16xi32>
          %and3A_815 = arith.andi %get3A_800, %and3A_814 : vector<16xi32>
          %ge3A_816 = vector.broadcast %or3A_682 : i32 to vector<16xi32>
          %ge3A_817 = arith.cmpi sge, %and3A_815, %ge3A_816 : vector<16xi32>
          %and3A_818 = arith.andi %and3A_812, %ge3A_817 : vector<16xi1>
          %jit3A_819 = arith.constant 1 : i32
          %jit3A_820 = arith.constant 0 : i32
          %broadcast_in_dim3A_821 = vector.broadcast %jit3A_819 : i32 to vector<16xi32>
          %broadcast_in_dim3A_822 = vector.broadcast %jit3A_820 : i32 to vector<16xi32>
          %select_n3A_823 = arith.select %and3A_818, %broadcast_in_dim3A_821, %broadcast_in_dim3A_822 : vector<16xi1>, vector<16xi32>
          %add3A_824 = arith.addi %while3A_796, %select_n3A_823 : vector<16xi32>
          scf.yield %add3A_824 : vector<16xi32>
        }
        %while3A_692 = arith.constant 1 : i32
        %while3A_693 = scf.for %while3A_795 = %while3A_689 to %while3A_685 step %while3A_692 iter_args(%while3A_796 = %while3A_691) -> (vector<16xi32>)  : i32 {
          %mul3A_797 = arith.constant 16 : i32
          %mul3A_798 = arith.muli %while3A_795, %mul3A_797 : i32
          %get3A_799 = arith.index_cast %mul3A_798 : i32 to index
          %get3A_800 = tpu.vector_load %arg11[%get3A_799] {strides = array<i32>} : memref<4096xi32, #tpu.memory_space<vmem>>, vector<16xi32>,
          %mul3A_801 = arith.constant 16 : i32
          %mul3A_802 = arith.muli %while3A_795, %mul3A_801 : i32
          %add3A_803 = vector.broadcast %mul3A_802 : i32 to vector<16xi32>
          %add3A_804 = arith.addi %iota3A, %add3A_803 : vector<16xi32>
          %lt3A_805 = vector.broadcast %reduce_max3A_443 : i32 to vector<16xi32>
          %lt3A_806 = arith.cmpi slt, %add3A_804, %lt3A_805 : vector<16xi32>
          %shift_right_arithmetic3A_807 = arith.constant 12 : i32
          %shift_right_arithmetic3A_808 = vector.broadcast %shift_right_arithmetic3A_807 : i32 to vector<16xi32>
          %shift_right_arithmetic3A_809 = arith.shrsi %get3A_800, %shift_right_arithmetic3A_808 : vector<16xi32>
          %eq3A_810 = vector.broadcast %add3A_489 : i32 to vector<16xi32>
          %eq3A_811 = arith.cmpi eq, %shift_right_arithmetic3A_809, %eq3A_810 : vector<16xi32>
          %and3A_812 = arith.andi %lt3A_806, %eq3A_811 : vector<16xi1>
          %and3A_813 = arith.constant 4095 : i32
          %and3A_814 = vector.broadcast %and3A_813 : i32 to vector<16xi32>
          %and3A_815 = arith.andi %get3A_800, %and3A_814 : vector<16xi32>
          %ge3A_816 = vector.broadcast %or3A_682 : i32 to vector<16xi32>
          %ge3A_817 = arith.cmpi sge, %and3A_815, %ge3A_816 : vector<16xi32>
          %and3A_818 = arith.andi %and3A_812, %ge3A_817 : vector<16xi1>
          %jit3A_819 = arith.constant 1 : i32
          %jit3A_820 = arith.constant 0 : i32
          %broadcast_in_dim3A_821 = vector.broadcast %jit3A_819 : i32 to vector<16xi32>
          %broadcast_in_dim3A_822 = vector.broadcast %jit3A_820 : i32 to vector<16xi32>
          %select_n3A_823 = arith.select %and3A_818, %broadcast_in_dim3A_821, %broadcast_in_dim3A_822 : vector<16xi1>, vector<16xi32>
          %add3A_824 = arith.addi %while3A_796, %select_n3A_823 : vector<16xi32>
          scf.yield %add3A_824 : vector<16xi32>
        }
        %reduce_sum3A_694 = arith.constant true
        %reduce_sum3A_695 = vector.broadcast %reduce_sum3A_694 : i1 to vector<16xi1>
        %reduce_sum3A_696 = tpu.scan <sum>, %while3A_693 masked %reduce_sum3A_695 : vector<16xi32>, vector<16xi1> -> vector<16xi32>
        %reduce_sum3A_697 = vector.extract %reduce_sum3A_696[15] : i32 from vector<16xi32>
        %ge3A_698 = arith.cmpi sge, %reduce_sum3A_697, %sub3A_511 : i32
        %select_n3A_699 = arith.select %ge3A_698, %or3A_682, %select_n3A_680 : i32
        %or3A_700 = arith.constant 16 : i32
        %or3A_701 = arith.ori %select_n3A_699, %or3A_700 : i32
        %while3A_702 = arith.constant 0 : i32
        %while3A_703 = arith.subi %div3A_447, %while3A_702 : i32
        %while3A_704 = arith.addi %while3A_702, %while3A_703 : i32
        %while3A_705 = arith.constant 1 : i32
        %while3A_706 = arith.divsi %while3A_703, %while3A_705 : i32
        %while3A_707 = arith.muli %while3A_706, %while3A_705 : i32
        %while3A_708 = arith.addi %while3A_702, %while3A_707 : i32
        %while3A_709 = arith.constant 1 : i32
        %while3A_710 = scf.for %while3A_795 = %while3A_702 to %while3A_708 step %while3A_709 iter_args(%while3A_796 = %broadcast_in_dim3A_3) -> (vector<16xi32>)  : i32 {
          %mul3A_797 = arith.constant 16 : i32
          %mul3A_798 = arith.muli %while3A_795, %mul3A_797 : i32
          %get3A_799 = arith.index_cast %mul3A_798 : i32 to index
          %get3A_800 = tpu.vector_load %arg11[%get3A_799] {strides = array<i32>} : memref<4096xi32, #tpu.memory_space<vmem>>, vector<16xi32>,
          %mul3A_801 = arith.constant 16 : i32
          %mul3A_802 = arith.muli %while3A_795, %mul3A_801 : i32
          %add3A_803 = vector.broadcast %mul3A_802 : i32 to vector<16xi32>
          %add3A_804 = arith.addi %iota3A, %add3A_803 : vector<16xi32>
          %lt3A_805 = vector.broadcast %reduce_max3A_443 : i32 to vector<16xi32>
          %lt3A_806 = arith.cmpi slt, %add3A_804, %lt3A_805 : vector<16xi32>
          %shift_right_arithmetic3A_807 = arith.constant 12 : i32
          %shift_right_arithmetic3A_808 = vector.broadcast %shift_right_arithmetic3A_807 : i32 to vector<16xi32>
          %shift_right_arithmetic3A_809 = arith.shrsi %get3A_800, %shift_right_arithmetic3A_808 : vector<16xi32>
          %eq3A_810 = vector.broadcast %add3A_489 : i32 to vector<16xi32>
          %eq3A_811 = arith.cmpi eq, %shift_right_arithmetic3A_809, %eq3A_810 : vector<16xi32>
          %and3A_812 = arith.andi %lt3A_806, %eq3A_811 : vector<16xi1>
          %and3A_813 = arith.constant 4095 : i32
          %and3A_814 = vector.broadcast %and3A_813 : i32 to vector<16xi32>
          %and3A_815 = arith.andi %get3A_800, %and3A_814 : vector<16xi32>
          %ge3A_816 = vector.broadcast %or3A_701 : i32 to vector<16xi32>
          %ge3A_817 = arith.cmpi sge, %and3A_815, %ge3A_816 : vector<16xi32>
          %and3A_818 = arith.andi %and3A_812, %ge3A_817 : vector<16xi1>
          %jit3A_819 = arith.constant 1 : i32
          %jit3A_820 = arith.constant 0 : i32
          %broadcast_in_dim3A_821 = vector.broadcast %jit3A_819 : i32 to vector<16xi32>
          %broadcast_in_dim3A_822 = vector.broadcast %jit3A_820 : i32 to vector<16xi32>
          %select_n3A_823 = arith.select %and3A_818, %broadcast_in_dim3A_821, %broadcast_in_dim3A_822 : vector<16xi1>, vector<16xi32>
          %add3A_824 = arith.addi %while3A_796, %select_n3A_823 : vector<16xi32>
          scf.yield %add3A_824 : vector<16xi32>
        }
        %while3A_711 = arith.constant 1 : i32
        %while3A_712 = scf.for %while3A_795 = %while3A_708 to %while3A_704 step %while3A_711 iter_args(%while3A_796 = %while3A_710) -> (vector<16xi32>)  : i32 {
          %mul3A_797 = arith.constant 16 : i32
          %mul3A_798 = arith.muli %while3A_795, %mul3A_797 : i32
          %get3A_799 = arith.index_cast %mul3A_798 : i32 to index
          %get3A_800 = tpu.vector_load %arg11[%get3A_799] {strides = array<i32>} : memref<4096xi32, #tpu.memory_space<vmem>>, vector<16xi32>,
          %mul3A_801 = arith.constant 16 : i32
          %mul3A_802 = arith.muli %while3A_795, %mul3A_801 : i32
          %add3A_803 = vector.broadcast %mul3A_802 : i32 to vector<16xi32>
          %add3A_804 = arith.addi %iota3A, %add3A_803 : vector<16xi32>
          %lt3A_805 = vector.broadcast %reduce_max3A_443 : i32 to vector<16xi32>
          %lt3A_806 = arith.cmpi slt, %add3A_804, %lt3A_805 : vector<16xi32>
          %shift_right_arithmetic3A_807 = arith.constant 12 : i32
          %shift_right_arithmetic3A_808 = vector.broadcast %shift_right_arithmetic3A_807 : i32 to vector<16xi32>
          %shift_right_arithmetic3A_809 = arith.shrsi %get3A_800, %shift_right_arithmetic3A_808 : vector<16xi32>
          %eq3A_810 = vector.broadcast %add3A_489 : i32 to vector<16xi32>
          %eq3A_811 = arith.cmpi eq, %shift_right_arithmetic3A_809, %eq3A_810 : vector<16xi32>
          %and3A_812 = arith.andi %lt3A_806, %eq3A_811 : vector<16xi1>
          %and3A_813 = arith.constant 4095 : i32
          %and3A_814 = vector.broadcast %and3A_813 : i32 to vector<16xi32>
          %and3A_815 = arith.andi %get3A_800, %and3A_814 : vector<16xi32>
          %ge3A_816 = vector.broadcast %or3A_701 : i32 to vector<16xi32>
          %ge3A_817 = arith.cmpi sge, %and3A_815, %ge3A_816 : vector<16xi32>
          %and3A_818 = arith.andi %and3A_812, %ge3A_817 : vector<16xi1>
          %jit3A_819 = arith.constant 1 : i32
          %jit3A_820 = arith.constant 0 : i32
          %broadcast_in_dim3A_821 = vector.broadcast %jit3A_819 : i32 to vector<16xi32>
          %broadcast_in_dim3A_822 = vector.broadcast %jit3A_820 : i32 to vector<16xi32>
          %select_n3A_823 = arith.select %and3A_818, %broadcast_in_dim3A_821, %broadcast_in_dim3A_822 : vector<16xi1>, vector<16xi32>
          %add3A_824 = arith.addi %while3A_796, %select_n3A_823 : vector<16xi32>
          scf.yield %add3A_824 : vector<16xi32>
        }
        %reduce_sum3A_713 = arith.constant true
        %reduce_sum3A_714 = vector.broadcast %reduce_sum3A_713 : i1 to vector<16xi1>
        %reduce_sum3A_715 = tpu.scan <sum>, %while3A_712 masked %reduce_sum3A_714 : vector<16xi32>, vector<16xi1> -> vector<16xi32>
        %reduce_sum3A_716 = vector.extract %reduce_sum3A_715[15] : i32 from vector<16xi32>
        %ge3A_717 = arith.cmpi sge, %reduce_sum3A_716, %sub3A_511 : i32
        %select_n3A_718 = arith.select %ge3A_717, %or3A_701, %select_n3A_699 : i32
        %or3A_719 = arith.constant 8 : i32
        %or3A_720 = arith.ori %select_n3A_718, %or3A_719 : i32
        %while3A_721 = arith.constant 0 : i32
        %while3A_722 = arith.subi %div3A_447, %while3A_721 : i32
        %while3A_723 = arith.addi %while3A_721, %while3A_722 : i32
        %while3A_724 = arith.constant 1 : i32
        %while3A_725 = arith.divsi %while3A_722, %while3A_724 : i32
        %while3A_726 = arith.muli %while3A_725, %while3A_724 : i32
        %while3A_727 = arith.addi %while3A_721, %while3A_726 : i32
        %while3A_728 = arith.constant 1 : i32
        %while3A_729 = scf.for %while3A_795 = %while3A_721 to %while3A_727 step %while3A_728 iter_args(%while3A_796 = %broadcast_in_dim3A_3) -> (vector<16xi32>)  : i32 {
          %mul3A_797 = arith.constant 16 : i32
          %mul3A_798 = arith.muli %while3A_795, %mul3A_797 : i32
          %get3A_799 = arith.index_cast %mul3A_798 : i32 to index
          %get3A_800 = tpu.vector_load %arg11[%get3A_799] {strides = array<i32>} : memref<4096xi32, #tpu.memory_space<vmem>>, vector<16xi32>,
          %mul3A_801 = arith.constant 16 : i32
          %mul3A_802 = arith.muli %while3A_795, %mul3A_801 : i32
          %add3A_803 = vector.broadcast %mul3A_802 : i32 to vector<16xi32>
          %add3A_804 = arith.addi %iota3A, %add3A_803 : vector<16xi32>
          %lt3A_805 = vector.broadcast %reduce_max3A_443 : i32 to vector<16xi32>
          %lt3A_806 = arith.cmpi slt, %add3A_804, %lt3A_805 : vector<16xi32>
          %shift_right_arithmetic3A_807 = arith.constant 12 : i32
          %shift_right_arithmetic3A_808 = vector.broadcast %shift_right_arithmetic3A_807 : i32 to vector<16xi32>
          %shift_right_arithmetic3A_809 = arith.shrsi %get3A_800, %shift_right_arithmetic3A_808 : vector<16xi32>
          %eq3A_810 = vector.broadcast %add3A_489 : i32 to vector<16xi32>
          %eq3A_811 = arith.cmpi eq, %shift_right_arithmetic3A_809, %eq3A_810 : vector<16xi32>
          %and3A_812 = arith.andi %lt3A_806, %eq3A_811 : vector<16xi1>
          %and3A_813 = arith.constant 4095 : i32
          %and3A_814 = vector.broadcast %and3A_813 : i32 to vector<16xi32>
          %and3A_815 = arith.andi %get3A_800, %and3A_814 : vector<16xi32>
          %ge3A_816 = vector.broadcast %or3A_720 : i32 to vector<16xi32>
          %ge3A_817 = arith.cmpi sge, %and3A_815, %ge3A_816 : vector<16xi32>
          %and3A_818 = arith.andi %and3A_812, %ge3A_817 : vector<16xi1>
          %jit3A_819 = arith.constant 1 : i32
          %jit3A_820 = arith.constant 0 : i32
          %broadcast_in_dim3A_821 = vector.broadcast %jit3A_819 : i32 to vector<16xi32>
          %broadcast_in_dim3A_822 = vector.broadcast %jit3A_820 : i32 to vector<16xi32>
          %select_n3A_823 = arith.select %and3A_818, %broadcast_in_dim3A_821, %broadcast_in_dim3A_822 : vector<16xi1>, vector<16xi32>
          %add3A_824 = arith.addi %while3A_796, %select_n3A_823 : vector<16xi32>
          scf.yield %add3A_824 : vector<16xi32>
        }
        %while3A_730 = arith.constant 1 : i32
        %while3A_731 = scf.for %while3A_795 = %while3A_727 to %while3A_723 step %while3A_730 iter_args(%while3A_796 = %while3A_729) -> (vector<16xi32>)  : i32 {
          %mul3A_797 = arith.constant 16 : i32
          %mul3A_798 = arith.muli %while3A_795, %mul3A_797 : i32
          %get3A_799 = arith.index_cast %mul3A_798 : i32 to index
          %get3A_800 = tpu.vector_load %arg11[%get3A_799] {strides = array<i32>} : memref<4096xi32, #tpu.memory_space<vmem>>, vector<16xi32>,
          %mul3A_801 = arith.constant 16 : i32
          %mul3A_802 = arith.muli %while3A_795, %mul3A_801 : i32
          %add3A_803 = vector.broadcast %mul3A_802 : i32 to vector<16xi32>
          %add3A_804 = arith.addi %iota3A, %add3A_803 : vector<16xi32>
          %lt3A_805 = vector.broadcast %reduce_max3A_443 : i32 to vector<16xi32>
          %lt3A_806 = arith.cmpi slt, %add3A_804, %lt3A_805 : vector<16xi32>
          %shift_right_arithmetic3A_807 = arith.constant 12 : i32
          %shift_right_arithmetic3A_808 = vector.broadcast %shift_right_arithmetic3A_807 : i32 to vector<16xi32>
          %shift_right_arithmetic3A_809 = arith.shrsi %get3A_800, %shift_right_arithmetic3A_808 : vector<16xi32>
          %eq3A_810 = vector.broadcast %add3A_489 : i32 to vector<16xi32>
          %eq3A_811 = arith.cmpi eq, %shift_right_arithmetic3A_809, %eq3A_810 : vector<16xi32>
          %and3A_812 = arith.andi %lt3A_806, %eq3A_811 : vector<16xi1>
          %and3A_813 = arith.constant 4095 : i32
          %and3A_814 = vector.broadcast %and3A_813 : i32 to vector<16xi32>
          %and3A_815 = arith.andi %get3A_800, %and3A_814 : vector<16xi32>
          %ge3A_816 = vector.broadcast %or3A_720 : i32 to vector<16xi32>
          %ge3A_817 = arith.cmpi sge, %and3A_815, %ge3A_816 : vector<16xi32>
          %and3A_818 = arith.andi %and3A_812, %ge3A_817 : vector<16xi1>
          %jit3A_819 = arith.constant 1 : i32
          %jit3A_820 = arith.constant 0 : i32
          %broadcast_in_dim3A_821 = vector.broadcast %jit3A_819 : i32 to vector<16xi32>
          %broadcast_in_dim3A_822 = vector.broadcast %jit3A_820 : i32 to vector<16xi32>
          %select_n3A_823 = arith.select %and3A_818, %broadcast_in_dim3A_821, %broadcast_in_dim3A_822 : vector<16xi1>, vector<16xi32>
          %add3A_824 = arith.addi %while3A_796, %select_n3A_823 : vector<16xi32>
          scf.yield %add3A_824 : vector<16xi32>
        }
        %reduce_sum3A_732 = arith.constant true
        %reduce_sum3A_733 = vector.broadcast %reduce_sum3A_732 : i1 to vector<16xi1>
        %reduce_sum3A_734 = tpu.scan <sum>, %while3A_731 masked %reduce_sum3A_733 : vector<16xi32>, vector<16xi1> -> vector<16xi32>
        %reduce_sum3A_735 = vector.extract %reduce_sum3A_734[15] : i32 from vector<16xi32>
        %ge3A_736 = arith.cmpi sge, %reduce_sum3A_735, %sub3A_511 : i32
        %select_n3A_737 = arith.select %ge3A_736, %or3A_720, %select_n3A_718 : i32
        %or3A_738 = arith.constant 4 : i32
        %or3A_739 = arith.ori %select_n3A_737, %or3A_738 : i32
        %while3A_740 = arith.constant 0 : i32
        %while3A_741 = arith.subi %div3A_447, %while3A_740 : i32
        %while3A_742 = arith.addi %while3A_740, %while3A_741 : i32
        %while3A_743 = arith.constant 1 : i32
        %while3A_744 = arith.divsi %while3A_741, %while3A_743 : i32
        %while3A_745 = arith.muli %while3A_744, %while3A_743 : i32
        %while3A_746 = arith.addi %while3A_740, %while3A_745 : i32
        %while3A_747 = arith.constant 1 : i32
        %while3A_748 = scf.for %while3A_795 = %while3A_740 to %while3A_746 step %while3A_747 iter_args(%while3A_796 = %broadcast_in_dim3A_3) -> (vector<16xi32>)  : i32 {
          %mul3A_797 = arith.constant 16 : i32
          %mul3A_798 = arith.muli %while3A_795, %mul3A_797 : i32
          %get3A_799 = arith.index_cast %mul3A_798 : i32 to index
          %get3A_800 = tpu.vector_load %arg11[%get3A_799] {strides = array<i32>} : memref<4096xi32, #tpu.memory_space<vmem>>, vector<16xi32>,
          %mul3A_801 = arith.constant 16 : i32
          %mul3A_802 = arith.muli %while3A_795, %mul3A_801 : i32
          %add3A_803 = vector.broadcast %mul3A_802 : i32 to vector<16xi32>
          %add3A_804 = arith.addi %iota3A, %add3A_803 : vector<16xi32>
          %lt3A_805 = vector.broadcast %reduce_max3A_443 : i32 to vector<16xi32>
          %lt3A_806 = arith.cmpi slt, %add3A_804, %lt3A_805 : vector<16xi32>
          %shift_right_arithmetic3A_807 = arith.constant 12 : i32
          %shift_right_arithmetic3A_808 = vector.broadcast %shift_right_arithmetic3A_807 : i32 to vector<16xi32>
          %shift_right_arithmetic3A_809 = arith.shrsi %get3A_800, %shift_right_arithmetic3A_808 : vector<16xi32>
          %eq3A_810 = vector.broadcast %add3A_489 : i32 to vector<16xi32>
          %eq3A_811 = arith.cmpi eq, %shift_right_arithmetic3A_809, %eq3A_810 : vector<16xi32>
          %and3A_812 = arith.andi %lt3A_806, %eq3A_811 : vector<16xi1>
          %and3A_813 = arith.constant 4095 : i32
          %and3A_814 = vector.broadcast %and3A_813 : i32 to vector<16xi32>
          %and3A_815 = arith.andi %get3A_800, %and3A_814 : vector<16xi32>
          %ge3A_816 = vector.broadcast %or3A_739 : i32 to vector<16xi32>
          %ge3A_817 = arith.cmpi sge, %and3A_815, %ge3A_816 : vector<16xi32>
          %and3A_818 = arith.andi %and3A_812, %ge3A_817 : vector<16xi1>
          %jit3A_819 = arith.constant 1 : i32
          %jit3A_820 = arith.constant 0 : i32
          %broadcast_in_dim3A_821 = vector.broadcast %jit3A_819 : i32 to vector<16xi32>
          %broadcast_in_dim3A_822 = vector.broadcast %jit3A_820 : i32 to vector<16xi32>
          %select_n3A_823 = arith.select %and3A_818, %broadcast_in_dim3A_821, %broadcast_in_dim3A_822 : vector<16xi1>, vector<16xi32>
          %add3A_824 = arith.addi %while3A_796, %select_n3A_823 : vector<16xi32>
          scf.yield %add3A_824 : vector<16xi32>
        }
        %while3A_749 = arith.constant 1 : i32
        %while3A_750 = scf.for %while3A_795 = %while3A_746 to %while3A_742 step %while3A_749 iter_args(%while3A_796 = %while3A_748) -> (vector<16xi32>)  : i32 {
          %mul3A_797 = arith.constant 16 : i32
          %mul3A_798 = arith.muli %while3A_795, %mul3A_797 : i32
          %get3A_799 = arith.index_cast %mul3A_798 : i32 to index
          %get3A_800 = tpu.vector_load %arg11[%get3A_799] {strides = array<i32>} : memref<4096xi32, #tpu.memory_space<vmem>>, vector<16xi32>,
          %mul3A_801 = arith.constant 16 : i32
          %mul3A_802 = arith.muli %while3A_795, %mul3A_801 : i32
          %add3A_803 = vector.broadcast %mul3A_802 : i32 to vector<16xi32>
          %add3A_804 = arith.addi %iota3A, %add3A_803 : vector<16xi32>
          %lt3A_805 = vector.broadcast %reduce_max3A_443 : i32 to vector<16xi32>
          %lt3A_806 = arith.cmpi slt, %add3A_804, %lt3A_805 : vector<16xi32>
          %shift_right_arithmetic3A_807 = arith.constant 12 : i32
          %shift_right_arithmetic3A_808 = vector.broadcast %shift_right_arithmetic3A_807 : i32 to vector<16xi32>
          %shift_right_arithmetic3A_809 = arith.shrsi %get3A_800, %shift_right_arithmetic3A_808 : vector<16xi32>
          %eq3A_810 = vector.broadcast %add3A_489 : i32 to vector<16xi32>
          %eq3A_811 = arith.cmpi eq, %shift_right_arithmetic3A_809, %eq3A_810 : vector<16xi32>
          %and3A_812 = arith.andi %lt3A_806, %eq3A_811 : vector<16xi1>
          %and3A_813 = arith.constant 4095 : i32
          %and3A_814 = vector.broadcast %and3A_813 : i32 to vector<16xi32>
          %and3A_815 = arith.andi %get3A_800, %and3A_814 : vector<16xi32>
          %ge3A_816 = vector.broadcast %or3A_739 : i32 to vector<16xi32>
          %ge3A_817 = arith.cmpi sge, %and3A_815, %ge3A_816 : vector<16xi32>
          %and3A_818 = arith.andi %and3A_812, %ge3A_817 : vector<16xi1>
          %jit3A_819 = arith.constant 1 : i32
          %jit3A_820 = arith.constant 0 : i32
          %broadcast_in_dim3A_821 = vector.broadcast %jit3A_819 : i32 to vector<16xi32>
          %broadcast_in_dim3A_822 = vector.broadcast %jit3A_820 : i32 to vector<16xi32>
          %select_n3A_823 = arith.select %and3A_818, %broadcast_in_dim3A_821, %broadcast_in_dim3A_822 : vector<16xi1>, vector<16xi32>
          %add3A_824 = arith.addi %while3A_796, %select_n3A_823 : vector<16xi32>
          scf.yield %add3A_824 : vector<16xi32>
        }
        %reduce_sum3A_751 = arith.constant true
        %reduce_sum3A_752 = vector.broadcast %reduce_sum3A_751 : i1 to vector<16xi1>
        %reduce_sum3A_753 = tpu.scan <sum>, %while3A_750 masked %reduce_sum3A_752 : vector<16xi32>, vector<16xi1> -> vector<16xi32>
        %reduce_sum3A_754 = vector.extract %reduce_sum3A_753[15] : i32 from vector<16xi32>
        %ge3A_755 = arith.cmpi sge, %reduce_sum3A_754, %sub3A_511 : i32
        %select_n3A_756 = arith.select %ge3A_755, %or3A_739, %select_n3A_737 : i32
        %or3A_757 = arith.constant 2 : i32
        %or3A_758 = arith.ori %select_n3A_756, %or3A_757 : i32
        %while3A_759 = arith.constant 0 : i32
        %while3A_760 = arith.subi %div3A_447, %while3A_759 : i32
        %while3A_761 = arith.addi %while3A_759, %while3A_760 : i32
        %while3A_762 = arith.constant 1 : i32
        %while3A_763 = arith.divsi %while3A_760, %while3A_762 : i32
        %while3A_764 = arith.muli %while3A_763, %while3A_762 : i32
        %while3A_765 = arith.addi %while3A_759, %while3A_764 : i32
        %while3A_766 = arith.constant 1 : i32
        %while3A_767 = scf.for %while3A_795 = %while3A_759 to %while3A_765 step %while3A_766 iter_args(%while3A_796 = %broadcast_in_dim3A_3) -> (vector<16xi32>)  : i32 {
          %mul3A_797 = arith.constant 16 : i32
          %mul3A_798 = arith.muli %while3A_795, %mul3A_797 : i32
          %get3A_799 = arith.index_cast %mul3A_798 : i32 to index
          %get3A_800 = tpu.vector_load %arg11[%get3A_799] {strides = array<i32>} : memref<4096xi32, #tpu.memory_space<vmem>>, vector<16xi32>,
          %mul3A_801 = arith.constant 16 : i32
          %mul3A_802 = arith.muli %while3A_795, %mul3A_801 : i32
          %add3A_803 = vector.broadcast %mul3A_802 : i32 to vector<16xi32>
          %add3A_804 = arith.addi %iota3A, %add3A_803 : vector<16xi32>
          %lt3A_805 = vector.broadcast %reduce_max3A_443 : i32 to vector<16xi32>
          %lt3A_806 = arith.cmpi slt, %add3A_804, %lt3A_805 : vector<16xi32>
          %shift_right_arithmetic3A_807 = arith.constant 12 : i32
          %shift_right_arithmetic3A_808 = vector.broadcast %shift_right_arithmetic3A_807 : i32 to vector<16xi32>
          %shift_right_arithmetic3A_809 = arith.shrsi %get3A_800, %shift_right_arithmetic3A_808 : vector<16xi32>
          %eq3A_810 = vector.broadcast %add3A_489 : i32 to vector<16xi32>
          %eq3A_811 = arith.cmpi eq, %shift_right_arithmetic3A_809, %eq3A_810 : vector<16xi32>
          %and3A_812 = arith.andi %lt3A_806, %eq3A_811 : vector<16xi1>
          %and3A_813 = arith.constant 4095 : i32
          %and3A_814 = vector.broadcast %and3A_813 : i32 to vector<16xi32>
          %and3A_815 = arith.andi %get3A_800, %and3A_814 : vector<16xi32>
          %ge3A_816 = vector.broadcast %or3A_758 : i32 to vector<16xi32>
          %ge3A_817 = arith.cmpi sge, %and3A_815, %ge3A_816 : vector<16xi32>
          %and3A_818 = arith.andi %and3A_812, %ge3A_817 : vector<16xi1>
          %jit3A_819 = arith.constant 1 : i32
          %jit3A_820 = arith.constant 0 : i32
          %broadcast_in_dim3A_821 = vector.broadcast %jit3A_819 : i32 to vector<16xi32>
          %broadcast_in_dim3A_822 = vector.broadcast %jit3A_820 : i32 to vector<16xi32>
          %select_n3A_823 = arith.select %and3A_818, %broadcast_in_dim3A_821, %broadcast_in_dim3A_822 : vector<16xi1>, vector<16xi32>
          %add3A_824 = arith.addi %while3A_796, %select_n3A_823 : vector<16xi32>
          scf.yield %add3A_824 : vector<16xi32>
        }
        %while3A_768 = arith.constant 1 : i32
        %while3A_769 = scf.for %while3A_795 = %while3A_765 to %while3A_761 step %while3A_768 iter_args(%while3A_796 = %while3A_767) -> (vector<16xi32>)  : i32 {
          %mul3A_797 = arith.constant 16 : i32
          %mul3A_798 = arith.muli %while3A_795, %mul3A_797 : i32
          %get3A_799 = arith.index_cast %mul3A_798 : i32 to index
          %get3A_800 = tpu.vector_load %arg11[%get3A_799] {strides = array<i32>} : memref<4096xi32, #tpu.memory_space<vmem>>, vector<16xi32>,
          %mul3A_801 = arith.constant 16 : i32
          %mul3A_802 = arith.muli %while3A_795, %mul3A_801 : i32
          %add3A_803 = vector.broadcast %mul3A_802 : i32 to vector<16xi32>
          %add3A_804 = arith.addi %iota3A, %add3A_803 : vector<16xi32>
          %lt3A_805 = vector.broadcast %reduce_max3A_443 : i32 to vector<16xi32>
          %lt3A_806 = arith.cmpi slt, %add3A_804, %lt3A_805 : vector<16xi32>
          %shift_right_arithmetic3A_807 = arith.constant 12 : i32
          %shift_right_arithmetic3A_808 = vector.broadcast %shift_right_arithmetic3A_807 : i32 to vector<16xi32>
          %shift_right_arithmetic3A_809 = arith.shrsi %get3A_800, %shift_right_arithmetic3A_808 : vector<16xi32>
          %eq3A_810 = vector.broadcast %add3A_489 : i32 to vector<16xi32>
          %eq3A_811 = arith.cmpi eq, %shift_right_arithmetic3A_809, %eq3A_810 : vector<16xi32>
          %and3A_812 = arith.andi %lt3A_806, %eq3A_811 : vector<16xi1>
          %and3A_813 = arith.constant 4095 : i32
          %and3A_814 = vector.broadcast %and3A_813 : i32 to vector<16xi32>
          %and3A_815 = arith.andi %get3A_800, %and3A_814 : vector<16xi32>
          %ge3A_816 = vector.broadcast %or3A_758 : i32 to vector<16xi32>
          %ge3A_817 = arith.cmpi sge, %and3A_815, %ge3A_816 : vector<16xi32>
          %and3A_818 = arith.andi %and3A_812, %ge3A_817 : vector<16xi1>
          %jit3A_819 = arith.constant 1 : i32
          %jit3A_820 = arith.constant 0 : i32
          %broadcast_in_dim3A_821 = vector.broadcast %jit3A_819 : i32 to vector<16xi32>
          %broadcast_in_dim3A_822 = vector.broadcast %jit3A_820 : i32 to vector<16xi32>
          %select_n3A_823 = arith.select %and3A_818, %broadcast_in_dim3A_821, %broadcast_in_dim3A_822 : vector<16xi1>, vector<16xi32>
          %add3A_824 = arith.addi %while3A_796, %select_n3A_823 : vector<16xi32>
          scf.yield %add3A_824 : vector<16xi32>
        }
        %reduce_sum3A_770 = arith.constant true
        %reduce_sum3A_771 = vector.broadcast %reduce_sum3A_770 : i1 to vector<16xi1>
        %reduce_sum3A_772 = tpu.scan <sum>, %while3A_769 masked %reduce_sum3A_771 : vector<16xi32>, vector<16xi1> -> vector<16xi32>
        %reduce_sum3A_773 = vector.extract %reduce_sum3A_772[15] : i32 from vector<16xi32>
        %ge3A_774 = arith.cmpi sge, %reduce_sum3A_773, %sub3A_511 : i32
        %select_n3A_775 = arith.select %ge3A_774, %or3A_758, %select_n3A_756 : i32
        %or3A_776 = arith.constant 1 : i32
        %or3A_777 = arith.ori %select_n3A_775, %or3A_776 : i32
        %while3A_778 = arith.constant 0 : i32
        %while3A_779 = arith.subi %div3A_447, %while3A_778 : i32
        %while3A_780 = arith.addi %while3A_778, %while3A_779 : i32
        %while3A_781 = arith.constant 1 : i32
        %while3A_782 = arith.divsi %while3A_779, %while3A_781 : i32
        %while3A_783 = arith.muli %while3A_782, %while3A_781 : i32
        %while3A_784 = arith.addi %while3A_778, %while3A_783 : i32
        %while3A_785 = arith.constant 1 : i32
        %while3A_786 = scf.for %while3A_795 = %while3A_778 to %while3A_784 step %while3A_785 iter_args(%while3A_796 = %broadcast_in_dim3A_3) -> (vector<16xi32>)  : i32 {
          %mul3A_797 = arith.constant 16 : i32
          %mul3A_798 = arith.muli %while3A_795, %mul3A_797 : i32
          %get3A_799 = arith.index_cast %mul3A_798 : i32 to index
          %get3A_800 = tpu.vector_load %arg11[%get3A_799] {strides = array<i32>} : memref<4096xi32, #tpu.memory_space<vmem>>, vector<16xi32>,
          %mul3A_801 = arith.constant 16 : i32
          %mul3A_802 = arith.muli %while3A_795, %mul3A_801 : i32
          %add3A_803 = vector.broadcast %mul3A_802 : i32 to vector<16xi32>
          %add3A_804 = arith.addi %iota3A, %add3A_803 : vector<16xi32>
          %lt3A_805 = vector.broadcast %reduce_max3A_443 : i32 to vector<16xi32>
          %lt3A_806 = arith.cmpi slt, %add3A_804, %lt3A_805 : vector<16xi32>
          %shift_right_arithmetic3A_807 = arith.constant 12 : i32
          %shift_right_arithmetic3A_808 = vector.broadcast %shift_right_arithmetic3A_807 : i32 to vector<16xi32>
          %shift_right_arithmetic3A_809 = arith.shrsi %get3A_800, %shift_right_arithmetic3A_808 : vector<16xi32>
          %eq3A_810 = vector.broadcast %add3A_489 : i32 to vector<16xi32>
          %eq3A_811 = arith.cmpi eq, %shift_right_arithmetic3A_809, %eq3A_810 : vector<16xi32>
          %and3A_812 = arith.andi %lt3A_806, %eq3A_811 : vector<16xi1>
          %and3A_813 = arith.constant 4095 : i32
          %and3A_814 = vector.broadcast %and3A_813 : i32 to vector<16xi32>
          %and3A_815 = arith.andi %get3A_800, %and3A_814 : vector<16xi32>
          %ge3A_816 = vector.broadcast %or3A_777 : i32 to vector<16xi32>
          %ge3A_817 = arith.cmpi sge, %and3A_815, %ge3A_816 : vector<16xi32>
          %and3A_818 = arith.andi %and3A_812, %ge3A_817 : vector<16xi1>
          %jit3A_819 = arith.constant 1 : i32
          %jit3A_820 = arith.constant 0 : i32
          %broadcast_in_dim3A_821 = vector.broadcast %jit3A_819 : i32 to vector<16xi32>
          %broadcast_in_dim3A_822 = vector.broadcast %jit3A_820 : i32 to vector<16xi32>
          %select_n3A_823 = arith.select %and3A_818, %broadcast_in_dim3A_821, %broadcast_in_dim3A_822 : vector<16xi1>, vector<16xi32>
          %add3A_824 = arith.addi %while3A_796, %select_n3A_823 : vector<16xi32>
          scf.yield %add3A_824 : vector<16xi32>
        }
        %while3A_787 = arith.constant 1 : i32
        %while3A_788 = scf.for %while3A_795 = %while3A_784 to %while3A_780 step %while3A_787 iter_args(%while3A_796 = %while3A_786) -> (vector<16xi32>)  : i32 {
          %mul3A_797 = arith.constant 16 : i32
          %mul3A_798 = arith.muli %while3A_795, %mul3A_797 : i32
          %get3A_799 = arith.index_cast %mul3A_798 : i32 to index
          %get3A_800 = tpu.vector_load %arg11[%get3A_799] {strides = array<i32>} : memref<4096xi32, #tpu.memory_space<vmem>>, vector<16xi32>,
          %mul3A_801 = arith.constant 16 : i32
          %mul3A_802 = arith.muli %while3A_795, %mul3A_801 : i32
          %add3A_803 = vector.broadcast %mul3A_802 : i32 to vector<16xi32>
          %add3A_804 = arith.addi %iota3A, %add3A_803 : vector<16xi32>
          %lt3A_805 = vector.broadcast %reduce_max3A_443 : i32 to vector<16xi32>
          %lt3A_806 = arith.cmpi slt, %add3A_804, %lt3A_805 : vector<16xi32>
          %shift_right_arithmetic3A_807 = arith.constant 12 : i32
          %shift_right_arithmetic3A_808 = vector.broadcast %shift_right_arithmetic3A_807 : i32 to vector<16xi32>
          %shift_right_arithmetic3A_809 = arith.shrsi %get3A_800, %shift_right_arithmetic3A_808 : vector<16xi32>
          %eq3A_810 = vector.broadcast %add3A_489 : i32 to vector<16xi32>
          %eq3A_811 = arith.cmpi eq, %shift_right_arithmetic3A_809, %eq3A_810 : vector<16xi32>
          %and3A_812 = arith.andi %lt3A_806, %eq3A_811 : vector<16xi1>
          %and3A_813 = arith.constant 4095 : i32
          %and3A_814 = vector.broadcast %and3A_813 : i32 to vector<16xi32>
          %and3A_815 = arith.andi %get3A_800, %and3A_814 : vector<16xi32>
          %ge3A_816 = vector.broadcast %or3A_777 : i32 to vector<16xi32>
          %ge3A_817 = arith.cmpi sge, %and3A_815, %ge3A_816 : vector<16xi32>
          %and3A_818 = arith.andi %and3A_812, %ge3A_817 : vector<16xi1>
          %jit3A_819 = arith.constant 1 : i32
          %jit3A_820 = arith.constant 0 : i32
          %broadcast_in_dim3A_821 = vector.broadcast %jit3A_819 : i32 to vector<16xi32>
          %broadcast_in_dim3A_822 = vector.broadcast %jit3A_820 : i32 to vector<16xi32>
          %select_n3A_823 = arith.select %and3A_818, %broadcast_in_dim3A_821, %broadcast_in_dim3A_822 : vector<16xi1>, vector<16xi32>
          %add3A_824 = arith.addi %while3A_796, %select_n3A_823 : vector<16xi32>
          scf.yield %add3A_824 : vector<16xi32>
        }
        %reduce_sum3A_789 = arith.constant true
        %reduce_sum3A_790 = vector.broadcast %reduce_sum3A_789 : i1 to vector<16xi1>
        %reduce_sum3A_791 = tpu.scan <sum>, %while3A_788 masked %reduce_sum3A_790 : vector<16xi32>, vector<16xi1> -> vector<16xi32>
        %reduce_sum3A_792 = vector.extract %reduce_sum3A_791[15] : i32 from vector<16xi32>
        %ge3A_793 = arith.cmpi sge, %reduce_sum3A_792, %sub3A_511 : i32
        %select_n3A_794 = arith.select %ge3A_793, %or3A_777, %select_n3A_775 : i32
        scf.yield %select_n3A_794 : i32
      }
      %shift_left3A_538 = arith.constant 20 : i32
      %shift_left3A_539 = arith.shli %add3A_431, %shift_left3A_538 : i32
      %shift_left3A_540 = arith.constant 12 : i32
      %shift_left3A_541 = arith.shli %add3A_489, %shift_left3A_540 : i32
      %or3A_542 = arith.ori %shift_left3A_539, %shift_left3A_541 : i32
      %or3A_543 = arith.ori %or3A_542, %cond3A_537 : i32
      %ge3A_544 = arith.constant -2147483648 : i32
      %ge3A_545 = arith.cmpi uge, %or3A_543, %ge3A_544 : i32
      %xor3A_546 = arith.constant -2147483648 : i32
      %xor3A_547 = arith.xori %or3A_543, %xor3A_546 : i32
      %not3A_548 = arith.constant -1 : i32
      %not3A_549 = arith.xori %or3A_543, %not3A_548 : i32
      %select_n3A_550 = arith.select %ge3A_545, %xor3A_547, %not3A_549 : i32
      %bitcast_convert_type3A_551 = arith.bitcast %select_n3A_550 : i32 to f32
      %parallel_loop3A_552 = arith.constant 0 : i32
      %parallel_loop3A_553 = arith.constant 256 : i32
      %parallel_loop3A_554 = arith.constant 1 : i32
      scf.for %parallel_loop3A_561 = %parallel_loop3A_552 to %parallel_loop3A_553 step %parallel_loop3A_554  : i32 {
        %parallel_loop3A_562 = arith.constant 16 : i32
        %parallel_loop3A_563 = arith.muli %parallel_loop3A_561, %parallel_loop3A_562 : i32
        %parallel_loop3A_564 = arith.index_cast %parallel_loop3A_563 : i32 to index
        %parallel_loop3A_565 = tpu.vector_load %arg5[%parallel_loop3A_564] {strides = array<i32>} : memref<4096xf32, #tpu.memory_space<vmem>>, vector<16xf32>,
        %parallel_loop3A_566 = vector.broadcast %bitcast_convert_type3A_551 : f32 to vector<16xf32>
        %parallel_loop3A_567 = arith.cmpf oge, %parallel_loop3A_565, %parallel_loop3A_566 : vector<16xf32>
        %parallel_loop3A_568 = arith.constant 0.000000e+00 : f32
        %parallel_loop3A_569 = vector.broadcast %parallel_loop3A_568 : f32 to vector<16xf32>
        %parallel_loop3A_570 = arith.select %parallel_loop3A_567, %parallel_loop3A_565, %parallel_loop3A_569 : vector<16xi1>, vector<16xf32>
        %parallel_loop3A_571 = arith.constant 16 : i32
        %parallel_loop3A_572 = arith.muli %parallel_loop3A_561, %parallel_loop3A_571 : i32
        %parallel_loop3A_573 = arith.index_cast %parallel_loop3A_572 : i32 to index
        %parallel_loop3A_574 = tpu.vector_load %arg7[%parallel_loop3A_573] {strides = array<i32>} : memref<4096xf32, #tpu.memory_space<vmem>>, vector<16xf32>,
        tpu.vector_store %arg7[%parallel_loop3A_573], %parallel_loop3A_570 {strides = array<i32>} : memref<4096xf32, #tpu.memory_space<vmem>>, vector<16xf32>,
        %parallel_loop3A_575 = arith.constant 16 : i32
        %parallel_loop3A_576 = arith.muli %parallel_loop3A_561, %parallel_loop3A_575 : i32
        %parallel_loop3A_577 = arith.index_cast %parallel_loop3A_576 : i32 to index
        %parallel_loop3A_578 = tpu.vector_load %arg8[%parallel_loop3A_577] {strides = array<i32>} : memref<4096xi32, #tpu.memory_space<vmem>>, vector<16xi32>,
        tpu.vector_store %arg8[%parallel_loop3A_577], %broadcast_in_dim3A_3 {strides = array<i32>} : memref<4096xi32, #tpu.memory_space<vmem>>, vector<16xi32>,
      } {sc.loop_unroll_factor = 8 : i64, sc.parallel_access}
      %dma_start3A_555 = arith.constant 0 : i32
      %dma_start3A_556 = tpu.memref_slice %arg3[%add3A_295, %dma_start3A_555] : memref<8192x4096xf32, #tpu.memory_space<hbm>> -> memref<1x4096xf32, #tpu.memory_space<hbm>>
      %dma_start3A_557 = tpu.memref_squeeze %dma_start3A_556 : memref<1x4096xf32, #tpu.memory_space<hbm>> -> memref<4096xf32, #tpu.memory_space<hbm>>
      %dma_start3A_558 = arith.constant 0 : i32
      %dma_start3A_559 = tpu.memref_slice %arg3[%add3A_295, %dma_start3A_558] : memref<8192x4096xf32, #tpu.memory_space<hbm>> -> memref<1x4096xf32, #tpu.memory_space<hbm>>
      %dma_start3A_560 = tpu.memref_squeeze %dma_start3A_559 : memref<1x4096xf32, #tpu.memory_space<hbm>> -> memref<4096xf32, #tpu.memory_space<hbm>>
      tpu.enqueue_dma source(%arg7 : memref<4096xf32, #tpu.memory_space<vmem>>) target(%dma_start3A_560 : memref<4096xf32, #tpu.memory_space<hbm>>) target_semaphore(%arg16 : memref<!tpu.dma_semaphore, #tpu.memory_space<semaphore_mem>>)
    }
    %scan3A_19 = arith.constant 128 : i32
    %add3A_20 = arith.constant 256 : i32
    %add3A_21 = arith.addi %mul3A_2, %add3A_20 : i32
    %sub3A = arith.constant 2 : i32
    %sub3A_22 = arith.subi %add3A_21, %sub3A : i32
    %dma_wait3A = arith.constant 0 : i32
    %dma_wait3A_23 = tpu.memref_slice %arg3[%sub3A_22, %dma_wait3A] : memref<8192x4096xf32, #tpu.memory_space<hbm>> -> memref<1x4096xf32, #tpu.memory_space<hbm>>
    %dma_wait3A_24 = tpu.memref_squeeze %dma_wait3A_23 : memref<1x4096xf32, #tpu.memory_space<hbm>> -> memref<4096xf32, #tpu.memory_space<hbm>>
    %dma_wait3A_25 = arith.constant 0 : i32
    %dma_wait3A_26 = tpu.memref_slice %arg3[%sub3A_22, %dma_wait3A_25] : memref<8192x4096xf32, #tpu.memory_space<hbm>> -> memref<1x4096xf32, #tpu.memory_space<hbm>>
    %dma_wait3A_27 = tpu.memref_squeeze %dma_wait3A_26 : memref<1x4096xf32, #tpu.memory_space<hbm>> -> memref<4096xf32, #tpu.memory_space<hbm>>
    tpu.wait_dma2 semaphore(%arg15 : memref<!tpu.dma_semaphore, #tpu.memory_space<semaphore_mem>>) src(%arg6 : memref<4096xf32, #tpu.memory_space<vmem>>) dst(%dma_wait3A_27 : memref<4096xf32, #tpu.memory_space<hbm>>)
    %add3A_28 = arith.constant 256 : i32
    %add3A_29 = arith.addi %mul3A_2, %add3A_28 : i32
    %sub3A_30 = arith.constant 1 : i32
    %sub3A_31 = arith.subi %add3A_29, %sub3A_30 : i32
    %dma_wait3A_32 = arith.constant 0 : i32
    %dma_wait3A_33 = tpu.memref_slice %arg3[%sub3A_31, %dma_wait3A_32] : memref<8192x4096xf32, #tpu.memory_space<hbm>> -> memref<1x4096xf32, #tpu.memory_space<hbm>>
    %dma_wait3A_34 = tpu.memref_squeeze %dma_wait3A_33 : memref<1x4096xf32, #tpu.memory_space<hbm>> -> memref<4096xf32, #tpu.memory_space<hbm>>
    %dma_wait3A_35 = arith.constant 0 : i32
    %dma_wait3A_36 = tpu.memref_slice %arg3[%sub3A_31, %dma_wait3A_35] : memref<8192x4096xf32, #tpu.memory_space<hbm>> -> memref<1x4096xf32, #tpu.memory_space<hbm>>
    %dma_wait3A_37 = tpu.memref_squeeze %dma_wait3A_36 : memref<1x4096xf32, #tpu.memory_space<hbm>> -> memref<4096xf32, #tpu.memory_space<hbm>>
    tpu.wait_dma2 semaphore(%arg16 : memref<!tpu.dma_semaphore, #tpu.memory_space<semaphore_mem>>) src(%arg7 : memref<4096xf32, #tpu.memory_space<vmem>>) dst(%dma_wait3A_37 : memref<4096xf32, #tpu.memory_space<hbm>>)
    return
  }
}

</mosaic_0001>

<sc_bundles>
// kernel: kernel.3.cloned.1.call-start
scs
__scs_entry_jumppad:
0x0: {  	(pc) =	sbr.rel $0x88, $3  }
0x1: {  	(tag) =	ssettag $0x0;
	lr =	simm.s32 $0x1  }
0x2: {  	[smem:$0x3FA0] =	sst lr;
	_ =	strace $0xD0000000  }
0x3: {  	_ = 	snop  }
0x4: {  	_ = 	snop  }
0x5: {  	_ = 	snop  }
0x6: {  	_ = 	snop  }
0x7: {  	_ = 	snop  }
__scs_overlays_trampoline_lowered:
0x8: {  	[smem:$0x3FAF] =	sst s0  }
0x9: {  	[smem:$0x3FB0] =	sst s1  }
0xa: {  	[smem:$0x3FB1] =	sst s2  }
0xb: {  	[smem:$0x3FB2] =	sst s3  }
0xc: {  	[smem:$0x3FB3] =	sst s4  }
0xd: {  	[smem:$0x3FB4] =	sst s5  }
0xe: {  	[smem:$0x3FB5] =	sst s6  }
0xf: {  	[smem:$0x3FB6] =	sst s7  }
0x10: {  	[smem:$0x3FB7] =	sst s8  }
0x11: {  	[smem:$0x3FB8] =	sst s9;
	s0 =	simm.s32 @!p0 $0x0  }
0x12: {  	s1 =	sld [smem:$0x3F9E];
	s0 =	simm.s32 @p0 $0x1  }
0x13: {  	[smem:$0x3FB9] =	sst s0;
	s0 =	simm.s32 @!p1 $0x0  }
0x14: {  	s2 =	sld [smem:$0x3F9D];
	s0 =	simm.s32 @p1 $0x1  }
0x15: {  	[smem:$0x3FBA] =	sst s0;
	s0 =	simm.s32 @!p2 $0x0  }
0x16: {  	s3 =	sld [smem:$0x3FDB];
	s0 =	simm.s32 @p2 $0x1  }
0x17: {  	s4 =	simm.s32 $0x1BF5;
	[smem:$0x3FBC] =	sst s0  }
0x18: {  	s0 =	sld [smem:$0x3F9F];
	_ =	swait.ge [sflag:s4], $0x0  }
0x19: {  	s7 =	sld [smem:$0x3FA0]  }
0x1a: {  	s8 =	sadd.s32 $0xFFFFE003, lr  }
0x1b: {  	s9 =	sadd.s32 $0xFFFFFEF7, lr;
	s5 =	simm.s32 $0xFFFFFFFF;
	p2 =	slt.u32 s8, $0xFFFFF086  }
0x1c: {  	p1 =	slt.u32 s9, $0xF7A;
	s5 =	simm.s32 @!p2 $0x0  }
0x1d: {  	s5 =	simm.s32 @p1 $0x1;
	p0 =	seq.s32 s7, s2  }
0x1e: {  	s7 =	smul.u32 @!p0 $0xF7A, s2;
	p2 =	seq.s32 @!p0 s5, $0x0  }
0x1f: {  	s9 =	smul.u32 $0xF7A, s1;
	s8 =	simm.s32 @!p0 $0x1BF5;
	p2 =	por !p2, p0  }
0x20: {  	[sflag:s8] =	ssyncset.s32 @!p0 $0xFFFFF086;
	s6 =	sadd.s32 @!p0 s3, s7;
	s7 =	simm.s32 @!p0 $0x108  }
0x21: {  	s3 =	sadd.s32 s3, s9;
	s6 =	sadd.s32 @!p0 $0x88, s6;
	s7 =	simm.s32 @p2 $0x1082  }
0x22: {  	[simem:s7], [sflag:s8] =	dma.local @!p0 [hbm:s6], $0xF7A  }
0x23: {  	s9 =	sor.u32 $0xD0000000, s2;
	s6 =	simm.s32 $0x108;
	_ =	swait.ge @!p0 [sflag:s8], $0x0  }
0x24: {  	s3 =	sadd.s32 $0x88, s3;
	s6 =	simm.s32 @!p1 $0x1082;
	[sflag:s4] =	ssyncset.s32 $0xFFFFF086  }
0x25: {  	[simem:s6], [sflag:s4] =	dma.local [hbm:s3], $0xF7A  }
0x26: {  	[smem:$0x3FA0] =	sst s1;
	(tag) =	ssettag s2;
	_ =	strace s9  }
0x27: {  	s1 =	sld [smem:$0x3FB0]  }
0x28: {  	s2 =	sld [smem:$0x3FB1]  }
0x29: {  	s4 =	sld [smem:$0x3FB3]  }
0x2a: {  	p0 =	seq.s32 s5, $0x0;
	s5 =	sld [smem:$0x3FB4]  }
0x2b: {  	s6 =	sld [smem:$0x3FB5]  }
0x2c: {  	s7 =	sld [smem:$0x3FB6]  }
0x2d: {  	s3 =	simm.s32 $0x108;
	s8 =	sld [smem:$0x3FB7]  }
0x2e: {  	s3 =	simm.s32 @!p0 $0x1082;
	s9 =	sld [smem:$0x3FB8]  }
0x2f: {  	lr =	sadd.s32 s0, s3;
	s0 =	sld [smem:$0x3FAF]  }
0x30: {  	s3 =	sld [smem:$0x3FB2]  }
0x31: {  	[smem:$0x3FBB] =	sst s10  }
0x32: {  	s10 =	sld [smem:$0x3FB9];
	_ =	sdelay $0x3  }
0x33: {  	p0 =	seq.s32 s10, $0x1;
	s10 =	sld [smem:$0x3FBB];
	_ =	sdelay $0x3  }
0x34: {  	[smem:$0x3FBB] =	sst s10  }
0x35: {  	s10 =	sld [smem:$0x3FBA];
	_ =	sdelay $0x3  }
0x36: {  	p1 =	seq.s32 s10, $0x1;
	s10 =	sld [smem:$0x3FBB];
	_ =	sdelay $0x3  }
0x37: {  	[smem:$0x3FBB] =	sst s10  }
0x38: {  	s10 =	sld [smem:$0x3FBC]  }
0x39: {  	_ = 	snop;
	(pc) =	sbr.ind lr, $3  }
0x3a: {  	_ = 	snop  }
0x3b: {  	_ = 	snop  }
0x3c: {  	p2 =	seq.s32 s10, $0x1;
	s10 =	sld [smem:$0x3FBB]  }
0x3d: {  	_ =	shalt  }
0x3e: {  	_ =	shalt  }
0x3f: {  	_ =	shalt  }
0x40: {  	_ =	shalt  }
0x41: {  	_ =	shalt  }
0x42: {  	_ =	shalt  }
0x43: {  	_ =	shalt  }
0x44: {  	_ =	shalt  }
0x45: {  	_ =	shalt  }
0x46: {  	_ =	shalt  }
0x47: {  	_ =	shalt  }
0x48: {  	_ =	shalt  }
0x49: {  	_ =	shalt  }
0x4a: {  	_ =	shalt  }
0x4b: {  	_ =	shalt  }
0x4c: {  	_ =	shalt  }
0x4d: {  	_ =	shalt  }
0x4e: {  	_ =	shalt  }
0x4f: {  	_ =	shalt  }
0x50: {  	_ =	shalt  }
0x51: {  	_ =	shalt  }
0x52: {  	_ =	shalt  }
0x53: {  	_ =	shalt  }
0x54: {  	_ =	shalt  }
0x55: {  	_ =	shalt  }
0x56: {  	_ =	shalt  }
0x57: {  	_ =	shalt  }
0x58: {  	_ =	shalt  }
0x59: {  	_ =	shalt  }
0x5a: {  	_ =	shalt  }
0x5b: {  	_ =	shalt  }
0x5c: {  	_ =	shalt  }
0x5d: {  	_ =	shalt  }
0x5e: {  	_ =	shalt  }
0x5f: {  	_ =	shalt  }
0x60: {  	_ =	shalt  }
0x61: {  	_ =	shalt  }
0x62: {  	_ =	shalt  }
0x63: {  	_ =	shalt  }
0x64: {  	_ =	shalt  }
0x65: {  	_ =	shalt  }
0x66: {  	_ =	shalt  }
0x67: {  	_ =	shalt  }
0x68: {  	_ =	shalt  }
0x69: {  	_ =	shalt  }
0x6a: {  	_ =	shalt  }
0x6b: {  	_ =	shalt  }
0x6c: {  	_ =	shalt  }
0x6d: {  	_ =	shalt  }
0x6e: {  	_ =	shalt  }
0x6f: {  	_ =	shalt  }
0x70: {  	_ =	shalt  }
0x71: {  	_ =	shalt  }
0x72: {  	_ =	shalt  }
0x73: {  	_ =	shalt  }
0x74: {  	_ =	shalt  }
0x75: {  	_ =	shalt  }
0x76: {  	_ =	shalt  }
0x77: {  	_ =	shalt  }
0x78: {  	_ =	shalt  }
0x79: {  	_ =	shalt  }
0x7a: {  	_ =	shalt  }
0x7b: {  	_ =	shalt  }
0x7c: {  	_ =	shalt  }
0x7d: {  	_ =	shalt  }
0x7e: {  	_ =	shalt  }
0x7f: {  	_ =	shalt  }
0x80: {  	_ =	shalt  }
0x81: {  	_ =	shalt  }
0x82: {  	_ =	shalt  }
0x83: {  	_ =	shalt  }
0x84: {  	_ =	shalt  }
0x85: {  	_ =	shalt  }
0x86: {  	_ =	shalt  }
0x87: {  	_ =	shalt  }
.Lfunc_end0:
.L_simem_size_0:
called_computation_lowered:
.L_overlay_start_0:
0x88: {  	s2 =	sld [smem:$0x3FD9]  }
0x89: {  	s3 =	sld [smem:$0x3FFE];
	_ =	sdelay $0x1  }
0x8a: {  	s1 =	srdreg.scid  }
0x8b: {  	s0 =	sand.u32 $0x1, s1  }
0x8c: {  	s18 =	sshll.u32 s0, $0xA;
	s2 =	sadd.s32 s3, s2  }
0x8d: {  	s2 =	sadd.s32 s2, s18  }
0x8e: {  	[smem:$0x3FC7] =	sst s2  }
0x8f: {  	_ = 	snop  }
0x90: {  	s2 =	sld [smem:$0x3FC9]  }
0x91: {  	s19 =	sld [smem:$0x3FD0];
	(tm) =	ssettm $0x1  }
0x92: {  	s4 =	sld [smem:$0x3FFB];
	_ =	sdelay $0x3  }
0x93: {  	_ =	strace s4  }
0x94: {  	s4 =	sld [smem:$0x3FFC];
	_ =	sdelay $0x3  }
0x95: {  	_ =	strace s4  }
0x96: {  	s4 =	sld [smem:$0x3FFD];
	_ =	sdelay $0x3  }
0x97: {  	_ =	strace s4  }
0x98: {  	_ =	strace $0x8FFFFFFF  }
0x99: {  	s20 =	sld [smem:$0x3FDB];
	_ =	sdelay $0x1  }
0x9a: {  	s5 =	simm.s32 $_scs_section_size  }
0x9b: {  	s6 =	simm.s32 $_size__tile_overlayer_lowered;
	s7 =	simm.s32 $_tile_overlayer_lowered  }
0x9c: {  	s23 =	simm.s32 $0x1BFF;
	s22 =	sshll.u32 s7, $0x1;
	s4 =	sadd.s32 s5, s20  }
0x9d: {  	s8 =	simm.s32 $0x0;
	s21 =	sshll.u32 s6, $0x1;
	s6 =	sadd.s32 s22, s4  }
0x9e: {  	[timem:s8], [sflag:s23] =	dma.local [hbm:s6], s21  }
0x9f: {  	_ =	swait.ge [sflag:s23], s21  }
0xa0: {  	s5 =	ssub.s32 $0x0, s21;
	[sflag:s23] =	ssyncset.done $0x0  }
0xa1: {  	[sflag:s23] =	ssyncadd.s32 s5;
	_ =	sdelay $0x1  }
0xa2: {  	s24 =	simm.s32 $0x1B8B  }
0xa3: {  	_ =	swait.ge [sflag:s24], $0x1  }
0xa4: {  	[sflag:s24] =	ssyncset.done $0x0  }
0xa5: {  	s25 =	simm.s32 $0x1B8E;
	[sflag:s24] =	ssyncadd.s32 $0xFFFFFFFF  }
0xa6: {  	s26 =	simm.s32 $execute0_lowered;
	[smem:$0x3FD2] =	sst s25  }
0xa7: {  	s5 =	sshll.u32 s26, $0x1;
	_ =	strace $0x80000046;
	[dreg:$0x1] =	wrdreg $0xFFFFFFFF  }
0xa8: {  	s28 =	simm.s32 $_size_execute0_lowered;
	s4 =	sadd.s32 s4, s5;
	[dreg:$0x0] =	wrdreg $0x0  }
0xa9: {  	s5 =	sshll.u32 s28, $0x1;
	[dreg:$0x2] =	wrdreg s4  }
0xaa: {  	[dreg:$0x3] =	wrdreg s5  }
0xab: {  	[dreg:$0x4] =	wrdreg $0xC0  }
0xac: {  	_ =	task [dreg:s8], $0x5FFFF  }
0xad: {  	[dreg:$0x1] =	wrdreg $0xFFFFFFFF  }
0xae: {  	[dreg:$0x0] =	wrdreg $0x60  }
0xaf: {  	[dreg:$0x2] =	wrdreg s2  }
0xb0: {  	[dreg:$0x3] =	wrdreg s19  }
0xb1: {  	[dreg:$0x4] =	wrdreg $0x9  }
0xb2: {  	_ =	task.clear_ibuf [dreg:s8], $0x5FFFF;
	_ =	strace $0x90000046  }
0xb3: {  	s29 =	simm.s32 $0x9;
	_ =	strace $0x80000048  }
0xb4: {  	_ =	swait.ge [sflag:s29], $0x1  }
0xb5: {  	[sflag:s29] =	ssyncadd.s32 $0xFFFFFFFF  }
0xb6: {  	_ =	strace $0x90000048  }
0xb7: {  	_ =	sfence  }
0xb8: {  	s30 =	sld [smem:$0x0];
	_ =	sdelay $0x2  }
0xb9: {  	s31 =	sshll.u32 s1, $0xD;
	s1 =	sshrl.u32 s1, $0x2  }
0xba: {  	s3 =	sand.u32 $0x4000, s31;
	s1 =	sadd.s32 s1, s30  }
0xbb: {  	s0 =	sor.u32 s3, s0;
	s1 =	sshll.u32 s1, $0x11  }
0xbc: {  	s0 =	sor.u32 s1, s0  }
0xbd: {  	s0 =	sadd.s32 $0x8F2B, s0  }
0xbe: {  	[sflag:s0] =	ssyncadd.remote.s32 $0x1  }
0xbf: {  	_ =	sfence.sel $0xFFFF  }
0xc0: {  	[dreg:$0x0] =	wrdreg $0xFFFFFFFF;
	(pc) =	sbr.abs _section_cstart, $3  }
0xc1: {  	[dreg:$0x1] =	wrdreg $0xFFFFFFFF  }
0xc2: {  	_ =	task.clear_ibuf [dreg:s8], $0x2FFFF;
	_ =	strace $0x9FFFFFFF  }
0xc3: {  	(tm) =	ssettm $0x7FFFFFFF  }
tec
execute0_lowered:
.L_overlay_start_1:
0x0: {  	(tag) =	ssettag $0x1  }
0x1: {  	s1 =	rddreg [dreg:$0x0];
	s0 =	simm.s32 $0x0  }
0x2: {  	[smem:$0x7FF] =	sst s0  }
0x3: {  	s2 =	rddreg [dreg:$0x1];
	v0 =	vimm.s32 $0x80000000;
	_ =	strace $0x80000047  }
0x4: {  	(xrf0) =	vmax.scan.msk.u32 $0xffff, v0;
	v0 =	vimm.s32 $0x0  }
0x5: {  	(xrf0) =	vadd.scan.msk.s32 $0xffff, v0;
	_ =	sdelay $0x4  }
0x6: {  	v1, _, _ =	vpop (xrf0)  }
0x7: {  	(v2sf) =	vpush v1, $0xF;
	v1, _, _ =	vpop (xrf0)  }
0x8: {  	(v2sf) =	vpush v1, $0xF;
	_ =	sdelay $0x6  }
0x9: {  	s29 =	srdreg.scid;
	s4 =	stileid.u32  }
0xa: {  	s9 =	simm.s32 $0x80;
	s10 =	simm.s32 $0x400;
	s11 =	simm.s32 $0x1  }
0xb: {  	s13 =	simm.s32 $0x4000;
	s14 =	simm.s32 $0x5500;
	s0 =	sand.u32 $0x1, s29  }
0xc: {  	s4 =	sshll.u32 s4, $0x9;
	s3 =	ssub.s32 $0x2, s0;
	s0 =	sshll.u32 s0, $0x8  }
0xd: {  	s15 =	simm.s32 $0x5400;
	s16 =	simm.s32 $0x6500;
	s5 =	sor.u32 s0, s4  }
.Ltmp0:
0xe: {  	s6 =	sshrl.u32 s3, $0x1;
	s4 =	sshll.u32 s5, $0x9;
	(pc) =	sbr.rel .LBB2_1-.Ltmp0, $4  }
0xf: {  	s18 =	simm.s32 $0x2;
	s3 =	ssub.s32 s3, s6;
	s4 =	sadd.s32 s1, s4  }
0x10: {  	s3 =	smax.u32 s3, $0x1;
	[dreg:$0x3] =	wrdreg s4;
	s30 =	spop (v2sf)  }
0x11: {  	s19 =	simm.s32 $0x3000;
	[dreg:$0x4] =	wrdreg s3;
	v1 =	vlaneseq.u32;
	s31 =	spop (v2sf)  }
0x12: {  	v2 =	vimm.s32 $0xFFFFFFFF;
	v3 =	vimm.s32 $0x1;
	s4 =	simm.s32 $0x0;
	v4 =	vadd.s32 $0x1, v1;
	p0 =	sgt.u32 s30, $0x80000010;
	[dreg:$0x5] =	wrdreg s31  }
.LBB2_121:
0x13: {  	s0 =	simm.s32 $0x3  }
0x14: {  	_ =	swait.ge [sflag:s0], $0x1000  }
0x15: {  	[sflag:s0] =	ssyncset.done $0x0  }
0x16: {  	s3 =	simm.s32 $0x4;
	[sflag:s0] =	ssyncadd.s32 $0xFFFFF000  }
0x17: {  	_ =	swait.ge [sflag:s3], $0x1000  }
0x18: {  	s4 =	rddreg [dreg:$0x6]  }
0x19: {  	s31 =	rddreg [dreg:$0x4];
	s4 =	sadd.s32 $0x1, s4  }
0x1a: {  	p1 =	sne.s32 s4, s31  }
.Ltmp1:
0x1b: {  	_ = 	snop;
	(pc) =	sbr.rel @!p1 .LBB2_122-.Ltmp1, $3  }
0x1c: {  	_ =	sdelay $0x1  }
0x1d: {  	[sflag:s3] =	ssyncset.done $0x0  }
0x1e: {  	[sflag:s3] =	ssyncadd.s32 $0xFFFFF000  }
.LBB2_1:
0x1f: {  	s0 =	simm.s32 $0x0;
	s3 =	rddreg [dreg:$0x3]  }
0x20: {  	[tilespmem:s0], [sflag:$0x1] =	stream.strided.gather [hbm4b:s3+s9], $0x1000, s10, s9, $0x38;
	[tilespmem:$0x7500] =	vst v63  }
0x21: {  	[dreg:$0x6] =	wrdreg s4;
	s0 =	simm.s32 $0x4040  }
0x22: {  	[tilespmem:s0+$0xFFFFFFC0] =	vst v0  }
0x23: {  	[tilespmem:s0+$0x30] =	vst v0  }
0x24: {  	[tilespmem:s0+$0x20] =	vst v0  }
0x25: {  	[tilespmem:s0+$0x10] =	vst v0  }
0x26: {  	[tilespmem:s0+$0x0] =	vst v0  }
0x27: {  	[tilespmem:s0+$0xFFFFFFF0] =	vst v0  }
0x28: {  	s3 =	simm.s32 $0x0;
	[tilespmem:s0+$0xFFFFFFE0] =	vst v0  }
.LBB2_2:
0x29: {  	s3 =	sadd.s32 $0x8, s3;
	[tilespmem:s0+$0xFFFFFFD0] =	vst v0;
	s0 =	sadd.s32 $0x80, s0  }
0x2a: {  	[tilespmem:s0+$0xFFFFFFC0] =	vst v0;
	p1 =	slt.u32 s3, $0xF8  }
0x2b: {  	[tilespmem:s0+$0x30] =	vst v0  }
.Ltmp2:
0x2c: {  	[tilespmem:s0+$0x20] =	vst v0;
	(pc) =	sbr.rel @p1 .LBB2_2-.Ltmp2, $4  }
0x2d: {  	[tilespmem:s0+$0x10] =	vst v0  }
0x2e: {  	[tilespmem:s0+$0x0] =	vst v0  }
0x2f: {  	[tilespmem:s0+$0xFFFFFFF0] =	vst v0  }
0x30: {  	[tilespmem:s0+$0xFFFFFFE0] =	vst v0  }
0x31: {  	[tilespmem:s0+$0xFFFFFFD0] =	vst v0;
	s24 =	simm.s32 $0x0  }
.LBB2_4:
0x32: {  	p1 =	seq.s32 s24, $0x0  }
0x33: {  	s0 =	sshll.u32 s24, $0x1;
	s3 =	simm.s32 @!p1 $0x3  }
0x34: {  	s25 =	sadd.s32 s5, s0;
	_ =	swait.ge @!p1 [sflag:s3], $0x1000  }
0x35: {  	s4 =	sshll.u32 s24, $0x5;
	s0 =	sshll.u32 s25, $0x9;
	[sflag:s3] =	ssyncset.done @!p1 $0x0  }
0x36: {  	s28 =	sand.u32 $0x60, s4;
	s26 =	sand.u32 $0x3FF000, s0;
	[sflag:s3] =	ssyncadd.s32 @!p1 $0xFFFFF000  }
0x37: {  	s0 =	sor.u32 s28, s26;
	_ =	swait.ge [sflag:s11], $0x1000  }
0x38: {  	s23 =	sor.u32 $0x10, s0;
	[sflag:s11] =	ssyncset.done $0x0  }
0x39: {  	s31 =	simm.s32 $0x1000;
	s0 =	sadd.s32 s1, s23;
	[sflag:s11] =	ssyncadd.s32 $0xFFFFF000  }
0x3a: {  	[tilespmem:s31], [sflag:$0x2] =	stream.strided.gather [hbm4b:s0+s9], $0x1000, s10, s9, $0x38;
	[tilespmem:$0x7500] =	vst v63  }
0x3b: {  	s0 =	simm.s32 $0x5040  }
0x3c: {  	[tilespmem:s0+$0xFFFFFFC0] =	vst v0  }
0x3d: {  	[tilespmem:s0+$0x30] =	vst v0  }
0x3e: {  	[tilespmem:s0+$0x20] =	vst v0  }
0x3f: {  	[tilespmem:s0+$0x10] =	vst v0  }
0x40: {  	[tilespmem:s0+$0x0] =	vst v0  }
0x41: {  	[tilespmem:s0+$0xFFFFFFF0] =	vst v0  }
0x42: {  	p2 =	por $0x1, $0x1;
	s3 =	simm.s32 $0x0;
	[tilespmem:s0+$0xFFFFFFE0] =	vst v0  }
.LBB2_5:
0x43: {  	s3 =	sadd.s32 $0x8, s3;
	[tilespmem:s0+$0xFFFFFFD0] =	vst v0;
	s0 =	sadd.s32 $0x80, s0  }
0x44: {  	[tilespmem:s0+$0xFFFFFFC0] =	vst v0;
	p3 =	slt.u32 s3, $0x38  }
0x45: {  	[tilespmem:s0+$0x30] =	vst v0  }
.Ltmp3:
0x46: {  	[tilespmem:s0+$0x20] =	vst v0;
	(pc) =	sbr.rel @p3 .LBB2_5-.Ltmp3, $4  }
0x47: {  	[tilespmem:s0+$0x10] =	vst v0  }
0x48: {  	[tilespmem:s0+$0x0] =	vst v0  }
0x49: {  	[tilespmem:s0+$0xFFFFFFF0] =	vst v0  }
0x4a: {  	[tilespmem:s0+$0xFFFFFFE0] =	vst v0  }
0x4b: {  	[tilespmem:s0+$0xFFFFFFD0] =	vst v0;
	s0 =	simm.s32 $0x0  }
.LBB2_7:
0x4c: {  	s0 =	sshra.s32 s0, $0x2  }
0x4d: {  	[tilespmem:s0+$0x5400] =	vst v0  }
0x4e: {  	[tilespmem:s0+$0x5410] =	vst v0  }
0x4f: {  	p3 =	por p2, p2;
	[tilespmem:s0+$0x5420] =	vst v0  }
.Ltmp4:
0x50: {  	[tilespmem:s0+$0x5430] =	vst v0;
	(pc) =	sbr.rel @p3 .LBB2_7-.Ltmp4, $4  }
0x51: {  	[tilespmem:s0+$0x5440] =	vst v0  }
0x52: {  	[tilespmem:s0+$0x5450] =	vst v0  }
0x53: {  	[tilespmem:s0+$0x5460] =	vst v0  }
0x54: {  	p2 =	por $0x0, $0x0;
	[tilespmem:s0+$0x5470] =	vst v0;
	s0 =	simm.s32 $0x200  }
0x55: {  	[tilespmem:$0x6500] =	vst v2;
	s0 =	simm.s32 $0x20  }
0x56: {  	v5 =	vld [tilespmem:s0+$0x10];
	_ =	sdelay $0x2  }
0x57: {  	v9 =	vld [tilespmem:s0+$0xFFFFFFF0]  }
0x58: {  	v10 =	vld [tilespmem:s0+$0x0]  }
0x59: {  	v6 =	vld [tilespmem:s0+$0xFFFFFFE0];
	v7 =	vshra.s32 v5, $0x1F  }
0x5a: {  	v7 =	vor.u32 $0x80000000, v7  }
0x5b: {  	v5 =	vxor.u32 v5, v7  }
0x5c: {  	v8 =	vshra.s32 v9, $0x1F;
	v7 =	vshrl.u32 v5, $0x14  }
0x5d: {  	v12 =	vshra.s32 v10, $0x1F;
	v11 =	vor.u32 $0x80000000, v8;
	v8 =	vshrl.u32 v5, $0x16  }
0x5e: {  	v12 =	vor.u32 $0x80000000, v12;
	v9 =	vxor.u32 v9, v11;
	v5 =	vshra.s32 v6, $0x1F  }
0x5f: {  	s3 =	simm.s32 $0x0;
	s4 =	simm.s32 $0x60;
	v10 =	vxor.u32 v10, v12;
	v11 =	vor.u32 $0x80000000, v5;
	v5 =	vshrl.u32 v9, $0x14  }
.LBB2_9:
0x60: {  	v12 =	vld [tilespmem:s4+$0x10];
	v6 =	vxor.u32 v6, v11;
	v9 =	vshrl.u32 v9, $0x16;
	v11 =	vshrl.u32 v10, $0x14  }
0x61: {  	s3 =	sadd.s32 $0x4, s3;
	s0 =	simm.s32 $0x5000;
	v15 =	vshrl.u32 v10, $0x16;
	v13 =	vshrl.u32 v6, $0x14;
	v14 =	vshrl.u32 v6, $0x16;
	[tilespmem:v7+s13+$0x0] =	vst.idx.add.s32.msk $0xffff, v3  }
0x62: {  	p2 =	slt.u32 s3, $0xFC;
	[tilespmem:v8+s0+$0x0] =	vst.idx.add.s32.msk $0xffff, v3  }
0x63: {  	v10 =	vld [tilespmem:s4+$0xFFFFFFF0]  }
0x64: {  	v16 =	vld [tilespmem:s4+$0x0]  }
0x65: {  	v6 =	vld [tilespmem:s4+$0xFFFFFFE0];
	v7 =	vshra.s32 v12, $0x1F  }
0x66: {  	v7 =	vor.u32 $0x80000000, v7;
	[tilespmem:v13+s13+$0x0] =	vst.idx.add.s32.msk $0xffff, v3  }
.Ltmp5:
0x67: {  	v8 =	vxor.u32 v12, v7;
	[tilespmem:v14+s0+$0x0] =	vst.idx.add.s32.msk $0xffff, v3;
	(pc) =	sbr.rel @p2 .LBB2_9-.Ltmp5, $4  }
0x68: {  	v12 =	vshra.s32 v10, $0x1F;
	v7 =	vshrl.u32 v8, $0x14;
	[tilespmem:v5+s13+$0x0] =	vst.idx.add.s32.msk $0xffff, v3  }
0x69: {  	v8 =	vshrl.u32 v8, $0x16;
	v5 =	vor.u32 $0x80000000, v12;
	v12 =	vshra.s32 v16, $0x1F;
	[tilespmem:v9+s0+$0x0] =	vst.idx.add.s32.msk $0xffff, v3  }
0x6a: {  	v13 =	vshra.s32 v6, $0x1F;
	v9 =	vxor.u32 v10, v5;
	v10 =	vor.u32 $0x80000000, v12;
	[tilespmem:v11+s13+$0x0] =	vst.idx.add.s32.msk $0xffff, v3  }
0x6b: {  	s4 =	sadd.s32 $0x40, s4;
	v11 =	vor.u32 $0x80000000, v13;
	v5 =	vshrl.u32 v9, $0x14;
	v10 =	vxor.u32 v16, v10;
	[tilespmem:v15+s0+$0x0] =	vst.idx.add.s32.msk $0xffff, v3  }
0x6c: {  	_ =	sdelay $0x2  }
0x6d: {  	v9 =	vshrl.u32 v9, $0x16  }
0x6e: {  	v6 =	vxor.u32 v6, v11;
	[tilespmem:v7+s13+$0x0] =	vst.idx.add.s32.msk $0xffff, v3;
	v7 =	vshrl.u32 v10, $0x14  }
0x6f: {  	v11 =	vshrl.u32 v6, $0x14  }
0x70: {  	[tilespmem:v8+s0+$0x0] =	vst.idx.add.s32.msk $0xffff, v3;
	v8 =	vshrl.u32 v10, $0x16  }
0x71: {  	[tilespmem:v5+s13+$0x0] =	vst.idx.add.s32.msk $0xffff, v3;
	v6 =	vshrl.u32 v6, $0x16  }
0x72: {  	[tilespmem:v9+s0+$0x0] =	vst.idx.add.s32.msk $0xffff, v3  }
0x73: {  	[tilespmem:v7+s13+$0x0] =	vst.idx.add.s32.msk $0xffff, v3  }
0x74: {  	[tilespmem:v11+s13+$0x0] =	vst.idx.add.s32.msk $0xffff, v3  }
0x75: {  	[tilespmem:v8+s0+$0x0] =	vst.idx.add.s32.msk $0xffff, v3  }
0x76: {  	[tilespmem:v6+s0+$0x0] =	vst.idx.add.s32.msk $0xffff, v3  }
0x77: {  	v5 =	vld [tilespmem:s0+$0x0];
	_ =	sdelay $0x4  }
0x78: {  	(xrf0) =	vadd.scan.msk.s32 $0xffff, v5;
	_ =	sdelay $0x5  }
0x79: {  	v9, _, _ =	vpop (xrf0)  }
0x7a: {  	s17 =	simm.s32 $0x5010;
	(v2sf) =	vpush v9, $0xF  }
0x7b: {  	v6 =	vld [tilespmem:s17+$0x0]  }
0x7c: {  	s20 =	simm.s32 $0x5020  }
0x7d: {  	v8 =	vld [tilespmem:s20+$0x0];
	_ =	sdelay $0x2  }
0x7e: {  	(xrf0) =	vadd.scan.msk.s32 $0xffff, v6;
	_ =	sdelay $0x1  }
0x7f: {  	(xrf0) =	vadd.scan.msk.s32 $0xffff, v8;
	_ =	sdelay $0x3  }
0x80: {  	s21 =	simm.s32 $0x5030;
	v12, _, _ =	vpop (xrf0)  }
0x81: {  	v7 =	vld [tilespmem:s21+$0x0];
	(v2sf) =	vpush v12, $0xF  }
0x82: {  	v15, _, _ =	vpop (xrf0)  }
0x83: {  	s22 =	spop (v2sf);
	(v2sf) =	vpush v15, $0xF  }
0x84: {  	s0 =	simm.s32 $0x0  }
0x85: {  	v10 =	vadd.s32 s0, v9  }
0x86: {  	s3 =	simm.s32 $0x5040;
	(xrf0) =	vadd.scan.msk.s32 $0xffff, v7;
	vm0 =	vgt.s32 v10, $0xE67  }
0x87: {  	v9 =	vld [tilespmem:s3+$0x0];
	v11 =	vmpcnt.ones.xlane vm0  }
0x88: {  	v14 =	vimm.s32 $0x0  }
0x89: {  	vm0 =	veq.s32 v14, $0x0;
	vm1 =	vgt.s32 v11, $0x0  }
0x8a: {  	s30 =	simm.s32 $0x1;
	vm0 =	vmand vm0, vm1  }
0x8b: {  	s4 =	simm.s32 $0x2;
	s31 =	simm.s32 $0x3;
	v11 =	vimm.s32 $0x0;
	v17 =	vsel vm1, $0x1, v0;
	v13 =	vsel vm0, v10, v14;
	s3 =	sadd.s32 $0x0, s22  }
0x8c: {  	s29 =	simm.s32 $0x4;
	s6 =	simm.s32 $0x5;
	s7 =	simm.s32 $0x5050;
	(xrf0) =	vadd.scan.msk.s32 $0xffff, v9;
	vm1 =	vgt.s32 v14, v17;
	v10 =	vimm.s32 $0x0;
	v16, _, _ =	vpop (xrf0);
	v12 =	vadd.s32 s3, v12  }
.LBB2_11:
0x8d: {  	(v2sf) =	vpush v16, $0xF;
	vm2 =	vgt.s32 v12, $0xE67;
	v14 =	vsel vm1, v14, v17;
	v17 =	vmovc v9;
	v9 =	vld [tilespmem:s7+$0x0];
	v18 =	vmovc v15;
	s8 =	smov.u32 s6;
	p2 =	sne.s32 s6, $0x3F  }
.Ltmp6:
0x8e: {  	v10 =	vsel vm0, v5, v10;
	v5 =	vmovc v6;
	v6 =	vmovc v8;
	v19 =	vmpcnt.ones.xlane vm2;
	vm1 =	veq.s32 v14, $0x0;
	(pc) =	sbr.rel @p2 .LBB2_11-.Ltmp6, $4  }
0x8f: {  	s6 =	sadd.s32 $0x1, s6;
	v11 =	vsel vm0, s0, v11;
	v8 =	vmovc v7;
	v15 =	vmov v16;
	s0 =	smov.u32 s30;
	v7 =	vmov v17  }
0x90: {  	s30 =	smov.u32 s4;
	s4 =	smov.u32 s31;
	vm0 =	vgt.s32 v19, $0x0;
	s20 =	spop (v2sf)  }
0x91: {  	s31 =	smov.u32 s29;
	s29 =	smov.u32 s8;
	v17 =	vsel vm0, $0x1, v0;
	vm0 =	vmand vm1, vm0;
	s3 =	sadd.s32 s3, s20  }
0x92: {  	s7 =	sadd.s32 $0x10, s7;
	(xrf0) =	vadd.scan.msk.s32 $0xffff, v9;
	v16, _, _ =	vpop (xrf0);
	v13 =	vsel vm0, v12, v13;
	v12 =	vadd.s32 s3, v18;
	vm1 =	vgt.s32 v14, v17  }
0x93: {  	(v2sf) =	vpush v16, $0xF;
	_ =	sdelay $0x7  }
0x94: {  	vm2 =	vgt.s32 v12, $0xE67;
	s6 =	spop (v2sf)  }
0x95: {  	v18 =	vmpcnt.ones.xlane vm2;
	s3 =	sadd.s32 s3, s6  }
0x96: {  	v15 =	vadd.s32 s3, v15  }
0x97: {  	v14 =	vsel vm1, v14, v17;
	vm2 =	vgt.s32 v18, $0x0;
	vm3 =	vgt.s32 v15, $0xE67;
	s22 =	spop (v2sf)  }
0x98: {  	vm1 =	veq.s32 v14, $0x0;
	v17 =	vsel vm2, $0x1, v0;
	v18 =	vmpcnt.ones.xlane vm3;
	s3 =	sadd.s32 s3, s22  }
0x99: {  	vm1 =	vmand vm1, vm2;
	vm2 =	vgt.s32 v14, v17;
	v16 =	vadd.s32 s3, v16  }
0x9a: {  	v14 =	vsel vm2, v14, v17;
	vm2 =	vgt.s32 v18, $0x0;
	vm3 =	vgt.s32 v16, $0xE67  }
0x9b: {  	v12 =	vsel vm1, v12, v13;
	v13 =	vsel vm2, $0x1, v0;
	v17 =	vmpcnt.ones.xlane vm3;
	s7 =	spop (v2sf)  }
0x9c: {  	v18, _, _ =	vpop (xrf0);
	vm4 =	vgt.s32 v14, v13;
	s3 =	sadd.s32 s3, s7  }
0x9d: {  	v13 =	vsel vm4, v14, v13;
	vm5 =	vgt.s32 v17, $0x0;
	v17 =	vadd.s32 s3, v18  }
0x9e: {  	vm3 =	veq.s32 v14, $0x0;
	v14 =	vsel vm5, $0x1, v0;
	vm4 =	vgt.s32 v17, $0xE67  }
0x9f: {  	vm2 =	vmand vm3, vm2;
	vm3 =	vgt.s32 v13, v14;
	v19 =	vmpcnt.ones.xlane vm4  }
0xa0: {  	v12 =	vsel vm2, v15, v12;
	vm4 =	veq.s32 v13, $0x0;
	v13 =	vsel vm3, v13, v14  }
0xa1: {  	vm3 =	vmand vm4, vm5;
	vm4 =	veq.s32 v13, $0x0;
	vm5 =	vgt.s32 v19, $0x0  }
0xa2: {  	v12 =	vsel vm3, v16, v12;
	vm4 =	vmand vm4, vm5  }
0xa3: {  	v12 =	vsel vm4, v17, v12  }
0xa4: {  	vm5 =	vgt.s32 v12, $0xE67  }
0xa5: {  	v13 =	vsel vm5, $0x1, v0  }
0xa6: {  	(xrf0) =	vadd.scan.msk.s32 $0xffff, v13;
	_ =	sdelay $0x5  }
0xa7: {  	v11 =	vsel vm0, s0, v11;
	(v2sf) =	vpush v18, $0xF;
	v13, _, _ =	vpop (xrf0)  }
0xa8: {  	v11 =	vsel vm1, s30, v11;
	(v2sf) =	vpush v13, $0xF  }
0xa9: {  	v11 =	vsel vm2, s4, v11  }
0xaa: {  	v11 =	vsel vm3, s31, v11  }
0xab: {  	v11 =	vsel vm4, s29, v11  }
0xac: {  	v11 =	vxor.u32 $0x80000000, v11  }
0xad: {  	(xrf0) =	vmax.scan.msk.u32 $0xffff, v11;
	_ =	sdelay $0x5  }
0xae: {  	v11, _, _ =	vpop (xrf0)  }
0xaf: {  	(v2sf) =	vpush v11, $0xF;
	_ =	sdelay $0x1  }
0xb0: {  	v5 =	vsel vm0, v5, v10;
	s8 =	spop (v2sf)  }
0xb1: {  	v5 =	vsel vm1, v6, v5;
	s0 =	spop (v2sf)  }
0xb2: {  	v5 =	vsel vm2, v8, v5;
	s0 =	ssub.s32 $0x10, s0  }
0xb3: {  	v5 =	vsel vm3, v7, v5;
	v6 =	vxor.u32 $0x80000000, v12;
	v7 =	vmov s0  }
0xb4: {  	v5 =	vsel vm4, v9, v5;
	v6 =	vnsel vm5, $0xC0000000, v6;
	vm0 =	veq.s32 v7, v1  }
0xb5: {  	(xrf0) =	vmin.scan.msk.u32 $0xffff, v6;
	v5 =	vnsel vm0, $0x0, v5  }
0xb6: {  	(xrf0) =	vadd.scan.msk.s32 $0xffff, v5;
	_ =	sdelay $0x4  }
0xb7: {  	v5, _, _ =	vpop (xrf0)  }
0xb8: {  	(v2sf) =	vpush v5, $0xF;
	v5, _, _ =	vpop (xrf0)  }
0xb9: {  	s12 =	spop (v2sf);
	(v2sf) =	vpush v5, $0xF  }
0xba: {  	s0 =	sshll.u32 s0, $0x2;
	s3 =	sshll.u32 s12, $0x6  }
0xbb: {  	s3 =	sadd.s32 s0, s3  }
0xbc: {  	s3 =	sand.u32 $0xFFFFFFF0, s3  }
0xbd: {  	s0 =	sand.u32 $0xC, s0;
	v5 =	vld [tilespmem:s3+$0x4000]  }
0xbe: {  	s17 =	sadd.s32 $0x4, s0  }
0xbf: {  	v6 =	vmov s0;
	v7 =	vmov s17  }
0xc0: {  	vm0 =	vlt.u32 v6, v4;
	vm1 =	vgt.u32 v7, v1  }
0xc1: {  	vm0 =	vmand vm0, vm1  }
0xc2: {  	v5 =	vnsel vm0, $0x0, v5  }
0xc3: {  	(xrf0) =	vadd.scan.msk.s32 $0xffff, v5;
	_ =	sdelay $0x3  }
0xc4: {  	s20 =	spop (v2sf)  }
0xc5: {  	s0 =	sxor.u32 $0x80000000, s20;
	s21 =	spop (v2sf)  }
0xc6: {  	v5, _, _ =	vpop (xrf0);
	s0 =	ssub.s32 s0, s21  }
0xc7: {  	v5 =	vadd.s32 s0, v5  }
0xc8: {  	vm1 =	vgt.s32 v5, $0xE67  }
0xc9: {  	vm0 =	vmand vm0, vm1  }
0xca: {  	v6 =	vsel vm0, $0x1, v0  }
0xcb: {  	(xrf0) =	vadd.scan.msk.s32 $0xffff, v6;
	_ =	sdelay $0x5  }
0xcc: {  	v6, _, _ =	vpop (xrf0)  }
0xcd: {  	(v2sf) =	vpush v6, $0xF;
	_ =	sdelay $0x4  }
0xce: {  	s22 =	simm.s32 $0x40  }
0xcf: {  	v8 =	vld [tilespmem:s22+$0x30]  }
0xd0: {  	v7 =	vld [tilespmem:s22+$0xFFFFFFD0]  }
0xd1: {  	v12 =	vld [tilespmem:s22+$0xFFFFFFE0]  }
0xd2: {  	v11 =	vld [tilespmem:s22+$0xFFFFFFC0];
	_ =	sdelay $0x1  }
0xd3: {  	v9 =	vld [tilespmem:s22+$0x20]  }
0xd4: {  	v14 =	vld [tilespmem:s22+$0xFFFFFFF0];
	v6 =	vshra.s32 v7, $0x1F  }
0xd5: {  	v15 =	vshra.s32 v8, $0x1F;
	v17 =	vimm.s32 $0x0;
	v10 =	vor.u32 $0x80000000, v6  }
0xd6: {  	v19 =	vshra.s32 v12, $0x1F;
	v7 =	vxor.u32 v7, v10;
	v10 =	vshra.s32 v11, $0x1F  }
0xd7: {  	v19 =	vor.u32 $0x80000000, v19;
	v18 =	vor.u32 $0x80000000, v10;
	v10 =	vor.u32 $0x80000000, v15;
	s31 =	spop (v2sf)  }
0xd8: {  	v16 =	vshrl.u32 v7, $0x14;
	v15 =	vshra.s32 v9, $0x1F;
	v8 =	vxor.u32 v8, v10;
	s4 =	ssub.s32 s17, s31  }
0xd9: {  	v10 =	vshra.s32 v14, $0x1F;
	v15 =	vor.u32 $0x80000000, v15;
	v18 =	vxor.u32 v11, v18;
	s29 =	sadd.s32 s3, s4  }
0xda: {  	v13 =	vld [tilespmem:s22+$0x0];
	v21 =	vshrl.u32 v8, $0x14;
	v10 =	vor.u32 $0x80000000, v10;
	v6 =	vmov s29  }
0xdb: {  	v9 =	vxor.u32 v9, v15;
	v11 =	vshrl.u32 v18, $0x14;
	vm2 =	veq.s32 v16, v6;
	v16 =	vld [tilespmem:s22+$0x10]  }
0xdc: {  	v10 =	vxor.u32 v14, v10;
	v14 =	vshrl.u32 v9, $0x14;
	vm6 =	veq.s32 v21, v6  }
0xdd: {  	vm1 =	veq.s32 v14, v6;
	vm8 =	veq.s32 v11, v6;
	v15 =	vsel vm6, $0x1, v0  }
0xde: {  	v11 =	vxor.u32 v12, v19;
	v22 =	vsel vm1, $0x1, v0;
	v19 =	vmpcnt.ones.xlane vm8;
	(xrf0) =	vadd.scan.msk.s32 $0xffff, v15  }
0xdf: {  	v20 =	vshra.s32 v13, $0x1F;
	v14 =	vmpcnt.ones.xlane vm2;
	v15 =	vsel vm2, $0x1, v0;
	(xrf0) =	vadd.scan.msk.s32 $0xffff, v22  }
0xe0: {  	v19 =	vadd.s32 v17, v19;
	(xrf0) =	vadd.scan.msk.s32 $0xffff, v15;
	v15 =	vsel vm8, $0x1, v0;
	v21 =	vshra.s32 v16, $0x1F  }
0xe1: {  	v20 =	vor.u32 $0x80000000, v20;
	(xrf0) =	vadd.scan.msk.s32 $0xffff, v15;
	v15 =	vadd.s32 v19, v14;
	v12 =	vor.u32 $0x80000000, v21  }
0xe2: {  	v14 =	vxor.u32 v13, v20;
	v21 =	vshrl.u32 v11, $0x14;
	v12 =	vxor.u32 v16, v12  }
0xe3: {  	v20 =	vshrl.u32 v14, $0x14;
	vm5 =	veq.s32 v21, v6;
	v21 =	vshrl.u32 v12, $0x14  }
0xe4: {  	v16 =	vshrl.u32 v10, $0x14;
	vm7 =	veq.s32 v20, v6;
	v13, _, _ =	vpop (xrf0);
	vm3 =	veq.s32 v21, v6  }
0xe5: {  	vm4 =	veq.s32 v16, v6;
	v16 =	vmpcnt.ones.xlane vm5;
	v25, _, _ =	vpop (xrf0);
	v21 =	vsel vm3, $0x1, v0  }
0xe6: {  	v26 =	vmpcnt.ones.xlane vm7;
	v22 =	vsel vm4, $0x1, v0;
	v20, _, _ =	vpop (xrf0);
	(xrf0) =	vadd.scan.msk.s32 $0xffff, v21;
	v21 =	vsel vm5, $0x1, v0  }
0xe7: {  	v24 =	vmpcnt.ones.xlane vm4;
	v23 =	vmpcnt.ones.xlane vm3;
	v27 =	vadd.s32 v20, v19;
	v20, _, _ =	vpop (xrf0);
	(xrf0) =	vadd.scan.msk.s32 $0xffff, v21  }
0xe8: {  	v16 =	vadd.s32 v15, v16;
	v17 =	vadd.s32 v20, v17;
	v21 =	vsel vm7, $0x1, v0;
	(xrf0) =	vadd.scan.msk.s32 $0xffff, v22  }
0xe9: {  	v19 =	vadd.s32 v16, v24;
	v24 =	vadd.s32 $0xFFFFFFFF, v17;
	(xrf0) =	vadd.scan.msk.s32 $0xffff, v21  }
0xea: {  	v20 =	vadd.s32 v19, v26;
	v26 =	vmpcnt.ones.xlane vm1  }
0xeb: {  	v18 =	vand.u32 $0xFFFFF, v18;
	v17 =	vadd.s32 v20, v23;
	v21 =	vadd.s32 $0xFFFFFFFF, v27  }
0xec: {  	s30 =	simm.s32 $0xC0;
	s0 =	simm.s32 $0x0;
	vm6 =	vmmov vm6;
	v22 =	vadd.s32 v25, v17;
	v17 =	vadd.s32 v17, v26;
	v23, _, _ =	vpop (xrf0)  }
.LBB2_13:
0xed: {  	v25 =	vld [tilespmem:s30+$0xFFFFFFD0];
	s0 =	sadd.s32 $0x8, s0;
	v9 =	vand.u32 $0xFFFFF, v9;
	v26 =	vmpcnt.ones.xlane vm6;
	v27 =	vand.u32 $0xFFFFF, v8;
	v8, _, _ =	vpop (xrf0)  }
0xee: {  	v7 =	vand.u32 $0xFFFFF, v7;
	v10 =	vand.u32 $0xFFFFF, v10;
	v28 =	vld [tilespmem:s30+$0x30];
	p2 =	slt.u32 s0, $0xF8;
	[tilespmem:v24+s14+$0x0] =	vst.idx.msk vm8, v18;
	v8 =	vadd.s32 v8, v15;
	v15, _, _ =	vpop (xrf0)  }
0xef: {  	v11 =	vand.u32 $0xFFFFF, v11;
	v12 =	vand.u32 $0xFFFFF, v12;
	v18 =	vld [tilespmem:s30+$0xFFFFFFC0];
	v8 =	vadd.s32 $0xFFFFFFFF, v8;
	v24, _, _ =	vpop (xrf0)  }
0xf0: {  	v14 =	vand.u32 $0xFFFFF, v14;
	v29 =	vld [tilespmem:s30+$0xFFFFFFE0];
	[tilespmem:v21+s14+$0x0] =	vst.idx.msk vm2, v7;
	v7 =	vadd.s32 v15, v16;
	v15 =	vadd.s32 v24, v19  }
0xf1: {  	v21 =	vadd.s32 $0xFFFFFFFF, v22;
	v19 =	vld [tilespmem:s30+$0x0];
	v16 =	vadd.s32 $0xFFFFFFFF, v7;
	v15 =	vadd.s32 $0xFFFFFFFF, v15  }
0xf2: {  	v20 =	vadd.s32 v23, v20;
	v13 =	vadd.s32 v13, v17;
	v7 =	vshra.s32 v25, $0x1F;
	v22 =	vld [tilespmem:s30+$0x20]  }
0xf3: {  	v20 =	vadd.s32 $0xFFFFFFFF, v20;
	v13 =	vadd.s32 $0xFFFFFFFF, v13;
	v7 =	vor.u32 $0x80000000, v7;
	v23 =	vld [tilespmem:s30+$0xFFFFFFF0]  }
0xf4: {  	v24 =	vshra.s32 v18, $0x1F;
	v7 =	vxor.u32 v25, v7;
	v25 =	vshra.s32 v28, $0x1F;
	[tilespmem:v8+s14+$0x0] =	vst.idx.msk vm5, v11  }
0xf5: {  	v11 =	vor.u32 $0x80000000, v24;
	v8 =	vshrl.u32 v7, $0x14;
	v24 =	vshra.s32 v29, $0x1F  }
0xf6: {  	vm2 =	veq.s32 v8, v6;
	v30 =	vshra.s32 v19, $0x1F;
	v31 =	vld [tilespmem:s30+$0x10];
	v8 =	vor.u32 $0x80000000, v25;
	[tilespmem:v16+s14+$0x0] =	vst.idx.msk vm4, v10  }
0xf7: {  	v17 =	vadd.s32 v17, v26;
	v10 =	vshra.s32 v22, $0x1F;
	v8 =	vxor.u32 v28, v8;
	[tilespmem:v21+s14+$0x0] =	vst.idx.msk vm1, v9  }
0xf8: {  	v9 =	vshra.s32 v23, $0x1F;
	v10 =	vor.u32 $0x80000000, v10;
	v16 =	vshrl.u32 v8, $0x14;
	[tilespmem:v20+s14+$0x0] =	vst.idx.msk vm3, v12  }
0xf9: {  	v12 =	vor.u32 $0x80000000, v9;
	v9 =	vxor.u32 v22, v10;
	vm9 =	veq.s32 v16, v6;
	[tilespmem:v15+s14+$0x0] =	vst.idx.msk vm7, v14  }
0xfa: {  	v10 =	vxor.u32 v23, v12;
	v12 =	vshrl.u32 v9, $0x14;
	v14 =	vsel vm9, $0x1, v0;
	[tilespmem:v13+s14+$0x0] =	vst.idx.msk vm6, v27  }
0xfb: {  	v18 =	vxor.u32 v18, v11;
	v13 =	vshra.s32 v31, $0x1F;
	vm1 =	veq.s32 v12, v6;
	(xrf0) =	vadd.scan.msk.s32 $0xffff, v14  }
0xfc: {  	v20 =	vor.u32 $0x80000000, v30;
	v14 =	vmpcnt.ones.xlane vm2;
	v11 =	vsel vm1, $0x1, v0  }
0xfd: {  	v15 =	vsel vm2, $0x1, v0;
	v16 =	vor.u32 $0x80000000, v24;
	v12 =	vshrl.u32 v18, $0x14;
	(xrf0) =	vadd.scan.msk.s32 $0xffff, v11  }
0xfe: {  	vm8 =	veq.s32 v12, v6;
	v12 =	vor.u32 $0x80000000, v13;
	v11 =	vxor.u32 v29, v16;
	(xrf0) =	vadd.scan.msk.s32 $0xffff, v15  }
0xff: {  	v22 =	vsel vm8, $0x1, v0;
	v15 =	vmpcnt.ones.xlane vm8;
	v16 =	vshrl.u32 v11, $0x14  }
0x100: {  	v12 =	vxor.u32 v31, v12;
	vm5 =	veq.s32 v16, v6;
	v16 =	vshrl.u32 v10, $0x14;
	(xrf0) =	vadd.scan.msk.s32 $0xffff, v22  }
0x101: {  	v21 =	vadd.s32 v17, v15;
	vm4 =	veq.s32 v16, v6;
	v16 =	vshrl.u32 v12, $0x14;
	v13, _, _ =	vpop (xrf0)  }
0x102: {  	v15 =	vadd.s32 v21, v14;
	v14 =	vmpcnt.ones.xlane vm5;
	vm3 =	veq.s32 v16, v6  }
0x103: {  	v22 =	vsel vm4, $0x1, v0;
	v23 =	vsel vm3, $0x1, v0;
	v25 =	vmpcnt.ones.xlane vm3;
	v26, _, _ =	vpop (xrf0)  }
0x104: {  	v24 =	vsel vm5, $0x1, v0;
	v16 =	vadd.s32 v15, v14;
	v14 =	vxor.u32 v19, v20;
	v19, _, _ =	vpop (xrf0)  }
0x105: {  	vm6 =	vmmov vm9;
	v18 =	vand.u32 $0xFFFFF, v18;
	v27 =	vshrl.u32 v14, $0x14;
	(xrf0) =	vadd.scan.msk.s32 $0xffff, v23  }
0x106: {  	v21 =	vadd.s32 v19, v21;
	v19 =	vmpcnt.ones.xlane vm4;
	vm7 =	veq.s32 v27, v6;
	v20, _, _ =	vpop (xrf0);
	(xrf0) =	vadd.scan.msk.s32 $0xffff, v24  }
.Ltmp7:
0x107: {  	v23 =	vmpcnt.ones.xlane vm7;
	v17 =	vadd.s32 v20, v17;
	v20 =	vsel vm7, $0x1, v0;
	(xrf0) =	vadd.scan.msk.s32 $0xffff, v22;
	(pc) =	sbr.rel @p2 .LBB2_13-.Ltmp7, $4  }
0x108: {  	v19 =	vadd.s32 v16, v19;
	v24 =	vadd.s32 $0xFFFFFFFF, v17;
	(xrf0) =	vadd.scan.msk.s32 $0xffff, v20  }
0x109: {  	v20 =	vadd.s32 v19, v23;
	v17 =	vmpcnt.ones.xlane vm1  }
0x10a: {  	v21 =	vadd.s32 $0xFFFFFFFF, v21;
	v25 =	vadd.s32 v20, v25  }
0x10b: {  	s30 =	sadd.s32 $0x80, s30;
	v22 =	vadd.s32 v26, v25;
	v17 =	vadd.s32 v25, v17;
	v23, _, _ =	vpop (xrf0)  }
0x10c: {  	v6 =	vmpcnt.ones.xlane vm6  }
0x10d: {  	v5 =	vxor.u32 $0x80000000, v5  }
0x10e: {  	v5 =	vnsel vm0, $0xC0000000, v5;
	v6 =	vadd.s32 v17, v6  }
0x10f: {  	(xrf0) =	vmin.scan.msk.u32 $0xffff, v5;
	v5 =	vxor.u32 $0x80000000, v6  }
0x110: {  	(xrf0) =	vmax.scan.msk.u32 $0xffff, v5;
	_ =	sdelay $0x1  }
0x111: {  	v5, _, _ =	vpop (xrf0)  }
0x112: {  	v6, _, _ =	vpop (xrf0)  }
0x113: {  	v25, _, _ =	vpop (xrf0)  }
0x114: {  	v26, _, _ =	vpop (xrf0)  }
0x115: {  	(v2sf) =	vpush v26, $0xF;
	v60, _, _ =	vpop (xrf0)  }
0x116: {  	(v2sf) =	vpush v60, $0xF;
	_ =	sdelay $0xa  }
0x117: {  	v5 =	vadd.s32 v5, v15  }
0x118: {  	v5 =	vadd.s32 $0xFFFFFFFF, v5;
	v6 =	vadd.s32 v6, v16  }
0x119: {  	v6 =	vadd.s32 $0xFFFFFFFF, v6  }
0x11a: {  	v61 =	vadd.s32 $0xFFFFFFFF, v22;
	v62 =	vadd.s32 v23, v20;
	s3 =	spop (v2sf)  }
0x11b: {  	[tilespmem:v24+s14+$0x0] =	vst.idx.msk vm8, v18;
	v7 =	vand.u32 $0xFFFFF, v7;
	v16 =	vadd.s32 $0xFFFFFFFF, v62;
	v63 =	vadd.s32 v25, v19;
	s0 =	spop (v2sf)  }
0x11c: {  	v11 =	vand.u32 $0xFFFFF, v11;
	v13 =	vadd.s32 v13, v17;
	[tilespmem:v21+s14+$0x0] =	vst.idx.msk vm2, v7;
	v7 =	vadd.s32 $0xFFFFFFFF, v63;
	s4 =	sadd.s32 $0x8000000F, s0  }
0x11d: {  	v10 =	vand.u32 $0xFFFFF, v10;
	v13 =	vadd.s32 $0xFFFFFFFF, v13;
	[tilespmem:v5+s14+$0x0] =	vst.idx.msk vm5, v11;
	p3 =	slt.s32 s4, $0x10  }
.Ltmp8:
0x11e: {  	v5 =	vand.u32 $0xFFFFF, v9;
	[tilespmem:v6+s14+$0x0] =	vst.idx.msk vm4, v10;
	s6 =	sshra.s32 s4, $0x1F;
	(pc) =	sbr.rel @p3 .LBB2_21-.Ltmp8, $4  }
0x11f: {  	v6 =	vand.u32 $0xFFFFF, v12;
	[tilespmem:v61+s14+$0x0] =	vst.idx.msk vm1, v5;
	s6 =	sshrl.u32 s6, $0x1C  }
0x120: {  	v5 =	vand.u32 $0xFFFFF, v14;
	[tilespmem:v16+s14+$0x0] =	vst.idx.msk vm3, v6;
	s6 =	sadd.s32 s6, s4  }
0x121: {  	v6 =	vand.u32 $0xFFFFF, v8;
	[tilespmem:v7+s14+$0x0] =	vst.idx.msk vm7, v5;
	s0 =	sxor.u32 $0x80000000, s0;
	s30 =	sshra.s32 s6, $0x4  }
0x122: {  	[tilespmem:v13+s14+$0x0] =	vst.idx.msk vm6, v6;
	v5 =	vmov s0;
	p2 =	sne.s32 s30, $0x1  }
.Ltmp9:
0x123: {  	(pc) =	sbr.rel @!p2 .LBB2_16-.Ltmp9, $3  }
0x124: {  	_ =	sdelay $0x1  }
0x125: {  	s6 =	simm.s32 $0x5500  }
0x126: {  	s4 =	simm.s32 $0x0;
	p4 =	por $0x0, $0x0;
	v6 =	vld [tilespmem:s6+$0x0];
	s6 =	sadd.s32 $0xFFFFFFFF, s30  }
0x127: {  	_ =	sdelay $0x1  }
0x128: {  	v7 =	vor.u32 s4, v1  }
0x129: {  	vm0 =	vlt.s32 v7, v5  }
0x12a: {  	v6 =	vshra.s32 v6, $0xC  }
0x12b: {  	p5 =	sne.s32 s6, $0x1  }
.Ltmp10:
0x12c: {  	_ = 	snop;
	(pc) =	sbr.rel @!p5 .LBB2_18-.Ltmp10, $3  }
0x12d: {  	_ =	sdelay $0x1  }
0x12e: {  	s7 =	simm.s32 $0x5510;
	[tilespmem:v6+s15+$0x0] =	vst.idx.add.s32.msk vm0, v3  }
0x12f: {  	s8 =	sadd.s32 $0xFFFFFFFF, s6;
	p4 =	por $0x1, $0x1;
	s6 =	simm.s32 $0x0;
	v6 =	vld [tilespmem:s7+$0x0]  }
.LBB2_19:
0x130: {  	p5 =	sne.s32 s8, $0x1  }
0x131: {  	s6 =	sadd.s32 $0x10, s6  }
0x132: {  	v7 =	vor.u32 s6, v1  }
0x133: {  	vm0 =	vlt.s32 v7, v5  }
0x134: {  	v6 =	vshra.s32 v6, $0xC;
	_ =	sdelay $0x1  }
.Ltmp11:
0x135: {  	(pc) =	sbr.rel @p5 .LBB2_19-.Ltmp11, $3  }
0x136: {  	_ =	sdelay $0x1  }
0x137: {  	s7 =	sadd.s32 $0x10, s7;
	[tilespmem:v6+s15+$0x0] =	vst.idx.add.s32.msk vm0, v3  }
0x138: {  	s8 =	sadd.s32 $0xFFFFFFFF, s8;
	v6 =	vld [tilespmem:s7+$0x0]  }
.LBB2_20:
0x139: {  	s6 =	sadd.s32 @p4 $0x10, s6  }
0x13a: {  	s4 =	smov.u32 @p4 s6  }
0x13b: {  	v7 =	vor.u32 s4, v1  }
0x13c: {  	vm0 =	vlt.s32 v7, v5  }
0x13d: {  	v6 =	vshra.s32 v6, $0xC;
	_ =	sdelay $0x4  }
0x13e: {  	[tilespmem:v6+s15+$0x0] =	vst.idx.add.s32.msk vm0, v3  }
.LBB2_21:
0x13f: {  	s4 =	simm.s32 $0x5400  }
0x140: {  	v6 =	vld [tilespmem:s4+$0x0];
	_ =	sdelay $0x4  }
0x141: {  	(xrf0) =	vadd.scan.msk.s32 $0xffff, v6;
	_ =	sdelay $0x5  }
0x142: {  	v7, _, _ =	vpop (xrf0)  }
0x143: {  	s12 =	simm.s32 $0x5410;
	(v2sf) =	vpush v7, $0xF  }
0x144: {  	v6 =	vld [tilespmem:s12+$0x0]  }
0x145: {  	s17 =	simm.s32 $0x5420  }
0x146: {  	v8 =	vld [tilespmem:s17+$0x0];
	_ =	sdelay $0x2  }
0x147: {  	(xrf0) =	vadd.scan.msk.s32 $0xffff, v6;
	_ =	sdelay $0x1  }
0x148: {  	(xrf0) =	vadd.scan.msk.s32 $0xffff, v8;
	_ =	sdelay $0x3  }
0x149: {  	s20 =	simm.s32 $0x5430;
	v8, _, _ =	vpop (xrf0)  }
0x14a: {  	v9 =	vld [tilespmem:s20+$0x0];
	(v2sf) =	vpush v8, $0xF  }
0x14b: {  	v11, _, _ =	vpop (xrf0)  }
0x14c: {  	s4 =	sadd.s32 $0x7FFFF199, s3;
	s22 =	spop (v2sf);
	(v2sf) =	vpush v11, $0xF  }
0x14d: {  	s31 =	simm.s32 $0x0;
	s3 =	ssub.s32 s0, s4  }
0x14e: {  	s21 =	simm.s32 $0x5440;
	v6 =	vmov s3;
	v7 =	vadd.s32 s31, v7  }
0x14f: {  	(xrf0) =	vadd.scan.msk.s32 $0xffff, v9;
	v9 =	vld [tilespmem:s21+$0x0];
	vm0 =	vgt.s32 v7, v6  }
0x150: {  	v12 =	vmpcnt.ones.xlane vm0  }
0x151: {  	v10 =	vimm.s32 $0x0  }
0x152: {  	vm0 =	veq.s32 v10, $0x0;
	vm1 =	vgt.s32 v12, $0x0  }
0x153: {  	s6 =	simm.s32 $0x1;
	vm0 =	vmand vm0, vm1  }
0x154: {  	s7 =	simm.s32 $0x3;
	s8 =	simm.s32 $0x5450;
	v12 =	vsel vm1, $0x1, v0;
	(xrf0) =	vadd.scan.msk.s32 $0xffff, v9;
	v9 =	vsel vm0, v7, v10;
	s21 =	sadd.s32 $0x0, s22  }
0x155: {  	s20 =	simm.s32 $0x2;
	s3 =	simm.s32 $0x4;
	vm1 =	vgt.s32 v10, v12;
	v7 =	vimm.s32 $0x0;
	v13, _, _ =	vpop (xrf0);
	s22 =	simm.s32 $0x5;
	v8 =	vadd.s32 s21, v8  }
.LBB2_22:
0x156: {  	v14 =	vld [tilespmem:s8+$0x0];
	(v2sf) =	vpush v13, $0xF;
	vm2 =	vgt.s32 v8, v6;
	v10 =	vsel vm1, v10, v12;
	v15 =	vmovc v11;
	v11 =	vmovc v13;
	s12 =	smov.u32 s22;
	p4 =	sne.s32 s22, $0xF  }
.Ltmp12:
0x157: {  	v7 =	vsel vm0, s31, v7;
	s31 =	smov.u32 s6;
	s6 =	smov.u32 s20;
	v12 =	vmpcnt.ones.xlane vm2;
	vm1 =	veq.s32 v10, $0x0;
	(pc) =	sbr.rel @p4 .LBB2_22-.Ltmp12, $4  }
0x158: {  	s22 =	sadd.s32 $0x1, s22;
	s20 =	smov.u32 s7  }
0x159: {  	s7 =	smov.u32 s3;
	s3 =	smov.u32 s12;
	vm0 =	vgt.s32 v12, $0x0;
	s17 =	spop (v2sf)  }
0x15a: {  	v12 =	vsel vm0, $0x1, v0;
	vm0 =	vmand vm1, vm0;
	s21 =	sadd.s32 s21, s17  }
0x15b: {  	s8 =	sadd.s32 $0x10, s8;
	(xrf0) =	vadd.scan.msk.s32 $0xffff, v14;
	v13, _, _ =	vpop (xrf0);
	v9 =	vsel vm0, v8, v9;
	v8 =	vadd.s32 s21, v15;
	vm1 =	vgt.s32 v10, v12  }
0x15c: {  	(v2sf) =	vpush v13, $0xF;
	_ =	sdelay $0x8  }
0x15d: {  	vm2 =	vgt.s32 v8, v6;
	s8 =	spop (v2sf)  }
0x15e: {  	v14 =	vmpcnt.ones.xlane vm2;
	s8 =	sadd.s32 s21, s8  }
0x15f: {  	v10 =	vsel vm1, v10, v12;
	v7 =	vsel vm0, s31, v7;
	v11 =	vadd.s32 s8, v11;
	s12 =	spop (v2sf)  }
0x160: {  	vm11 =	veq.s32 v10, $0x0;
	vm10 =	vgt.s32 v14, $0x0;
	vm3 =	vgt.s32 v11, v6;
	s8 =	sadd.s32 s8, s12  }
0x161: {  	v54 =	vsel vm10, $0x1, v0;
	v55 =	vmpcnt.ones.xlane vm3;
	v56 =	vadd.s32 s8, v13  }
0x162: {  	vm1 =	vmand vm11, vm10;
	vm4 =	vgt.s32 v10, v54;
	vm12 =	vgt.s32 v56, v6  }
0x163: {  	v10 =	vsel vm4, v10, v54;
	vm14 =	vgt.s32 v55, $0x0;
	v57 =	vmpcnt.ones.xlane vm12;
	s17 =	spop (v2sf)  }
0x164: {  	v58, _, _ =	vpop (xrf0);
	v59 =	vsel vm1, v8, v9;
	vm13 =	veq.s32 v10, $0x0;
	v60 =	vsel vm14, $0x1, v0;
	s8 =	sadd.s32 s8, s17  }
0x165: {  	vm8 =	vgt.s32 v10, v60;
	vm9 =	vgt.s32 v57, $0x0;
	v61 =	vadd.s32 s8, v58  }
0x166: {  	v9 =	vsel vm8, v10, v60;
	v62 =	vsel vm9, $0x1, v0;
	vm10 =	vgt.s32 v61, v6  }
0x167: {  	vm15 =	vmand vm13, vm14;
	vm11 =	vgt.s32 v9, v62;
	v63 =	vmpcnt.ones.xlane vm10  }
0x168: {  	v8 =	vsel vm15, v11, v59;
	vm12 =	veq.s32 v9, $0x0;
	v10 =	vsel vm11, v9, v62  }
0x169: {  	vm0 =	vmand vm12, vm9;
	vm3 =	veq.s32 v10, $0x0;
	vm13 =	vgt.s32 v63, $0x0  }
0x16a: {  	v7 =	vsel vm1, s6, v7;
	v8 =	vsel vm0, v56, v8;
	vm14 =	vmand vm3, vm13  }
0x16b: {  	v7 =	vsel vm15, s20, v7;
	v8 =	vsel vm14, v61, v8  }
0x16c: {  	v7 =	vsel vm0, s7, v7;
	vm15 =	vgt.s32 v8, v6  }
0x16d: {  	v6 =	vsel vm14, s3, v7;
	v7 =	vsel vm15, $0x1, v0  }
0x16e: {  	v6 =	vxor.u32 $0x80000000, v6;
	(xrf0) =	vadd.scan.msk.s32 $0xffff, v7;
	v7 =	vxor.u32 $0x80000000, v8  }
0x16f: {  	(xrf0) =	vmax.scan.msk.u32 $0xffff, v6;
	v6 =	vnsel vm15, $0xC0000000, v7  }
0x170: {  	(xrf0) =	vmin.scan.msk.u32 $0xffff, v6;
	_ =	sdelay $0x3  }
0x171: {  	(v2sf) =	vpush v58, $0xF;
	v6, _, _ =	vpop (xrf0)  }
0x172: {  	v7, _, _ =	vpop (xrf0);
	(v2sf) =	vpush v6, $0xF  }
0x173: {  	(v2sf) =	vpush v7, $0xF;
	v6, _, _ =	vpop (xrf0)  }
0x174: {  	(v2sf) =	vpush v6, $0xF;
	_ =	sdelay $0xb  }
0x175: {  	s20 =	spop (v2sf)  }
0x176: {  	s3 =	spop (v2sf)  }
.Ltmp13:
0x177: {  	s21 =	spop (v2sf);
	(pc) =	sbr.rel @p3 .LBB2_56-.Ltmp13, $4  }
0x178: {  	s22 =	spop (v2sf)  }
0x179: {  	s6 =	sshll.u32 s21, $0x4;
	s7 =	sxor.u32 $0x80000000, s22  }
0x17a: {  	s3 =	ssub.s32 s6, s3;
	s0 =	ssub.s32 s7, s0  }
0x17b: {  	s31 =	sadd.s32 $0x10, s3;
	s0 =	sadd.s32 s4, s0  }
.Ltmp14:
0x17c: {  	(pc) =	sbr.rel @!p2 .LBB2_25-.Ltmp14, $3  }
0x17d: {  	_ =	sdelay $0x1  }
0x17e: {  	s4 =	simm.s32 $0x5500  }
0x17f: {  	v6 =	vmov s31;
	v10 =	vimm.s32 $0x0;
	s3 =	simm.s32 $0x0;
	p3 =	por $0x0, $0x0;
	v7 =	vld [tilespmem:s4+$0x0];
	s4 =	sadd.s32 $0xFFFFFFFF, s30  }
0x180: {  	_ =	sdelay $0x3  }
0x181: {  	v8 =	vor.u32 s3, v1;
	v9 =	vshra.s32 v7, $0xC  }
0x182: {  	vm0 =	vlt.s32 v8, v5;
	vm1 =	veq.s32 v9, v6  }
0x183: {  	vm0 =	vmand vm0, vm1  }
0x184: {  	v8 =	vsel vm0, $0x1, v0  }
0x185: {  	(xrf0) =	vadd.scan.msk.s32 $0xffff, v8;
	_ =	sdelay $0x5  }
0x186: {  	v8, _, _ =	vpop (xrf0)  }
0x187: {  	v8 =	vadd.s32 v8, v10  }
0x188: {  	v8 =	vadd.s32 $0xFFFFFFFF, v8  }
0x189: {  	p4 =	sne.s32 s4, $0x1  }
.Ltmp15:
0x18a: {  	_ = 	snop;
	(pc) =	sbr.rel @!p4 .LBB2_27-.Ltmp15, $4  }
0x18b: {  	v9 =	vmpcnt.ones.xlane vm0  }
0x18c: {  	v7 =	vand.u32 $0xFFF, v7  }
0x18d: {  	s7 =	simm.s32 $0x5510;
	v9 =	vadd.s32 v10, v9;
	[tilespmem:v8+s16+$0x0] =	vst.idx.msk vm0, v7  }
0x18e: {  	s20 =	sadd.s32 $0xFFFFFFFF, s4;
	p3 =	por $0x1, $0x1;
	s6 =	simm.s32 $0x0;
	v8 =	vmov v9;
	v7 =	vld [tilespmem:s7+$0x0]  }
.LBB2_28:
0x18f: {  	p4 =	sne.s32 s20, $0x1;
	_ =	sdelay $0x2  }
0x190: {  	s6 =	sadd.s32 $0x10, s6  }
0x191: {  	v10 =	vor.u32 s6, v1;
	v11 =	vshra.s32 v7, $0xC  }
0x192: {  	vm0 =	vlt.s32 v10, v5;
	vm1 =	veq.s32 v11, v6  }
0x193: {  	vm0 =	vmand vm0, vm1  }
0x194: {  	v10 =	vsel vm0, $0x1, v0;
	v11 =	vmpcnt.ones.xlane vm0  }
0x195: {  	(xrf0) =	vadd.scan.msk.s32 $0xffff, v10  }
0x196: {  	v9 =	vadd.s32 v9, v11;
	_ =	sdelay $0x4  }
0x197: {  	v10, _, _ =	vpop (xrf0)  }
0x198: {  	v10 =	vadd.s32 v10, v8;
	v8 =	vmov v9  }
0x199: {  	v10 =	vadd.s32 $0xFFFFFFFF, v10;
	_ =	sdelay $0x1  }
.Ltmp16:
0x19a: {  	(pc) =	sbr.rel @p4 .LBB2_28-.Ltmp16, $4  }
0x19b: {  	_ = 	snop  }
0x19c: {  	v7 =	vand.u32 $0xFFF, v7  }
0x19d: {  	s7 =	sadd.s32 $0x10, s7;
	[tilespmem:v10+s16+$0x0] =	vst.idx.msk vm0, v7  }
0x19e: {  	s20 =	sadd.s32 $0xFFFFFFFF, s20;
	v7 =	vld [tilespmem:s7+$0x0]  }
0x19f: {  	v10 =	vmov v9  }
.LBB2_30:
0x1a0: {  	_ = 	snop  }
0x1a1: {  	s6 =	sadd.s32 @p3 $0x10, s6  }
0x1a2: {  	s3 =	smov.u32 @p3 s6  }
0x1a3: {  	v9 =	vor.u32 s3, v1;
	v11 =	vshra.s32 v7, $0xC  }
0x1a4: {  	vm0 =	vlt.s32 v9, v5;
	vm1 =	veq.s32 v11, v6  }
0x1a5: {  	vm0 =	vmand vm0, vm1  }
0x1a6: {  	v60 =	vmpcnt.ones.xlane vm0;
	_ =	sdelay $0x1  }
0x1a7: {  	v61 =	vsel vm0, $0x1, v0;
	v9 =	vadd.s32 v10, v60  }
0x1a8: {  	(xrf0) =	vadd.scan.msk.s32 $0xffff, v61;
	v9 =	vxor.u32 $0x80000000, v9  }
0x1a9: {  	(xrf0) =	vmax.scan.msk.u32 $0xffff, v9;
	_ =	sdelay $0x4  }
0x1aa: {  	v62, _, _ =	vpop (xrf0)  }
0x1ab: {  	v63, _, _ =	vpop (xrf0)  }
0x1ac: {  	(v2sf) =	vpush v63, $0xF;
	_ =	sdelay $0xe  }
0x1ad: {  	v8 =	vadd.s32 v62, v8;
	s22 =	spop (v2sf)  }
0x1ae: {  	v8 =	vadd.s32 $0xFFFFFFFF, v8;
	p3 =	slt.u32 s22, $0x80000011  }
.Ltmp17:
0x1af: {  	_ = 	snop;
	(pc) =	sbr.rel @p3 .LBB2_57-.Ltmp17, $3  }
0x1b0: {  	_ =	sdelay $0x1  }
0x1b1: {  	v7 =	vand.u32 $0xFFF, v7  }
0x1b2: {  	[tilespmem:v8+s16+$0x0] =	vst.idx.msk vm0, v7  }
0x1b3: {  	s6 =	simm.s32 $0x5500  }
0x1b4: {  	v8 =	vld [tilespmem:s6+$0x0]  }
.Ltmp18:
0x1b5: {  	_ = 	snop;
	(pc) =	sbr.rel @!p2 .LBB2_33-.Ltmp18, $3  }
0x1b6: {  	_ =	sdelay $0x1  }
0x1b7: {  	s3 =	simm.s32 $0x0  }
0x1b8: {  	v7 =	vimm.s32 $0x0;
	v9 =	vor.u32 s3, v1;
	s6 =	simm.s32 $0x5510;
	v10 =	vshra.s32 v8, $0xC  }
.LBB2_32:
0x1b9: {  	p3 =	sne.s32 s4, $0x1;
	s4 =	sadd.s32 $0xFFFFFFFF, s4;
	vm0 =	vlt.s32 v9, v5;
	vm1 =	veq.s32 v10, v6;
	v9 =	vand.u32 $0x800, v8;
	v8 =	vld [tilespmem:s6+$0x0]  }
.Ltmp19:
0x1ba: {  	vm0 =	vmand vm0, vm1;
	vm1 =	vne.s32 v9, $0x0;
	(pc) =	sbr.rel @p3 .LBB2_32-.Ltmp19, $4  }
0x1bb: {  	vm0 =	vmand vm1, vm0  }
0x1bc: {  	v9 =	vsel vm0, $0x1, v0  }
0x1bd: {  	s3 =	sadd.s32 $0x10, s3;
	v7 =	vadd.s32 v9, v7  }
0x1be: {  	s6 =	sadd.s32 $0x10, s6;
	v9 =	vor.u32 s3, v1;
	v10 =	vshra.s32 v8, $0xC  }
.LBB2_33:
0x1bf: {  	vm0 =	vlt.s32 v9, v5;
	vm1 =	veq.s32 v10, v6;
	v8 =	vand.u32 $0x800, v8  }
0x1c0: {  	vm0 =	vmand vm0, vm1;
	vm15 =	vne.s32 v8, $0x0  }
0x1c1: {  	vm0 =	vmand vm15, vm0  }
0x1c2: {  	v8 =	vsel vm0, $0x1, v0  }
0x1c3: {  	v7 =	vadd.s32 v8, v7  }
0x1c4: {  	(xrf0) =	vadd.scan.msk.s32 $0xffff, v7;
	_ =	sdelay $0x5  }
0x1c5: {  	v7, _, _ =	vpop (xrf0)  }
0x1c6: {  	(v2sf) =	vpush v7, $0xF;
	_ =	sdelay $0xc  }
0x1c7: {  	s3 =	simm.s32 $0x5500  }
0x1c8: {  	v9 =	vld [tilespmem:s3+$0x0]  }
.Ltmp20:
0x1c9: {  	s4 =	spop (v2sf);
	(pc) =	sbr.rel @!p2 .LBB2_35-.Ltmp20, $4  }
0x1ca: {  	s7 =	simm.s32 $0x0;
	p3 =	slt.s32 s4, s0  }
0x1cb: {  	s6 =	simm.s32 $0x0;
	s7 =	simm.s32 @!p3 $0x800  }
0x1cc: {  	v11 =	vimm.s32 $0x0;
	v8 =	vor.u32 s6, v1;
	s4 =	sor.u32 $0x400, s7  }
0x1cd: {  	s8 =	sadd.s32 $0xFFFFFFFF, s30;
	s20 =	simm.s32 $0x5510;
	s21 =	simm.s32 $0x0;
	v13 =	vmovc v8;
	v12 =	vshra.s32 v9, $0xC;
	v7 =	vimm.s32 $0x0;
	v10 =	vmov s4  }
.LBB2_34:
0x1ce: {  	p3 =	sne.s32 s8, $0x1;
	s8 =	sadd.s32 $0xFFFFFFFF, s8;
	vm0 =	vlt.s32 v13, v5;
	vm1 =	veq.s32 v12, v6;
	v12 =	vand.u32 $0xFFF, v9;
	v9 =	vld [tilespmem:s20+$0x0]  }
.Ltmp21:
0x1cf: {  	vm0 =	vmand vm0, vm1;
	vm1 =	vge.u32 v12, v10;
	(pc) =	sbr.rel @p3 .LBB2_34-.Ltmp21, $4  }
0x1d0: {  	vm0 =	vmand vm1, vm0  }
0x1d1: {  	v12 =	vsel vm0, $0x1, v0  }
0x1d2: {  	s21 =	sadd.s32 $0x10, s21;
	v11 =	vadd.s32 v12, v11  }
0x1d3: {  	s20 =	sadd.s32 $0x10, s20;
	v13 =	vor.u32 s21, v1;
	v12 =	vshra.s32 v9, $0xC  }
.LBB2_35:
0x1d4: {  	vm0 =	vlt.s32 v13, v5;
	vm1 =	veq.s32 v12, v6;
	v9 =	vand.u32 $0xFFF, v9  }
0x1d5: {  	vm0 =	vmand vm0, vm1;
	vm15 =	vge.u32 v9, v10  }
0x1d6: {  	vm0 =	vmand vm15, vm0  }
0x1d7: {  	v9 =	vsel vm0, $0x1, v0  }
0x1d8: {  	v9 =	vadd.s32 v9, v11  }
0x1d9: {  	(xrf0) =	vadd.scan.msk.s32 $0xffff, v9;
	_ =	sdelay $0x5  }
0x1da: {  	v9, _, _ =	vpop (xrf0)  }
0x1db: {  	(v2sf) =	vpush v9, $0xF;
	_ =	sdelay $0xd  }
0x1dc: {  	v9 =	vld [tilespmem:s3+$0x0]  }
.Ltmp22:
0x1dd: {  	s22 =	spop (v2sf);
	(pc) =	sbr.rel @!p2 .LBB2_37-.Ltmp22, $4  }
0x1de: {  	p3 =	slt.s32 s22, s0  }
0x1df: {  	s4 =	smov.u32 @p3 s7  }
0x1e0: {  	s3 =	sor.u32 $0x200, s4  }
0x1e1: {  	s8 =	simm.s32 $0x5510;
	v11 =	vshra.s32 v9, $0xC;
	s7 =	sadd.s32 $0xFFFFFFFF, s30;
	v10 =	vmov s3  }
.LBB2_36:
0x1e2: {  	p3 =	sne.s32 s7, $0x1;
	s7 =	sadd.s32 $0xFFFFFFFF, s7;
	vm0 =	vlt.s32 v8, v5;
	vm1 =	veq.s32 v11, v6;
	v8 =	vand.u32 $0xFFF, v9;
	v9 =	vld [tilespmem:s8+$0x0]  }
.Ltmp23:
0x1e3: {  	vm0 =	vmand vm0, vm1;
	vm1 =	vge.u32 v8, v10;
	(pc) =	sbr.rel @p3 .LBB2_36-.Ltmp23, $4  }
0x1e4: {  	vm0 =	vmand vm1, vm0  }
0x1e5: {  	v8 =	vsel vm0, $0x1, v0  }
0x1e6: {  	s6 =	sadd.s32 $0x10, s6;
	v7 =	vadd.s32 v8, v7  }
0x1e7: {  	s8 =	sadd.s32 $0x10, s8;
	v8 =	vor.u32 s6, v1;
	v11 =	vshra.s32 v9, $0xC  }
.LBB2_37:
0x1e8: {  	vm0 =	vlt.s32 v8, v5;
	vm1 =	veq.s32 v11, v6;
	v8 =	vand.u32 $0xFFF, v9  }
0x1e9: {  	vm0 =	vmand vm0, vm1;
	vm15 =	vge.u32 v8, v10  }
0x1ea: {  	vm0 =	vmand vm15, vm0  }
0x1eb: {  	v8 =	vsel vm0, $0x1, v0  }
0x1ec: {  	v7 =	vadd.s32 v8, v7  }
0x1ed: {  	(xrf0) =	vadd.scan.msk.s32 $0xffff, v7;
	_ =	sdelay $0x5  }
0x1ee: {  	v7, _, _ =	vpop (xrf0)  }
0x1ef: {  	(v2sf) =	vpush v7, $0xF;
	_ =	sdelay $0xc  }
0x1f0: {  	s7 =	simm.s32 $0x5500  }
0x1f1: {  	v9 =	vld [tilespmem:s7+$0x0]  }
.Ltmp24:
0x1f2: {  	s6 =	spop (v2sf);
	(pc) =	sbr.rel @!p2 .LBB2_39-.Ltmp24, $4  }
0x1f3: {  	p3 =	slt.s32 s6, s0  }
0x1f4: {  	s6 =	simm.s32 $0x0;
	s3 =	smov.u32 @p3 s4  }
0x1f5: {  	v11 =	vimm.s32 $0x0;
	v8 =	vor.u32 s6, v1;
	s4 =	sor.u32 $0x100, s3  }
0x1f6: {  	s8 =	sadd.s32 $0xFFFFFFFF, s30;
	s20 =	simm.s32 $0x5510;
	s21 =	simm.s32 $0x0;
	v12 =	vshra.s32 v9, $0xC;
	v7 =	vimm.s32 $0x0;
	v13 =	vmovc v8;
	v10 =	vmov s4  }
.LBB2_38:
0x1f7: {  	p3 =	sne.s32 s8, $0x1;
	s8 =	sadd.s32 $0xFFFFFFFF, s8;
	vm0 =	vlt.s32 v13, v5;
	vm1 =	veq.s32 v12, v6;
	v12 =	vand.u32 $0xFFF, v9;
	v9 =	vld [tilespmem:s20+$0x0]  }
.Ltmp25:
0x1f8: {  	vm0 =	vmand vm0, vm1;
	vm1 =	vge.s32 v12, v10;
	(pc) =	sbr.rel @p3 .LBB2_38-.Ltmp25, $4  }
0x1f9: {  	vm0 =	vmand vm1, vm0  }
0x1fa: {  	v12 =	vsel vm0, $0x1, v0  }
0x1fb: {  	s21 =	sadd.s32 $0x10, s21;
	v11 =	vadd.s32 v12, v11  }
0x1fc: {  	s20 =	sadd.s32 $0x10, s20;
	v13 =	vor.u32 s21, v1;
	v12 =	vshra.s32 v9, $0xC  }
.LBB2_39:
0x1fd: {  	vm0 =	vlt.s32 v13, v5;
	vm1 =	veq.s32 v12, v6;
	v9 =	vand.u32 $0xFFF, v9  }
0x1fe: {  	vm0 =	vmand vm0, vm1;
	vm15 =	vge.s32 v9, v10  }
0x1ff: {  	vm0 =	vmand vm15, vm0  }
0x200: {  	v9 =	vsel vm0, $0x1, v0  }
0x201: {  	v9 =	vadd.s32 v9, v11  }
0x202: {  	(xrf0) =	vadd.scan.msk.s32 $0xffff, v9;
	_ =	sdelay $0x5  }
0x203: {  	v9, _, _ =	vpop (xrf0)  }
0x204: {  	(v2sf) =	vpush v9, $0xF;
	_ =	sdelay $0xd  }
0x205: {  	v9 =	vld [tilespmem:s7+$0x0]  }
.Ltmp26:
0x206: {  	s22 =	spop (v2sf);
	(pc) =	sbr.rel @!p2 .LBB2_41-.Ltmp26, $4  }
0x207: {  	p3 =	slt.s32 s22, s0  }
0x208: {  	s4 =	smov.u32 @p3 s3  }
0x209: {  	s3 =	sor.u32 $0x80, s4  }
0x20a: {  	s8 =	simm.s32 $0x5510;
	s7 =	sadd.s32 $0xFFFFFFFF, s30;
	v11 =	vshra.s32 v9, $0xC;
	v10 =	vmov s3  }
.LBB2_40:
0x20b: {  	p3 =	sne.s32 s7, $0x1;
	s7 =	sadd.s32 $0xFFFFFFFF, s7;
	vm0 =	vlt.s32 v8, v5;
	vm1 =	veq.s32 v11, v6;
	v8 =	vand.u32 $0xFFF, v9;
	v9 =	vld [tilespmem:s8+$0x0]  }
.Ltmp27:
0x20c: {  	vm0 =	vmand vm0, vm1;
	vm1 =	vge.s32 v8, v10;
	(pc) =	sbr.rel @p3 .LBB2_40-.Ltmp27, $4  }
0x20d: {  	vm0 =	vmand vm1, vm0  }
0x20e: {  	v8 =	vsel vm0, $0x1, v0  }
0x20f: {  	s6 =	sadd.s32 $0x10, s6;
	v7 =	vadd.s32 v8, v7  }
0x210: {  	s8 =	sadd.s32 $0x10, s8;
	v8 =	vor.u32 s6, v1;
	v11 =	vshra.s32 v9, $0xC  }
.LBB2_41:
0x211: {  	vm0 =	vlt.s32 v8, v5;
	vm1 =	veq.s32 v11, v6;
	v8 =	vand.u32 $0xFFF, v9  }
0x212: {  	vm0 =	vmand vm0, vm1;
	vm15 =	vge.s32 v8, v10  }
0x213: {  	vm0 =	vmand vm15, vm0  }
0x214: {  	v8 =	vsel vm0, $0x1, v0  }
0x215: {  	v7 =	vadd.s32 v8, v7  }
0x216: {  	(xrf0) =	vadd.scan.msk.s32 $0xffff, v7;
	_ =	sdelay $0x5  }
0x217: {  	v7, _, _ =	vpop (xrf0)  }
0x218: {  	(v2sf) =	vpush v7, $0xF;
	_ =	sdelay $0xc  }
0x219: {  	s7 =	simm.s32 $0x5500  }
0x21a: {  	v9 =	vld [tilespmem:s7+$0x0]  }
.Ltmp28:
0x21b: {  	s6 =	spop (v2sf);
	(pc) =	sbr.rel @!p2 .LBB2_43-.Ltmp28, $4  }
0x21c: {  	p3 =	slt.s32 s6, s0  }
0x21d: {  	s6 =	simm.s32 $0x0;
	s3 =	smov.u32 @p3 s4  }
0x21e: {  	v11 =	vimm.s32 $0x0;
	v8 =	vor.u32 s6, v1;
	s4 =	sor.u32 $0x40, s3  }
0x21f: {  	s8 =	sadd.s32 $0xFFFFFFFF, s30;
	s20 =	simm.s32 $0x5510;
	s21 =	simm.s32 $0x0;
	v12 =	vshra.s32 v9, $0xC;
	v7 =	vimm.s32 $0x0;
	v13 =	vmovc v8;
	v10 =	vmov s4  }
.LBB2_42:
0x220: {  	p3 =	sne.s32 s8, $0x1;
	s8 =	sadd.s32 $0xFFFFFFFF, s8;
	vm0 =	vlt.s32 v13, v5;
	vm1 =	veq.s32 v12, v6;
	v12 =	vand.u32 $0xFFF, v9;
	v9 =	vld [tilespmem:s20+$0x0]  }
.Ltmp29:
0x221: {  	vm0 =	vmand vm0, vm1;
	vm1 =	vge.s32 v12, v10;
	(pc) =	sbr.rel @p3 .LBB2_42-.Ltmp29, $4  }
0x222: {  	vm0 =	vmand vm1, vm0  }
0x223: {  	v12 =	vsel vm0, $0x1, v0  }
0x224: {  	s21 =	sadd.s32 $0x10, s21;
	v11 =	vadd.s32 v12, v11  }
0x225: {  	s20 =	sadd.s32 $0x10, s20;
	v13 =	vor.u32 s21, v1;
	v12 =	vshra.s32 v9, $0xC  }
.LBB2_43:
0x226: {  	vm0 =	vlt.s32 v13, v5;
	vm1 =	veq.s32 v12, v6;
	v9 =	vand.u32 $0xFFF, v9  }
0x227: {  	vm0 =	vmand vm0, vm1;
	vm15 =	vge.s32 v9, v10  }
0x228: {  	vm0 =	vmand vm15, vm0  }
0x229: {  	v9 =	vsel vm0, $0x1, v0  }
0x22a: {  	v9 =	vadd.s32 v9, v11  }
0x22b: {  	(xrf0) =	vadd.scan.msk.s32 $0xffff, v9;
	_ =	sdelay $0x5  }
0x22c: {  	v9, _, _ =	vpop (xrf0)  }
0x22d: {  	(v2sf) =	vpush v9, $0xF;
	_ =	sdelay $0xd  }
0x22e: {  	v9 =	vld [tilespmem:s7+$0x0]  }
.Ltmp30:
0x22f: {  	s22 =	spop (v2sf);
	(pc) =	sbr.rel @!p2 .LBB2_45-.Ltmp30, $4  }
0x230: {  	p3 =	slt.s32 s22, s0  }
0x231: {  	s4 =	smov.u32 @p3 s3  }
0x232: {  	s3 =	sor.u32 $0x20, s4  }
0x233: {  	s8 =	simm.s32 $0x5510;
	s7 =	sadd.s32 $0xFFFFFFFF, s30;
	v11 =	vshra.s32 v9, $0xC;
	v10 =	vmov s3  }
.LBB2_44:
0x234: {  	p3 =	sne.s32 s7, $0x1;
	s7 =	sadd.s32 $0xFFFFFFFF, s7;
	vm0 =	vlt.s32 v8, v5;
	vm1 =	veq.s32 v11, v6;
	v8 =	vand.u32 $0xFFF, v9;
	v9 =	vld [tilespmem:s8+$0x0]  }
.Ltmp31:
0x235: {  	vm0 =	vmand vm0, vm1;
	vm1 =	vge.s32 v8, v10;
	(pc) =	sbr.rel @p3 .LBB2_44-.Ltmp31, $4  }
0x236: {  	vm0 =	vmand vm1, vm0  }
0x237: {  	v8 =	vsel vm0, $0x1, v0  }
0x238: {  	s6 =	sadd.s32 $0x10, s6;
	v7 =	vadd.s32 v8, v7  }
0x239: {  	s8 =	sadd.s32 $0x10, s8;
	v8 =	vor.u32 s6, v1;
	v11 =	vshra.s32 v9, $0xC  }
.LBB2_45:
0x23a: {  	vm0 =	vlt.s32 v8, v5;
	vm1 =	veq.s32 v11, v6;
	v8 =	vand.u32 $0xFFF, v9  }
0x23b: {  	vm0 =	vmand vm0, vm1;
	vm15 =	vge.s32 v8, v10  }
0x23c: {  	vm0 =	vmand vm15, vm0  }
0x23d: {  	v8 =	vsel vm0, $0x1, v0  }
0x23e: {  	v7 =	vadd.s32 v8, v7  }
0x23f: {  	(xrf0) =	vadd.scan.msk.s32 $0xffff, v7;
	_ =	sdelay $0x5  }
0x240: {  	v7, _, _ =	vpop (xrf0)  }
0x241: {  	(v2sf) =	vpush v7, $0xF;
	_ =	sdelay $0xc  }
0x242: {  	s6 =	simm.s32 $0x5500  }
0x243: {  	v9 =	vld [tilespmem:s6+$0x0]  }
.Ltmp32:
0x244: {  	s7 =	spop (v2sf);
	(pc) =	sbr.rel @!p2 .LBB2_47-.Ltmp32, $4  }
0x245: {  	p3 =	slt.s32 s7, s0  }
0x246: {  	s7 =	simm.s32 $0x0;
	s3 =	smov.u32 @p3 s4  }
0x247: {  	v11 =	vimm.s32 $0x0;
	v8 =	vor.u32 s7, v1;
	s4 =	sor.u32 $0x10, s3  }
0x248: {  	s8 =	sadd.s32 $0xFFFFFFFF, s30;
	s20 =	simm.s32 $0x5510;
	s21 =	simm.s32 $0x0;
	v12 =	vshra.s32 v9, $0xC;
	v7 =	vimm.s32 $0x0;
	v13 =	vmovc v8;
	v10 =	vmov s4  }
.LBB2_46:
0x249: {  	p3 =	sne.s32 s8, $0x1;
	s8 =	sadd.s32 $0xFFFFFFFF, s8;
	vm0 =	vlt.s32 v13, v5;
	vm1 =	veq.s32 v12, v6;
	v12 =	vand.u32 $0xFFF, v9;
	v9 =	vld [tilespmem:s20+$0x0]  }
.Ltmp33:
0x24a: {  	vm0 =	vmand vm0, vm1;
	vm1 =	vge.s32 v12, v10;
	(pc) =	sbr.rel @p3 .LBB2_46-.Ltmp33, $4  }
0x24b: {  	vm0 =	vmand vm1, vm0  }
0x24c: {  	v12 =	vsel vm0, $0x1, v0  }
0x24d: {  	s21 =	sadd.s32 $0x10, s21;
	v11 =	vadd.s32 v12, v11  }
0x24e: {  	s20 =	sadd.s32 $0x10, s20;
	v13 =	vor.u32 s21, v1;
	v12 =	vshra.s32 v9, $0xC  }
.LBB2_47:
0x24f: {  	vm0 =	vlt.s32 v13, v5;
	vm1 =	veq.s32 v12, v6;
	v9 =	vand.u32 $0xFFF, v9  }
0x250: {  	vm0 =	vmand vm0, vm1;
	vm15 =	vge.s32 v9, v10  }
0x251: {  	vm0 =	vmand vm15, vm0  }
0x252: {  	v9 =	vsel vm0, $0x1, v0  }
0x253: {  	v9 =	vadd.s32 v9, v11  }
0x254: {  	(xrf0) =	vadd.scan.msk.s32 $0xffff, v9;
	_ =	sdelay $0x5  }
0x255: {  	v9, _, _ =	vpop (xrf0)  }
0x256: {  	(v2sf) =	vpush v9, $0xF;
	_ =	sdelay $0xd  }
0x257: {  	v9 =	vld [tilespmem:s6+$0x0]  }
.Ltmp34:
0x258: {  	s22 =	spop (v2sf);
	(pc) =	sbr.rel @!p2 .LBB2_49-.Ltmp34, $4  }
0x259: {  	p3 =	slt.s32 s22, s0  }
0x25a: {  	s4 =	smov.u32 @p3 s3  }
0x25b: {  	s6 =	sor.u32 $0x8, s4  }
0x25c: {  	s8 =	simm.s32 $0x5510;
	v11 =	vshra.s32 v9, $0xC;
	s3 =	sadd.s32 $0xFFFFFFFF, s30;
	v10 =	vmov s6  }
.LBB2_48:
0x25d: {  	p3 =	sne.s32 s3, $0x1;
	s3 =	sadd.s32 $0xFFFFFFFF, s3;
	vm0 =	vlt.s32 v8, v5;
	vm1 =	veq.s32 v11, v6;
	v8 =	vand.u32 $0xFFF, v9;
	v9 =	vld [tilespmem:s8+$0x0]  }
.Ltmp35:
0x25e: {  	vm0 =	vmand vm0, vm1;
	vm1 =	vge.s32 v8, v10;
	(pc) =	sbr.rel @p3 .LBB2_48-.Ltmp35, $4  }
0x25f: {  	vm0 =	vmand vm1, vm0  }
0x260: {  	v8 =	vsel vm0, $0x1, v0  }
0x261: {  	s7 =	sadd.s32 $0x10, s7;
	v7 =	vadd.s32 v8, v7  }
0x262: {  	s8 =	sadd.s32 $0x10, s8;
	v8 =	vor.u32 s7, v1;
	v11 =	vshra.s32 v9, $0xC  }
.LBB2_49:
0x263: {  	vm0 =	vlt.s32 v8, v5;
	vm1 =	veq.s32 v11, v6;
	v8 =	vand.u32 $0xFFF, v9  }
0x264: {  	vm0 =	vmand vm0, vm1;
	vm15 =	vge.s32 v8, v10  }
0x265: {  	vm0 =	vmand vm15, vm0  }
0x266: {  	v8 =	vsel vm0, $0x1, v0  }
0x267: {  	v7 =	vadd.s32 v8, v7  }
0x268: {  	(xrf0) =	vadd.scan.msk.s32 $0xffff, v7;
	_ =	sdelay $0x5  }
0x269: {  	v7, _, _ =	vpop (xrf0)  }
0x26a: {  	(v2sf) =	vpush v7, $0xF;
	_ =	sdelay $0xc  }
0x26b: {  	s20 =	simm.s32 $0x5500  }
0x26c: {  	v9 =	vld [tilespmem:s20+$0x0]  }
.Ltmp36:
0x26d: {  	s3 =	spop (v2sf);
	(pc) =	sbr.rel @!p2 .LBB2_51-.Ltmp36, $4  }
0x26e: {  	p3 =	slt.s32 s3, s0  }
0x26f: {  	s7 =	simm.s32 $0x0;
	s6 =	smov.u32 @p3 s4  }
0x270: {  	v11 =	vimm.s32 $0x0;
	v8 =	vor.u32 s7, v1;
	s3 =	sor.u32 $0x4, s6  }
0x271: {  	s8 =	simm.s32 $0x5510;
	s21 =	simm.s32 $0x0;
	v13 =	vmovc v8;
	v12 =	vshra.s32 v9, $0xC;
	v7 =	vimm.s32 $0x0;
	s4 =	sadd.s32 $0xFFFFFFFF, s30;
	v10 =	vmov s3  }
.LBB2_50:
0x272: {  	p3 =	sne.s32 s4, $0x1;
	s4 =	sadd.s32 $0xFFFFFFFF, s4;
	vm0 =	vlt.s32 v13, v5;
	vm1 =	veq.s32 v12, v6;
	v12 =	vand.u32 $0xFFF, v9;
	v9 =	vld [tilespmem:s8+$0x0]  }
.Ltmp37:
0x273: {  	vm0 =	vmand vm0, vm1;
	vm1 =	vge.s32 v12, v10;
	(pc) =	sbr.rel @p3 .LBB2_50-.Ltmp37, $4  }
0x274: {  	vm0 =	vmand vm1, vm0  }
0x275: {  	v12 =	vsel vm0, $0x1, v0  }
0x276: {  	s21 =	sadd.s32 $0x10, s21;
	v11 =	vadd.s32 v12, v11  }
0x277: {  	s8 =	sadd.s32 $0x10, s8;
	v13 =	vor.u32 s21, v1;
	v12 =	vshra.s32 v9, $0xC  }
.LBB2_51:
0x278: {  	vm0 =	vlt.s32 v13, v5;
	vm1 =	veq.s32 v12, v6;
	v9 =	vand.u32 $0xFFF, v9  }
0x279: {  	vm0 =	vmand vm0, vm1;
	vm15 =	vge.s32 v9, v10  }
0x27a: {  	vm0 =	vmand vm15, vm0  }
0x27b: {  	v9 =	vsel vm0, $0x1, v0  }
0x27c: {  	v9 =	vadd.s32 v9, v11  }
0x27d: {  	(xrf0) =	vadd.scan.msk.s32 $0xffff, v9;
	_ =	sdelay $0x5  }
0x27e: {  	v9, _, _ =	vpop (xrf0)  }
0x27f: {  	(v2sf) =	vpush v9, $0xF;
	_ =	sdelay $0xe  }
0x280: {  	s4 =	spop (v2sf)  }
0x281: {  	p3 =	slt.s32 s4, s0  }
0x282: {  	v9 =	vld [tilespmem:s20+$0x0];
	s3 =	smov.u32 @p3 s6;
	p3 =	seq.s32 s30, $0x1  }
.Ltmp38:
0x283: {  	_ = 	snop;
	(pc) =	sbr.rel @p3 .LBB2_53-.Ltmp38, $3  }
0x284: {  	_ =	sdelay $0x1  }
0x285: {  	s4 =	sor.u32 $0x2, s3  }
0x286: {  	s8 =	simm.s32 $0x5510;
	v11 =	vshra.s32 v9, $0xC;
	s6 =	sadd.s32 $0xFFFFFFFF, s30;
	v10 =	vmov s4  }
.LBB2_52:
0x287: {  	p3 =	seq.s32 s6, $0x1;
	s6 =	sadd.s32 $0xFFFFFFFF, s6;
	vm0 =	vlt.s32 v8, v5;
	vm1 =	veq.s32 v11, v6;
	v8 =	vand.u32 $0xFFF, v9;
	v9 =	vld [tilespmem:s8+$0x0]  }
.Ltmp39:
0x288: {  	vm0 =	vmand vm0, vm1;
	vm1 =	vge.s32 v8, v10;
	(pc) =	sbr.rel @!p3 .LBB2_52-.Ltmp39, $4  }
0x289: {  	vm0 =	vmand vm1, vm0  }
0x28a: {  	v8 =	vsel vm0, $0x1, v0  }
0x28b: {  	s7 =	sadd.s32 $0x10, s7;
	v7 =	vadd.s32 v8, v7  }
0x28c: {  	s8 =	sadd.s32 $0x10, s8;
	v8 =	vor.u32 s7, v1;
	v11 =	vshra.s32 v9, $0xC  }
.LBB2_53:
0x28d: {  	vm0 =	vlt.s32 v8, v5;
	vm1 =	veq.s32 v11, v6;
	v8 =	vand.u32 $0xFFF, v9  }
0x28e: {  	vm0 =	vmand vm0, vm1;
	vm15 =	vge.s32 v8, v10  }
0x28f: {  	vm0 =	vmand vm15, vm0  }
0x290: {  	v8 =	vsel vm0, $0x1, v0  }
0x291: {  	v7 =	vadd.s32 v8, v7  }
0x292: {  	(xrf0) =	vadd.scan.msk.s32 $0xffff, v7;
	_ =	sdelay $0x5  }
0x293: {  	v7, _, _ =	vpop (xrf0)  }
0x294: {  	(v2sf) =	vpush v7, $0xF;
	_ =	sdelay $0xc  }
0x295: {  	s6 =	simm.s32 $0x5500  }
0x296: {  	v7 =	vld [tilespmem:s6+$0x0]  }
.Ltmp40:
0x297: {  	s7 =	spop (v2sf);
	(pc) =	sbr.rel @!p2 .LBB2_55-.Ltmp40, $4  }
0x298: {  	p3 =	slt.s32 s7, s0  }
0x299: {  	s4 =	smov.u32 @p3 s3  }
0x29a: {  	v8 =	vimm.s32 $0x0;
	s6 =	simm.s32 $0x0;
	s3 =	sor.u32 $0x1, s4  }
0x29b: {  	s8 =	simm.s32 $0x5510;
	v10 =	vor.u32 s6, v1;
	v11 =	vshra.s32 v7, $0xC;
	s7 =	sadd.s32 $0xFFFFFFFF, s30;
	v9 =	vmov s3  }
.LBB2_54:
0x29c: {  	p2 =	sne.s32 s7, $0x1;
	s7 =	sadd.s32 $0xFFFFFFFF, s7;
	vm0 =	vlt.s32 v10, v5;
	vm1 =	veq.s32 v11, v6;
	v10 =	vand.u32 $0xFFF, v7;
	v7 =	vld [tilespmem:s8+$0x0]  }
.Ltmp41:
0x29d: {  	vm0 =	vmand vm0, vm1;
	vm1 =	vge.s32 v10, v9;
	(pc) =	sbr.rel @p2 .LBB2_54-.Ltmp41, $4  }
0x29e: {  	vm0 =	vmand vm1, vm0  }
0x29f: {  	v10 =	vsel vm0, $0x1, v0  }
0x2a0: {  	s6 =	sadd.s32 $0x10, s6;
	v8 =	vadd.s32 v10, v8  }
0x2a1: {  	s8 =	sadd.s32 $0x10, s8;
	v10 =	vor.u32 s6, v1;
	v11 =	vshra.s32 v7, $0xC  }
.LBB2_55:
.Ltmp42:
0x2a2: {  	vm0 =	vlt.s32 v10, v5;
	vm1 =	veq.s32 v11, v6;
	v5 =	vand.u32 $0xFFF, v7;
	(pc) =	sbr.rel .LBB2_59-.Ltmp42, $4  }
0x2a3: {  	vm0 =	vmand vm0, vm1;
	vm15 =	vge.s32 v5, v9  }
0x2a4: {  	vm0 =	vmand vm15, vm0  }
0x2a5: {  	v5 =	vsel vm0, $0x1, v0  }
0x2a6: {  	v5 =	vadd.s32 v5, v8  }
.LBB2_56:
.Ltmp43:
0x2a7: {  	(pc) =	sbr.rel @p0 .LBB2_58-.Ltmp43, $1  }
0x2a8: {  	_ =	sdelay $0x3  }
.LBB2_57:
0x2a9: {  	v5 =	vld [tilespmem:$0x6500];
	_ =	sdelay $0x4  }
0x2aa: {  	v6 =	vxor.u32 $0x80000000, v5  }
0x2ab: {  	(xrf1) =	vsort.dscd.msk.u32 $0xffff, v6, v5;
	_ =	sdelay $0xc  }
0x2ac: {  	s0 =	sadd.s32 $0xFFFFFFFF, s0  }
0x2ad: {  	v6 =	vmov s0;
	v5, _, _ =	vpop (xrf1)  }
0x2ae: {  	vm0 =	veq.s32 v6, v1;
	v5 =	vxor.u32 $0x80000000, v5  }
0x2af: {  	v5 =	vnsel vm0, $0x0, v5  }
0x2b0: {  	(xrf0) =	vadd.scan.msk.s32 $0xffff, v5;
	_ =	sdelay $0x5  }
0x2b1: {  	v5, _, _ =	vpop (xrf0)  }
0x2b2: {  	(v2sf) =	vpush v5, $0xF;
	_ =	sdelay $0xa  }
.Ltmp44:
0x2b3: {  	_ = 	snop;
	(pc) =	sbr.rel .LBB2_60-.Ltmp44, $2  }
0x2b4: {  	_ =	sdelay $0x2  }
0x2b5: {  	s3 =	spop (v2sf)  }
.LBB2_58:
0x2b6: {  	s3 =	rddreg [dreg:$0x5]  }
0x2b7: {  	s4 =	simm.s32 $0x0;
	p2 =	slt.s32 s3, s0  }
0x2b8: {  	s4 =	simm.s32 @!p2 $0xFFE  }
0x2b9: {  	v5 =	vimm.s32 $0x0;
	s3 =	sor.u32 $0x1, s4  }
.LBB2_59:
0x2ba: {  	(xrf0) =	vadd.scan.msk.s32 $0xffff, v5;
	_ =	sdelay $0x5  }
0x2bb: {  	v5, _, _ =	vpop (xrf0)  }
0x2bc: {  	(v2sf) =	vpush v5, $0xF;
	_ =	sdelay $0xe  }
0x2bd: {  	s6 =	spop (v2sf)  }
0x2be: {  	p2 =	slt.s32 s6, s0  }
0x2bf: {  	s3 =	smov.u32 @p2 s4  }
.LBB2_60:
0x2c0: {  	s0 =	sshll.u32 s29, $0x14;
	s4 =	sshll.u32 s31, $0xC  }
0x2c1: {  	s0 =	sor.u32 s0, s4  }
0x2c2: {  	s0 =	sor.u32 s3, s0  }
0x2c3: {  	s31 =	simm.s32 $0x40;
	s3 =	simm.s32 $0xFFFFFFFF;
	p2 =	sgt.s32 s0, $0xFFFFFFFF  }
0x2c4: {  	v6 =	vld [tilespmem:s31+$0x30];
	s3 =	simm.s32 @!p2 $0x80000000  }
0x2c5: {  	v7 =	vld [tilespmem:s31+$0xFFFFFFD0];
	s0 =	sxor.u32 s0, s3  }
0x2c6: {  	v5 =	vmov s0  }
0x2c7: {  	v5 =	vbroadcast v5, $0x0  }
0x2c8: {  	v8 =	vld [tilespmem:s31+$0xFFFFFFE0]  }
0x2c9: {  	v11 =	vld [tilespmem:s31+$0xFFFFFFC0];
	vm0 =	vge.f32 v6, v5  }
0x2ca: {  	v9 =	vld [tilespmem:s31+$0xFFFFFFF0];
	s0 =	simm.s32 $0x2040;
	vm11 =	vge.f32 v7, v5;
	v6 =	vnsel vm0, $0x0, v6  }
0x2cb: {  	v10 =	vld [tilespmem:s31+$0x0];
	v7 =	vnsel vm11, $0x0, v7;
	[tilespmem:s0+$0x30] =	vst v6  }
0x2cc: {  	v12 =	vld [tilespmem:s31+$0x20];
	s3 =	simm.s32 $0x4040;
	[tilespmem:s0+$0xFFFFFFD0] =	vst v7  }
0x2cd: {  	vm12 =	vge.f32 v8, v5;
	v6 =	vld [tilespmem:s31+$0x10];
	[tilespmem:s3+$0x30] =	vst v0  }
0x2ce: {  	vm14 =	vge.f32 v11, v5;
	v7 =	vnsel vm12, $0x0, v8;
	[tilespmem:s3+$0xFFFFFFD0] =	vst v0  }
0x2cf: {  	v8 =	vnsel vm14, $0x0, v11;
	[tilespmem:s0+$0xFFFFFFE0] =	vst v7  }
0x2d0: {  	vm13 =	vge.f32 v9, v5;
	[tilespmem:s0+$0xFFFFFFC0] =	vst v8  }
0x2d1: {  	v7 =	vnsel vm13, $0x0, v9;
	[tilespmem:s3+$0xFFFFFFE0] =	vst v0  }
0x2d2: {  	vm15 =	vge.f32 v10, v5;
	vm2 =	vge.f32 v12, v5;
	[tilespmem:s0+$0xFFFFFFF0] =	vst v7;
	vm1 =	vge.f32 v6, v5  }
0x2d3: {  	s6 =	simm.s32 $0xC0;
	s4 =	simm.s32 $0x0;
	v8 =	vnsel vm15, $0x0, v10;
	[tilespmem:s3+$0xFFFFFFC0] =	vst v0;
	v7 =	vnsel vm1, $0x0, v6;
	v6 =	vnsel vm2, $0x0, v12  }
.LBB2_61:
0x2d4: {  	v9 =	vld [tilespmem:s6+$0x30];
	[tilespmem:s3+$0xFFFFFFF0] =	vst v0  }
0x2d5: {  	s4 =	sadd.s32 $0x8, s4;
	v10 =	vld [tilespmem:s6+$0xFFFFFFD0];
	[tilespmem:s0+$0x0] =	vst v8  }
0x2d6: {  	p2 =	slt.u32 s4, $0xF8;
	v8 =	vld [tilespmem:s6+$0xFFFFFFE0];
	[tilespmem:s3+$0x0] =	vst v0  }
0x2d7: {  	v11 =	vld [tilespmem:s6+$0xFFFFFFF0];
	[tilespmem:s0+$0x10] =	vst v7  }
0x2d8: {  	v7 =	vld [tilespmem:s6+$0x0];
	[tilespmem:s3+$0x10] =	vst v0  }
0x2d9: {  	v12 =	vld [tilespmem:s6+$0x10];
	vm0 =	vge.f32 v9, v5;
	[tilespmem:s0+$0x20] =	vst v6  }
0x2da: {  	s0 =	sadd.s32 $0x80, s0;
	vm1 =	vge.f32 v10, v5;
	v6 =	vld [tilespmem:s6+$0x20];
	v9 =	vnsel vm0, $0x0, v9;
	[tilespmem:s3+$0x20] =	vst v0  }
0x2db: {  	s3 =	sadd.s32 $0x80, s3;
	v13 =	vld [tilespmem:s6+$0xFFFFFFC0];
	v10 =	vnsel vm1, $0x0, v10;
	vm0 =	vge.f32 v8, v5;
	[tilespmem:s0+$0x30] =	vst v9  }
0x2dc: {  	v9 =	vnsel vm0, $0x0, v8;
	vm0 =	vge.f32 v11, v5;
	[tilespmem:s3+$0x30] =	vst v0  }
0x2dd: {  	[tilespmem:s0+$0xFFFFFFD0] =	vst v10;
	v10 =	vnsel vm0, $0x0, v11;
	vm0 =	vge.f32 v7, v5  }
0x2de: {  	[tilespmem:s3+$0xFFFFFFD0] =	vst v0;
	v8 =	vnsel vm0, $0x0, v7;
	vm0 =	vge.f32 v12, v5  }
.Ltmp45:
0x2df: {  	[tilespmem:s0+$0xFFFFFFE0] =	vst v9;
	v7 =	vnsel vm0, $0x0, v12;
	vm0 =	vge.f32 v6, v5;
	(pc) =	sbr.rel @p2 .LBB2_61-.Ltmp45, $4  }
0x2e0: {  	vm1 =	vge.f32 v13, v5;
	[tilespmem:s3+$0xFFFFFFE0] =	vst v0;
	v6 =	vnsel vm0, $0x0, v6  }
0x2e1: {  	v9 =	vnsel vm1, $0x0, v13;
	[tilespmem:s0+$0xFFFFFFF0] =	vst v10  }
0x2e2: {  	[tilespmem:s0+$0xFFFFFFC0] =	vst v9  }
0x2e3: {  	s6 =	sadd.s32 $0x80, s6;
	[tilespmem:s3+$0xFFFFFFC0] =	vst v0  }
0x2e4: {  	[tilespmem:s3+$0xFFFFFFF0] =	vst v0  }
0x2e5: {  	[tilespmem:s0+$0x0] =	vst v8  }
0x2e6: {  	[tilespmem:s0+$0x10] =	vst v7  }
0x2e7: {  	[tilespmem:s0+$0x20] =	vst v6  }
0x2e8: {  	[tilespmem:s3+$0x0] =	vst v0  }
0x2e9: {  	s30 =	sadd.s32 s2, s28;
	[tilespmem:s3+$0x10] =	vst v0  }
0x2ea: {  	s31 =	simm.s32 $0x2000;
	[tilespmem:s3+$0x20] =	vst v0;
	s0 =	sadd.s32 s26, s30  }
0x2eb: {  	[hbm4b:s0+s9] =	stream.strided.scatter [tilespmem:s31], [sflag:$0x3], $0x1000, s10, s9, $0x38;
	[tilespmem:$0x7500] =	vst v63  }
0x2ec: {  	s0 =	simm.s32 @!p1 $0x4  }
0x2ed: {  	p2 =	seq.s32 s24, $0x7F;
	_ =	swait.ge @!p1 [sflag:s0], $0x1000  }
0x2ee: {  	s3 =	sadd.s32 @!p2 $0x2, s25;
	s4 =	simm.s32 @!p2 $0x400;
	[sflag:s0] =	ssyncset.done @!p1 $0x0  }
0x2ef: {  	s6 =	simm.s32 @!p2 $0x0;
	[sflag:s0] =	ssyncadd.s32 @!p1 $0xFFFFF000;
	s0 =	sshll.u32 @!p2 s3, $0x4  }
0x2f0: {  	s3 =	sshll.u32 @!p2 s3, $0x9;
	_ =	swait.ge [sflag:s18], $0x1000;
	s0 =	sand.u32 @!p2 $0x60, s0  }
0x2f1: {  	s3 =	sand.u32 @!p2 $0xFFFF000, s3;
	[sflag:s18] =	ssyncset.done $0x0;
	s0 =	sadd.s32 @!p2 s1, s0  }
0x2f2: {  	[sflag:s18] =	ssyncadd.s32 $0xFFFFF000;
	s0 =	sadd.s32 @!p2 s3, s0;
	s3 =	simm.s32 @!p2 $0x80  }
0x2f3: {  	[tilespmem:s6], [sflag:$0x1] =	stream.strided.gather @!p2 [hbm4b:s0+s3], $0x1000, s4, s3, $0x38;
	[tilespmem:$0x7500] =	vst v63  }
0x2f4: {  	s0 =	simm.s32 $0x5040  }
0x2f5: {  	[tilespmem:s0+$0xFFFFFFC0] =	vst v0  }
0x2f6: {  	[tilespmem:s0+$0x30] =	vst v0  }
0x2f7: {  	[tilespmem:s0+$0x20] =	vst v0  }
0x2f8: {  	[tilespmem:s0+$0x10] =	vst v0  }
0x2f9: {  	[tilespmem:s0+$0x0] =	vst v0  }
0x2fa: {  	[tilespmem:s0+$0xFFFFFFF0] =	vst v0  }
0x2fb: {  	s24 =	sadd.s32 $0x1, s24;
	s3 =	simm.s32 $0x0;
	[tilespmem:s0+$0xFFFFFFE0] =	vst v0  }
.LBB2_63:
0x2fc: {  	s3 =	sadd.s32 $0x8, s3;
	[tilespmem:s0+$0xFFFFFFD0] =	vst v0;
	s0 =	sadd.s32 $0x80, s0  }
0x2fd: {  	[tilespmem:s0+$0xFFFFFFC0] =	vst v0;
	p2 =	slt.u32 s3, $0x38  }
0x2fe: {  	[tilespmem:s0+$0x30] =	vst v0  }
.Ltmp46:
0x2ff: {  	[tilespmem:s0+$0x20] =	vst v0;
	(pc) =	sbr.rel @p2 .LBB2_63-.Ltmp46, $4  }
0x300: {  	[tilespmem:s0+$0x10] =	vst v0  }
0x301: {  	[tilespmem:s0+$0x0] =	vst v0  }
0x302: {  	[tilespmem:s0+$0xFFFFFFF0] =	vst v0  }
0x303: {  	p1 =	por $0x1, $0x1;
	[tilespmem:s0+$0xFFFFFFE0] =	vst v0  }
0x304: {  	[tilespmem:s0+$0xFFFFFFD0] =	vst v0;
	s0 =	simm.s32 $0x0  }
.LBB2_65:
0x305: {  	s0 =	sshra.s32 s0, $0x2  }
0x306: {  	[tilespmem:s0+$0x5400] =	vst v0  }
0x307: {  	[tilespmem:s0+$0x5410] =	vst v0  }
0x308: {  	p2 =	por p1, p1;
	[tilespmem:s0+$0x5420] =	vst v0  }
.Ltmp47:
0x309: {  	[tilespmem:s0+$0x5430] =	vst v0;
	(pc) =	sbr.rel @p2 .LBB2_65-.Ltmp47, $4  }
0x30a: {  	[tilespmem:s0+$0x5440] =	vst v0  }
0x30b: {  	[tilespmem:s0+$0x5450] =	vst v0  }
0x30c: {  	[tilespmem:s0+$0x5460] =	vst v0  }
0x30d: {  	p1 =	por $0x0, $0x0;
	[tilespmem:s0+$0x5470] =	vst v0;
	s0 =	simm.s32 $0x200  }
0x30e: {  	[tilespmem:$0x6500] =	vst v2;
	s0 =	simm.s32 $0x1020  }
0x30f: {  	v5 =	vld [tilespmem:s0+$0x10];
	_ =	sdelay $0x2  }
0x310: {  	v9 =	vld [tilespmem:s0+$0xFFFFFFF0]  }
0x311: {  	v10 =	vld [tilespmem:s0+$0x0]  }
0x312: {  	v6 =	vld [tilespmem:s0+$0xFFFFFFE0];
	v7 =	vshra.s32 v5, $0x1F  }
0x313: {  	v7 =	vor.u32 $0x80000000, v7  }
0x314: {  	v5 =	vxor.u32 v5, v7  }
0x315: {  	v8 =	vshra.s32 v9, $0x1F;
	v7 =	vshrl.u32 v5, $0x14  }
0x316: {  	v12 =	vshra.s32 v10, $0x1F;
	v11 =	vor.u32 $0x80000000, v8;
	v8 =	vshrl.u32 v5, $0x16  }
0x317: {  	v12 =	vor.u32 $0x80000000, v12;
	v9 =	vxor.u32 v9, v11;
	v5 =	vshra.s32 v6, $0x1F  }
0x318: {  	s3 =	simm.s32 $0x0;
	s4 =	simm.s32 $0x1060;
	v10 =	vxor.u32 v10, v12;
	v11 =	vor.u32 $0x80000000, v5;
	v5 =	vshrl.u32 v9, $0x14  }
.LBB2_67:
0x319: {  	v12 =	vld [tilespmem:s4+$0x10];
	v6 =	vxor.u32 v6, v11;
	v9 =	vshrl.u32 v9, $0x16;
	v11 =	vshrl.u32 v10, $0x14  }
0x31a: {  	s3 =	sadd.s32 $0x4, s3;
	s0 =	simm.s32 $0x5000;
	v15 =	vshrl.u32 v10, $0x16;
	v13 =	vshrl.u32 v6, $0x14;
	v14 =	vshrl.u32 v6, $0x16;
	[tilespmem:v7+s13+$0x0] =	vst.idx.add.s32.msk $0xffff, v3  }
0x31b: {  	p1 =	slt.u32 s3, $0xFC;
	[tilespmem:v8+s0+$0x0] =	vst.idx.add.s32.msk $0xffff, v3  }
0x31c: {  	v10 =	vld [tilespmem:s4+$0xFFFFFFF0]  }
0x31d: {  	v16 =	vld [tilespmem:s4+$0x0]  }
0x31e: {  	v6 =	vld [tilespmem:s4+$0xFFFFFFE0];
	v7 =	vshra.s32 v12, $0x1F  }
0x31f: {  	v7 =	vor.u32 $0x80000000, v7;
	[tilespmem:v13+s13+$0x0] =	vst.idx.add.s32.msk $0xffff, v3  }
.Ltmp48:
0x320: {  	v8 =	vxor.u32 v12, v7;
	[tilespmem:v14+s0+$0x0] =	vst.idx.add.s32.msk $0xffff, v3;
	(pc) =	sbr.rel @p1 .LBB2_67-.Ltmp48, $4  }
0x321: {  	v12 =	vshra.s32 v10, $0x1F;
	v7 =	vshrl.u32 v8, $0x14;
	[tilespmem:v5+s13+$0x0] =	vst.idx.add.s32.msk $0xffff, v3  }
0x322: {  	v8 =	vshrl.u32 v8, $0x16;
	v5 =	vor.u32 $0x80000000, v12;
	v12 =	vshra.s32 v16, $0x1F;
	[tilespmem:v9+s0+$0x0] =	vst.idx.add.s32.msk $0xffff, v3  }
0x323: {  	v13 =	vshra.s32 v6, $0x1F;
	v9 =	vxor.u32 v10, v5;
	v10 =	vor.u32 $0x80000000, v12;
	[tilespmem:v11+s13+$0x0] =	vst.idx.add.s32.msk $0xffff, v3  }
0x324: {  	s4 =	sadd.s32 $0x40, s4;
	v11 =	vor.u32 $0x80000000, v13;
	v5 =	vshrl.u32 v9, $0x14;
	v10 =	vxor.u32 v16, v10;
	[tilespmem:v15+s0+$0x0] =	vst.idx.add.s32.msk $0xffff, v3  }
0x325: {  	_ =	sdelay $0x2  }
0x326: {  	v9 =	vshrl.u32 v9, $0x16  }
0x327: {  	v6 =	vxor.u32 v6, v11;
	[tilespmem:v7+s13+$0x0] =	vst.idx.add.s32.msk $0xffff, v3;
	v7 =	vshrl.u32 v10, $0x14  }
0x328: {  	v11 =	vshrl.u32 v6, $0x14  }
0x329: {  	[tilespmem:v8+s0+$0x0] =	vst.idx.add.s32.msk $0xffff, v3;
	v8 =	vshrl.u32 v10, $0x16  }
0x32a: {  	[tilespmem:v5+s13+$0x0] =	vst.idx.add.s32.msk $0xffff, v3;
	v6 =	vshrl.u32 v6, $0x16  }
0x32b: {  	[tilespmem:v9+s0+$0x0] =	vst.idx.add.s32.msk $0xffff, v3  }
0x32c: {  	[tilespmem:v7+s13+$0x0] =	vst.idx.add.s32.msk $0xffff, v3  }
0x32d: {  	[tilespmem:v11+s13+$0x0] =	vst.idx.add.s32.msk $0xffff, v3  }
0x32e: {  	[tilespmem:v8+s0+$0x0] =	vst.idx.add.s32.msk $0xffff, v3  }
0x32f: {  	[tilespmem:v6+s0+$0x0] =	vst.idx.add.s32.msk $0xffff, v3  }
0x330: {  	v5 =	vld [tilespmem:s0+$0x0];
	_ =	sdelay $0x4  }
0x331: {  	(xrf0) =	vadd.scan.msk.s32 $0xffff, v5;
	_ =	sdelay $0x5  }
0x332: {  	v9, _, _ =	vpop (xrf0)  }
0x333: {  	s26 =	simm.s32 $0x5010;
	(v2sf) =	vpush v9, $0xF  }
0x334: {  	v6 =	vld [tilespmem:s26+$0x0]  }
0x335: {  	s29 =	simm.s32 $0x5020  }
0x336: {  	v8 =	vld [tilespmem:s29+$0x0];
	_ =	sdelay $0x2  }
0x337: {  	(xrf0) =	vadd.scan.msk.s32 $0xffff, v6;
	_ =	sdelay $0x1  }
0x338: {  	(xrf0) =	vadd.scan.msk.s32 $0xffff, v8;
	_ =	sdelay $0x3  }
0x339: {  	s30 =	simm.s32 $0x5030;
	v12, _, _ =	vpop (xrf0)  }
0x33a: {  	v7 =	vld [tilespmem:s30+$0x0];
	(v2sf) =	vpush v12, $0xF  }
0x33b: {  	v15, _, _ =	vpop (xrf0)  }
0x33c: {  	s31 =	spop (v2sf);
	(v2sf) =	vpush v15, $0xF  }
0x33d: {  	s0 =	simm.s32 $0x0  }
0x33e: {  	v10 =	vadd.s32 s0, v9  }
0x33f: {  	s3 =	simm.s32 $0x5040;
	(xrf0) =	vadd.scan.msk.s32 $0xffff, v7;
	vm0 =	vgt.s32 v10, $0xE67  }
0x340: {  	v9 =	vld [tilespmem:s3+$0x0];
	v11 =	vmpcnt.ones.xlane vm0  }
0x341: {  	v14 =	vimm.s32 $0x0  }
0x342: {  	vm0 =	veq.s32 v14, $0x0;
	vm1 =	vgt.s32 v11, $0x0  }
0x343: {  	s4 =	simm.s32 $0x2;
	vm0 =	vmand vm0, vm1  }
0x344: {  	s28 =	simm.s32 $0x3;
	s25 =	simm.s32 $0x4;
	v11 =	vimm.s32 $0x0;
	v17 =	vsel vm1, $0x1, v0;
	v13 =	vsel vm0, v10, v14;
	s3 =	sadd.s32 $0x0, s31  }
0x345: {  	s6 =	simm.s32 $0x5;
	s7 =	simm.s32 $0x5050;
	s26 =	simm.s32 $0x1;
	(xrf0) =	vadd.scan.msk.s32 $0xffff, v9;
	vm1 =	vgt.s32 v14, v17;
	v10 =	vimm.s32 $0x0;
	v16, _, _ =	vpop (xrf0);
	v12 =	vadd.s32 s3, v12  }
.LBB2_69:
0x346: {  	(v2sf) =	vpush v16, $0xF;
	vm2 =	vgt.s32 v12, $0xE67;
	v14 =	vsel vm1, v14, v17;
	v17 =	vmovc v9;
	v9 =	vld [tilespmem:s7+$0x0];
	v18 =	vmovc v15;
	s8 =	smov.u32 s6;
	p1 =	sne.s32 s6, $0x3F  }
.Ltmp49:
0x347: {  	v10 =	vsel vm0, v5, v10;
	v5 =	vmovc v6;
	v6 =	vmovc v8;
	v19 =	vmpcnt.ones.xlane vm2;
	vm1 =	veq.s32 v14, $0x0;
	(pc) =	sbr.rel @p1 .LBB2_69-.Ltmp49, $4  }
0x348: {  	s6 =	sadd.s32 $0x1, s6;
	v11 =	vsel vm0, s0, v11;
	v8 =	vmovc v7;
	v15 =	vmov v16;
	s0 =	smov.u32 s26;
	v7 =	vmov v17  }
0x349: {  	s26 =	smov.u32 s4;
	s4 =	smov.u32 s28;
	vm0 =	vgt.s32 v19, $0x0;
	s12 =	spop (v2sf)  }
0x34a: {  	s28 =	smov.u32 s25;
	s25 =	smov.u32 s8;
	v17 =	vsel vm0, $0x1, v0;
	vm0 =	vmand vm1, vm0;
	s3 =	sadd.s32 s3, s12  }
0x34b: {  	s7 =	sadd.s32 $0x10, s7;
	(xrf0) =	vadd.scan.msk.s32 $0xffff, v9;
	v16, _, _ =	vpop (xrf0);
	v13 =	vsel vm0, v12, v13;
	v12 =	vadd.s32 s3, v18;
	vm1 =	vgt.s32 v14, v17  }
0x34c: {  	(v2sf) =	vpush v16, $0xF;
	_ =	sdelay $0x7  }
0x34d: {  	vm2 =	vgt.s32 v12, $0xE67;
	s6 =	spop (v2sf)  }
0x34e: {  	v18 =	vmpcnt.ones.xlane vm2;
	s3 =	sadd.s32 s3, s6  }
0x34f: {  	v15 =	vadd.s32 s3, v15  }
0x350: {  	v14 =	vsel vm1, v14, v17;
	vm2 =	vgt.s32 v18, $0x0;
	vm3 =	vgt.s32 v15, $0xE67;
	s20 =	spop (v2sf)  }
0x351: {  	vm1 =	veq.s32 v14, $0x0;
	v17 =	vsel vm2, $0x1, v0;
	v18 =	vmpcnt.ones.xlane vm3;
	s3 =	sadd.s32 s3, s20  }
0x352: {  	vm1 =	vmand vm1, vm2;
	vm2 =	vgt.s32 v14, v17;
	v16 =	vadd.s32 s3, v16  }
0x353: {  	v14 =	vsel vm2, v14, v17;
	vm2 =	vgt.s32 v18, $0x0;
	vm3 =	vgt.s32 v16, $0xE67  }
0x354: {  	v12 =	vsel vm1, v12, v13;
	v13 =	vsel vm2, $0x1, v0;
	v17 =	vmpcnt.ones.xlane vm3;
	s21 =	spop (v2sf)  }
0x355: {  	v18, _, _ =	vpop (xrf0);
	vm4 =	vgt.s32 v14, v13;
	s3 =	sadd.s32 s3, s21  }
0x356: {  	v13 =	vsel vm4, v14, v13;
	vm5 =	vgt.s32 v17, $0x0;
	v17 =	vadd.s32 s3, v18  }
0x357: {  	vm3 =	veq.s32 v14, $0x0;
	v14 =	vsel vm5, $0x1, v0;
	vm4 =	vgt.s32 v17, $0xE67  }
0x358: {  	vm2 =	vmand vm3, vm2;
	vm3 =	vgt.s32 v13, v14;
	v19 =	vmpcnt.ones.xlane vm4  }
0x359: {  	v12 =	vsel vm2, v15, v12;
	vm4 =	veq.s32 v13, $0x0;
	v13 =	vsel vm3, v13, v14  }
0x35a: {  	vm3 =	vmand vm4, vm5;
	vm4 =	veq.s32 v13, $0x0;
	vm5 =	vgt.s32 v19, $0x0  }
0x35b: {  	v12 =	vsel vm3, v16, v12;
	vm4 =	vmand vm4, vm5  }
0x35c: {  	v12 =	vsel vm4, v17, v12  }
0x35d: {  	vm5 =	vgt.s32 v12, $0xE67  }
0x35e: {  	v13 =	vsel vm5, $0x1, v0  }
0x35f: {  	(xrf0) =	vadd.scan.msk.s32 $0xffff, v13;
	_ =	sdelay $0x5  }
0x360: {  	v11 =	vsel vm0, s0, v11;
	(v2sf) =	vpush v18, $0xF;
	v13, _, _ =	vpop (xrf0)  }
0x361: {  	v11 =	vsel vm1, s26, v11;
	(v2sf) =	vpush v13, $0xF  }
0x362: {  	v11 =	vsel vm2, s4, v11  }
0x363: {  	v11 =	vsel vm3, s28, v11  }
0x364: {  	v11 =	vsel vm4, s25, v11  }
0x365: {  	v11 =	vxor.u32 $0x80000000, v11  }
0x366: {  	(xrf0) =	vmax.scan.msk.u32 $0xffff, v11;
	_ =	sdelay $0x5  }
0x367: {  	v11, _, _ =	vpop (xrf0)  }
0x368: {  	(v2sf) =	vpush v11, $0xF;
	_ =	sdelay $0x1  }
0x369: {  	v5 =	vsel vm0, v5, v10;
	s22 =	spop (v2sf)  }
0x36a: {  	v5 =	vsel vm1, v6, v5;
	s0 =	spop (v2sf)  }
0x36b: {  	v5 =	vsel vm2, v8, v5;
	s0 =	ssub.s32 $0x10, s0  }
0x36c: {  	v5 =	vsel vm3, v7, v5;
	v6 =	vxor.u32 $0x80000000, v12;
	v7 =	vmov s0  }
0x36d: {  	v5 =	vsel vm4, v9, v5;
	v6 =	vnsel vm5, $0xC0000000, v6;
	vm0 =	veq.s32 v7, v1  }
0x36e: {  	(xrf0) =	vmin.scan.msk.u32 $0xffff, v6;
	v5 =	vnsel vm0, $0x0, v5  }
0x36f: {  	(xrf0) =	vadd.scan.msk.s32 $0xffff, v5;
	_ =	sdelay $0x4  }
0x370: {  	v5, _, _ =	vpop (xrf0)  }
0x371: {  	(v2sf) =	vpush v5, $0xF;
	v5, _, _ =	vpop (xrf0)  }
0x372: {  	s25 =	spop (v2sf);
	(v2sf) =	vpush v5, $0xF  }
0x373: {  	s0 =	sshll.u32 s0, $0x2;
	s3 =	sshll.u32 s25, $0x6  }
0x374: {  	s3 =	sadd.s32 s0, s3  }
0x375: {  	s3 =	sand.u32 $0xFFFFFFF0, s3  }
0x376: {  	s0 =	sand.u32 $0xC, s0;
	v5 =	vld [tilespmem:s3+$0x4000]  }
0x377: {  	s26 =	sadd.s32 $0x4, s0  }
0x378: {  	v6 =	vmov s0;
	v7 =	vmov s26  }
0x379: {  	vm0 =	vlt.u32 v6, v4;
	vm1 =	vgt.u32 v7, v1  }
0x37a: {  	vm0 =	vmand vm0, vm1  }
0x37b: {  	v5 =	vnsel vm0, $0x0, v5  }
0x37c: {  	(xrf0) =	vadd.scan.msk.s32 $0xffff, v5;
	_ =	sdelay $0x3  }
0x37d: {  	s28 =	spop (v2sf)  }
0x37e: {  	s0 =	sxor.u32 $0x80000000, s28;
	s29 =	spop (v2sf)  }
0x37f: {  	v5, _, _ =	vpop (xrf0);
	s0 =	ssub.s32 s0, s29  }
0x380: {  	v5 =	vadd.s32 s0, v5  }
0x381: {  	vm1 =	vgt.s32 v5, $0xE67  }
0x382: {  	vm0 =	vmand vm0, vm1  }
0x383: {  	v6 =	vsel vm0, $0x1, v0  }
0x384: {  	(xrf0) =	vadd.scan.msk.s32 $0xffff, v6;
	_ =	sdelay $0x5  }
0x385: {  	v6, _, _ =	vpop (xrf0)  }
0x386: {  	(v2sf) =	vpush v6, $0xF;
	_ =	sdelay $0x4  }
0x387: {  	s30 =	simm.s32 $0x1040  }
0x388: {  	v8 =	vld [tilespmem:s30+$0x30]  }
0x389: {  	v7 =	vld [tilespmem:s30+$0xFFFFFFD0]  }
0x38a: {  	v12 =	vld [tilespmem:s30+$0xFFFFFFE0]  }
0x38b: {  	v11 =	vld [tilespmem:s30+$0xFFFFFFC0];
	_ =	sdelay $0x1  }
0x38c: {  	v9 =	vld [tilespmem:s30+$0x20]  }
0x38d: {  	v14 =	vld [tilespmem:s30+$0xFFFFFFF0];
	v6 =	vshra.s32 v7, $0x1F  }
0x38e: {  	v15 =	vshra.s32 v8, $0x1F;
	v17 =	vimm.s32 $0x0;
	v10 =	vor.u32 $0x80000000, v6  }
0x38f: {  	v19 =	vshra.s32 v12, $0x1F;
	v7 =	vxor.u32 v7, v10;
	v10 =	vshra.s32 v11, $0x1F  }
0x390: {  	v19 =	vor.u32 $0x80000000, v19;
	v18 =	vor.u32 $0x80000000, v10;
	v10 =	vor.u32 $0x80000000, v15;
	s31 =	spop (v2sf)  }
0x391: {  	v16 =	vshrl.u32 v7, $0x14;
	v15 =	vshra.s32 v9, $0x1F;
	v8 =	vxor.u32 v8, v10;
	s4 =	ssub.s32 s26, s31  }
0x392: {  	v10 =	vshra.s32 v14, $0x1F;
	v15 =	vor.u32 $0x80000000, v15;
	v18 =	vxor.u32 v11, v18;
	s25 =	sadd.s32 s3, s4  }
0x393: {  	v13 =	vld [tilespmem:s30+$0x0];
	v21 =	vshrl.u32 v8, $0x14;
	v10 =	vor.u32 $0x80000000, v10;
	v6 =	vmov s25  }
0x394: {  	v9 =	vxor.u32 v9, v15;
	v11 =	vshrl.u32 v18, $0x14;
	vm2 =	veq.s32 v16, v6;
	v16 =	vld [tilespmem:s30+$0x10]  }
0x395: {  	v10 =	vxor.u32 v14, v10;
	v14 =	vshrl.u32 v9, $0x14;
	vm6 =	veq.s32 v21, v6  }
0x396: {  	vm1 =	veq.s32 v14, v6;
	vm8 =	veq.s32 v11, v6;
	v15 =	vsel vm6, $0x1, v0  }
0x397: {  	v11 =	vxor.u32 v12, v19;
	v22 =	vsel vm1, $0x1, v0;
	v19 =	vmpcnt.ones.xlane vm8;
	(xrf0) =	vadd.scan.msk.s32 $0xffff, v15  }
0x398: {  	v20 =	vshra.s32 v13, $0x1F;
	v14 =	vmpcnt.ones.xlane vm2;
	v15 =	vsel vm2, $0x1, v0;
	(xrf0) =	vadd.scan.msk.s32 $0xffff, v22  }
0x399: {  	v19 =	vadd.s32 v17, v19;
	(xrf0) =	vadd.scan.msk.s32 $0xffff, v15;
	v15 =	vsel vm8, $0x1, v0;
	v21 =	vshra.s32 v16, $0x1F  }
0x39a: {  	v20 =	vor.u32 $0x80000000, v20;
	(xrf0) =	vadd.scan.msk.s32 $0xffff, v15;
	v15 =	vadd.s32 v19, v14;
	v12 =	vor.u32 $0x80000000, v21  }
0x39b: {  	v14 =	vxor.u32 v13, v20;
	v21 =	vshrl.u32 v11, $0x14;
	v12 =	vxor.u32 v16, v12  }
0x39c: {  	v20 =	vshrl.u32 v14, $0x14;
	vm5 =	veq.s32 v21, v6;
	v21 =	vshrl.u32 v12, $0x14  }
0x39d: {  	v16 =	vshrl.u32 v10, $0x14;
	vm7 =	veq.s32 v20, v6;
	v13, _, _ =	vpop (xrf0);
	vm3 =	veq.s32 v21, v6  }
0x39e: {  	vm4 =	veq.s32 v16, v6;
	v16 =	vmpcnt.ones.xlane vm5;
	v25, _, _ =	vpop (xrf0);
	v21 =	vsel vm3, $0x1, v0  }
0x39f: {  	v26 =	vmpcnt.ones.xlane vm7;
	v22 =	vsel vm4, $0x1, v0;
	v20, _, _ =	vpop (xrf0);
	(xrf0) =	vadd.scan.msk.s32 $0xffff, v21;
	v21 =	vsel vm5, $0x1, v0  }
0x3a0: {  	v24 =	vmpcnt.ones.xlane vm4;
	v23 =	vmpcnt.ones.xlane vm3;
	v27 =	vadd.s32 v20, v19;
	v20, _, _ =	vpop (xrf0);
	(xrf0) =	vadd.scan.msk.s32 $0xffff, v21  }
0x3a1: {  	v16 =	vadd.s32 v15, v16;
	v17 =	vadd.s32 v20, v17;
	v21 =	vsel vm7, $0x1, v0;
	(xrf0) =	vadd.scan.msk.s32 $0xffff, v22  }
0x3a2: {  	v19 =	vadd.s32 v16, v24;
	v24 =	vadd.s32 $0xFFFFFFFF, v17;
	(xrf0) =	vadd.scan.msk.s32 $0xffff, v21  }
0x3a3: {  	v20 =	vadd.s32 v19, v26;
	v26 =	vmpcnt.ones.xlane vm1  }
0x3a4: {  	v18 =	vand.u32 $0xFFFFF, v18;
	v17 =	vadd.s32 v20, v23;
	v21 =	vadd.s32 $0xFFFFFFFF, v27  }
0x3a5: {  	s0 =	simm.s32 $0x0;
	s26 =	simm.s32 $0x10C0;
	vm6 =	vmmov vm6;
	v22 =	vadd.s32 v25, v17;
	v17 =	vadd.s32 v17, v26;
	v23, _, _ =	vpop (xrf0)  }
.LBB2_71:
0x3a6: {  	v25 =	vld [tilespmem:s26+$0xFFFFFFD0];
	s0 =	sadd.s32 $0x8, s0;
	v9 =	vand.u32 $0xFFFFF, v9;
	v26 =	vmpcnt.ones.xlane vm6;
	v27 =	vand.u32 $0xFFFFF, v8;
	v8, _, _ =	vpop (xrf0)  }
0x3a7: {  	v7 =	vand.u32 $0xFFFFF, v7;
	v10 =	vand.u32 $0xFFFFF, v10;
	v28 =	vld [tilespmem:s26+$0x30];
	p1 =	slt.u32 s0, $0xF8;
	[tilespmem:v24+s14+$0x0] =	vst.idx.msk vm8, v18;
	v8 =	vadd.s32 v8, v15;
	v15, _, _ =	vpop (xrf0)  }
0x3a8: {  	v11 =	vand.u32 $0xFFFFF, v11;
	v12 =	vand.u32 $0xFFFFF, v12;
	v18 =	vld [tilespmem:s26+$0xFFFFFFC0];
	v8 =	vadd.s32 $0xFFFFFFFF, v8;
	v24, _, _ =	vpop (xrf0)  }
0x3a9: {  	v14 =	vand.u32 $0xFFFFF, v14;
	v29 =	vld [tilespmem:s26+$0xFFFFFFE0];
	[tilespmem:v21+s14+$0x0] =	vst.idx.msk vm2, v7;
	v7 =	vadd.s32 v15, v16;
	v15 =	vadd.s32 v24, v19  }
0x3aa: {  	v21 =	vadd.s32 $0xFFFFFFFF, v22;
	v19 =	vld [tilespmem:s26+$0x0];
	v16 =	vadd.s32 $0xFFFFFFFF, v7;
	v15 =	vadd.s32 $0xFFFFFFFF, v15  }
0x3ab: {  	v20 =	vadd.s32 v23, v20;
	v13 =	vadd.s32 v13, v17;
	v7 =	vshra.s32 v25, $0x1F;
	v22 =	vld [tilespmem:s26+$0x20]  }
0x3ac: {  	v20 =	vadd.s32 $0xFFFFFFFF, v20;
	v13 =	vadd.s32 $0xFFFFFFFF, v13;
	v7 =	vor.u32 $0x80000000, v7;
	v23 =	vld [tilespmem:s26+$0xFFFFFFF0]  }
0x3ad: {  	v24 =	vshra.s32 v18, $0x1F;
	v7 =	vxor.u32 v25, v7;
	v25 =	vshra.s32 v28, $0x1F;
	[tilespmem:v8+s14+$0x0] =	vst.idx.msk vm5, v11  }
0x3ae: {  	v11 =	vor.u32 $0x80000000, v24;
	v8 =	vshrl.u32 v7, $0x14;
	v24 =	vshra.s32 v29, $0x1F  }
0x3af: {  	vm2 =	veq.s32 v8, v6;
	v30 =	vshra.s32 v19, $0x1F;
	v31 =	vld [tilespmem:s26+$0x10];
	v8 =	vor.u32 $0x80000000, v25;
	[tilespmem:v16+s14+$0x0] =	vst.idx.msk vm4, v10  }
0x3b0: {  	v17 =	vadd.s32 v17, v26;
	v10 =	vshra.s32 v22, $0x1F;
	v8 =	vxor.u32 v28, v8;
	[tilespmem:v21+s14+$0x0] =	vst.idx.msk vm1, v9  }
0x3b1: {  	v9 =	vshra.s32 v23, $0x1F;
	v10 =	vor.u32 $0x80000000, v10;
	v16 =	vshrl.u32 v8, $0x14;
	[tilespmem:v20+s14+$0x0] =	vst.idx.msk vm3, v12  }
0x3b2: {  	v12 =	vor.u32 $0x80000000, v9;
	v9 =	vxor.u32 v22, v10;
	vm9 =	veq.s32 v16, v6;
	[tilespmem:v15+s14+$0x0] =	vst.idx.msk vm7, v14  }
0x3b3: {  	v10 =	vxor.u32 v23, v12;
	v12 =	vshrl.u32 v9, $0x14;
	v14 =	vsel vm9, $0x1, v0;
	[tilespmem:v13+s14+$0x0] =	vst.idx.msk vm6, v27  }
0x3b4: {  	v18 =	vxor.u32 v18, v11;
	v13 =	vshra.s32 v31, $0x1F;
	vm1 =	veq.s32 v12, v6;
	(xrf0) =	vadd.scan.msk.s32 $0xffff, v14  }
0x3b5: {  	v20 =	vor.u32 $0x80000000, v30;
	v14 =	vmpcnt.ones.xlane vm2;
	v11 =	vsel vm1, $0x1, v0  }
0x3b6: {  	v15 =	vsel vm2, $0x1, v0;
	v16 =	vor.u32 $0x80000000, v24;
	v12 =	vshrl.u32 v18, $0x14;
	(xrf0) =	vadd.scan.msk.s32 $0xffff, v11  }
0x3b7: {  	vm8 =	veq.s32 v12, v6;
	v12 =	vor.u32 $0x80000000, v13;
	v11 =	vxor.u32 v29, v16;
	(xrf0) =	vadd.scan.msk.s32 $0xffff, v15  }
0x3b8: {  	v22 =	vsel vm8, $0x1, v0;
	v15 =	vmpcnt.ones.xlane vm8;
	v16 =	vshrl.u32 v11, $0x14  }
0x3b9: {  	v12 =	vxor.u32 v31, v12;
	vm5 =	veq.s32 v16, v6;
	v16 =	vshrl.u32 v10, $0x14;
	(xrf0) =	vadd.scan.msk.s32 $0xffff, v22  }
0x3ba: {  	v21 =	vadd.s32 v17, v15;
	vm4 =	veq.s32 v16, v6;
	v16 =	vshrl.u32 v12, $0x14;
	v13, _, _ =	vpop (xrf0)  }
0x3bb: {  	v15 =	vadd.s32 v21, v14;
	v14 =	vmpcnt.ones.xlane vm5;
	vm3 =	veq.s32 v16, v6  }
0x3bc: {  	v22 =	vsel vm4, $0x1, v0;
	v23 =	vsel vm3, $0x1, v0;
	v25 =	vmpcnt.ones.xlane vm3;
	v26, _, _ =	vpop (xrf0)  }
0x3bd: {  	v24 =	vsel vm5, $0x1, v0;
	v16 =	vadd.s32 v15, v14;
	v14 =	vxor.u32 v19, v20;
	v19, _, _ =	vpop (xrf0)  }
0x3be: {  	vm6 =	vmmov vm9;
	v18 =	vand.u32 $0xFFFFF, v18;
	v27 =	vshrl.u32 v14, $0x14;
	(xrf0) =	vadd.scan.msk.s32 $0xffff, v23  }
0x3bf: {  	v21 =	vadd.s32 v19, v21;
	v19 =	vmpcnt.ones.xlane vm4;
	vm7 =	veq.s32 v27, v6;
	v20, _, _ =	vpop (xrf0);
	(xrf0) =	vadd.scan.msk.s32 $0xffff, v24  }
.Ltmp50:
0x3c0: {  	v23 =	vmpcnt.ones.xlane vm7;
	v17 =	vadd.s32 v20, v17;
	v20 =	vsel vm7, $0x1, v0;
	(xrf0) =	vadd.scan.msk.s32 $0xffff, v22;
	(pc) =	sbr.rel @p1 .LBB2_71-.Ltmp50, $4  }
0x3c1: {  	v19 =	vadd.s32 v16, v19;
	v24 =	vadd.s32 $0xFFFFFFFF, v17;
	(xrf0) =	vadd.scan.msk.s32 $0xffff, v20  }
0x3c2: {  	v20 =	vadd.s32 v19, v23;
	v17 =	vmpcnt.ones.xlane vm1  }
0x3c3: {  	v21 =	vadd.s32 $0xFFFFFFFF, v21;
	v25 =	vadd.s32 v20, v25  }
0x3c4: {  	s26 =	sadd.s32 $0x80, s26;
	v22 =	vadd.s32 v26, v25;
	v17 =	vadd.s32 v25, v17;
	v23, _, _ =	vpop (xrf0)  }
0x3c5: {  	v6 =	vmpcnt.ones.xlane vm6  }
0x3c6: {  	v5 =	vxor.u32 $0x80000000, v5  }
0x3c7: {  	v5 =	vnsel vm0, $0xC0000000, v5;
	v6 =	vadd.s32 v17, v6  }
0x3c8: {  	(xrf0) =	vmin.scan.msk.u32 $0xffff, v5;
	v5 =	vxor.u32 $0x80000000, v6  }
0x3c9: {  	(xrf0) =	vmax.scan.msk.u32 $0xffff, v5;
	_ =	sdelay $0x1  }
0x3ca: {  	v5, _, _ =	vpop (xrf0)  }
0x3cb: {  	v6, _, _ =	vpop (xrf0)  }
0x3cc: {  	v25, _, _ =	vpop (xrf0)  }
0x3cd: {  	v26, _, _ =	vpop (xrf0)  }
0x3ce: {  	(v2sf) =	vpush v26, $0xF;
	v60, _, _ =	vpop (xrf0)  }
0x3cf: {  	(v2sf) =	vpush v60, $0xF;
	_ =	sdelay $0xa  }
0x3d0: {  	v5 =	vadd.s32 v5, v15  }
0x3d1: {  	v5 =	vadd.s32 $0xFFFFFFFF, v5;
	v6 =	vadd.s32 v6, v16  }
0x3d2: {  	v6 =	vadd.s32 $0xFFFFFFFF, v6  }
0x3d3: {  	v61 =	vadd.s32 $0xFFFFFFFF, v22;
	v62 =	vadd.s32 v23, v20;
	s3 =	spop (v2sf)  }
0x3d4: {  	[tilespmem:v24+s14+$0x0] =	vst.idx.msk vm8, v18;
	v7 =	vand.u32 $0xFFFFF, v7;
	v16 =	vadd.s32 $0xFFFFFFFF, v62;
	v63 =	vadd.s32 v25, v19;
	s0 =	spop (v2sf)  }
0x3d5: {  	v11 =	vand.u32 $0xFFFFF, v11;
	v13 =	vadd.s32 v13, v17;
	[tilespmem:v21+s14+$0x0] =	vst.idx.msk vm2, v7;
	v7 =	vadd.s32 $0xFFFFFFFF, v63;
	s4 =	sadd.s32 $0x8000000F, s0  }
0x3d6: {  	v10 =	vand.u32 $0xFFFFF, v10;
	v13 =	vadd.s32 $0xFFFFFFFF, v13;
	[tilespmem:v5+s14+$0x0] =	vst.idx.msk vm5, v11;
	p2 =	slt.s32 s4, $0x10  }
.Ltmp51:
0x3d7: {  	v5 =	vand.u32 $0xFFFFF, v9;
	[tilespmem:v6+s14+$0x0] =	vst.idx.msk vm4, v10;
	s6 =	sshra.s32 s4, $0x1F;
	(pc) =	sbr.rel @p2 .LBB2_79-.Ltmp51, $4  }
0x3d8: {  	v6 =	vand.u32 $0xFFFFF, v12;
	[tilespmem:v61+s14+$0x0] =	vst.idx.msk vm1, v5;
	s6 =	sshrl.u32 s6, $0x1C  }
0x3d9: {  	v5 =	vand.u32 $0xFFFFF, v14;
	[tilespmem:v16+s14+$0x0] =	vst.idx.msk vm3, v6;
	s6 =	sadd.s32 s6, s4  }
0x3da: {  	v6 =	vand.u32 $0xFFFFF, v8;
	[tilespmem:v7+s14+$0x0] =	vst.idx.msk vm7, v5;
	s0 =	sxor.u32 $0x80000000, s0;
	s26 =	sshra.s32 s6, $0x4  }
0x3db: {  	[tilespmem:v13+s14+$0x0] =	vst.idx.msk vm6, v6;
	v5 =	vmov s0;
	p1 =	sne.s32 s26, $0x1  }
.Ltmp52:
0x3dc: {  	(pc) =	sbr.rel @!p1 .LBB2_74-.Ltmp52, $3  }
0x3dd: {  	_ =	sdelay $0x1  }
0x3de: {  	s6 =	simm.s32 $0x5500  }
0x3df: {  	s4 =	simm.s32 $0x0;
	p3 =	por $0x0, $0x0;
	v6 =	vld [tilespmem:s6+$0x0];
	s6 =	sadd.s32 $0xFFFFFFFF, s26  }
0x3e0: {  	_ =	sdelay $0x1  }
0x3e1: {  	v7 =	vor.u32 s4, v1  }
0x3e2: {  	vm0 =	vlt.s32 v7, v5  }
0x3e3: {  	v6 =	vshra.s32 v6, $0xC  }
0x3e4: {  	p4 =	sne.s32 s6, $0x1  }
.Ltmp53:
0x3e5: {  	_ = 	snop;
	(pc) =	sbr.rel @!p4 .LBB2_76-.Ltmp53, $3  }
0x3e6: {  	_ =	sdelay $0x1  }
0x3e7: {  	s7 =	simm.s32 $0x5510;
	[tilespmem:v6+s15+$0x0] =	vst.idx.add.s32.msk vm0, v3  }
0x3e8: {  	s8 =	sadd.s32 $0xFFFFFFFF, s6;
	p3 =	por $0x1, $0x1;
	s6 =	simm.s32 $0x0;
	v6 =	vld [tilespmem:s7+$0x0]  }
.LBB2_77:
0x3e9: {  	p4 =	sne.s32 s8, $0x1  }
0x3ea: {  	s6 =	sadd.s32 $0x10, s6  }
0x3eb: {  	v7 =	vor.u32 s6, v1  }
0x3ec: {  	vm0 =	vlt.s32 v7, v5  }
0x3ed: {  	v6 =	vshra.s32 v6, $0xC;
	_ =	sdelay $0x1  }
.Ltmp54:
0x3ee: {  	(pc) =	sbr.rel @p4 .LBB2_77-.Ltmp54, $3  }
0x3ef: {  	_ =	sdelay $0x1  }
0x3f0: {  	s7 =	sadd.s32 $0x10, s7;
	[tilespmem:v6+s15+$0x0] =	vst.idx.add.s32.msk vm0, v3  }
0x3f1: {  	s8 =	sadd.s32 $0xFFFFFFFF, s8;
	v6 =	vld [tilespmem:s7+$0x0]  }
.LBB2_78:
0x3f2: {  	s6 =	sadd.s32 @p3 $0x10, s6  }
0x3f3: {  	s4 =	smov.u32 @p3 s6  }
0x3f4: {  	v7 =	vor.u32 s4, v1  }
0x3f5: {  	vm0 =	vlt.s32 v7, v5  }
0x3f6: {  	v6 =	vshra.s32 v6, $0xC;
	_ =	sdelay $0x4  }
0x3f7: {  	[tilespmem:v6+s15+$0x0] =	vst.idx.add.s32.msk vm0, v3  }
.LBB2_79:
0x3f8: {  	s4 =	simm.s32 $0x5400  }
0x3f9: {  	v6 =	vld [tilespmem:s4+$0x0];
	_ =	sdelay $0x4  }
0x3fa: {  	(xrf0) =	vadd.scan.msk.s32 $0xffff, v6;
	_ =	sdelay $0x5  }
0x3fb: {  	v7, _, _ =	vpop (xrf0)  }
0x3fc: {  	s21 =	simm.s32 $0x5410;
	(v2sf) =	vpush v7, $0xF  }
0x3fd: {  	v6 =	vld [tilespmem:s21+$0x0]  }
0x3fe: {  	s22 =	simm.s32 $0x5420  }
0x3ff: {  	v8 =	vld [tilespmem:s22+$0x0];
	_ =	sdelay $0x2  }
0x400: {  	(xrf0) =	vadd.scan.msk.s32 $0xffff, v6;
	_ =	sdelay $0x1  }
0x401: {  	(xrf0) =	vadd.scan.msk.s32 $0xffff, v8;
	_ =	sdelay $0x3  }
0x402: {  	s29 =	simm.s32 $0x5430;
	v8, _, _ =	vpop (xrf0)  }
0x403: {  	v9 =	vld [tilespmem:s29+$0x0];
	(v2sf) =	vpush v8, $0xF  }
0x404: {  	v11, _, _ =	vpop (xrf0)  }
0x405: {  	s4 =	sadd.s32 $0x7FFFF199, s3;
	s31 =	spop (v2sf);
	(v2sf) =	vpush v11, $0xF  }
0x406: {  	s28 =	simm.s32 $0x0;
	s3 =	ssub.s32 s0, s4  }
0x407: {  	s30 =	simm.s32 $0x5440;
	v6 =	vmov s3;
	v7 =	vadd.s32 s28, v7  }
0x408: {  	(xrf0) =	vadd.scan.msk.s32 $0xffff, v9;
	v9 =	vld [tilespmem:s30+$0x0];
	vm0 =	vgt.s32 v7, v6  }
0x409: {  	v12 =	vmpcnt.ones.xlane vm0  }
0x40a: {  	v10 =	vimm.s32 $0x0  }
0x40b: {  	vm0 =	veq.s32 v10, $0x0;
	vm1 =	vgt.s32 v12, $0x0  }
0x40c: {  	s6 =	simm.s32 $0x1;
	vm0 =	vmand vm0, vm1  }
0x40d: {  	s20 =	simm.s32 $0x2;
	s7 =	simm.s32 $0x3;
	v12 =	vsel vm1, $0x1, v0;
	(xrf0) =	vadd.scan.msk.s32 $0xffff, v9;
	v9 =	vsel vm0, v7, v10;
	s21 =	sadd.s32 $0x0, s31  }
0x40e: {  	s8 =	simm.s32 $0x5450;
	s22 =	simm.s32 $0x5;
	s3 =	simm.s32 $0x4;
	vm1 =	vgt.s32 v10, v12;
	v7 =	vimm.s32 $0x0;
	v13, _, _ =	vpop (xrf0);
	v8 =	vadd.s32 s21, v8  }
.LBB2_80:
0x40f: {  	v14 =	vld [tilespmem:s8+$0x0];
	(v2sf) =	vpush v13, $0xF;
	vm2 =	vgt.s32 v8, v6;
	v10 =	vsel vm1, v10, v12;
	v15 =	vmovc v11;
	v11 =	vmovc v13;
	s12 =	smov.u32 s22;
	p3 =	sne.s32 s22, $0xF  }
.Ltmp55:
0x410: {  	v7 =	vsel vm0, s28, v7;
	s28 =	smov.u32 s6;
	s6 =	smov.u32 s20;
	v12 =	vmpcnt.ones.xlane vm2;
	vm1 =	veq.s32 v10, $0x0;
	(pc) =	sbr.rel @p3 .LBB2_80-.Ltmp55, $4  }
0x411: {  	s22 =	sadd.s32 $0x1, s22;
	s20 =	smov.u32 s7  }
0x412: {  	s7 =	smov.u32 s3;
	s3 =	smov.u32 s12;
	vm0 =	vgt.s32 v12, $0x0;
	s17 =	spop (v2sf)  }
0x413: {  	v12 =	vsel vm0, $0x1, v0;
	vm0 =	vmand vm1, vm0;
	s21 =	sadd.s32 s21, s17  }
0x414: {  	s8 =	sadd.s32 $0x10, s8;
	(xrf0) =	vadd.scan.msk.s32 $0xffff, v14;
	v13, _, _ =	vpop (xrf0);
	v9 =	vsel vm0, v8, v9;
	v8 =	vadd.s32 s21, v15;
	vm1 =	vgt.s32 v10, v12  }
0x415: {  	(v2sf) =	vpush v13, $0xF;
	_ =	sdelay $0x8  }
0x416: {  	vm2 =	vgt.s32 v8, v6;
	s8 =	spop (v2sf)  }
0x417: {  	v14 =	vmpcnt.ones.xlane vm2;
	s8 =	sadd.s32 s21, s8  }
0x418: {  	v10 =	vsel vm1, v10, v12;
	v7 =	vsel vm0, s28, v7;
	v11 =	vadd.s32 s8, v11;
	s12 =	spop (v2sf)  }
0x419: {  	vm11 =	veq.s32 v10, $0x0;
	vm10 =	vgt.s32 v14, $0x0;
	vm3 =	vgt.s32 v11, v6;
	s8 =	sadd.s32 s8, s12  }
0x41a: {  	v54 =	vsel vm10, $0x1, v0;
	v55 =	vmpcnt.ones.xlane vm3;
	v56 =	vadd.s32 s8, v13  }
0x41b: {  	vm1 =	vmand vm11, vm10;
	vm4 =	vgt.s32 v10, v54;
	vm12 =	vgt.s32 v56, v6  }
0x41c: {  	v10 =	vsel vm4, v10, v54;
	vm14 =	vgt.s32 v55, $0x0;
	v57 =	vmpcnt.ones.xlane vm12;
	s22 =	spop (v2sf)  }
0x41d: {  	v58, _, _ =	vpop (xrf0);
	v59 =	vsel vm1, v8, v9;
	vm13 =	veq.s32 v10, $0x0;
	v60 =	vsel vm14, $0x1, v0;
	s8 =	sadd.s32 s8, s22  }
0x41e: {  	vm8 =	vgt.s32 v10, v60;
	vm9 =	vgt.s32 v57, $0x0;
	v61 =	vadd.s32 s8, v58  }
0x41f: {  	v9 =	vsel vm8, v10, v60;
	v62 =	vsel vm9, $0x1, v0;
	vm10 =	vgt.s32 v61, v6  }
0x420: {  	vm15 =	vmand vm13, vm14;
	vm11 =	vgt.s32 v9, v62;
	v63 =	vmpcnt.ones.xlane vm10  }
0x421: {  	v8 =	vsel vm15, v11, v59;
	vm12 =	veq.s32 v9, $0x0;
	v10 =	vsel vm11, v9, v62  }
0x422: {  	vm0 =	vmand vm12, vm9;
	vm3 =	veq.s32 v10, $0x0;
	vm13 =	vgt.s32 v63, $0x0  }
0x423: {  	v7 =	vsel vm1, s6, v7;
	v8 =	vsel vm0, v56, v8;
	vm14 =	vmand vm3, vm13  }
0x424: {  	v7 =	vsel vm15, s20, v7;
	v8 =	vsel vm14, v61, v8  }
0x425: {  	v7 =	vsel vm0, s7, v7;
	vm15 =	vgt.s32 v8, v6  }
0x426: {  	v6 =	vsel vm14, s3, v7;
	v7 =	vsel vm15, $0x1, v0  }
0x427: {  	v6 =	vxor.u32 $0x80000000, v6;
	(xrf0) =	vadd.scan.msk.s32 $0xffff, v7;
	v7 =	vxor.u32 $0x80000000, v8  }
0x428: {  	(xrf0) =	vmax.scan.msk.u32 $0xffff, v6;
	v6 =	vnsel vm15, $0xC0000000, v7  }
0x429: {  	(xrf0) =	vmin.scan.msk.u32 $0xffff, v6;
	_ =	sdelay $0x3  }
0x42a: {  	(v2sf) =	vpush v58, $0xF;
	v6, _, _ =	vpop (xrf0)  }
0x42b: {  	v7, _, _ =	vpop (xrf0);
	(v2sf) =	vpush v6, $0xF  }
0x42c: {  	(v2sf) =	vpush v7, $0xF;
	v6, _, _ =	vpop (xrf0)  }
0x42d: {  	(v2sf) =	vpush v6, $0xF;
	_ =	sdelay $0xb  }
0x42e: {  	s29 =	spop (v2sf)  }
0x42f: {  	s3 =	spop (v2sf)  }
.Ltmp56:
0x430: {  	s30 =	spop (v2sf);
	(pc) =	sbr.rel @p2 .LBB2_114-.Ltmp56, $4  }
0x431: {  	s31 =	spop (v2sf)  }
0x432: {  	s6 =	sshll.u32 s30, $0x4;
	s7 =	sxor.u32 $0x80000000, s31  }
0x433: {  	s3 =	ssub.s32 s6, s3;
	s0 =	ssub.s32 s7, s0  }
0x434: {  	s28 =	sadd.s32 $0x10, s3;
	s0 =	sadd.s32 s4, s0  }
.Ltmp57:
0x435: {  	(pc) =	sbr.rel @!p1 .LBB2_83-.Ltmp57, $3  }
0x436: {  	_ =	sdelay $0x1  }
0x437: {  	s4 =	simm.s32 $0x5500  }
0x438: {  	v6 =	vmov s28;
	v10 =	vimm.s32 $0x0;
	s3 =	simm.s32 $0x0;
	p2 =	por $0x0, $0x0;
	v7 =	vld [tilespmem:s4+$0x0];
	s4 =	sadd.s32 $0xFFFFFFFF, s26  }
0x439: {  	_ =	sdelay $0x3  }
0x43a: {  	v8 =	vor.u32 s3, v1;
	v9 =	vshra.s32 v7, $0xC  }
0x43b: {  	vm0 =	vlt.s32 v8, v5;
	vm1 =	veq.s32 v9, v6  }
0x43c: {  	vm0 =	vmand vm0, vm1  }
0x43d: {  	v8 =	vsel vm0, $0x1, v0  }
0x43e: {  	(xrf0) =	vadd.scan.msk.s32 $0xffff, v8;
	_ =	sdelay $0x5  }
0x43f: {  	v8, _, _ =	vpop (xrf0)  }
0x440: {  	v8 =	vadd.s32 v8, v10  }
0x441: {  	v8 =	vadd.s32 $0xFFFFFFFF, v8  }
0x442: {  	p3 =	sne.s32 s4, $0x1  }
.Ltmp58:
0x443: {  	_ = 	snop;
	(pc) =	sbr.rel @!p3 .LBB2_85-.Ltmp58, $4  }
0x444: {  	v9 =	vmpcnt.ones.xlane vm0  }
0x445: {  	v7 =	vand.u32 $0xFFF, v7  }
0x446: {  	s7 =	simm.s32 $0x5510;
	v9 =	vadd.s32 v10, v9;
	[tilespmem:v8+s16+$0x0] =	vst.idx.msk vm0, v7  }
0x447: {  	s20 =	sadd.s32 $0xFFFFFFFF, s4;
	p2 =	por $0x1, $0x1;
	s6 =	simm.s32 $0x0;
	v8 =	vmov v9;
	v7 =	vld [tilespmem:s7+$0x0]  }
.LBB2_86:
0x448: {  	p3 =	sne.s32 s20, $0x1;
	_ =	sdelay $0x2  }
0x449: {  	s6 =	sadd.s32 $0x10, s6  }
0x44a: {  	v10 =	vor.u32 s6, v1;
	v11 =	vshra.s32 v7, $0xC  }
0x44b: {  	vm0 =	vlt.s32 v10, v5;
	vm1 =	veq.s32 v11, v6  }
0x44c: {  	vm0 =	vmand vm0, vm1  }
0x44d: {  	v10 =	vsel vm0, $0x1, v0;
	v11 =	vmpcnt.ones.xlane vm0  }
0x44e: {  	(xrf0) =	vadd.scan.msk.s32 $0xffff, v10  }
0x44f: {  	v9 =	vadd.s32 v9, v11;
	_ =	sdelay $0x4  }
0x450: {  	v10, _, _ =	vpop (xrf0)  }
0x451: {  	v10 =	vadd.s32 v10, v8;
	v8 =	vmov v9  }
0x452: {  	v10 =	vadd.s32 $0xFFFFFFFF, v10;
	_ =	sdelay $0x1  }
.Ltmp59:
0x453: {  	(pc) =	sbr.rel @p3 .LBB2_86-.Ltmp59, $4  }
0x454: {  	_ = 	snop  }
0x455: {  	v7 =	vand.u32 $0xFFF, v7  }
0x456: {  	s7 =	sadd.s32 $0x10, s7;
	[tilespmem:v10+s16+$0x0] =	vst.idx.msk vm0, v7  }
0x457: {  	s20 =	sadd.s32 $0xFFFFFFFF, s20;
	v7 =	vld [tilespmem:s7+$0x0]  }
0x458: {  	v10 =	vmov v9  }
.LBB2_88:
0x459: {  	_ = 	snop  }
0x45a: {  	s6 =	sadd.s32 @p2 $0x10, s6  }
0x45b: {  	s3 =	smov.u32 @p2 s6  }
0x45c: {  	v9 =	vor.u32 s3, v1;
	v11 =	vshra.s32 v7, $0xC  }
0x45d: {  	vm0 =	vlt.s32 v9, v5;
	vm1 =	veq.s32 v11, v6  }
0x45e: {  	vm0 =	vmand vm0, vm1  }
0x45f: {  	v60 =	vmpcnt.ones.xlane vm0;
	_ =	sdelay $0x1  }
0x460: {  	v61 =	vsel vm0, $0x1, v0;
	v9 =	vadd.s32 v10, v60  }
0x461: {  	(xrf0) =	vadd.scan.msk.s32 $0xffff, v61;
	v9 =	vxor.u32 $0x80000000, v9  }
0x462: {  	(xrf0) =	vmax.scan.msk.u32 $0xffff, v9;
	_ =	sdelay $0x4  }
0x463: {  	v62, _, _ =	vpop (xrf0)  }
0x464: {  	v63, _, _ =	vpop (xrf0)  }
0x465: {  	(v2sf) =	vpush v63, $0xF;
	_ =	sdelay $0xe  }
0x466: {  	v8 =	vadd.s32 v62, v8;
	s31 =	spop (v2sf)  }
0x467: {  	v8 =	vadd.s32 $0xFFFFFFFF, v8;
	p2 =	slt.u32 s31, $0x80000011  }
.Ltmp60:
0x468: {  	_ = 	snop;
	(pc) =	sbr.rel @p2 .LBB2_115-.Ltmp60, $3  }
0x469: {  	_ =	sdelay $0x1  }
0x46a: {  	v7 =	vand.u32 $0xFFF, v7  }
0x46b: {  	[tilespmem:v8+s16+$0x0] =	vst.idx.msk vm0, v7  }
0x46c: {  	s6 =	simm.s32 $0x5500  }
0x46d: {  	v8 =	vld [tilespmem:s6+$0x0]  }
.Ltmp61:
0x46e: {  	_ = 	snop;
	(pc) =	sbr.rel @!p1 .LBB2_91-.Ltmp61, $3  }
0x46f: {  	_ =	sdelay $0x1  }
0x470: {  	s3 =	simm.s32 $0x0  }
0x471: {  	v7 =	vimm.s32 $0x0;
	v9 =	vor.u32 s3, v1;
	s6 =	simm.s32 $0x5510;
	v10 =	vshra.s32 v8, $0xC  }
.LBB2_90:
0x472: {  	p2 =	sne.s32 s4, $0x1;
	s4 =	sadd.s32 $0xFFFFFFFF, s4;
	vm0 =	vlt.s32 v9, v5;
	vm1 =	veq.s32 v10, v6;
	v9 =	vand.u32 $0x800, v8;
	v8 =	vld [tilespmem:s6+$0x0]  }
.Ltmp62:
0x473: {  	vm0 =	vmand vm0, vm1;
	vm1 =	vne.s32 v9, $0x0;
	(pc) =	sbr.rel @p2 .LBB2_90-.Ltmp62, $4  }
0x474: {  	vm0 =	vmand vm1, vm0  }
0x475: {  	v9 =	vsel vm0, $0x1, v0  }
0x476: {  	s3 =	sadd.s32 $0x10, s3;
	v7 =	vadd.s32 v9, v7  }
0x477: {  	s6 =	sadd.s32 $0x10, s6;
	v9 =	vor.u32 s3, v1;
	v10 =	vshra.s32 v8, $0xC  }
.LBB2_91:
0x478: {  	vm0 =	vlt.s32 v9, v5;
	vm1 =	veq.s32 v10, v6;
	v8 =	vand.u32 $0x800, v8  }
0x479: {  	vm0 =	vmand vm0, vm1;
	vm15 =	vne.s32 v8, $0x0  }
0x47a: {  	vm0 =	vmand vm15, vm0  }
0x47b: {  	v8 =	vsel vm0, $0x1, v0  }
0x47c: {  	v7 =	vadd.s32 v8, v7  }
0x47d: {  	(xrf0) =	vadd.scan.msk.s32 $0xffff, v7;
	_ =	sdelay $0x5  }
0x47e: {  	v7, _, _ =	vpop (xrf0)  }
0x47f: {  	(v2sf) =	vpush v7, $0xF;
	_ =	sdelay $0xc  }
0x480: {  	s3 =	simm.s32 $0x5500  }
0x481: {  	v9 =	vld [tilespmem:s3+$0x0]  }
.Ltmp63:
0x482: {  	s4 =	spop (v2sf);
	(pc) =	sbr.rel @!p1 .LBB2_93-.Ltmp63, $4  }
0x483: {  	s7 =	simm.s32 $0x0;
	p2 =	slt.s32 s4, s0  }
0x484: {  	s6 =	simm.s32 $0x0;
	s7 =	simm.s32 @!p2 $0x800  }
0x485: {  	v11 =	vimm.s32 $0x0;
	v8 =	vor.u32 s6, v1;
	s4 =	sor.u32 $0x400, s7  }
0x486: {  	s8 =	sadd.s32 $0xFFFFFFFF, s26;
	s20 =	simm.s32 $0x5510;
	s21 =	simm.s32 $0x0;
	v13 =	vmovc v8;
	v12 =	vshra.s32 v9, $0xC;
	v7 =	vimm.s32 $0x0;
	v10 =	vmov s4  }
.LBB2_92:
0x487: {  	p2 =	sne.s32 s8, $0x1;
	s8 =	sadd.s32 $0xFFFFFFFF, s8;
	vm0 =	vlt.s32 v13, v5;
	vm1 =	veq.s32 v12, v6;
	v12 =	vand.u32 $0xFFF, v9;
	v9 =	vld [tilespmem:s20+$0x0]  }
.Ltmp64:
0x488: {  	vm0 =	vmand vm0, vm1;
	vm1 =	vge.u32 v12, v10;
	(pc) =	sbr.rel @p2 .LBB2_92-.Ltmp64, $4  }
0x489: {  	vm0 =	vmand vm1, vm0  }
0x48a: {  	v12 =	vsel vm0, $0x1, v0  }
0x48b: {  	s21 =	sadd.s32 $0x10, s21;
	v11 =	vadd.s32 v12, v11  }
0x48c: {  	s20 =	sadd.s32 $0x10, s20;
	v13 =	vor.u32 s21, v1;
	v12 =	vshra.s32 v9, $0xC  }
.LBB2_93:
0x48d: {  	vm0 =	vlt.s32 v13, v5;
	vm1 =	veq.s32 v12, v6;
	v9 =	vand.u32 $0xFFF, v9  }
0x48e: {  	vm0 =	vmand vm0, vm1;
	vm15 =	vge.u32 v9, v10  }
0x48f: {  	vm0 =	vmand vm15, vm0  }
0x490: {  	v9 =	vsel vm0, $0x1, v0  }
0x491: {  	v9 =	vadd.s32 v9, v11  }
0x492: {  	(xrf0) =	vadd.scan.msk.s32 $0xffff, v9;
	_ =	sdelay $0x5  }
0x493: {  	v9, _, _ =	vpop (xrf0)  }
0x494: {  	(v2sf) =	vpush v9, $0xF;
	_ =	sdelay $0xd  }
0x495: {  	v9 =	vld [tilespmem:s3+$0x0]  }
.Ltmp65:
0x496: {  	s31 =	spop (v2sf);
	(pc) =	sbr.rel @!p1 .LBB2_95-.Ltmp65, $4  }
0x497: {  	p2 =	slt.s32 s31, s0  }
0x498: {  	s4 =	smov.u32 @p2 s7  }
0x499: {  	s3 =	sor.u32 $0x200, s4  }
0x49a: {  	s8 =	simm.s32 $0x5510;
	v11 =	vshra.s32 v9, $0xC;
	s7 =	sadd.s32 $0xFFFFFFFF, s26;
	v10 =	vmov s3  }
.LBB2_94:
0x49b: {  	p2 =	sne.s32 s7, $0x1;
	s7 =	sadd.s32 $0xFFFFFFFF, s7;
	vm0 =	vlt.s32 v8, v5;
	vm1 =	veq.s32 v11, v6;
	v8 =	vand.u32 $0xFFF, v9;
	v9 =	vld [tilespmem:s8+$0x0]  }
.Ltmp66:
0x49c: {  	vm0 =	vmand vm0, vm1;
	vm1 =	vge.u32 v8, v10;
	(pc) =	sbr.rel @p2 .LBB2_94-.Ltmp66, $4  }
0x49d: {  	vm0 =	vmand vm1, vm0  }
0x49e: {  	v8 =	vsel vm0, $0x1, v0  }
0x49f: {  	s6 =	sadd.s32 $0x10, s6;
	v7 =	vadd.s32 v8, v7  }
0x4a0: {  	s8 =	sadd.s32 $0x10, s8;
	v8 =	vor.u32 s6, v1;
	v11 =	vshra.s32 v9, $0xC  }
.LBB2_95:
0x4a1: {  	vm0 =	vlt.s32 v8, v5;
	vm1 =	veq.s32 v11, v6;
	v8 =	vand.u32 $0xFFF, v9  }
0x4a2: {  	vm0 =	vmand vm0, vm1;
	vm15 =	vge.u32 v8, v10  }
0x4a3: {  	vm0 =	vmand vm15, vm0  }
0x4a4: {  	v8 =	vsel vm0, $0x1, v0  }
0x4a5: {  	v7 =	vadd.s32 v8, v7  }
0x4a6: {  	(xrf0) =	vadd.scan.msk.s32 $0xffff, v7;
	_ =	sdelay $0x5  }
0x4a7: {  	v7, _, _ =	vpop (xrf0)  }
0x4a8: {  	(v2sf) =	vpush v7, $0xF;
	_ =	sdelay $0xc  }
0x4a9: {  	s7 =	simm.s32 $0x5500  }
0x4aa: {  	v9 =	vld [tilespmem:s7+$0x0]  }
.Ltmp67:
0x4ab: {  	s6 =	spop (v2sf);
	(pc) =	sbr.rel @!p1 .LBB2_97-.Ltmp67, $4  }
0x4ac: {  	p2 =	slt.s32 s6, s0  }
0x4ad: {  	s6 =	simm.s32 $0x0;
	s3 =	smov.u32 @p2 s4  }
0x4ae: {  	v11 =	vimm.s32 $0x0;
	v8 =	vor.u32 s6, v1;
	s4 =	sor.u32 $0x100, s3  }
0x4af: {  	s8 =	sadd.s32 $0xFFFFFFFF, s26;
	s20 =	simm.s32 $0x5510;
	s21 =	simm.s32 $0x0;
	v12 =	vshra.s32 v9, $0xC;
	v7 =	vimm.s32 $0x0;
	v13 =	vmovc v8;
	v10 =	vmov s4  }
.LBB2_96:
0x4b0: {  	p2 =	sne.s32 s8, $0x1;
	s8 =	sadd.s32 $0xFFFFFFFF, s8;
	vm0 =	vlt.s32 v13, v5;
	vm1 =	veq.s32 v12, v6;
	v12 =	vand.u32 $0xFFF, v9;
	v9 =	vld [tilespmem:s20+$0x0]  }
.Ltmp68:
0x4b1: {  	vm0 =	vmand vm0, vm1;
	vm1 =	vge.s32 v12, v10;
	(pc) =	sbr.rel @p2 .LBB2_96-.Ltmp68, $4  }
0x4b2: {  	vm0 =	vmand vm1, vm0  }
0x4b3: {  	v12 =	vsel vm0, $0x1, v0  }
0x4b4: {  	s21 =	sadd.s32 $0x10, s21;
	v11 =	vadd.s32 v12, v11  }
0x4b5: {  	s20 =	sadd.s32 $0x10, s20;
	v13 =	vor.u32 s21, v1;
	v12 =	vshra.s32 v9, $0xC  }
.LBB2_97:
0x4b6: {  	vm0 =	vlt.s32 v13, v5;
	vm1 =	veq.s32 v12, v6;
	v9 =	vand.u32 $0xFFF, v9  }
0x4b7: {  	vm0 =	vmand vm0, vm1;
	vm15 =	vge.s32 v9, v10  }
0x4b8: {  	vm0 =	vmand vm15, vm0  }
0x4b9: {  	v9 =	vsel vm0, $0x1, v0  }
0x4ba: {  	v9 =	vadd.s32 v9, v11  }
0x4bb: {  	(xrf0) =	vadd.scan.msk.s32 $0xffff, v9;
	_ =	sdelay $0x5  }
0x4bc: {  	v9, _, _ =	vpop (xrf0)  }
0x4bd: {  	(v2sf) =	vpush v9, $0xF;
	_ =	sdelay $0xd  }
0x4be: {  	v9 =	vld [tilespmem:s7+$0x0]  }
.Ltmp69:
0x4bf: {  	s31 =	spop (v2sf);
	(pc) =	sbr.rel @!p1 .LBB2_99-.Ltmp69, $4  }
0x4c0: {  	p2 =	slt.s32 s31, s0  }
0x4c1: {  	s4 =	smov.u32 @p2 s3  }
0x4c2: {  	s3 =	sor.u32 $0x80, s4  }
0x4c3: {  	s8 =	simm.s32 $0x5510;
	s7 =	sadd.s32 $0xFFFFFFFF, s26;
	v11 =	vshra.s32 v9, $0xC;
	v10 =	vmov s3  }
.LBB2_98:
0x4c4: {  	p2 =	sne.s32 s7, $0x1;
	s7 =	sadd.s32 $0xFFFFFFFF, s7;
	vm0 =	vlt.s32 v8, v5;
	vm1 =	veq.s32 v11, v6;
	v8 =	vand.u32 $0xFFF, v9;
	v9 =	vld [tilespmem:s8+$0x0]  }
.Ltmp70:
0x4c5: {  	vm0 =	vmand vm0, vm1;
	vm1 =	vge.s32 v8, v10;
	(pc) =	sbr.rel @p2 .LBB2_98-.Ltmp70, $4  }
0x4c6: {  	vm0 =	vmand vm1, vm0  }
0x4c7: {  	v8 =	vsel vm0, $0x1, v0  }
0x4c8: {  	s6 =	sadd.s32 $0x10, s6;
	v7 =	vadd.s32 v8, v7  }
0x4c9: {  	s8 =	sadd.s32 $0x10, s8;
	v8 =	vor.u32 s6, v1;
	v11 =	vshra.s32 v9, $0xC  }
.LBB2_99:
0x4ca: {  	vm0 =	vlt.s32 v8, v5;
	vm1 =	veq.s32 v11, v6;
	v8 =	vand.u32 $0xFFF, v9  }
0x4cb: {  	vm0 =	vmand vm0, vm1;
	vm15 =	vge.s32 v8, v10  }
0x4cc: {  	vm0 =	vmand vm15, vm0  }
0x4cd: {  	v8 =	vsel vm0, $0x1, v0  }
0x4ce: {  	v7 =	vadd.s32 v8, v7  }
0x4cf: {  	(xrf0) =	vadd.scan.msk.s32 $0xffff, v7;
	_ =	sdelay $0x5  }
0x4d0: {  	v7, _, _ =	vpop (xrf0)  }
0x4d1: {  	(v2sf) =	vpush v7, $0xF;
	_ =	sdelay $0xc  }
0x4d2: {  	s7 =	simm.s32 $0x5500  }
0x4d3: {  	v9 =	vld [tilespmem:s7+$0x0]  }
.Ltmp71:
0x4d4: {  	s6 =	spop (v2sf);
	(pc) =	sbr.rel @!p1 .LBB2_101-.Ltmp71, $4  }
0x4d5: {  	p2 =	slt.s32 s6, s0  }
0x4d6: {  	s6 =	simm.s32 $0x0;
	s3 =	smov.u32 @p2 s4  }
0x4d7: {  	v11 =	vimm.s32 $0x0;
	v8 =	vor.u32 s6, v1;
	s4 =	sor.u32 $0x40, s3  }
0x4d8: {  	s8 =	sadd.s32 $0xFFFFFFFF, s26;
	s20 =	simm.s32 $0x5510;
	s21 =	simm.s32 $0x0;
	v12 =	vshra.s32 v9, $0xC;
	v7 =	vimm.s32 $0x0;
	v13 =	vmovc v8;
	v10 =	vmov s4  }
.LBB2_100:
0x4d9: {  	p2 =	sne.s32 s8, $0x1;
	s8 =	sadd.s32 $0xFFFFFFFF, s8;
	vm0 =	vlt.s32 v13, v5;
	vm1 =	veq.s32 v12, v6;
	v12 =	vand.u32 $0xFFF, v9;
	v9 =	vld [tilespmem:s20+$0x0]  }
.Ltmp72:
0x4da: {  	vm0 =	vmand vm0, vm1;
	vm1 =	vge.s32 v12, v10;
	(pc) =	sbr.rel @p2 .LBB2_100-.Ltmp72, $4  }
0x4db: {  	vm0 =	vmand vm1, vm0  }
0x4dc: {  	v12 =	vsel vm0, $0x1, v0  }
0x4dd: {  	s21 =	sadd.s32 $0x10, s21;
	v11 =	vadd.s32 v12, v11  }
0x4de: {  	s20 =	sadd.s32 $0x10, s20;
	v13 =	vor.u32 s21, v1;
	v12 =	vshra.s32 v9, $0xC  }
.LBB2_101:
0x4df: {  	vm0 =	vlt.s32 v13, v5;
	vm1 =	veq.s32 v12, v6;
	v9 =	vand.u32 $0xFFF, v9  }
0x4e0: {  	vm0 =	vmand vm0, vm1;
	vm15 =	vge.s32 v9, v10  }
0x4e1: {  	vm0 =	vmand vm15, vm0  }
0x4e2: {  	v9 =	vsel vm0, $0x1, v0  }
0x4e3: {  	v9 =	vadd.s32 v9, v11  }
0x4e4: {  	(xrf0) =	vadd.scan.msk.s32 $0xffff, v9;
	_ =	sdelay $0x5  }
0x4e5: {  	v9, _, _ =	vpop (xrf0)  }
0x4e6: {  	(v2sf) =	vpush v9, $0xF;
	_ =	sdelay $0xd  }
0x4e7: {  	v9 =	vld [tilespmem:s7+$0x0]  }
.Ltmp73:
0x4e8: {  	s31 =	spop (v2sf);
	(pc) =	sbr.rel @!p1 .LBB2_103-.Ltmp73, $4  }
0x4e9: {  	p2 =	slt.s32 s31, s0  }
0x4ea: {  	s4 =	smov.u32 @p2 s3  }
0x4eb: {  	s3 =	sor.u32 $0x20, s4  }
0x4ec: {  	s8 =	simm.s32 $0x5510;
	s7 =	sadd.s32 $0xFFFFFFFF, s26;
	v11 =	vshra.s32 v9, $0xC;
	v10 =	vmov s3  }
.LBB2_102:
0x4ed: {  	p2 =	sne.s32 s7, $0x1;
	s7 =	sadd.s32 $0xFFFFFFFF, s7;
	vm0 =	vlt.s32 v8, v5;
	vm1 =	veq.s32 v11, v6;
	v8 =	vand.u32 $0xFFF, v9;
	v9 =	vld [tilespmem:s8+$0x0]  }
.Ltmp74:
0x4ee: {  	vm0 =	vmand vm0, vm1;
	vm1 =	vge.s32 v8, v10;
	(pc) =	sbr.rel @p2 .LBB2_102-.Ltmp74, $4  }
0x4ef: {  	vm0 =	vmand vm1, vm0  }
0x4f0: {  	v8 =	vsel vm0, $0x1, v0  }
0x4f1: {  	s6 =	sadd.s32 $0x10, s6;
	v7 =	vadd.s32 v8, v7  }
0x4f2: {  	s8 =	sadd.s32 $0x10, s8;
	v8 =	vor.u32 s6, v1;
	v11 =	vshra.s32 v9, $0xC  }
.LBB2_103:
0x4f3: {  	vm0 =	vlt.s32 v8, v5;
	vm1 =	veq.s32 v11, v6;
	v8 =	vand.u32 $0xFFF, v9  }
0x4f4: {  	vm0 =	vmand vm0, vm1;
	vm15 =	vge.s32 v8, v10  }
0x4f5: {  	vm0 =	vmand vm15, vm0  }
0x4f6: {  	v8 =	vsel vm0, $0x1, v0  }
0x4f7: {  	v7 =	vadd.s32 v8, v7  }
0x4f8: {  	(xrf0) =	vadd.scan.msk.s32 $0xffff, v7;
	_ =	sdelay $0x5  }
0x4f9: {  	v7, _, _ =	vpop (xrf0)  }
0x4fa: {  	(v2sf) =	vpush v7, $0xF;
	_ =	sdelay $0xc  }
0x4fb: {  	s6 =	simm.s32 $0x5500  }
0x4fc: {  	v9 =	vld [tilespmem:s6+$0x0]  }
.Ltmp75:
0x4fd: {  	s7 =	spop (v2sf);
	(pc) =	sbr.rel @!p1 .LBB2_105-.Ltmp75, $4  }
0x4fe: {  	p2 =	slt.s32 s7, s0  }
0x4ff: {  	s7 =	simm.s32 $0x0;
	s3 =	smov.u32 @p2 s4  }
0x500: {  	v11 =	vimm.s32 $0x0;
	v8 =	vor.u32 s7, v1;
	s4 =	sor.u32 $0x10, s3  }
0x501: {  	s8 =	sadd.s32 $0xFFFFFFFF, s26;
	s20 =	simm.s32 $0x5510;
	s21 =	simm.s32 $0x0;
	v12 =	vshra.s32 v9, $0xC;
	v7 =	vimm.s32 $0x0;
	v13 =	vmovc v8;
	v10 =	vmov s4  }
.LBB2_104:
0x502: {  	p2 =	sne.s32 s8, $0x1;
	s8 =	sadd.s32 $0xFFFFFFFF, s8;
	vm0 =	vlt.s32 v13, v5;
	vm1 =	veq.s32 v12, v6;
	v12 =	vand.u32 $0xFFF, v9;
	v9 =	vld [tilespmem:s20+$0x0]  }
.Ltmp76:
0x503: {  	vm0 =	vmand vm0, vm1;
	vm1 =	vge.s32 v12, v10;
	(pc) =	sbr.rel @p2 .LBB2_104-.Ltmp76, $4  }
0x504: {  	vm0 =	vmand vm1, vm0  }
0x505: {  	v12 =	vsel vm0, $0x1, v0  }
0x506: {  	s21 =	sadd.s32 $0x10, s21;
	v11 =	vadd.s32 v12, v11  }
0x507: {  	s20 =	sadd.s32 $0x10, s20;
	v13 =	vor.u32 s21, v1;
	v12 =	vshra.s32 v9, $0xC  }
.LBB2_105:
0x508: {  	vm0 =	vlt.s32 v13, v5;
	vm1 =	veq.s32 v12, v6;
	v9 =	vand.u32 $0xFFF, v9  }
0x509: {  	vm0 =	vmand vm0, vm1;
	vm15 =	vge.s32 v9, v10  }
0x50a: {  	vm0 =	vmand vm15, vm0  }
0x50b: {  	v9 =	vsel vm0, $0x1, v0  }
0x50c: {  	v9 =	vadd.s32 v9, v11  }
0x50d: {  	(xrf0) =	vadd.scan.msk.s32 $0xffff, v9;
	_ =	sdelay $0x5  }
0x50e: {  	v9, _, _ =	vpop (xrf0)  }
0x50f: {  	(v2sf) =	vpush v9, $0xF;
	_ =	sdelay $0xd  }
0x510: {  	v9 =	vld [tilespmem:s6+$0x0]  }
.Ltmp77:
0x511: {  	s31 =	spop (v2sf);
	(pc) =	sbr.rel @!p1 .LBB2_107-.Ltmp77, $4  }
0x512: {  	p2 =	slt.s32 s31, s0  }
0x513: {  	s4 =	smov.u32 @p2 s3  }
0x514: {  	s6 =	sor.u32 $0x8, s4  }
0x515: {  	s8 =	simm.s32 $0x5510;
	v11 =	vshra.s32 v9, $0xC;
	s3 =	sadd.s32 $0xFFFFFFFF, s26;
	v10 =	vmov s6  }
.LBB2_106:
0x516: {  	p2 =	sne.s32 s3, $0x1;
	s3 =	sadd.s32 $0xFFFFFFFF, s3;
	vm0 =	vlt.s32 v8, v5;
	vm1 =	veq.s32 v11, v6;
	v8 =	vand.u32 $0xFFF, v9;
	v9 =	vld [tilespmem:s8+$0x0]  }
.Ltmp78:
0x517: {  	vm0 =	vmand vm0, vm1;
	vm1 =	vge.s32 v8, v10;
	(pc) =	sbr.rel @p2 .LBB2_106-.Ltmp78, $4  }
0x518: {  	vm0 =	vmand vm1, vm0  }
0x519: {  	v8 =	vsel vm0, $0x1, v0  }
0x51a: {  	s7 =	sadd.s32 $0x10, s7;
	v7 =	vadd.s32 v8, v7  }
0x51b: {  	s8 =	sadd.s32 $0x10, s8;
	v8 =	vor.u32 s7, v1;
	v11 =	vshra.s32 v9, $0xC  }
.LBB2_107:
0x51c: {  	vm0 =	vlt.s32 v8, v5;
	vm1 =	veq.s32 v11, v6;
	v8 =	vand.u32 $0xFFF, v9  }
0x51d: {  	vm0 =	vmand vm0, vm1;
	vm15 =	vge.s32 v8, v10  }
0x51e: {  	vm0 =	vmand vm15, vm0  }
0x51f: {  	v8 =	vsel vm0, $0x1, v0  }
0x520: {  	v7 =	vadd.s32 v8, v7  }
0x521: {  	(xrf0) =	vadd.scan.msk.s32 $0xffff, v7;
	_ =	sdelay $0x5  }
0x522: {  	v7, _, _ =	vpop (xrf0)  }
0x523: {  	(v2sf) =	vpush v7, $0xF;
	_ =	sdelay $0xc  }
0x524: {  	s20 =	simm.s32 $0x5500  }
0x525: {  	v9 =	vld [tilespmem:s20+$0x0]  }
.Ltmp79:
0x526: {  	s3 =	spop (v2sf);
	(pc) =	sbr.rel @!p1 .LBB2_109-.Ltmp79, $4  }
0x527: {  	p2 =	slt.s32 s3, s0  }
0x528: {  	s7 =	simm.s32 $0x0;
	s6 =	smov.u32 @p2 s4  }
0x529: {  	v11 =	vimm.s32 $0x0;
	v8 =	vor.u32 s7, v1;
	s3 =	sor.u32 $0x4, s6  }
0x52a: {  	s8 =	simm.s32 $0x5510;
	s21 =	simm.s32 $0x0;
	v13 =	vmovc v8;
	v12 =	vshra.s32 v9, $0xC;
	v7 =	vimm.s32 $0x0;
	s4 =	sadd.s32 $0xFFFFFFFF, s26;
	v10 =	vmov s3  }
.LBB2_108:
0x52b: {  	p2 =	sne.s32 s4, $0x1;
	s4 =	sadd.s32 $0xFFFFFFFF, s4;
	vm0 =	vlt.s32 v13, v5;
	vm1 =	veq.s32 v12, v6;
	v12 =	vand.u32 $0xFFF, v9;
	v9 =	vld [tilespmem:s8+$0x0]  }
.Ltmp80:
0x52c: {  	vm0 =	vmand vm0, vm1;
	vm1 =	vge.s32 v12, v10;
	(pc) =	sbr.rel @p2 .LBB2_108-.Ltmp80, $4  }
0x52d: {  	vm0 =	vmand vm1, vm0  }
0x52e: {  	v12 =	vsel vm0, $0x1, v0  }
0x52f: {  	s21 =	sadd.s32 $0x10, s21;
	v11 =	vadd.s32 v12, v11  }
0x530: {  	s8 =	sadd.s32 $0x10, s8;
	v13 =	vor.u32 s21, v1;
	v12 =	vshra.s32 v9, $0xC  }
.LBB2_109:
0x531: {  	vm0 =	vlt.s32 v13, v5;
	vm1 =	veq.s32 v12, v6;
	v9 =	vand.u32 $0xFFF, v9  }
0x532: {  	vm0 =	vmand vm0, vm1;
	vm15 =	vge.s32 v9, v10  }
0x533: {  	vm0 =	vmand vm15, vm0  }
0x534: {  	v9 =	vsel vm0, $0x1, v0  }
0x535: {  	v9 =	vadd.s32 v9, v11  }
0x536: {  	(xrf0) =	vadd.scan.msk.s32 $0xffff, v9;
	_ =	sdelay $0x5  }
0x537: {  	v9, _, _ =	vpop (xrf0)  }
0x538: {  	(v2sf) =	vpush v9, $0xF;
	_ =	sdelay $0xe  }
0x539: {  	s4 =	spop (v2sf)  }
0x53a: {  	p2 =	slt.s32 s4, s0  }
0x53b: {  	v9 =	vld [tilespmem:s20+$0x0];
	s3 =	smov.u32 @p2 s6;
	p2 =	seq.s32 s26, $0x1  }
.Ltmp81:
0x53c: {  	_ = 	snop;
	(pc) =	sbr.rel @p2 .LBB2_111-.Ltmp81, $3  }
0x53d: {  	_ =	sdelay $0x1  }
0x53e: {  	s4 =	sor.u32 $0x2, s3  }
0x53f: {  	s8 =	simm.s32 $0x5510;
	v11 =	vshra.s32 v9, $0xC;
	s6 =	sadd.s32 $0xFFFFFFFF, s26;
	v10 =	vmov s4  }
.LBB2_110:
0x540: {  	p2 =	seq.s32 s6, $0x1;
	s6 =	sadd.s32 $0xFFFFFFFF, s6;
	vm0 =	vlt.s32 v8, v5;
	vm1 =	veq.s32 v11, v6;
	v8 =	vand.u32 $0xFFF, v9;
	v9 =	vld [tilespmem:s8+$0x0]  }
.Ltmp82:
0x541: {  	vm0 =	vmand vm0, vm1;
	vm1 =	vge.s32 v8, v10;
	(pc) =	sbr.rel @!p2 .LBB2_110-.Ltmp82, $4  }
0x542: {  	vm0 =	vmand vm1, vm0  }
0x543: {  	v8 =	vsel vm0, $0x1, v0  }
0x544: {  	s7 =	sadd.s32 $0x10, s7;
	v7 =	vadd.s32 v8, v7  }
0x545: {  	s8 =	sadd.s32 $0x10, s8;
	v8 =	vor.u32 s7, v1;
	v11 =	vshra.s32 v9, $0xC  }
.LBB2_111:
0x546: {  	vm0 =	vlt.s32 v8, v5;
	vm1 =	veq.s32 v11, v6;
	v8 =	vand.u32 $0xFFF, v9  }
0x547: {  	vm0 =	vmand vm0, vm1;
	vm15 =	vge.s32 v8, v10  }
0x548: {  	vm0 =	vmand vm15, vm0  }
0x549: {  	v8 =	vsel vm0, $0x1, v0  }
0x54a: {  	v7 =	vadd.s32 v8, v7  }
0x54b: {  	(xrf0) =	vadd.scan.msk.s32 $0xffff, v7;
	_ =	sdelay $0x5  }
0x54c: {  	v7, _, _ =	vpop (xrf0)  }
0x54d: {  	(v2sf) =	vpush v7, $0xF;
	_ =	sdelay $0xc  }
0x54e: {  	s6 =	simm.s32 $0x5500  }
0x54f: {  	v7 =	vld [tilespmem:s6+$0x0]  }
.Ltmp83:
0x550: {  	s7 =	spop (v2sf);
	(pc) =	sbr.rel @!p1 .LBB2_113-.Ltmp83, $4  }
0x551: {  	p2 =	slt.s32 s7, s0  }
0x552: {  	s4 =	smov.u32 @p2 s3  }
0x553: {  	v8 =	vimm.s32 $0x0;
	s6 =	simm.s32 $0x0;
	s3 =	sor.u32 $0x1, s4  }
0x554: {  	s8 =	simm.s32 $0x5510;
	v10 =	vor.u32 s6, v1;
	v11 =	vshra.s32 v7, $0xC;
	s7 =	sadd.s32 $0xFFFFFFFF, s26;
	v9 =	vmov s3  }
.LBB2_112:
0x555: {  	p1 =	sne.s32 s7, $0x1;
	s7 =	sadd.s32 $0xFFFFFFFF, s7;
	vm0 =	vlt.s32 v10, v5;
	vm1 =	veq.s32 v11, v6;
	v10 =	vand.u32 $0xFFF, v7;
	v7 =	vld [tilespmem:s8+$0x0]  }
.Ltmp84:
0x556: {  	vm0 =	vmand vm0, vm1;
	vm1 =	vge.s32 v10, v9;
	(pc) =	sbr.rel @p1 .LBB2_112-.Ltmp84, $4  }
0x557: {  	vm0 =	vmand vm1, vm0  }
0x558: {  	v10 =	vsel vm0, $0x1, v0  }
0x559: {  	s6 =	sadd.s32 $0x10, s6;
	v8 =	vadd.s32 v10, v8  }
0x55a: {  	s8 =	sadd.s32 $0x10, s8;
	v10 =	vor.u32 s6, v1;
	v11 =	vshra.s32 v7, $0xC  }
.LBB2_113:
.Ltmp85:
0x55b: {  	vm0 =	vlt.s32 v10, v5;
	vm1 =	veq.s32 v11, v6;
	v5 =	vand.u32 $0xFFF, v7;
	(pc) =	sbr.rel .LBB2_117-.Ltmp85, $4  }
0x55c: {  	vm0 =	vmand vm0, vm1;
	vm15 =	vge.s32 v5, v9  }
0x55d: {  	vm0 =	vmand vm15, vm0  }
0x55e: {  	v5 =	vsel vm0, $0x1, v0  }
0x55f: {  	v5 =	vadd.s32 v5, v8  }
.LBB2_114:
.Ltmp86:
0x560: {  	(pc) =	sbr.rel @p0 .LBB2_116-.Ltmp86, $1  }
0x561: {  	_ =	sdelay $0x3  }
.LBB2_115:
0x562: {  	v5 =	vld [tilespmem:$0x6500];
	_ =	sdelay $0x4  }
0x563: {  	v6 =	vxor.u32 $0x80000000, v5  }
0x564: {  	(xrf1) =	vsort.dscd.msk.u32 $0xffff, v6, v5;
	_ =	sdelay $0xc  }
0x565: {  	s0 =	sadd.s32 $0xFFFFFFFF, s0  }
0x566: {  	v6 =	vmov s0;
	v5, _, _ =	vpop (xrf1)  }
0x567: {  	vm0 =	veq.s32 v6, v1;
	v5 =	vxor.u32 $0x80000000, v5  }
0x568: {  	v5 =	vnsel vm0, $0x0, v5  }
0x569: {  	(xrf0) =	vadd.scan.msk.s32 $0xffff, v5;
	_ =	sdelay $0x5  }
0x56a: {  	v5, _, _ =	vpop (xrf0)  }
0x56b: {  	(v2sf) =	vpush v5, $0xF;
	_ =	sdelay $0xa  }
.Ltmp87:
0x56c: {  	_ = 	snop;
	(pc) =	sbr.rel .LBB2_118-.Ltmp87, $2  }
0x56d: {  	_ =	sdelay $0x2  }
0x56e: {  	s3 =	spop (v2sf)  }
.LBB2_116:
0x56f: {  	s3 =	rddreg [dreg:$0x5]  }
0x570: {  	s4 =	simm.s32 $0x0;
	p1 =	slt.s32 s3, s0  }
0x571: {  	s4 =	simm.s32 @!p1 $0xFFE  }
0x572: {  	v5 =	vimm.s32 $0x0;
	s3 =	sor.u32 $0x1, s4  }
.LBB2_117:
0x573: {  	(xrf0) =	vadd.scan.msk.s32 $0xffff, v5;
	_ =	sdelay $0x5  }
0x574: {  	v5, _, _ =	vpop (xrf0)  }
0x575: {  	(v2sf) =	vpush v5, $0xF;
	_ =	sdelay $0xe  }
0x576: {  	s6 =	spop (v2sf)  }
0x577: {  	p1 =	slt.s32 s6, s0  }
0x578: {  	s3 =	smov.u32 @p1 s4  }
.LBB2_118:
0x579: {  	s0 =	sshll.u32 s25, $0x14;
	s4 =	sshll.u32 s28, $0xC  }
0x57a: {  	s0 =	sor.u32 s0, s4  }
0x57b: {  	s0 =	sor.u32 s3, s0  }
0x57c: {  	s31 =	simm.s32 $0x1040;
	s3 =	simm.s32 $0xFFFFFFFF;
	p1 =	sgt.s32 s0, $0xFFFFFFFF  }
0x57d: {  	v6 =	vld [tilespmem:s31+$0x30];
	s3 =	simm.s32 @!p1 $0x80000000  }
0x57e: {  	v7 =	vld [tilespmem:s31+$0xFFFFFFD0];
	s0 =	sxor.u32 s0, s3  }
0x57f: {  	v5 =	vmov s0  }
0x580: {  	v5 =	vbroadcast v5, $0x0  }
0x581: {  	v8 =	vld [tilespmem:s31+$0xFFFFFFE0]  }
0x582: {  	v11 =	vld [tilespmem:s31+$0xFFFFFFC0];
	vm0 =	vge.f32 v6, v5  }
0x583: {  	v9 =	vld [tilespmem:s31+$0xFFFFFFF0];
	s0 =	simm.s32 $0x3040;
	vm11 =	vge.f32 v7, v5;
	v6 =	vnsel vm0, $0x0, v6  }
0x584: {  	v10 =	vld [tilespmem:s31+$0x0];
	v7 =	vnsel vm11, $0x0, v7;
	[tilespmem:s0+$0x30] =	vst v6  }
0x585: {  	v12 =	vld [tilespmem:s31+$0x20];
	s3 =	simm.s32 $0x4040;
	[tilespmem:s0+$0xFFFFFFD0] =	vst v7  }
0x586: {  	vm12 =	vge.f32 v8, v5;
	v6 =	vld [tilespmem:s31+$0x10];
	[tilespmem:s3+$0x30] =	vst v0  }
0x587: {  	vm14 =	vge.f32 v11, v5;
	v7 =	vnsel vm12, $0x0, v8;
	[tilespmem:s3+$0xFFFFFFD0] =	vst v0  }
0x588: {  	v8 =	vnsel vm14, $0x0, v11;
	[tilespmem:s0+$0xFFFFFFE0] =	vst v7  }
0x589: {  	vm13 =	vge.f32 v9, v5;
	[tilespmem:s0+$0xFFFFFFC0] =	vst v8  }
0x58a: {  	v7 =	vnsel vm13, $0x0, v9;
	[tilespmem:s3+$0xFFFFFFE0] =	vst v0  }
0x58b: {  	vm15 =	vge.f32 v10, v5;
	vm2 =	vge.f32 v12, v5;
	[tilespmem:s0+$0xFFFFFFF0] =	vst v7;
	vm1 =	vge.f32 v6, v5  }
0x58c: {  	s6 =	simm.s32 $0x10C0;
	s4 =	simm.s32 $0x0;
	v8 =	vnsel vm15, $0x0, v10;
	[tilespmem:s3+$0xFFFFFFC0] =	vst v0;
	v7 =	vnsel vm1, $0x0, v6;
	v6 =	vnsel vm2, $0x0, v12  }
.LBB2_119:
0x58d: {  	v9 =	vld [tilespmem:s6+$0x30];
	[tilespmem:s3+$0xFFFFFFF0] =	vst v0  }
0x58e: {  	s4 =	sadd.s32 $0x8, s4;
	v10 =	vld [tilespmem:s6+$0xFFFFFFD0];
	[tilespmem:s0+$0x0] =	vst v8  }
0x58f: {  	p1 =	slt.u32 s4, $0xF8;
	v8 =	vld [tilespmem:s6+$0xFFFFFFE0];
	[tilespmem:s3+$0x0] =	vst v0  }
0x590: {  	v11 =	vld [tilespmem:s6+$0xFFFFFFF0];
	[tilespmem:s0+$0x10] =	vst v7  }
0x591: {  	v7 =	vld [tilespmem:s6+$0x0];
	[tilespmem:s3+$0x10] =	vst v0  }
0x592: {  	v12 =	vld [tilespmem:s6+$0x10];
	vm0 =	vge.f32 v9, v5;
	[tilespmem:s0+$0x20] =	vst v6  }
0x593: {  	s0 =	sadd.s32 $0x80, s0;
	vm1 =	vge.f32 v10, v5;
	v6 =	vld [tilespmem:s6+$0x20];
	v9 =	vnsel vm0, $0x0, v9;
	[tilespmem:s3+$0x20] =	vst v0  }
0x594: {  	s3 =	sadd.s32 $0x80, s3;
	v13 =	vld [tilespmem:s6+$0xFFFFFFC0];
	v10 =	vnsel vm1, $0x0, v10;
	vm0 =	vge.f32 v8, v5;
	[tilespmem:s0+$0x30] =	vst v9  }
0x595: {  	v9 =	vnsel vm0, $0x0, v8;
	vm0 =	vge.f32 v11, v5;
	[tilespmem:s3+$0x30] =	vst v0  }
0x596: {  	[tilespmem:s0+$0xFFFFFFD0] =	vst v10;
	v10 =	vnsel vm0, $0x0, v11;
	vm0 =	vge.f32 v7, v5  }
0x597: {  	[tilespmem:s3+$0xFFFFFFD0] =	vst v0;
	v8 =	vnsel vm0, $0x0, v7;
	vm0 =	vge.f32 v12, v5  }
.Ltmp88:
0x598: {  	[tilespmem:s0+$0xFFFFFFE0] =	vst v9;
	v7 =	vnsel vm0, $0x0, v12;
	vm0 =	vge.f32 v6, v5;
	(pc) =	sbr.rel @p1 .LBB2_119-.Ltmp88, $4  }
0x599: {  	vm1 =	vge.f32 v13, v5;
	[tilespmem:s3+$0xFFFFFFE0] =	vst v0;
	v6 =	vnsel vm0, $0x0, v6  }
0x59a: {  	v9 =	vnsel vm1, $0x0, v13;
	[tilespmem:s0+$0xFFFFFFF0] =	vst v10  }
0x59b: {  	[tilespmem:s0+$0xFFFFFFC0] =	vst v9  }
0x59c: {  	s6 =	sadd.s32 $0x80, s6;
	[tilespmem:s3+$0xFFFFFFC0] =	vst v0  }
0x59d: {  	[tilespmem:s3+$0xFFFFFFF0] =	vst v0  }
0x59e: {  	[tilespmem:s0+$0x0] =	vst v8  }
0x59f: {  	[tilespmem:s0+$0x10] =	vst v7;
	p1 =	sne.s32 s24, $0x80  }
.Ltmp89:
0x5a0: {  	[tilespmem:s0+$0x20] =	vst v6;
	(pc) =	sbr.rel @p1 .LBB2_4-.Ltmp89, $4  }
.Ltmp90:
0x5a1: {  	[tilespmem:s3+$0x0] =	vst v0;
	(pc) =	sbr.rel @!p1 .LBB2_121-.Ltmp90, $4  }
0x5a2: {  	[tilespmem:s3+$0x10] =	vst v0  }
0x5a3: {  	s31 =	sadd.s32 s2, s23;
	[tilespmem:s3+$0x20] =	vst v0  }
0x5a4: {  	[hbm4b:s31+s9] =	stream.strided.scatter [tilespmem:s19], [sflag:$0x4], $0x1000, s10, s9, $0x38;
	[tilespmem:$0x7500] =	vst v63  }
0x5a5: {  	_ = 	snop  }
.LBB2_16:
.Ltmp91:
0x5a6: {  	(pc) =	sbr.rel .LBB2_20-.Ltmp91, $2  }
0x5a7: {  	_ =	sdelay $0x2  }
0x5a8: {  	s6 =	simm.s32 $0x0  }
.LBB2_25:
.Ltmp92:
0x5a9: {  	(pc) =	sbr.rel .LBB2_30-.Ltmp92, $2  }
0x5aa: {  	_ =	sdelay $0x2  }
0x5ab: {  	s6 =	simm.s32 $0x0;
	v8 =	vimm.s32 $0x0  }
.LBB2_74:
.Ltmp93:
0x5ac: {  	(pc) =	sbr.rel .LBB2_78-.Ltmp93, $2  }
0x5ad: {  	_ =	sdelay $0x2  }
0x5ae: {  	s6 =	simm.s32 $0x0  }
.LBB2_83:
.Ltmp94:
0x5af: {  	(pc) =	sbr.rel .LBB2_88-.Ltmp94, $2  }
0x5b0: {  	_ =	sdelay $0x2  }
0x5b1: {  	s6 =	simm.s32 $0x0;
	v8 =	vimm.s32 $0x0  }
.LBB2_18:
.Ltmp95:
0x5b2: {  	(pc) =	sbr.rel .LBB2_20-.Ltmp95, $2  }
0x5b3: {  	_ =	sdelay $0x2  }
0x5b4: {  	s6 =	simm.s32 $0x0  }
.LBB2_27:
.Ltmp96:
0x5b5: {  	(pc) =	sbr.rel .LBB2_30-.Ltmp96, $2  }
0x5b6: {  	_ =	sdelay $0x2  }
0x5b7: {  	s6 =	simm.s32 $0x0;
	v10 =	vmov v9;
	v8 =	vmov v9  }
.LBB2_76:
.Ltmp97:
0x5b8: {  	(pc) =	sbr.rel .LBB2_78-.Ltmp97, $2  }
0x5b9: {  	_ =	sdelay $0x2  }
0x5ba: {  	s6 =	simm.s32 $0x0  }
.LBB2_85:
.Ltmp98:
0x5bb: {  	(pc) =	sbr.rel .LBB2_88-.Ltmp98, $2  }
0x5bc: {  	_ =	sdelay $0x2  }
0x5bd: {  	s6 =	simm.s32 $0x0;
	v10 =	vmov v9;
	v8 =	vmov v9  }
.LBB2_122:
0x5be: {  	_ =	sfence.sel $0x180000  }
0x5bf: {  	[bflag:$0x0] =	sbarrier.arrive $0xFFFF  }
0x5c0: {  	_ =	strace $0x90000047  }
0x5c1: {  	s0 =	stileid.u32;
	[bflag:$0x2] =	sbarrier.arrive $0xFFFF  }
0x5c2: {  	p0 =	sne.s32 s0, $0x0;
	s0 =	rddreg [dreg:$0x2]  }
0x5c3: {  	s0 =	sadd.s32 @!p0 $0x100000, s0  }
0x5c4: {  	[sflag:s0] =	ssyncadd.tile.s32 @!p0 $0x1;
	_ =	shalt  }
.Lfunc_end2:
_tile_overlayer_lowered:
.L_overlay_start_2:
0x5c5: {  	(tag) =	ssettag $0x2  }
0x5c6: {  	s0 =	rddreg [dreg:$0x0];
	s2 =	stileid.u32  }
0x5c7: {  	s1 =	rddreg [dreg:$0x1];
	p0 =	sne.s32 s2, $0x0  }
0x5c8: {  	s3 =	rddreg [dreg:$0x2];
	[bflag:$0x3] =	sbarrier.arrive $0xFFFF;
	s2 =	simm.s32 @!p0 $0x1C05  }
0x5c9: {  	[timem:s3], [sflag:s2] =	dma.local @!p0 [hbm:s0], s1  }
0x5ca: {  	s0 =	simm.s32 @!p0 $0x5  }
0x5cb: {  	_ =	swait.ge @!p0 [sflag:s0], s1  }
0x5cc: {  	s1 =	ssub.s32 @!p0 $0x0, s1;
	[sflag:s0] =	ssyncset.done @!p0 $0x0  }
0x5cd: {  	[sflag:s0] =	ssyncadd.s32 @!p0 s1  }
0x5ce: {  	[bflag:$0x3] =	sbarrier.arrive $0xFFFF  }
0x5cf: {  	_ =	shalt  }

</sc_bundles>
